<compile_context>
chip_gen: v7x
topology: tpu7x:2x2x1
jax: 0.10.2.dev20260603
libtpu: 0.0.44.dev20260713+nightly
codegen_flags: <defaults>
</compile_context>

<pallas_src>
import jax
import jax.numpy as jnp
from jax import lax
from jax.experimental import pallas as pl
from jax.experimental.pallas import tpu as pltpu
from jax.experimental.pallas import tpu_sc as plsc

N = 100000
D = 128
B = 16384

NC = 2
NS = 16
NW = NC * NS
PW = B // NW
CP = 64
NCHUNK = PW // CP
ROWS = 2 * CP
DCH = D // 16
NBUF = 3


def _rsqrt_f32(x):
    i = plsc.bitcast(x, jnp.int32)
    i = jnp.int32(0x5F3759DF) - (i >> 1)
    y = plsc.bitcast(i, jnp.float32)
    xh = x * jnp.float32(0.5)
    for _ in range(3):
        y = y * (jnp.float32(1.5) - xh * y * y)
    return y


def _make_body():
    def body(w_hbm, idxr_hbm, scale_hbm, out_hbm, *refs):
        idx_v = refs[0]
        bufs = refs[1:1 + NBUF]
        scale_v = refs[1 + NBUF]
        out_v = refs[2 + NBUF]
        acc_v = refs[3 + NBUF]
        sems = refs[4 + NBUF:4 + 2 * NBUF]

        wid = lax.axis_index("s") * NC + lax.axis_index("c")

        pltpu.sync_copy(idxr_hbm.at[pl.ds(wid * NCHUNK, NCHUNK)], idx_v)
        pltpu.sync_copy(scale_hbm, scale_v)
        scale = jnp.exp(scale_v[...])

        def start(c):
            return pltpu.async_copy(
                w_hbm.at[idx_v.at[c]], bufs[c % NBUF], sems[c % NBUF])

        def compute(c, rows):
            @plsc.parallel_loop(0, CP, 1, unroll=2, carry=jnp.int32(0))
            def pair(p, j):
                r0 = 2 * p
                a = rows[r0, pl.ds(0, 16)] - rows[r0 + 1, pl.ds(0, 16)]
                acc0 = a * a
                a = rows[r0, pl.ds(16, 16)] - rows[r0 + 1, pl.ds(16, 16)]
                acc1 = a * a
                for ch in range(2, DCH, 2):
                    a = (rows[r0, pl.ds(16 * ch, 16)]
                         - rows[r0 + 1, pl.ds(16 * ch, 16)])
                    acc0 = acc0 + a * a
                    a = (rows[r0, pl.ds(16 * ch + 16, 16)]
                         - rows[r0 + 1, pl.ds(16 * ch + 16, 16)])
                    acc1 = acc1 + a * a
                acc_v[pl.ds(p * 16, 16)] = acc0 + acc1
                return j + 1

            lane16 = lax.broadcasted_iota(jnp.int32, (16,), 0) * 16
            @plsc.parallel_loop(0, CP // 16, 1)
            def group(g):
                base = lane16 + (g * 256 + pair - CP)
                tot = plsc.load_gather(acc_v, [base])
                for t in range(1, 16):
                    tot = tot + plsc.load_gather(acc_v, [base + t])
                x = tot + jnp.float32(1e-12)
                d = x * _rsqrt_f32(x) * scale
                out_v[pl.ds(c * CP + g * 16, 16)] = d

        handles = {c: start(c) for c in range(min(NBUF - 1, NCHUNK))}
        for c in range(NCHUNK):
            if c + NBUF - 1 < NCHUNK:
                handles[c + NBUF - 1] = start(c + NBUF - 1)
            handles.pop(c).wait()
            compute(c, bufs[c % NBUF])

        pltpu.sync_copy(out_v, out_hbm.at[pl.ds(wid * PW, PW)])

    return body


@jax.jit
def _run(w, idxr, scale16):
    mesh = plsc.VectorSubcoreMesh(
        core_axis_name="c", subcore_axis_name="s",
        num_cores=NC, num_subcores=NS)
    scratch = [pltpu.VMEM((NCHUNK, ROWS), jnp.int32)]
    scratch += [pltpu.VMEM((ROWS, D), jnp.float32) for _ in range(NBUF)]
    scratch += [pltpu.VMEM((16,), jnp.float32),
                pltpu.VMEM((PW,), jnp.float32),
                pltpu.VMEM((CP * 16,), jnp.float32)]
    scratch += [pltpu.SemaphoreType.DMA for _ in range(NBUF)]
    return pl.kernel(
        _make_body(),
        out_type=jax.ShapeDtypeStruct((B,), jnp.float32),
        mesh=mesh,
        compiler_params=pltpu.CompilerParams(needs_layout_passes=False),
        scratch_types=scratch,
    )(w, idxr, scale16)


def kernel(idx, w, scale_log):
    idxr = idx.astype(jnp.int32).reshape(NW * NCHUNK, ROWS)
    scale16 = jnp.broadcast_to(scale_log.astype(jnp.float32), (16,))
    return _run(w, idxr, scale16)

# --- scband reference (transcript-rebuilt; emitter-appended) ---
"""Pipeline reference for scband-embedding-77730318123530 (READ-ONLY COPY).

The authoritative reference and input builder live on the scoring server;
editing this copy changes nothing except your own understanding.
"""

import jax, jax.numpy as jnp
import numpy as np

N = 100000
D = 128
B = 16384
INITIAL_SCALE = 0.0


def setup_inputs(seed: int = 0) -> dict:
    key = jax.random.key(seed)
    k_idx, k_w = jax.random.split(key)
    idx = jax.random.randint(k_idx, (B, 2), 0, N, dtype=jnp.int64) if jax.config.jax_enable_x64 else jax.random.randint(k_idx, (B, 2), 0, N).astype(jnp.int32)
    w = jax.random.normal(k_w, (N, D), dtype=jnp.float32)
    scale_log = jnp.array([INITIAL_SCALE], dtype=jnp.float32)
    return {"idx": idx, "w": w, "scale_log": scale_log}


def reference(idx, w, scale_log):
    # Embedding.dist_idx: gather pair endpoints, apply dist_fn (Euclidean), scale by exp(scale_log)
    wi = jnp.take(w, idx[:, 0], axis=0)
    wj = jnp.take(w, idx[:, 1], axis=0)
    diff = wi - wj
    d = jnp.sqrt(jnp.sum(diff * diff, axis=-1) + 1e-12)
    scale = jnp.exp(scale_log)
    return d * scale

if __name__ == "__main__":
    import jax
    _d = setup_inputs()
    print(jax.jit(kernel)(*tuple(_d.values())))

</pallas_src>

<mosaic_0001>
#map = affine_map<(d0, d1) -> (0, 0)>
#map1 = affine_map<(d0, d1) -> (0)>
module attributes {stable_mosaic.version = 14 : i64} {
  func.func @body(%arg0: i32, %arg1: i32, %arg2: memref<100000x128xf32, #tpu.memory_space<hbm>>, %arg3: memref<256x128xi32, #tpu.memory_space<hbm>>, %arg4: memref<16xf32, #tpu.memory_space<hbm>>, %arg5: memref<16384xf32, #tpu.memory_space<hbm>>, %arg6: memref<8x128xi32, #tpu.memory_space<vmem>>, %arg7: memref<128x128xf32, #tpu.memory_space<vmem>>, %arg8: memref<128x128xf32, #tpu.memory_space<vmem>>, %arg9: memref<128x128xf32, #tpu.memory_space<vmem>>, %arg10: memref<16xf32, #tpu.memory_space<vmem>>, %arg11: memref<512xf32, #tpu.memory_space<vmem>>, %arg12: memref<1024xf32, #tpu.memory_space<vmem>>, %arg13: memref<!tpu.dma_semaphore, #tpu.memory_space<semaphore_mem>>, %arg14: memref<!tpu.dma_semaphore, #tpu.memory_space<semaphore_mem>>, %arg15: memref<!tpu.dma_semaphore, #tpu.memory_space<semaphore_mem>>) attributes {dimension_semantics = [#tpu.dimension_semantics<core_parallel>, #tpu.dimension_semantics<subcore_parallel>], iteration_bounds = array<i64: 2, 16>, scalar_prefetch = 0 : i64, scratch_operands = 10 : i64, tpu.core_type = #tpu.core_type<sc_vector_subcore>, window_params = [{transform_indices = #map}, {transform_indices = #map}, {transform_indices = #map1}, {transform_indices = #map1}]} {
    %mul3A = arith.constant 2 : i32
    %mul3A_0 = arith.muli %arg1, %mul3A : i32
    %add3A = arith.addi %mul3A_0, %arg0 : i32
    %mul3A_1 = arith.constant 8 : i32
    %mul3A_2 = arith.muli %add3A, %mul3A_1 : i32
    "tpu.region"() ({
      %run_scoped3A = tpu.sem_alloc : memref<!tpu.dma_semaphore, #tpu.memory_space<semaphore_mem>>
      %dma_start3A_210 = arith.constant 0 : i32
      %dma_start3A_211 = tpu.memref_slice %arg3[%mul3A_2, %dma_start3A_210] : memref<256x128xi32, #tpu.memory_space<hbm>> -> memref<8x128xi32, #tpu.memory_space<hbm>>
      %dma_start3A_212 = arith.constant 0 : i32
      %dma_start3A_213 = tpu.memref_slice %arg3[%mul3A_2, %dma_start3A_212] : memref<256x128xi32, #tpu.memory_space<hbm>> -> memref<8x128xi32, #tpu.memory_space<hbm>>
      tpu.enqueue_dma source(%dma_start3A_213 : memref<8x128xi32, #tpu.memory_space<hbm>>) target(%arg6 : memref<8x128xi32, #tpu.memory_space<vmem>>) target_semaphore(%run_scoped3A : memref<!tpu.dma_semaphore, #tpu.memory_space<semaphore_mem>>)
      %dma_wait3A_214 = arith.constant 0 : i32
      %dma_wait3A_215 = tpu.memref_slice %arg3[%mul3A_2, %dma_wait3A_214] : memref<256x128xi32, #tpu.memory_space<hbm>> -> memref<8x128xi32, #tpu.memory_space<hbm>>
      %dma_wait3A_216 = arith.constant 0 : i32
      %dma_wait3A_217 = tpu.memref_slice %arg3[%mul3A_2, %dma_wait3A_216] : memref<256x128xi32, #tpu.memory_space<hbm>> -> memref<8x128xi32, #tpu.memory_space<hbm>>
      tpu.wait_dma2 semaphore(%run_scoped3A : memref<!tpu.dma_semaphore, #tpu.memory_space<semaphore_mem>>) src(%dma_wait3A_217 : memref<8x128xi32, #tpu.memory_space<hbm>>) dst(%arg6 : memref<8x128xi32, #tpu.memory_space<vmem>>)
      tpu.yield
    }) : () -> ()
    "tpu.region"() ({
      %run_scoped3A = tpu.sem_alloc : memref<!tpu.dma_semaphore, #tpu.memory_space<semaphore_mem>>
      tpu.enqueue_dma source(%arg4 : memref<16xf32, #tpu.memory_space<hbm>>) target(%arg10 : memref<16xf32, #tpu.memory_space<vmem>>) target_semaphore(%run_scoped3A : memref<!tpu.dma_semaphore, #tpu.memory_space<semaphore_mem>>)
      tpu.wait_dma2 semaphore(%run_scoped3A : memref<!tpu.dma_semaphore, #tpu.memory_space<semaphore_mem>>) src(%arg4 : memref<16xf32, #tpu.memory_space<hbm>>) dst(%arg10 : memref<16xf32, #tpu.memory_space<vmem>>)
      tpu.yield
    }) : () -> ()
    %get3A = arith.constant 0 : index
    %get3A_3 = tpu.vector_load %arg10[%get3A] {strides = array<i32>} : memref<16xf32, #tpu.memory_space<vmem>>, vector<16xf32>,
    %exp3A = math.exp %get3A_3 : vector<16xf32>
    %dma_start3A = arith.constant 0 : i32
    %dma_start3A_4 = arith.constant 0 : i32
    %dma_start3A_5 = tpu.memref_slice %arg6[%dma_start3A, %dma_start3A_4] : memref<8x128xi32, #tpu.memory_space<vmem>> -> memref<1x128xi32, #tpu.memory_space<vmem>>
    %dma_start3A_6 = tpu.memref_squeeze %dma_start3A_5 : memref<1x128xi32, #tpu.memory_space<vmem>> -> memref<128xi32, #tpu.memory_space<vmem>>
    %dma_start3A_7 = arith.constant 0 : i32
    %dma_start3A_8 = arith.constant 0 : i32
    %dma_start3A_9 = tpu.memref_slice %arg2[%dma_start3A_7, %dma_start3A_8] : memref<100000x128xf32, #tpu.memory_space<hbm>> -> memref<100000x128xf32, #tpu.memory_space<hbm>>
    tpu.enqueue_indirect_dma source(%dma_start3A_9 : memref<100000x128xf32, #tpu.memory_space<hbm>>) target(%arg7 : memref<128x128xf32, #tpu.memory_space<vmem>>) offsets(%dma_start3A_6 : memref<128xi32, #tpu.memory_space<vmem>>) semaphore(%arg13 : memref<!tpu.dma_semaphore, #tpu.memory_space<semaphore_mem>>)
    %dma_start3A_10 = arith.constant 1 : i32
    %dma_start3A_11 = arith.constant 0 : i32
    %dma_start3A_12 = tpu.memref_slice %arg6[%dma_start3A_10, %dma_start3A_11] : memref<8x128xi32, #tpu.memory_space<vmem>> -> memref<1x128xi32, #tpu.memory_space<vmem>>
    %dma_start3A_13 = tpu.memref_squeeze %dma_start3A_12 : memref<1x128xi32, #tpu.memory_space<vmem>> -> memref<128xi32, #tpu.memory_space<vmem>>
    %dma_start3A_14 = arith.constant 0 : i32
    %dma_start3A_15 = arith.constant 0 : i32
    %dma_start3A_16 = tpu.memref_slice %arg2[%dma_start3A_14, %dma_start3A_15] : memref<100000x128xf32, #tpu.memory_space<hbm>> -> memref<100000x128xf32, #tpu.memory_space<hbm>>
    tpu.enqueue_indirect_dma source(%dma_start3A_16 : memref<100000x128xf32, #tpu.memory_space<hbm>>) target(%arg8 : memref<128x128xf32, #tpu.memory_space<vmem>>) offsets(%dma_start3A_13 : memref<128xi32, #tpu.memory_space<vmem>>) semaphore(%arg14 : memref<!tpu.dma_semaphore, #tpu.memory_space<semaphore_mem>>)
    %dma_start3A_17 = arith.constant 2 : i32
    %dma_start3A_18 = arith.constant 0 : i32
    %dma_start3A_19 = tpu.memref_slice %arg6[%dma_start3A_17, %dma_start3A_18] : memref<8x128xi32, #tpu.memory_space<vmem>> -> memref<1x128xi32, #tpu.memory_space<vmem>>
    %dma_start3A_20 = tpu.memref_squeeze %dma_start3A_19 : memref<1x128xi32, #tpu.memory_space<vmem>> -> memref<128xi32, #tpu.memory_space<vmem>>
    %dma_start3A_21 = arith.constant 0 : i32
    %dma_start3A_22 = arith.constant 0 : i32
    %dma_start3A_23 = tpu.memref_slice %arg2[%dma_start3A_21, %dma_start3A_22] : memref<100000x128xf32, #tpu.memory_space<hbm>> -> memref<100000x128xf32, #tpu.memory_space<hbm>>
    tpu.enqueue_indirect_dma source(%dma_start3A_23 : memref<100000x128xf32, #tpu.memory_space<hbm>>) target(%arg9 : memref<128x128xf32, #tpu.memory_space<vmem>>) offsets(%dma_start3A_20 : memref<128xi32, #tpu.memory_space<vmem>>) semaphore(%arg15 : memref<!tpu.dma_semaphore, #tpu.memory_space<semaphore_mem>>)
    %dma_wait3A = arith.constant 0 : i32
    %dma_wait3A_24 = arith.constant 0 : i32
    %dma_wait3A_25 = tpu.memref_slice %arg6[%dma_wait3A, %dma_wait3A_24] : memref<8x128xi32, #tpu.memory_space<vmem>> -> memref<1x128xi32, #tpu.memory_space<vmem>>
    %dma_wait3A_26 = tpu.memref_squeeze %dma_wait3A_25 : memref<1x128xi32, #tpu.memory_space<vmem>> -> memref<128xi32, #tpu.memory_space<vmem>>
    %dma_wait3A_27 = arith.constant 0 : i32
    %dma_wait3A_28 = arith.constant 0 : i32
    %dma_wait3A_29 = tpu.memref_slice %arg2[%dma_wait3A_27, %dma_wait3A_28] : memref<100000x128xf32, #tpu.memory_space<hbm>> -> memref<100000x128xf32, #tpu.memory_space<hbm>>
    tpu.wait_indirect_dma semaphore(%arg13 : memref<!tpu.dma_semaphore, #tpu.memory_space<semaphore_mem>>) src(%dma_wait3A_29 : memref<100000x128xf32, #tpu.memory_space<hbm>>) dst(%arg7 : memref<128x128xf32, #tpu.memory_space<vmem>>)
    %parallel_loop3A = arith.constant 0 : i32
    %parallel_loop3A_30 = arith.constant 64 : i32
    %parallel_loop3A_31 = arith.constant 1 : i32
    %parallel_loop3A_32 = arith.constant 0 : i32
    %parallel_loop3A_33 = scf.for %parallel_loop3A_210 = %parallel_loop3A to %parallel_loop3A_30 step %parallel_loop3A_31 iter_args(%parallel_loop3A_211 = %parallel_loop3A_32) -> (i32)  : i32 {
      %parallel_loop3A_212 = arith.constant 2 : i32
      %parallel_loop3A_213 = arith.muli %parallel_loop3A_212, %parallel_loop3A_210 : i32
      %parallel_loop3A_214 = arith.index_cast %parallel_loop3A_213 : i32 to index
      %parallel_loop3A_215 = arith.constant 0 : index
      %parallel_loop3A_216 = tpu.vector_load %arg7[%parallel_loop3A_214, %parallel_loop3A_215] {strides = array<i32>} : memref<128x128xf32, #tpu.memory_space<vmem>>, vector<16xf32>,
      %parallel_loop3A_217 = arith.constant 1 : i32
      %parallel_loop3A_218 = arith.addi %parallel_loop3A_213, %parallel_loop3A_217 : i32
      %parallel_loop3A_219 = arith.index_cast %parallel_loop3A_218 : i32 to index
      %parallel_loop3A_220 = arith.constant 0 : index
      %parallel_loop3A_221 = tpu.vector_load %arg7[%parallel_loop3A_219, %parallel_loop3A_220] {strides = array<i32>} : memref<128x128xf32, #tpu.memory_space<vmem>>, vector<16xf32>,
      %parallel_loop3A_222 = arith.subf %parallel_loop3A_216, %parallel_loop3A_221 : vector<16xf32>
      %parallel_loop3A_223 = arith.mulf %parallel_loop3A_222, %parallel_loop3A_222 : vector<16xf32>
      %parallel_loop3A_224 = arith.index_cast %parallel_loop3A_213 : i32 to index
      %parallel_loop3A_225 = arith.constant 16 : index
      %parallel_loop3A_226 = tpu.vector_load %arg7[%parallel_loop3A_224, %parallel_loop3A_225] {strides = array<i32>} : memref<128x128xf32, #tpu.memory_space<vmem>>, vector<16xf32>,
      %parallel_loop3A_227 = arith.constant 1 : i32
      %parallel_loop3A_228 = arith.addi %parallel_loop3A_213, %parallel_loop3A_227 : i32
      %parallel_loop3A_229 = arith.index_cast %parallel_loop3A_228 : i32 to index
      %parallel_loop3A_230 = arith.constant 16 : index
      %parallel_loop3A_231 = tpu.vector_load %arg7[%parallel_loop3A_229, %parallel_loop3A_230] {strides = array<i32>} : memref<128x128xf32, #tpu.memory_space<vmem>>, vector<16xf32>,
      %parallel_loop3A_232 = arith.subf %parallel_loop3A_226, %parallel_loop3A_231 : vector<16xf32>
      %parallel_loop3A_233 = arith.mulf %parallel_loop3A_232, %parallel_loop3A_232 : vector<16xf32>
      %parallel_loop3A_234 = arith.index_cast %parallel_loop3A_213 : i32 to index
      %parallel_loop3A_235 = arith.constant 32 : index
      %parallel_loop3A_236 = tpu.vector_load %arg7[%parallel_loop3A_234, %parallel_loop3A_235] {strides = array<i32>} : memref<128x128xf32, #tpu.memory_space<vmem>>, vector<16xf32>,
      %parallel_loop3A_237 = arith.constant 1 : i32
      %parallel_loop3A_238 = arith.addi %parallel_loop3A_213, %parallel_loop3A_237 : i32
      %parallel_loop3A_239 = arith.index_cast %parallel_loop3A_238 : i32 to index
      %parallel_loop3A_240 = arith.constant 32 : index
      %parallel_loop3A_241 = tpu.vector_load %arg7[%parallel_loop3A_239, %parallel_loop3A_240] {strides = array<i32>} : memref<128x128xf32, #tpu.memory_space<vmem>>, vector<16xf32>,
      %parallel_loop3A_242 = arith.subf %parallel_loop3A_236, %parallel_loop3A_241 : vector<16xf32>
      %parallel_loop3A_243 = arith.mulf %parallel_loop3A_242, %parallel_loop3A_242 : vector<16xf32>
      %parallel_loop3A_244 = arith.addf %parallel_loop3A_223, %parallel_loop3A_243 : vector<16xf32>
      %parallel_loop3A_245 = arith.index_cast %parallel_loop3A_213 : i32 to index
      %parallel_loop3A_246 = arith.constant 48 : index
      %parallel_loop3A_247 = tpu.vector_load %arg7[%parallel_loop3A_245, %parallel_loop3A_246] {strides = array<i32>} : memref<128x128xf32, #tpu.memory_space<vmem>>, vector<16xf32>,
      %parallel_loop3A_248 = arith.constant 1 : i32
      %parallel_loop3A_249 = arith.addi %parallel_loop3A_213, %parallel_loop3A_248 : i32
      %parallel_loop3A_250 = arith.index_cast %parallel_loop3A_249 : i32 to index
      %parallel_loop3A_251 = arith.constant 48 : index
      %parallel_loop3A_252 = tpu.vector_load %arg7[%parallel_loop3A_250, %parallel_loop3A_251] {strides = array<i32>} : memref<128x128xf32, #tpu.memory_space<vmem>>, vector<16xf32>,
      %parallel_loop3A_253 = arith.subf %parallel_loop3A_247, %parallel_loop3A_252 : vector<16xf32>
      %parallel_loop3A_254 = arith.mulf %parallel_loop3A_253, %parallel_loop3A_253 : vector<16xf32>
      %parallel_loop3A_255 = arith.addf %parallel_loop3A_233, %parallel_loop3A_254 : vector<16xf32>
      %parallel_loop3A_256 = arith.index_cast %parallel_loop3A_213 : i32 to index
      %parallel_loop3A_257 = arith.constant 64 : index
      %parallel_loop3A_258 = tpu.vector_load %arg7[%parallel_loop3A_256, %parallel_loop3A_257] {strides = array<i32>} : memref<128x128xf32, #tpu.memory_space<vmem>>, vector<16xf32>,
      %parallel_loop3A_259 = arith.constant 1 : i32
      %parallel_loop3A_260 = arith.addi %parallel_loop3A_213, %parallel_loop3A_259 : i32
      %parallel_loop3A_261 = arith.index_cast %parallel_loop3A_260 : i32 to index
      %parallel_loop3A_262 = arith.constant 64 : index
      %parallel_loop3A_263 = tpu.vector_load %arg7[%parallel_loop3A_261, %parallel_loop3A_262] {strides = array<i32>} : memref<128x128xf32, #tpu.memory_space<vmem>>, vector<16xf32>,
      %parallel_loop3A_264 = arith.subf %parallel_loop3A_258, %parallel_loop3A_263 : vector<16xf32>
      %parallel_loop3A_265 = arith.mulf %parallel_loop3A_264, %parallel_loop3A_264 : vector<16xf32>
      %parallel_loop3A_266 = arith.addf %parallel_loop3A_244, %parallel_loop3A_265 : vector<16xf32>
      %parallel_loop3A_267 = arith.index_cast %parallel_loop3A_213 : i32 to index
      %parallel_loop3A_268 = arith.constant 80 : index
      %parallel_loop3A_269 = tpu.vector_load %arg7[%parallel_loop3A_267, %parallel_loop3A_268] {strides = array<i32>} : memref<128x128xf32, #tpu.memory_space<vmem>>, vector<16xf32>,
      %parallel_loop3A_270 = arith.constant 1 : i32
      %parallel_loop3A_271 = arith.addi %parallel_loop3A_213, %parallel_loop3A_270 : i32
      %parallel_loop3A_272 = arith.index_cast %parallel_loop3A_271 : i32 to index
      %parallel_loop3A_273 = arith.constant 80 : index
      %parallel_loop3A_274 = tpu.vector_load %arg7[%parallel_loop3A_272, %parallel_loop3A_273] {strides = array<i32>} : memref<128x128xf32, #tpu.memory_space<vmem>>, vector<16xf32>,
      %parallel_loop3A_275 = arith.subf %parallel_loop3A_269, %parallel_loop3A_274 : vector<16xf32>
      %parallel_loop3A_276 = arith.mulf %parallel_loop3A_275, %parallel_loop3A_275 : vector<16xf32>
      %parallel_loop3A_277 = arith.addf %parallel_loop3A_255, %parallel_loop3A_276 : vector<16xf32>
      %parallel_loop3A_278 = arith.index_cast %parallel_loop3A_213 : i32 to index
      %parallel_loop3A_279 = arith.constant 96 : index
      %parallel_loop3A_280 = tpu.vector_load %arg7[%parallel_loop3A_278, %parallel_loop3A_279] {strides = array<i32>} : memref<128x128xf32, #tpu.memory_space<vmem>>, vector<16xf32>,
      %parallel_loop3A_281 = arith.constant 1 : i32
      %parallel_loop3A_282 = arith.addi %parallel_loop3A_213, %parallel_loop3A_281 : i32
      %parallel_loop3A_283 = arith.index_cast %parallel_loop3A_282 : i32 to index
      %parallel_loop3A_284 = arith.constant 96 : index
      %parallel_loop3A_285 = tpu.vector_load %arg7[%parallel_loop3A_283, %parallel_loop3A_284] {strides = array<i32>} : memref<128x128xf32, #tpu.memory_space<vmem>>, vector<16xf32>,
      %parallel_loop3A_286 = arith.subf %parallel_loop3A_280, %parallel_loop3A_285 : vector<16xf32>
      %parallel_loop3A_287 = arith.mulf %parallel_loop3A_286, %parallel_loop3A_286 : vector<16xf32>
      %parallel_loop3A_288 = arith.addf %parallel_loop3A_266, %parallel_loop3A_287 : vector<16xf32>
      %parallel_loop3A_289 = arith.index_cast %parallel_loop3A_213 : i32 to index
      %parallel_loop3A_290 = arith.constant 112 : index
      %parallel_loop3A_291 = tpu.vector_load %arg7[%parallel_loop3A_289, %parallel_loop3A_290] {strides = array<i32>} : memref<128x128xf32, #tpu.memory_space<vmem>>, vector<16xf32>,
      %parallel_loop3A_292 = arith.constant 1 : i32
      %parallel_loop3A_293 = arith.addi %parallel_loop3A_213, %parallel_loop3A_292 : i32
      %parallel_loop3A_294 = arith.index_cast %parallel_loop3A_293 : i32 to index
      %parallel_loop3A_295 = arith.constant 112 : index
      %parallel_loop3A_296 = tpu.vector_load %arg7[%parallel_loop3A_294, %parallel_loop3A_295] {strides = array<i32>} : memref<128x128xf32, #tpu.memory_space<vmem>>, vector<16xf32>,
      %parallel_loop3A_297 = arith.subf %parallel_loop3A_291, %parallel_loop3A_296 : vector<16xf32>
      %parallel_loop3A_298 = arith.mulf %parallel_loop3A_297, %parallel_loop3A_297 : vector<16xf32>
      %parallel_loop3A_299 = arith.addf %parallel_loop3A_277, %parallel_loop3A_298 : vector<16xf32>
      %parallel_loop3A_300 = arith.addf %parallel_loop3A_288, %parallel_loop3A_299 : vector<16xf32>
      %parallel_loop3A_301 = arith.constant 16 : i32
      %parallel_loop3A_302 = arith.muli %parallel_loop3A_210, %parallel_loop3A_301 : i32
      %parallel_loop3A_303 = arith.index_cast %parallel_loop3A_302 : i32 to index
      %parallel_loop3A_304 = tpu.vector_load %arg12[%parallel_loop3A_303] {strides = array<i32>} : memref<1024xf32, #tpu.memory_space<vmem>>, vector<16xf32>,
      tpu.vector_store %arg12[%parallel_loop3A_303], %parallel_loop3A_300 {strides = array<i32>} : memref<1024xf32, #tpu.memory_space<vmem>>, vector<16xf32>,
      %parallel_loop3A_305 = arith.constant 1 : i32
      %parallel_loop3A_306 = arith.addi %parallel_loop3A_211, %parallel_loop3A_305 : i32
      scf.yield %parallel_loop3A_306 : i32
    } {sc.loop_unroll_factor = 2 : i64, sc.parallel_access}
    %iota3A = tpu.iota {dimensions = array<i32: 0>} : vector<16xi32>
    %mul3A_34 = arith.constant 16 : i32
    %mul3A_35 = vector.broadcast %mul3A_34 : i32 to vector<16xi32>
    %mul3A_36 = arith.muli %iota3A, %mul3A_35 : vector<16xi32>
    %parallel_loop3A_37 = arith.constant 0 : i32
    %parallel_loop3A_38 = arith.constant 4 : i32
    %parallel_loop3A_39 = arith.constant 1 : i32
    scf.for %parallel_loop3A_210 = %parallel_loop3A_37 to %parallel_loop3A_38 step %parallel_loop3A_39  : i32 {
      %parallel_loop3A_211 = arith.constant 256 : i32
      %parallel_loop3A_212 = arith.muli %parallel_loop3A_210, %parallel_loop3A_211 : i32
      %parallel_loop3A_213 = arith.addi %parallel_loop3A_212, %parallel_loop3A_33 : i32
      %parallel_loop3A_214 = arith.constant 64 : i32
      %parallel_loop3A_215 = arith.subi %parallel_loop3A_213, %parallel_loop3A_214 : i32
      %parallel_loop3A_216 = vector.broadcast %parallel_loop3A_215 : i32 to vector<16xi32>
      %parallel_loop3A_217 = arith.addi %mul3A_36, %parallel_loop3A_216 : vector<16xi32>
      %parallel_loop3A_218 = tpu.vector_load_idx %arg12[%parallel_loop3A_217] : memref<1024xf32, #tpu.memory_space<vmem>>[vector<16xi32>], vector<16xf32>,
      %parallel_loop3A_219 = arith.constant 1 : i32
      %parallel_loop3A_220 = vector.broadcast %parallel_loop3A_219 : i32 to vector<16xi32>
      %parallel_loop3A_221 = arith.addi %parallel_loop3A_217, %parallel_loop3A_220 : vector<16xi32>
      %parallel_loop3A_222 = tpu.vector_load_idx %arg12[%parallel_loop3A_221] : memref<1024xf32, #tpu.memory_space<vmem>>[vector<16xi32>], vector<16xf32>,
      %parallel_loop3A_223 = arith.addf %parallel_loop3A_218, %parallel_loop3A_222 : vector<16xf32>
      %parallel_loop3A_224 = arith.constant 2 : i32
      %parallel_loop3A_225 = vector.broadcast %parallel_loop3A_224 : i32 to vector<16xi32>
      %parallel_loop3A_226 = arith.addi %parallel_loop3A_217, %parallel_loop3A_225 : vector<16xi32>
      %parallel_loop3A_227 = tpu.vector_load_idx %arg12[%parallel_loop3A_226] : memref<1024xf32, #tpu.memory_space<vmem>>[vector<16xi32>], vector<16xf32>,
      %parallel_loop3A_228 = arith.addf %parallel_loop3A_223, %parallel_loop3A_227 : vector<16xf32>
      %parallel_loop3A_229 = arith.constant 3 : i32
      %parallel_loop3A_230 = vector.broadcast %parallel_loop3A_229 : i32 to vector<16xi32>
      %parallel_loop3A_231 = arith.addi %parallel_loop3A_217, %parallel_loop3A_230 : vector<16xi32>
      %parallel_loop3A_232 = tpu.vector_load_idx %arg12[%parallel_loop3A_231] : memref<1024xf32, #tpu.memory_space<vmem>>[vector<16xi32>], vector<16xf32>,
      %parallel_loop3A_233 = arith.addf %parallel_loop3A_228, %parallel_loop3A_232 : vector<16xf32>
      %parallel_loop3A_234 = arith.constant 4 : i32
      %parallel_loop3A_235 = vector.broadcast %parallel_loop3A_234 : i32 to vector<16xi32>
      %parallel_loop3A_236 = arith.addi %parallel_loop3A_217, %parallel_loop3A_235 : vector<16xi32>
      %parallel_loop3A_237 = tpu.vector_load_idx %arg12[%parallel_loop3A_236] : memref<1024xf32, #tpu.memory_space<vmem>>[vector<16xi32>], vector<16xf32>,
      %parallel_loop3A_238 = arith.addf %parallel_loop3A_233, %parallel_loop3A_237 : vector<16xf32>
      %parallel_loop3A_239 = arith.constant 5 : i32
      %parallel_loop3A_240 = vector.broadcast %parallel_loop3A_239 : i32 to vector<16xi32>
      %parallel_loop3A_241 = arith.addi %parallel_loop3A_217, %parallel_loop3A_240 : vector<16xi32>
      %parallel_loop3A_242 = tpu.vector_load_idx %arg12[%parallel_loop3A_241] : memref<1024xf32, #tpu.memory_space<vmem>>[vector<16xi32>], vector<16xf32>,
      %parallel_loop3A_243 = arith.addf %parallel_loop3A_238, %parallel_loop3A_242 : vector<16xf32>
      %parallel_loop3A_244 = arith.constant 6 : i32
      %parallel_loop3A_245 = vector.broadcast %parallel_loop3A_244 : i32 to vector<16xi32>
      %parallel_loop3A_246 = arith.addi %parallel_loop3A_217, %parallel_loop3A_245 : vector<16xi32>
      %parallel_loop3A_247 = tpu.vector_load_idx %arg12[%parallel_loop3A_246] : memref<1024xf32, #tpu.memory_space<vmem>>[vector<16xi32>], vector<16xf32>,
      %parallel_loop3A_248 = arith.addf %parallel_loop3A_243, %parallel_loop3A_247 : vector<16xf32>
      %parallel_loop3A_249 = arith.constant 7 : i32
      %parallel_loop3A_250 = vector.broadcast %parallel_loop3A_249 : i32 to vector<16xi32>
      %parallel_loop3A_251 = arith.addi %parallel_loop3A_217, %parallel_loop3A_250 : vector<16xi32>
      %parallel_loop3A_252 = tpu.vector_load_idx %arg12[%parallel_loop3A_251] : memref<1024xf32, #tpu.memory_space<vmem>>[vector<16xi32>], vector<16xf32>,
      %parallel_loop3A_253 = arith.addf %parallel_loop3A_248, %parallel_loop3A_252 : vector<16xf32>
      %parallel_loop3A_254 = arith.constant 8 : i32
      %parallel_loop3A_255 = vector.broadcast %parallel_loop3A_254 : i32 to vector<16xi32>
      %parallel_loop3A_256 = arith.addi %parallel_loop3A_217, %parallel_loop3A_255 : vector<16xi32>
      %parallel_loop3A_257 = tpu.vector_load_idx %arg12[%parallel_loop3A_256] : memref<1024xf32, #tpu.memory_space<vmem>>[vector<16xi32>], vector<16xf32>,
      %parallel_loop3A_258 = arith.addf %parallel_loop3A_253, %parallel_loop3A_257 : vector<16xf32>
      %parallel_loop3A_259 = arith.constant 9 : i32
      %parallel_loop3A_260 = vector.broadcast %parallel_loop3A_259 : i32 to vector<16xi32>
      %parallel_loop3A_261 = arith.addi %parallel_loop3A_217, %parallel_loop3A_260 : vector<16xi32>
      %parallel_loop3A_262 = tpu.vector_load_idx %arg12[%parallel_loop3A_261] : memref<1024xf32, #tpu.memory_space<vmem>>[vector<16xi32>], vector<16xf32>,
      %parallel_loop3A_263 = arith.addf %parallel_loop3A_258, %parallel_loop3A_262 : vector<16xf32>
      %parallel_loop3A_264 = arith.constant 10 : i32
      %parallel_loop3A_265 = vector.broadcast %parallel_loop3A_264 : i32 to vector<16xi32>
      %parallel_loop3A_266 = arith.addi %parallel_loop3A_217, %parallel_loop3A_265 : vector<16xi32>
      %parallel_loop3A_267 = tpu.vector_load_idx %arg12[%parallel_loop3A_266] : memref<1024xf32, #tpu.memory_space<vmem>>[vector<16xi32>], vector<16xf32>,
      %parallel_loop3A_268 = arith.addf %parallel_loop3A_263, %parallel_loop3A_267 : vector<16xf32>
      %parallel_loop3A_269 = arith.constant 11 : i32
      %parallel_loop3A_270 = vector.broadcast %parallel_loop3A_269 : i32 to vector<16xi32>
      %parallel_loop3A_271 = arith.addi %parallel_loop3A_217, %parallel_loop3A_270 : vector<16xi32>
      %parallel_loop3A_272 = tpu.vector_load_idx %arg12[%parallel_loop3A_271] : memref<1024xf32, #tpu.memory_space<vmem>>[vector<16xi32>], vector<16xf32>,
      %parallel_loop3A_273 = arith.addf %parallel_loop3A_268, %parallel_loop3A_272 : vector<16xf32>
      %parallel_loop3A_274 = arith.constant 12 : i32
      %parallel_loop3A_275 = vector.broadcast %parallel_loop3A_274 : i32 to vector<16xi32>
      %parallel_loop3A_276 = arith.addi %parallel_loop3A_217, %parallel_loop3A_275 : vector<16xi32>
      %parallel_loop3A_277 = tpu.vector_load_idx %arg12[%parallel_loop3A_276] : memref<1024xf32, #tpu.memory_space<vmem>>[vector<16xi32>], vector<16xf32>,
      %parallel_loop3A_278 = arith.addf %parallel_loop3A_273, %parallel_loop3A_277 : vector<16xf32>
      %parallel_loop3A_279 = arith.constant 13 : i32
      %parallel_loop3A_280 = vector.broadcast %parallel_loop3A_279 : i32 to vector<16xi32>
      %parallel_loop3A_281 = arith.addi %parallel_loop3A_217, %parallel_loop3A_280 : vector<16xi32>
      %parallel_loop3A_282 = tpu.vector_load_idx %arg12[%parallel_loop3A_281] : memref<1024xf32, #tpu.memory_space<vmem>>[vector<16xi32>], vector<16xf32>,
      %parallel_loop3A_283 = arith.addf %parallel_loop3A_278, %parallel_loop3A_282 : vector<16xf32>
      %parallel_loop3A_284 = arith.constant 14 : i32
      %parallel_loop3A_285 = vector.broadcast %parallel_loop3A_284 : i32 to vector<16xi32>
      %parallel_loop3A_286 = arith.addi %parallel_loop3A_217, %parallel_loop3A_285 : vector<16xi32>
      %parallel_loop3A_287 = tpu.vector_load_idx %arg12[%parallel_loop3A_286] : memref<1024xf32, #tpu.memory_space<vmem>>[vector<16xi32>], vector<16xf32>,
      %parallel_loop3A_288 = arith.addf %parallel_loop3A_283, %parallel_loop3A_287 : vector<16xf32>
      %parallel_loop3A_289 = arith.constant 15 : i32
      %parallel_loop3A_290 = vector.broadcast %parallel_loop3A_289 : i32 to vector<16xi32>
      %parallel_loop3A_291 = arith.addi %parallel_loop3A_217, %parallel_loop3A_290 : vector<16xi32>
      %parallel_loop3A_292 = tpu.vector_load_idx %arg12[%parallel_loop3A_291] : memref<1024xf32, #tpu.memory_space<vmem>>[vector<16xi32>], vector<16xf32>,
      %parallel_loop3A_293 = arith.addf %parallel_loop3A_288, %parallel_loop3A_292 : vector<16xf32>
      %parallel_loop3A_294 = arith.constant 9.99999996E-13 : f32
      %parallel_loop3A_295 = vector.broadcast %parallel_loop3A_294 : f32 to vector<16xf32>
      %parallel_loop3A_296 = arith.addf %parallel_loop3A_293, %parallel_loop3A_295 : vector<16xf32>
      %parallel_loop3A_297 = vector.bitcast %parallel_loop3A_296 : vector<16xf32> to vector<16xi32>
      %parallel_loop3A_298 = arith.constant 1 : i32
      %parallel_loop3A_299 = vector.broadcast %parallel_loop3A_298 : i32 to vector<16xi32>
      %parallel_loop3A_300 = arith.shrsi %parallel_loop3A_297, %parallel_loop3A_299 : vector<16xi32>
      %parallel_loop3A_301 = arith.constant 1597463007 : i32
      %parallel_loop3A_302 = vector.broadcast %parallel_loop3A_301 : i32 to vector<16xi32>
      %parallel_loop3A_303 = arith.subi %parallel_loop3A_302, %parallel_loop3A_300 : vector<16xi32>
      %parallel_loop3A_304 = vector.bitcast %parallel_loop3A_303 : vector<16xi32> to vector<16xf32>
      %parallel_loop3A_305 = arith.constant 5.000000e-01 : f32
      %parallel_loop3A_306 = vector.broadcast %parallel_loop3A_305 : f32 to vector<16xf32>
      %parallel_loop3A_307 = arith.mulf %parallel_loop3A_296, %parallel_loop3A_306 : vector<16xf32>
      %parallel_loop3A_308 = arith.mulf %parallel_loop3A_307, %parallel_loop3A_304 : vector<16xf32>
      %parallel_loop3A_309 = arith.mulf %parallel_loop3A_308, %parallel_loop3A_304 : vector<16xf32>
      %parallel_loop3A_310 = arith.constant 1.500000e+00 : f32
      %parallel_loop3A_311 = vector.broadcast %parallel_loop3A_310 : f32 to vector<16xf32>
      %parallel_loop3A_312 = arith.subf %parallel_loop3A_311, %parallel_loop3A_309 : vector<16xf32>
      %parallel_loop3A_313 = arith.mulf %parallel_loop3A_304, %parallel_loop3A_312 : vector<16xf32>
      %parallel_loop3A_314 = arith.mulf %parallel_loop3A_307, %parallel_loop3A_313 : vector<16xf32>
      %parallel_loop3A_315 = arith.mulf %parallel_loop3A_314, %parallel_loop3A_313 : vector<16xf32>
      %parallel_loop3A_316 = arith.constant 1.500000e+00 : f32
      %parallel_loop3A_317 = vector.broadcast %parallel_loop3A_316 : f32 to vector<16xf32>
      %parallel_loop3A_318 = arith.subf %parallel_loop3A_317, %parallel_loop3A_315 : vector<16xf32>
      %parallel_loop3A_319 = arith.mulf %parallel_loop3A_313, %parallel_loop3A_318 : vector<16xf32>
      %parallel_loop3A_320 = arith.mulf %parallel_loop3A_307, %parallel_loop3A_319 : vector<16xf32>
      %parallel_loop3A_321 = arith.mulf %parallel_loop3A_320, %parallel_loop3A_319 : vector<16xf32>
      %parallel_loop3A_322 = arith.constant 1.500000e+00 : f32
      %parallel_loop3A_323 = vector.broadcast %parallel_loop3A_322 : f32 to vector<16xf32>
      %parallel_loop3A_324 = arith.subf %parallel_loop3A_323, %parallel_loop3A_321 : vector<16xf32>
      %parallel_loop3A_325 = arith.mulf %parallel_loop3A_319, %parallel_loop3A_324 : vector<16xf32>
      %parallel_loop3A_326 = arith.mulf %parallel_loop3A_296, %parallel_loop3A_325 : vector<16xf32>
      %parallel_loop3A_327 = arith.mulf %parallel_loop3A_326, %exp3A : vector<16xf32>
      %parallel_loop3A_328 = arith.constant 16 : i32
      %parallel_loop3A_329 = arith.muli %parallel_loop3A_210, %parallel_loop3A_328 : i32
      %parallel_loop3A_330 = arith.constant 0 : i32
      %parallel_loop3A_331 = arith.addi %parallel_loop3A_330, %parallel_loop3A_329 : i32
      %parallel_loop3A_332 = arith.index_cast %parallel_loop3A_331 : i32 to index
      %parallel_loop3A_333 = tpu.vector_load %arg11[%parallel_loop3A_332] {strides = array<i32>} : memref<512xf32, #tpu.memory_space<vmem>>, vector<16xf32>,
      tpu.vector_store %arg11[%parallel_loop3A_332], %parallel_loop3A_327 {strides = array<i32>} : memref<512xf32, #tpu.memory_space<vmem>>, vector<16xf32>,
    } {sc.loop_unroll_factor = 1 : i64, sc.parallel_access}
    %dma_start3A_40 = arith.constant 3 : i32
    %dma_start3A_41 = arith.constant 0 : i32
    %dma_start3A_42 = tpu.memref_slice %arg6[%dma_start3A_40, %dma_start3A_41] : memref<8x128xi32, #tpu.memory_space<vmem>> -> memref<1x128xi32, #tpu.memory_space<vmem>>
    %dma_start3A_43 = tpu.memref_squeeze %dma_start3A_42 : memref<1x128xi32, #tpu.memory_space<vmem>> -> memref<128xi32, #tpu.memory_space<vmem>>
    %dma_start3A_44 = arith.constant 0 : i32
    %dma_start3A_45 = arith.constant 0 : i32
    %dma_start3A_46 = tpu.memref_slice %arg2[%dma_start3A_44, %dma_start3A_45] : memref<100000x128xf32, #tpu.memory_space<hbm>> -> memref<100000x128xf32, #tpu.memory_space<hbm>>
    tpu.enqueue_indirect_dma source(%dma_start3A_46 : memref<100000x128xf32, #tpu.memory_space<hbm>>) target(%arg7 : memref<128x128xf32, #tpu.memory_space<vmem>>) offsets(%dma_start3A_43 : memref<128xi32, #tpu.memory_space<vmem>>) semaphore(%arg13 : memref<!tpu.dma_semaphore, #tpu.memory_space<semaphore_mem>>)
    %dma_wait3A_47 = arith.constant 1 : i32
    %dma_wait3A_48 = arith.constant 0 : i32
    %dma_wait3A_49 = tpu.memref_slice %arg6[%dma_wait3A_47, %dma_wait3A_48] : memref<8x128xi32, #tpu.memory_space<vmem>> -> memref<1x128xi32, #tpu.memory_space<vmem>>
    %dma_wait3A_50 = tpu.memref_squeeze %dma_wait3A_49 : memref<1x128xi32, #tpu.memory_space<vmem>> -> memref<128xi32, #tpu.memory_space<vmem>>
    %dma_wait3A_51 = arith.constant 0 : i32
    %dma_wait3A_52 = arith.constant 0 : i32
    %dma_wait3A_53 = tpu.memref_slice %arg2[%dma_wait3A_51, %dma_wait3A_52] : memref<100000x128xf32, #tpu.memory_space<hbm>> -> memref<100000x128xf32, #tpu.memory_space<hbm>>
    tpu.wait_indirect_dma semaphore(%arg14 : memref<!tpu.dma_semaphore, #tpu.memory_space<semaphore_mem>>) src(%dma_wait3A_53 : memref<100000x128xf32, #tpu.memory_space<hbm>>) dst(%arg8 : memref<128x128xf32, #tpu.memory_space<vmem>>)
    %parallel_loop3A_54 = arith.constant 0 : i32
    %parallel_loop3A_55 = arith.constant 64 : i32
    %parallel_loop3A_56 = arith.constant 1 : i32
    %parallel_loop3A_57 = arith.constant 0 : i32
    %parallel_loop3A_58 = scf.for %parallel_loop3A_210 = %parallel_loop3A_54 to %parallel_loop3A_55 step %parallel_loop3A_56 iter_args(%parallel_loop3A_211 = %parallel_loop3A_57) -> (i32)  : i32 {
      %parallel_loop3A_212 = arith.constant 2 : i32
      %parallel_loop3A_213 = arith.muli %parallel_loop3A_212, %parallel_loop3A_210 : i32
      %parallel_loop3A_214 = arith.index_cast %parallel_loop3A_213 : i32 to index
      %parallel_loop3A_215 = arith.constant 0 : index
      %parallel_loop3A_216 = tpu.vector_load %arg8[%parallel_loop3A_214, %parallel_loop3A_215] {strides = array<i32>} : memref<128x128xf32, #tpu.memory_space<vmem>>, vector<16xf32>,
      %parallel_loop3A_217 = arith.constant 1 : i32
      %parallel_loop3A_218 = arith.addi %parallel_loop3A_213, %parallel_loop3A_217 : i32
      %parallel_loop3A_219 = arith.index_cast %parallel_loop3A_218 : i32 to index
      %parallel_loop3A_220 = arith.constant 0 : index
      %parallel_loop3A_221 = tpu.vector_load %arg8[%parallel_loop3A_219, %parallel_loop3A_220] {strides = array<i32>} : memref<128x128xf32, #tpu.memory_space<vmem>>, vector<16xf32>,
      %parallel_loop3A_222 = arith.subf %parallel_loop3A_216, %parallel_loop3A_221 : vector<16xf32>
      %parallel_loop3A_223 = arith.mulf %parallel_loop3A_222, %parallel_loop3A_222 : vector<16xf32>
      %parallel_loop3A_224 = arith.index_cast %parallel_loop3A_213 : i32 to index
      %parallel_loop3A_225 = arith.constant 16 : index
      %parallel_loop3A_226 = tpu.vector_load %arg8[%parallel_loop3A_224, %parallel_loop3A_225] {strides = array<i32>} : memref<128x128xf32, #tpu.memory_space<vmem>>, vector<16xf32>,
      %parallel_loop3A_227 = arith.constant 1 : i32
      %parallel_loop3A_228 = arith.addi %parallel_loop3A_213, %parallel_loop3A_227 : i32
      %parallel_loop3A_229 = arith.index_cast %parallel_loop3A_228 : i32 to index
      %parallel_loop3A_230 = arith.constant 16 : index
      %parallel_loop3A_231 = tpu.vector_load %arg8[%parallel_loop3A_229, %parallel_loop3A_230] {strides = array<i32>} : memref<128x128xf32, #tpu.memory_space<vmem>>, vector<16xf32>,
      %parallel_loop3A_232 = arith.subf %parallel_loop3A_226, %parallel_loop3A_231 : vector<16xf32>
      %parallel_loop3A_233 = arith.mulf %parallel_loop3A_232, %parallel_loop3A_232 : vector<16xf32>
      %parallel_loop3A_234 = arith.index_cast %parallel_loop3A_213 : i32 to index
      %parallel_loop3A_235 = arith.constant 32 : index
      %parallel_loop3A_236 = tpu.vector_load %arg8[%parallel_loop3A_234, %parallel_loop3A_235] {strides = array<i32>} : memref<128x128xf32, #tpu.memory_space<vmem>>, vector<16xf32>,
      %parallel_loop3A_237 = arith.constant 1 : i32
      %parallel_loop3A_238 = arith.addi %parallel_loop3A_213, %parallel_loop3A_237 : i32
      %parallel_loop3A_239 = arith.index_cast %parallel_loop3A_238 : i32 to index
      %parallel_loop3A_240 = arith.constant 32 : index
      %parallel_loop3A_241 = tpu.vector_load %arg8[%parallel_loop3A_239, %parallel_loop3A_240] {strides = array<i32>} : memref<128x128xf32, #tpu.memory_space<vmem>>, vector<16xf32>,
      %parallel_loop3A_242 = arith.subf %parallel_loop3A_236, %parallel_loop3A_241 : vector<16xf32>
      %parallel_loop3A_243 = arith.mulf %parallel_loop3A_242, %parallel_loop3A_242 : vector<16xf32>
      %parallel_loop3A_244 = arith.addf %parallel_loop3A_223, %parallel_loop3A_243 : vector<16xf32>
      %parallel_loop3A_245 = arith.index_cast %parallel_loop3A_213 : i32 to index
      %parallel_loop3A_246 = arith.constant 48 : index
      %parallel_loop3A_247 = tpu.vector_load %arg8[%parallel_loop3A_245, %parallel_loop3A_246] {strides = array<i32>} : memref<128x128xf32, #tpu.memory_space<vmem>>, vector<16xf32>,
      %parallel_loop3A_248 = arith.constant 1 : i32
      %parallel_loop3A_249 = arith.addi %parallel_loop3A_213, %parallel_loop3A_248 : i32
      %parallel_loop3A_250 = arith.index_cast %parallel_loop3A_249 : i32 to index
      %parallel_loop3A_251 = arith.constant 48 : index
      %parallel_loop3A_252 = tpu.vector_load %arg8[%parallel_loop3A_250, %parallel_loop3A_251] {strides = array<i32>} : memref<128x128xf32, #tpu.memory_space<vmem>>, vector<16xf32>,
      %parallel_loop3A_253 = arith.subf %parallel_loop3A_247, %parallel_loop3A_252 : vector<16xf32>
      %parallel_loop3A_254 = arith.mulf %parallel_loop3A_253, %parallel_loop3A_253 : vector<16xf32>
      %parallel_loop3A_255 = arith.addf %parallel_loop3A_233, %parallel_loop3A_254 : vector<16xf32>
      %parallel_loop3A_256 = arith.index_cast %parallel_loop3A_213 : i32 to index
      %parallel_loop3A_257 = arith.constant 64 : index
      %parallel_loop3A_258 = tpu.vector_load %arg8[%parallel_loop3A_256, %parallel_loop3A_257] {strides = array<i32>} : memref<128x128xf32, #tpu.memory_space<vmem>>, vector<16xf32>,
      %parallel_loop3A_259 = arith.constant 1 : i32
      %parallel_loop3A_260 = arith.addi %parallel_loop3A_213, %parallel_loop3A_259 : i32
      %parallel_loop3A_261 = arith.index_cast %parallel_loop3A_260 : i32 to index
      %parallel_loop3A_262 = arith.constant 64 : index
      %parallel_loop3A_263 = tpu.vector_load %arg8[%parallel_loop3A_261, %parallel_loop3A_262] {strides = array<i32>} : memref<128x128xf32, #tpu.memory_space<vmem>>, vector<16xf32>,
      %parallel_loop3A_264 = arith.subf %parallel_loop3A_258, %parallel_loop3A_263 : vector<16xf32>
      %parallel_loop3A_265 = arith.mulf %parallel_loop3A_264, %parallel_loop3A_264 : vector<16xf32>
      %parallel_loop3A_266 = arith.addf %parallel_loop3A_244, %parallel_loop3A_265 : vector<16xf32>
      %parallel_loop3A_267 = arith.index_cast %parallel_loop3A_213 : i32 to index
      %parallel_loop3A_268 = arith.constant 80 : index
      %parallel_loop3A_269 = tpu.vector_load %arg8[%parallel_loop3A_267, %parallel_loop3A_268] {strides = array<i32>} : memref<128x128xf32, #tpu.memory_space<vmem>>, vector<16xf32>,
      %parallel_loop3A_270 = arith.constant 1 : i32
      %parallel_loop3A_271 = arith.addi %parallel_loop3A_213, %parallel_loop3A_270 : i32
      %parallel_loop3A_272 = arith.index_cast %parallel_loop3A_271 : i32 to index
      %parallel_loop3A_273 = arith.constant 80 : index
      %parallel_loop3A_274 = tpu.vector_load %arg8[%parallel_loop3A_272, %parallel_loop3A_273] {strides = array<i32>} : memref<128x128xf32, #tpu.memory_space<vmem>>, vector<16xf32>,
      %parallel_loop3A_275 = arith.subf %parallel_loop3A_269, %parallel_loop3A_274 : vector<16xf32>
      %parallel_loop3A_276 = arith.mulf %parallel_loop3A_275, %parallel_loop3A_275 : vector<16xf32>
      %parallel_loop3A_277 = arith.addf %parallel_loop3A_255, %parallel_loop3A_276 : vector<16xf32>
      %parallel_loop3A_278 = arith.index_cast %parallel_loop3A_213 : i32 to index
      %parallel_loop3A_279 = arith.constant 96 : index
      %parallel_loop3A_280 = tpu.vector_load %arg8[%parallel_loop3A_278, %parallel_loop3A_279] {strides = array<i32>} : memref<128x128xf32, #tpu.memory_space<vmem>>, vector<16xf32>,
      %parallel_loop3A_281 = arith.constant 1 : i32
      %parallel_loop3A_282 = arith.addi %parallel_loop3A_213, %parallel_loop3A_281 : i32
      %parallel_loop3A_283 = arith.index_cast %parallel_loop3A_282 : i32 to index
      %parallel_loop3A_284 = arith.constant 96 : index
      %parallel_loop3A_285 = tpu.vector_load %arg8[%parallel_loop3A_283, %parallel_loop3A_284] {strides = array<i32>} : memref<128x128xf32, #tpu.memory_space<vmem>>, vector<16xf32>,
      %parallel_loop3A_286 = arith.subf %parallel_loop3A_280, %parallel_loop3A_285 : vector<16xf32>
      %parallel_loop3A_287 = arith.mulf %parallel_loop3A_286, %parallel_loop3A_286 : vector<16xf32>
      %parallel_loop3A_288 = arith.addf %parallel_loop3A_266, %parallel_loop3A_287 : vector<16xf32>
      %parallel_loop3A_289 = arith.index_cast %parallel_loop3A_213 : i32 to index
      %parallel_loop3A_290 = arith.constant 112 : index
      %parallel_loop3A_291 = tpu.vector_load %arg8[%parallel_loop3A_289, %parallel_loop3A_290] {strides = array<i32>} : memref<128x128xf32, #tpu.memory_space<vmem>>, vector<16xf32>,
      %parallel_loop3A_292 = arith.constant 1 : i32
      %parallel_loop3A_293 = arith.addi %parallel_loop3A_213, %parallel_loop3A_292 : i32
      %parallel_loop3A_294 = arith.index_cast %parallel_loop3A_293 : i32 to index
      %parallel_loop3A_295 = arith.constant 112 : index
      %parallel_loop3A_296 = tpu.vector_load %arg8[%parallel_loop3A_294, %parallel_loop3A_295] {strides = array<i32>} : memref<128x128xf32, #tpu.memory_space<vmem>>, vector<16xf32>,
      %parallel_loop3A_297 = arith.subf %parallel_loop3A_291, %parallel_loop3A_296 : vector<16xf32>
      %parallel_loop3A_298 = arith.mulf %parallel_loop3A_297, %parallel_loop3A_297 : vector<16xf32>
      %parallel_loop3A_299 = arith.addf %parallel_loop3A_277, %parallel_loop3A_298 : vector<16xf32>
      %parallel_loop3A_300 = arith.addf %parallel_loop3A_288, %parallel_loop3A_299 : vector<16xf32>
      %parallel_loop3A_301 = arith.constant 16 : i32
      %parallel_loop3A_302 = arith.muli %parallel_loop3A_210, %parallel_loop3A_301 : i32
      %parallel_loop3A_303 = arith.index_cast %parallel_loop3A_302 : i32 to index
      %parallel_loop3A_304 = tpu.vector_load %arg12[%parallel_loop3A_303] {strides = array<i32>} : memref<1024xf32, #tpu.memory_space<vmem>>, vector<16xf32>,
      tpu.vector_store %arg12[%parallel_loop3A_303], %parallel_loop3A_300 {strides = array<i32>} : memref<1024xf32, #tpu.memory_space<vmem>>, vector<16xf32>,
      %parallel_loop3A_305 = arith.constant 1 : i32
      %parallel_loop3A_306 = arith.addi %parallel_loop3A_211, %parallel_loop3A_305 : i32
      scf.yield %parallel_loop3A_306 : i32
    } {sc.loop_unroll_factor = 2 : i64, sc.parallel_access}
    %iota3A_59 = tpu.iota {dimensions = array<i32: 0>} : vector<16xi32>
    %mul3A_60 = arith.constant 16 : i32
    %mul3A_61 = vector.broadcast %mul3A_60 : i32 to vector<16xi32>
    %mul3A_62 = arith.muli %iota3A_59, %mul3A_61 : vector<16xi32>
    %parallel_loop3A_63 = arith.constant 0 : i32
    %parallel_loop3A_64 = arith.constant 4 : i32
    %parallel_loop3A_65 = arith.constant 1 : i32
    scf.for %parallel_loop3A_210 = %parallel_loop3A_63 to %parallel_loop3A_64 step %parallel_loop3A_65  : i32 {
      %parallel_loop3A_211 = arith.constant 256 : i32
      %parallel_loop3A_212 = arith.muli %parallel_loop3A_210, %parallel_loop3A_211 : i32
      %parallel_loop3A_213 = arith.addi %parallel_loop3A_212, %parallel_loop3A_58 : i32
      %parallel_loop3A_214 = arith.constant 64 : i32
      %parallel_loop3A_215 = arith.subi %parallel_loop3A_213, %parallel_loop3A_214 : i32
      %parallel_loop3A_216 = vector.broadcast %parallel_loop3A_215 : i32 to vector<16xi32>
      %parallel_loop3A_217 = arith.addi %mul3A_62, %parallel_loop3A_216 : vector<16xi32>
      %parallel_loop3A_218 = tpu.vector_load_idx %arg12[%parallel_loop3A_217] : memref<1024xf32, #tpu.memory_space<vmem>>[vector<16xi32>], vector<16xf32>,
      %parallel_loop3A_219 = arith.constant 1 : i32
      %parallel_loop3A_220 = vector.broadcast %parallel_loop3A_219 : i32 to vector<16xi32>
      %parallel_loop3A_221 = arith.addi %parallel_loop3A_217, %parallel_loop3A_220 : vector<16xi32>
      %parallel_loop3A_222 = tpu.vector_load_idx %arg12[%parallel_loop3A_221] : memref<1024xf32, #tpu.memory_space<vmem>>[vector<16xi32>], vector<16xf32>,
      %parallel_loop3A_223 = arith.addf %parallel_loop3A_218, %parallel_loop3A_222 : vector<16xf32>
      %parallel_loop3A_224 = arith.constant 2 : i32
      %parallel_loop3A_225 = vector.broadcast %parallel_loop3A_224 : i32 to vector<16xi32>
      %parallel_loop3A_226 = arith.addi %parallel_loop3A_217, %parallel_loop3A_225 : vector<16xi32>
      %parallel_loop3A_227 = tpu.vector_load_idx %arg12[%parallel_loop3A_226] : memref<1024xf32, #tpu.memory_space<vmem>>[vector<16xi32>], vector<16xf32>,
      %parallel_loop3A_228 = arith.addf %parallel_loop3A_223, %parallel_loop3A_227 : vector<16xf32>
      %parallel_loop3A_229 = arith.constant 3 : i32
      %parallel_loop3A_230 = vector.broadcast %parallel_loop3A_229 : i32 to vector<16xi32>
      %parallel_loop3A_231 = arith.addi %parallel_loop3A_217, %parallel_loop3A_230 : vector<16xi32>
      %parallel_loop3A_232 = tpu.vector_load_idx %arg12[%parallel_loop3A_231] : memref<1024xf32, #tpu.memory_space<vmem>>[vector<16xi32>], vector<16xf32>,
      %parallel_loop3A_233 = arith.addf %parallel_loop3A_228, %parallel_loop3A_232 : vector<16xf32>
      %parallel_loop3A_234 = arith.constant 4 : i32
      %parallel_loop3A_235 = vector.broadcast %parallel_loop3A_234 : i32 to vector<16xi32>
      %parallel_loop3A_236 = arith.addi %parallel_loop3A_217, %parallel_loop3A_235 : vector<16xi32>
      %parallel_loop3A_237 = tpu.vector_load_idx %arg12[%parallel_loop3A_236] : memref<1024xf32, #tpu.memory_space<vmem>>[vector<16xi32>], vector<16xf32>,
      %parallel_loop3A_238 = arith.addf %parallel_loop3A_233, %parallel_loop3A_237 : vector<16xf32>
      %parallel_loop3A_239 = arith.constant 5 : i32
      %parallel_loop3A_240 = vector.broadcast %parallel_loop3A_239 : i32 to vector<16xi32>
      %parallel_loop3A_241 = arith.addi %parallel_loop3A_217, %parallel_loop3A_240 : vector<16xi32>
      %parallel_loop3A_242 = tpu.vector_load_idx %arg12[%parallel_loop3A_241] : memref<1024xf32, #tpu.memory_space<vmem>>[vector<16xi32>], vector<16xf32>,
      %parallel_loop3A_243 = arith.addf %parallel_loop3A_238, %parallel_loop3A_242 : vector<16xf32>
      %parallel_loop3A_244 = arith.constant 6 : i32
      %parallel_loop3A_245 = vector.broadcast %parallel_loop3A_244 : i32 to vector<16xi32>
      %parallel_loop3A_246 = arith.addi %parallel_loop3A_217, %parallel_loop3A_245 : vector<16xi32>
      %parallel_loop3A_247 = tpu.vector_load_idx %arg12[%parallel_loop3A_246] : memref<1024xf32, #tpu.memory_space<vmem>>[vector<16xi32>], vector<16xf32>,
      %parallel_loop3A_248 = arith.addf %parallel_loop3A_243, %parallel_loop3A_247 : vector<16xf32>
      %parallel_loop3A_249 = arith.constant 7 : i32
      %parallel_loop3A_250 = vector.broadcast %parallel_loop3A_249 : i32 to vector<16xi32>
      %parallel_loop3A_251 = arith.addi %parallel_loop3A_217, %parallel_loop3A_250 : vector<16xi32>
      %parallel_loop3A_252 = tpu.vector_load_idx %arg12[%parallel_loop3A_251] : memref<1024xf32, #tpu.memory_space<vmem>>[vector<16xi32>], vector<16xf32>,
      %parallel_loop3A_253 = arith.addf %parallel_loop3A_248, %parallel_loop3A_252 : vector<16xf32>
      %parallel_loop3A_254 = arith.constant 8 : i32
      %parallel_loop3A_255 = vector.broadcast %parallel_loop3A_254 : i32 to vector<16xi32>
      %parallel_loop3A_256 = arith.addi %parallel_loop3A_217, %parallel_loop3A_255 : vector<16xi32>
      %parallel_loop3A_257 = tpu.vector_load_idx %arg12[%parallel_loop3A_256] : memref<1024xf32, #tpu.memory_space<vmem>>[vector<16xi32>], vector<16xf32>,
      %parallel_loop3A_258 = arith.addf %parallel_loop3A_253, %parallel_loop3A_257 : vector<16xf32>
      %parallel_loop3A_259 = arith.constant 9 : i32
      %parallel_loop3A_260 = vector.broadcast %parallel_loop3A_259 : i32 to vector<16xi32>
      %parallel_loop3A_261 = arith.addi %parallel_loop3A_217, %parallel_loop3A_260 : vector<16xi32>
      %parallel_loop3A_262 = tpu.vector_load_idx %arg12[%parallel_loop3A_261] : memref<1024xf32, #tpu.memory_space<vmem>>[vector<16xi32>], vector<16xf32>,
      %parallel_loop3A_263 = arith.addf %parallel_loop3A_258, %parallel_loop3A_262 : vector<16xf32>
      %parallel_loop3A_264 = arith.constant 10 : i32
      %parallel_loop3A_265 = vector.broadcast %parallel_loop3A_264 : i32 to vector<16xi32>
      %parallel_loop3A_266 = arith.addi %parallel_loop3A_217, %parallel_loop3A_265 : vector<16xi32>
      %parallel_loop3A_267 = tpu.vector_load_idx %arg12[%parallel_loop3A_266] : memref<1024xf32, #tpu.memory_space<vmem>>[vector<16xi32>], vector<16xf32>,
      %parallel_loop3A_268 = arith.addf %parallel_loop3A_263, %parallel_loop3A_267 : vector<16xf32>
      %parallel_loop3A_269 = arith.constant 11 : i32
      %parallel_loop3A_270 = vector.broadcast %parallel_loop3A_269 : i32 to vector<16xi32>
      %parallel_loop3A_271 = arith.addi %parallel_loop3A_217, %parallel_loop3A_270 : vector<16xi32>
      %parallel_loop3A_272 = tpu.vector_load_idx %arg12[%parallel_loop3A_271] : memref<1024xf32, #tpu.memory_space<vmem>>[vector<16xi32>], vector<16xf32>,
      %parallel_loop3A_273 = arith.addf %parallel_loop3A_268, %parallel_loop3A_272 : vector<16xf32>
      %parallel_loop3A_274 = arith.constant 12 : i32
      %parallel_loop3A_275 = vector.broadcast %parallel_loop3A_274 : i32 to vector<16xi32>
      %parallel_loop3A_276 = arith.addi %parallel_loop3A_217, %parallel_loop3A_275 : vector<16xi32>
      %parallel_loop3A_277 = tpu.vector_load_idx %arg12[%parallel_loop3A_276] : memref<1024xf32, #tpu.memory_space<vmem>>[vector<16xi32>], vector<16xf32>,
      %parallel_loop3A_278 = arith.addf %parallel_loop3A_273, %parallel_loop3A_277 : vector<16xf32>
      %parallel_loop3A_279 = arith.constant 13 : i32
      %parallel_loop3A_280 = vector.broadcast %parallel_loop3A_279 : i32 to vector<16xi32>
      %parallel_loop3A_281 = arith.addi %parallel_loop3A_217, %parallel_loop3A_280 : vector<16xi32>
      %parallel_loop3A_282 = tpu.vector_load_idx %arg12[%parallel_loop3A_281] : memref<1024xf32, #tpu.memory_space<vmem>>[vector<16xi32>], vector<16xf32>,
      %parallel_loop3A_283 = arith.addf %parallel_loop3A_278, %parallel_loop3A_282 : vector<16xf32>
      %parallel_loop3A_284 = arith.constant 14 : i32
      %parallel_loop3A_285 = vector.broadcast %parallel_loop3A_284 : i32 to vector<16xi32>
      %parallel_loop3A_286 = arith.addi %parallel_loop3A_217, %parallel_loop3A_285 : vector<16xi32>
      %parallel_loop3A_287 = tpu.vector_load_idx %arg12[%parallel_loop3A_286] : memref<1024xf32, #tpu.memory_space<vmem>>[vector<16xi32>], vector<16xf32>,
      %parallel_loop3A_288 = arith.addf %parallel_loop3A_283, %parallel_loop3A_287 : vector<16xf32>
      %parallel_loop3A_289 = arith.constant 15 : i32
      %parallel_loop3A_290 = vector.broadcast %parallel_loop3A_289 : i32 to vector<16xi32>
      %parallel_loop3A_291 = arith.addi %parallel_loop3A_217, %parallel_loop3A_290 : vector<16xi32>
      %parallel_loop3A_292 = tpu.vector_load_idx %arg12[%parallel_loop3A_291] : memref<1024xf32, #tpu.memory_space<vmem>>[vector<16xi32>], vector<16xf32>,
      %parallel_loop3A_293 = arith.addf %parallel_loop3A_288, %parallel_loop3A_292 : vector<16xf32>
      %parallel_loop3A_294 = arith.constant 9.99999996E-13 : f32
      %parallel_loop3A_295 = vector.broadcast %parallel_loop3A_294 : f32 to vector<16xf32>
      %parallel_loop3A_296 = arith.addf %parallel_loop3A_293, %parallel_loop3A_295 : vector<16xf32>
      %parallel_loop3A_297 = vector.bitcast %parallel_loop3A_296 : vector<16xf32> to vector<16xi32>
      %parallel_loop3A_298 = arith.constant 1 : i32
      %parallel_loop3A_299 = vector.broadcast %parallel_loop3A_298 : i32 to vector<16xi32>
      %parallel_loop3A_300 = arith.shrsi %parallel_loop3A_297, %parallel_loop3A_299 : vector<16xi32>
      %parallel_loop3A_301 = arith.constant 1597463007 : i32
      %parallel_loop3A_302 = vector.broadcast %parallel_loop3A_301 : i32 to vector<16xi32>
      %parallel_loop3A_303 = arith.subi %parallel_loop3A_302, %parallel_loop3A_300 : vector<16xi32>
      %parallel_loop3A_304 = vector.bitcast %parallel_loop3A_303 : vector<16xi32> to vector<16xf32>
      %parallel_loop3A_305 = arith.constant 5.000000e-01 : f32
      %parallel_loop3A_306 = vector.broadcast %parallel_loop3A_305 : f32 to vector<16xf32>
      %parallel_loop3A_307 = arith.mulf %parallel_loop3A_296, %parallel_loop3A_306 : vector<16xf32>
      %parallel_loop3A_308 = arith.mulf %parallel_loop3A_307, %parallel_loop3A_304 : vector<16xf32>
      %parallel_loop3A_309 = arith.mulf %parallel_loop3A_308, %parallel_loop3A_304 : vector<16xf32>
      %parallel_loop3A_310 = arith.constant 1.500000e+00 : f32
      %parallel_loop3A_311 = vector.broadcast %parallel_loop3A_310 : f32 to vector<16xf32>
      %parallel_loop3A_312 = arith.subf %parallel_loop3A_311, %parallel_loop3A_309 : vector<16xf32>
      %parallel_loop3A_313 = arith.mulf %parallel_loop3A_304, %parallel_loop3A_312 : vector<16xf32>
      %parallel_loop3A_314 = arith.mulf %parallel_loop3A_307, %parallel_loop3A_313 : vector<16xf32>
      %parallel_loop3A_315 = arith.mulf %parallel_loop3A_314, %parallel_loop3A_313 : vector<16xf32>
      %parallel_loop3A_316 = arith.constant 1.500000e+00 : f32
      %parallel_loop3A_317 = vector.broadcast %parallel_loop3A_316 : f32 to vector<16xf32>
      %parallel_loop3A_318 = arith.subf %parallel_loop3A_317, %parallel_loop3A_315 : vector<16xf32>
      %parallel_loop3A_319 = arith.mulf %parallel_loop3A_313, %parallel_loop3A_318 : vector<16xf32>
      %parallel_loop3A_320 = arith.mulf %parallel_loop3A_307, %parallel_loop3A_319 : vector<16xf32>
      %parallel_loop3A_321 = arith.mulf %parallel_loop3A_320, %parallel_loop3A_319 : vector<16xf32>
      %parallel_loop3A_322 = arith.constant 1.500000e+00 : f32
      %parallel_loop3A_323 = vector.broadcast %parallel_loop3A_322 : f32 to vector<16xf32>
      %parallel_loop3A_324 = arith.subf %parallel_loop3A_323, %parallel_loop3A_321 : vector<16xf32>
      %parallel_loop3A_325 = arith.mulf %parallel_loop3A_319, %parallel_loop3A_324 : vector<16xf32>
      %parallel_loop3A_326 = arith.mulf %parallel_loop3A_296, %parallel_loop3A_325 : vector<16xf32>
      %parallel_loop3A_327 = arith.mulf %parallel_loop3A_326, %exp3A : vector<16xf32>
      %parallel_loop3A_328 = arith.constant 16 : i32
      %parallel_loop3A_329 = arith.muli %parallel_loop3A_210, %parallel_loop3A_328 : i32
      %parallel_loop3A_330 = arith.constant 64 : i32
      %parallel_loop3A_331 = arith.addi %parallel_loop3A_330, %parallel_loop3A_329 : i32
      %parallel_loop3A_332 = arith.index_cast %parallel_loop3A_331 : i32 to index
      %parallel_loop3A_333 = tpu.vector_load %arg11[%parallel_loop3A_332] {strides = array<i32>} : memref<512xf32, #tpu.memory_space<vmem>>, vector<16xf32>,
      tpu.vector_store %arg11[%parallel_loop3A_332], %parallel_loop3A_327 {strides = array<i32>} : memref<512xf32, #tpu.memory_space<vmem>>, vector<16xf32>,
    } {sc.loop_unroll_factor = 1 : i64, sc.parallel_access}
    %dma_start3A_66 = arith.constant 4 : i32
    %dma_start3A_67 = arith.constant 0 : i32
    %dma_start3A_68 = tpu.memref_slice %arg6[%dma_start3A_66, %dma_start3A_67] : memref<8x128xi32, #tpu.memory_space<vmem>> -> memref<1x128xi32, #tpu.memory_space<vmem>>
    %dma_start3A_69 = tpu.memref_squeeze %dma_start3A_68 : memref<1x128xi32, #tpu.memory_space<vmem>> -> memref<128xi32, #tpu.memory_space<vmem>>
    %dma_start3A_70 = arith.constant 0 : i32
    %dma_start3A_71 = arith.constant 0 : i32
    %dma_start3A_72 = tpu.memref_slice %arg2[%dma_start3A_70, %dma_start3A_71] : memref<100000x128xf32, #tpu.memory_space<hbm>> -> memref<100000x128xf32, #tpu.memory_space<hbm>>
    tpu.enqueue_indirect_dma source(%dma_start3A_72 : memref<100000x128xf32, #tpu.memory_space<hbm>>) target(%arg8 : memref<128x128xf32, #tpu.memory_space<vmem>>) offsets(%dma_start3A_69 : memref<128xi32, #tpu.memory_space<vmem>>) semaphore(%arg14 : memref<!tpu.dma_semaphore, #tpu.memory_space<semaphore_mem>>)
    %dma_wait3A_73 = arith.constant 2 : i32
    %dma_wait3A_74 = arith.constant 0 : i32
    %dma_wait3A_75 = tpu.memref_slice %arg6[%dma_wait3A_73, %dma_wait3A_74] : memref<8x128xi32, #tpu.memory_space<vmem>> -> memref<1x128xi32, #tpu.memory_space<vmem>>
    %dma_wait3A_76 = tpu.memref_squeeze %dma_wait3A_75 : memref<1x128xi32, #tpu.memory_space<vmem>> -> memref<128xi32, #tpu.memory_space<vmem>>
    %dma_wait3A_77 = arith.constant 0 : i32
    %dma_wait3A_78 = arith.constant 0 : i32
    %dma_wait3A_79 = tpu.memref_slice %arg2[%dma_wait3A_77, %dma_wait3A_78] : memref<100000x128xf32, #tpu.memory_space<hbm>> -> memref<100000x128xf32, #tpu.memory_space<hbm>>
    tpu.wait_indirect_dma semaphore(%arg15 : memref<!tpu.dma_semaphore, #tpu.memory_space<semaphore_mem>>) src(%dma_wait3A_79 : memref<100000x128xf32, #tpu.memory_space<hbm>>) dst(%arg9 : memref<128x128xf32, #tpu.memory_space<vmem>>)
    %parallel_loop3A_80 = arith.constant 0 : i32
    %parallel_loop3A_81 = arith.constant 64 : i32
    %parallel_loop3A_82 = arith.constant 1 : i32
    %parallel_loop3A_83 = arith.constant 0 : i32
    %parallel_loop3A_84 = scf.for %parallel_loop3A_210 = %parallel_loop3A_80 to %parallel_loop3A_81 step %parallel_loop3A_82 iter_args(%parallel_loop3A_211 = %parallel_loop3A_83) -> (i32)  : i32 {
      %parallel_loop3A_212 = arith.constant 2 : i32
      %parallel_loop3A_213 = arith.muli %parallel_loop3A_212, %parallel_loop3A_210 : i32
      %parallel_loop3A_214 = arith.index_cast %parallel_loop3A_213 : i32 to index
      %parallel_loop3A_215 = arith.constant 0 : index
      %parallel_loop3A_216 = tpu.vector_load %arg9[%parallel_loop3A_214, %parallel_loop3A_215] {strides = array<i32>} : memref<128x128xf32, #tpu.memory_space<vmem>>, vector<16xf32>,
      %parallel_loop3A_217 = arith.constant 1 : i32
      %parallel_loop3A_218 = arith.addi %parallel_loop3A_213, %parallel_loop3A_217 : i32
      %parallel_loop3A_219 = arith.index_cast %parallel_loop3A_218 : i32 to index
      %parallel_loop3A_220 = arith.constant 0 : index
      %parallel_loop3A_221 = tpu.vector_load %arg9[%parallel_loop3A_219, %parallel_loop3A_220] {strides = array<i32>} : memref<128x128xf32, #tpu.memory_space<vmem>>, vector<16xf32>,
      %parallel_loop3A_222 = arith.subf %parallel_loop3A_216, %parallel_loop3A_221 : vector<16xf32>
      %parallel_loop3A_223 = arith.mulf %parallel_loop3A_222, %parallel_loop3A_222 : vector<16xf32>
      %parallel_loop3A_224 = arith.index_cast %parallel_loop3A_213 : i32 to index
      %parallel_loop3A_225 = arith.constant 16 : index
      %parallel_loop3A_226 = tpu.vector_load %arg9[%parallel_loop3A_224, %parallel_loop3A_225] {strides = array<i32>} : memref<128x128xf32, #tpu.memory_space<vmem>>, vector<16xf32>,
      %parallel_loop3A_227 = arith.constant 1 : i32
      %parallel_loop3A_228 = arith.addi %parallel_loop3A_213, %parallel_loop3A_227 : i32
      %parallel_loop3A_229 = arith.index_cast %parallel_loop3A_228 : i32 to index
      %parallel_loop3A_230 = arith.constant 16 : index
      %parallel_loop3A_231 = tpu.vector_load %arg9[%parallel_loop3A_229, %parallel_loop3A_230] {strides = array<i32>} : memref<128x128xf32, #tpu.memory_space<vmem>>, vector<16xf32>,
      %parallel_loop3A_232 = arith.subf %parallel_loop3A_226, %parallel_loop3A_231 : vector<16xf32>
      %parallel_loop3A_233 = arith.mulf %parallel_loop3A_232, %parallel_loop3A_232 : vector<16xf32>
      %parallel_loop3A_234 = arith.index_cast %parallel_loop3A_213 : i32 to index
      %parallel_loop3A_235 = arith.constant 32 : index
      %parallel_loop3A_236 = tpu.vector_load %arg9[%parallel_loop3A_234, %parallel_loop3A_235] {strides = array<i32>} : memref<128x128xf32, #tpu.memory_space<vmem>>, vector<16xf32>,
      %parallel_loop3A_237 = arith.constant 1 : i32
      %parallel_loop3A_238 = arith.addi %parallel_loop3A_213, %parallel_loop3A_237 : i32
      %parallel_loop3A_239 = arith.index_cast %parallel_loop3A_238 : i32 to index
      %parallel_loop3A_240 = arith.constant 32 : index
      %parallel_loop3A_241 = tpu.vector_load %arg9[%parallel_loop3A_239, %parallel_loop3A_240] {strides = array<i32>} : memref<128x128xf32, #tpu.memory_space<vmem>>, vector<16xf32>,
      %parallel_loop3A_242 = arith.subf %parallel_loop3A_236, %parallel_loop3A_241 : vector<16xf32>
      %parallel_loop3A_243 = arith.mulf %parallel_loop3A_242, %parallel_loop3A_242 : vector<16xf32>
      %parallel_loop3A_244 = arith.addf %parallel_loop3A_223, %parallel_loop3A_243 : vector<16xf32>
      %parallel_loop3A_245 = arith.index_cast %parallel_loop3A_213 : i32 to index
      %parallel_loop3A_246 = arith.constant 48 : index
      %parallel_loop3A_247 = tpu.vector_load %arg9[%parallel_loop3A_245, %parallel_loop3A_246] {strides = array<i32>} : memref<128x128xf32, #tpu.memory_space<vmem>>, vector<16xf32>,
      %parallel_loop3A_248 = arith.constant 1 : i32
      %parallel_loop3A_249 = arith.addi %parallel_loop3A_213, %parallel_loop3A_248 : i32
      %parallel_loop3A_250 = arith.index_cast %parallel_loop3A_249 : i32 to index
      %parallel_loop3A_251 = arith.constant 48 : index
      %parallel_loop3A_252 = tpu.vector_load %arg9[%parallel_loop3A_250, %parallel_loop3A_251] {strides = array<i32>} : memref<128x128xf32, #tpu.memory_space<vmem>>, vector<16xf32>,
      %parallel_loop3A_253 = arith.subf %parallel_loop3A_247, %parallel_loop3A_252 : vector<16xf32>
      %parallel_loop3A_254 = arith.mulf %parallel_loop3A_253, %parallel_loop3A_253 : vector<16xf32>
      %parallel_loop3A_255 = arith.addf %parallel_loop3A_233, %parallel_loop3A_254 : vector<16xf32>
      %parallel_loop3A_256 = arith.index_cast %parallel_loop3A_213 : i32 to index
      %parallel_loop3A_257 = arith.constant 64 : index
      %parallel_loop3A_258 = tpu.vector_load %arg9[%parallel_loop3A_256, %parallel_loop3A_257] {strides = array<i32>} : memref<128x128xf32, #tpu.memory_space<vmem>>, vector<16xf32>,
      %parallel_loop3A_259 = arith.constant 1 : i32
      %parallel_loop3A_260 = arith.addi %parallel_loop3A_213, %parallel_loop3A_259 : i32
      %parallel_loop3A_261 = arith.index_cast %parallel_loop3A_260 : i32 to index
      %parallel_loop3A_262 = arith.constant 64 : index
      %parallel_loop3A_263 = tpu.vector_load %arg9[%parallel_loop3A_261, %parallel_loop3A_262] {strides = array<i32>} : memref<128x128xf32, #tpu.memory_space<vmem>>, vector<16xf32>,
      %parallel_loop3A_264 = arith.subf %parallel_loop3A_258, %parallel_loop3A_263 : vector<16xf32>
      %parallel_loop3A_265 = arith.mulf %parallel_loop3A_264, %parallel_loop3A_264 : vector<16xf32>
      %parallel_loop3A_266 = arith.addf %parallel_loop3A_244, %parallel_loop3A_265 : vector<16xf32>
      %parallel_loop3A_267 = arith.index_cast %parallel_loop3A_213 : i32 to index
      %parallel_loop3A_268 = arith.constant 80 : index
      %parallel_loop3A_269 = tpu.vector_load %arg9[%parallel_loop3A_267, %parallel_loop3A_268] {strides = array<i32>} : memref<128x128xf32, #tpu.memory_space<vmem>>, vector<16xf32>,
      %parallel_loop3A_270 = arith.constant 1 : i32
      %parallel_loop3A_271 = arith.addi %parallel_loop3A_213, %parallel_loop3A_270 : i32
      %parallel_loop3A_272 = arith.index_cast %parallel_loop3A_271 : i32 to index
      %parallel_loop3A_273 = arith.constant 80 : index
      %parallel_loop3A_274 = tpu.vector_load %arg9[%parallel_loop3A_272, %parallel_loop3A_273] {strides = array<i32>} : memref<128x128xf32, #tpu.memory_space<vmem>>, vector<16xf32>,
      %parallel_loop3A_275 = arith.subf %parallel_loop3A_269, %parallel_loop3A_274 : vector<16xf32>
      %parallel_loop3A_276 = arith.mulf %parallel_loop3A_275, %parallel_loop3A_275 : vector<16xf32>
      %parallel_loop3A_277 = arith.addf %parallel_loop3A_255, %parallel_loop3A_276 : vector<16xf32>
      %parallel_loop3A_278 = arith.index_cast %parallel_loop3A_213 : i32 to index
      %parallel_loop3A_279 = arith.constant 96 : index
      %parallel_loop3A_280 = tpu.vector_load %arg9[%parallel_loop3A_278, %parallel_loop3A_279] {strides = array<i32>} : memref<128x128xf32, #tpu.memory_space<vmem>>, vector<16xf32>,
      %parallel_loop3A_281 = arith.constant 1 : i32
      %parallel_loop3A_282 = arith.addi %parallel_loop3A_213, %parallel_loop3A_281 : i32
      %parallel_loop3A_283 = arith.index_cast %parallel_loop3A_282 : i32 to index
      %parallel_loop3A_284 = arith.constant 96 : index
      %parallel_loop3A_285 = tpu.vector_load %arg9[%parallel_loop3A_283, %parallel_loop3A_284] {strides = array<i32>} : memref<128x128xf32, #tpu.memory_space<vmem>>, vector<16xf32>,
      %parallel_loop3A_286 = arith.subf %parallel_loop3A_280, %parallel_loop3A_285 : vector<16xf32>
      %parallel_loop3A_287 = arith.mulf %parallel_loop3A_286, %parallel_loop3A_286 : vector<16xf32>
      %parallel_loop3A_288 = arith.addf %parallel_loop3A_266, %parallel_loop3A_287 : vector<16xf32>
      %parallel_loop3A_289 = arith.index_cast %parallel_loop3A_213 : i32 to index
      %parallel_loop3A_290 = arith.constant 112 : index
      %parallel_loop3A_291 = tpu.vector_load %arg9[%parallel_loop3A_289, %parallel_loop3A_290] {strides = array<i32>} : memref<128x128xf32, #tpu.memory_space<vmem>>, vector<16xf32>,
      %parallel_loop3A_292 = arith.constant 1 : i32
      %parallel_loop3A_293 = arith.addi %parallel_loop3A_213, %parallel_loop3A_292 : i32
      %parallel_loop3A_294 = arith.index_cast %parallel_loop3A_293 : i32 to index
      %parallel_loop3A_295 = arith.constant 112 : index
      %parallel_loop3A_296 = tpu.vector_load %arg9[%parallel_loop3A_294, %parallel_loop3A_295] {strides = array<i32>} : memref<128x128xf32, #tpu.memory_space<vmem>>, vector<16xf32>,
      %parallel_loop3A_297 = arith.subf %parallel_loop3A_291, %parallel_loop3A_296 : vector<16xf32>
      %parallel_loop3A_298 = arith.mulf %parallel_loop3A_297, %parallel_loop3A_297 : vector<16xf32>
      %parallel_loop3A_299 = arith.addf %parallel_loop3A_277, %parallel_loop3A_298 : vector<16xf32>
      %parallel_loop3A_300 = arith.addf %parallel_loop3A_288, %parallel_loop3A_299 : vector<16xf32>
      %parallel_loop3A_301 = arith.constant 16 : i32
      %parallel_loop3A_302 = arith.muli %parallel_loop3A_210, %parallel_loop3A_301 : i32
      %parallel_loop3A_303 = arith.index_cast %parallel_loop3A_302 : i32 to index
      %parallel_loop3A_304 = tpu.vector_load %arg12[%parallel_loop3A_303] {strides = array<i32>} : memref<1024xf32, #tpu.memory_space<vmem>>, vector<16xf32>,
      tpu.vector_store %arg12[%parallel_loop3A_303], %parallel_loop3A_300 {strides = array<i32>} : memref<1024xf32, #tpu.memory_space<vmem>>, vector<16xf32>,
      %parallel_loop3A_305 = arith.constant 1 : i32
      %parallel_loop3A_306 = arith.addi %parallel_loop3A_211, %parallel_loop3A_305 : i32
      scf.yield %parallel_loop3A_306 : i32
    } {sc.loop_unroll_factor = 2 : i64, sc.parallel_access}
    %iota3A_85 = tpu.iota {dimensions = array<i32: 0>} : vector<16xi32>
    %mul3A_86 = arith.constant 16 : i32
    %mul3A_87 = vector.broadcast %mul3A_86 : i32 to vector<16xi32>
    %mul3A_88 = arith.muli %iota3A_85, %mul3A_87 : vector<16xi32>
    %parallel_loop3A_89 = arith.constant 0 : i32
    %parallel_loop3A_90 = arith.constant 4 : i32
    %parallel_loop3A_91 = arith.constant 1 : i32
    scf.for %parallel_loop3A_210 = %parallel_loop3A_89 to %parallel_loop3A_90 step %parallel_loop3A_91  : i32 {
      %parallel_loop3A_211 = arith.constant 256 : i32
      %parallel_loop3A_212 = arith.muli %parallel_loop3A_210, %parallel_loop3A_211 : i32
      %parallel_loop3A_213 = arith.addi %parallel_loop3A_212, %parallel_loop3A_84 : i32
      %parallel_loop3A_214 = arith.constant 64 : i32
      %parallel_loop3A_215 = arith.subi %parallel_loop3A_213, %parallel_loop3A_214 : i32
      %parallel_loop3A_216 = vector.broadcast %parallel_loop3A_215 : i32 to vector<16xi32>
      %parallel_loop3A_217 = arith.addi %mul3A_88, %parallel_loop3A_216 : vector<16xi32>
      %parallel_loop3A_218 = tpu.vector_load_idx %arg12[%parallel_loop3A_217] : memref<1024xf32, #tpu.memory_space<vmem>>[vector<16xi32>], vector<16xf32>,
      %parallel_loop3A_219 = arith.constant 1 : i32
      %parallel_loop3A_220 = vector.broadcast %parallel_loop3A_219 : i32 to vector<16xi32>
      %parallel_loop3A_221 = arith.addi %parallel_loop3A_217, %parallel_loop3A_220 : vector<16xi32>
      %parallel_loop3A_222 = tpu.vector_load_idx %arg12[%parallel_loop3A_221] : memref<1024xf32, #tpu.memory_space<vmem>>[vector<16xi32>], vector<16xf32>,
      %parallel_loop3A_223 = arith.addf %parallel_loop3A_218, %parallel_loop3A_222 : vector<16xf32>
      %parallel_loop3A_224 = arith.constant 2 : i32
      %parallel_loop3A_225 = vector.broadcast %parallel_loop3A_224 : i32 to vector<16xi32>
      %parallel_loop3A_226 = arith.addi %parallel_loop3A_217, %parallel_loop3A_225 : vector<16xi32>
      %parallel_loop3A_227 = tpu.vector_load_idx %arg12[%parallel_loop3A_226] : memref<1024xf32, #tpu.memory_space<vmem>>[vector<16xi32>], vector<16xf32>,
      %parallel_loop3A_228 = arith.addf %parallel_loop3A_223, %parallel_loop3A_227 : vector<16xf32>
      %parallel_loop3A_229 = arith.constant 3 : i32
      %parallel_loop3A_230 = vector.broadcast %parallel_loop3A_229 : i32 to vector<16xi32>
      %parallel_loop3A_231 = arith.addi %parallel_loop3A_217, %parallel_loop3A_230 : vector<16xi32>
      %parallel_loop3A_232 = tpu.vector_load_idx %arg12[%parallel_loop3A_231] : memref<1024xf32, #tpu.memory_space<vmem>>[vector<16xi32>], vector<16xf32>,
      %parallel_loop3A_233 = arith.addf %parallel_loop3A_228, %parallel_loop3A_232 : vector<16xf32>
      %parallel_loop3A_234 = arith.constant 4 : i32
      %parallel_loop3A_235 = vector.broadcast %parallel_loop3A_234 : i32 to vector<16xi32>
      %parallel_loop3A_236 = arith.addi %parallel_loop3A_217, %parallel_loop3A_235 : vector<16xi32>
      %parallel_loop3A_237 = tpu.vector_load_idx %arg12[%parallel_loop3A_236] : memref<1024xf32, #tpu.memory_space<vmem>>[vector<16xi32>], vector<16xf32>,
      %parallel_loop3A_238 = arith.addf %parallel_loop3A_233, %parallel_loop3A_237 : vector<16xf32>
      %parallel_loop3A_239 = arith.constant 5 : i32
      %parallel_loop3A_240 = vector.broadcast %parallel_loop3A_239 : i32 to vector<16xi32>
      %parallel_loop3A_241 = arith.addi %parallel_loop3A_217, %parallel_loop3A_240 : vector<16xi32>
      %parallel_loop3A_242 = tpu.vector_load_idx %arg12[%parallel_loop3A_241] : memref<1024xf32, #tpu.memory_space<vmem>>[vector<16xi32>], vector<16xf32>,
      %parallel_loop3A_243 = arith.addf %parallel_loop3A_238, %parallel_loop3A_242 : vector<16xf32>
      %parallel_loop3A_244 = arith.constant 6 : i32
      %parallel_loop3A_245 = vector.broadcast %parallel_loop3A_244 : i32 to vector<16xi32>
      %parallel_loop3A_246 = arith.addi %parallel_loop3A_217, %parallel_loop3A_245 : vector<16xi32>
      %parallel_loop3A_247 = tpu.vector_load_idx %arg12[%parallel_loop3A_246] : memref<1024xf32, #tpu.memory_space<vmem>>[vector<16xi32>], vector<16xf32>,
      %parallel_loop3A_248 = arith.addf %parallel_loop3A_243, %parallel_loop3A_247 : vector<16xf32>
      %parallel_loop3A_249 = arith.constant 7 : i32
      %parallel_loop3A_250 = vector.broadcast %parallel_loop3A_249 : i32 to vector<16xi32>
      %parallel_loop3A_251 = arith.addi %parallel_loop3A_217, %parallel_loop3A_250 : vector<16xi32>
      %parallel_loop3A_252 = tpu.vector_load_idx %arg12[%parallel_loop3A_251] : memref<1024xf32, #tpu.memory_space<vmem>>[vector<16xi32>], vector<16xf32>,
      %parallel_loop3A_253 = arith.addf %parallel_loop3A_248, %parallel_loop3A_252 : vector<16xf32>
      %parallel_loop3A_254 = arith.constant 8 : i32
      %parallel_loop3A_255 = vector.broadcast %parallel_loop3A_254 : i32 to vector<16xi32>
      %parallel_loop3A_256 = arith.addi %parallel_loop3A_217, %parallel_loop3A_255 : vector<16xi32>
      %parallel_loop3A_257 = tpu.vector_load_idx %arg12[%parallel_loop3A_256] : memref<1024xf32, #tpu.memory_space<vmem>>[vector<16xi32>], vector<16xf32>,
      %parallel_loop3A_258 = arith.addf %parallel_loop3A_253, %parallel_loop3A_257 : vector<16xf32>
      %parallel_loop3A_259 = arith.constant 9 : i32
      %parallel_loop3A_260 = vector.broadcast %parallel_loop3A_259 : i32 to vector<16xi32>
      %parallel_loop3A_261 = arith.addi %parallel_loop3A_217, %parallel_loop3A_260 : vector<16xi32>
      %parallel_loop3A_262 = tpu.vector_load_idx %arg12[%parallel_loop3A_261] : memref<1024xf32, #tpu.memory_space<vmem>>[vector<16xi32>], vector<16xf32>,
      %parallel_loop3A_263 = arith.addf %parallel_loop3A_258, %parallel_loop3A_262 : vector<16xf32>
      %parallel_loop3A_264 = arith.constant 10 : i32
      %parallel_loop3A_265 = vector.broadcast %parallel_loop3A_264 : i32 to vector<16xi32>
      %parallel_loop3A_266 = arith.addi %parallel_loop3A_217, %parallel_loop3A_265 : vector<16xi32>
      %parallel_loop3A_267 = tpu.vector_load_idx %arg12[%parallel_loop3A_266] : memref<1024xf32, #tpu.memory_space<vmem>>[vector<16xi32>], vector<16xf32>,
      %parallel_loop3A_268 = arith.addf %parallel_loop3A_263, %parallel_loop3A_267 : vector<16xf32>
      %parallel_loop3A_269 = arith.constant 11 : i32
      %parallel_loop3A_270 = vector.broadcast %parallel_loop3A_269 : i32 to vector<16xi32>
      %parallel_loop3A_271 = arith.addi %parallel_loop3A_217, %parallel_loop3A_270 : vector<16xi32>
      %parallel_loop3A_272 = tpu.vector_load_idx %arg12[%parallel_loop3A_271] : memref<1024xf32, #tpu.memory_space<vmem>>[vector<16xi32>], vector<16xf32>,
      %parallel_loop3A_273 = arith.addf %parallel_loop3A_268, %parallel_loop3A_272 : vector<16xf32>
      %parallel_loop3A_274 = arith.constant 12 : i32
      %parallel_loop3A_275 = vector.broadcast %parallel_loop3A_274 : i32 to vector<16xi32>
      %parallel_loop3A_276 = arith.addi %parallel_loop3A_217, %parallel_loop3A_275 : vector<16xi32>
      %parallel_loop3A_277 = tpu.vector_load_idx %arg12[%parallel_loop3A_276] : memref<1024xf32, #tpu.memory_space<vmem>>[vector<16xi32>], vector<16xf32>,
      %parallel_loop3A_278 = arith.addf %parallel_loop3A_273, %parallel_loop3A_277 : vector<16xf32>
      %parallel_loop3A_279 = arith.constant 13 : i32
      %parallel_loop3A_280 = vector.broadcast %parallel_loop3A_279 : i32 to vector<16xi32>
      %parallel_loop3A_281 = arith.addi %parallel_loop3A_217, %parallel_loop3A_280 : vector<16xi32>
      %parallel_loop3A_282 = tpu.vector_load_idx %arg12[%parallel_loop3A_281] : memref<1024xf32, #tpu.memory_space<vmem>>[vector<16xi32>], vector<16xf32>,
      %parallel_loop3A_283 = arith.addf %parallel_loop3A_278, %parallel_loop3A_282 : vector<16xf32>
      %parallel_loop3A_284 = arith.constant 14 : i32
      %parallel_loop3A_285 = vector.broadcast %parallel_loop3A_284 : i32 to vector<16xi32>
      %parallel_loop3A_286 = arith.addi %parallel_loop3A_217, %parallel_loop3A_285 : vector<16xi32>
      %parallel_loop3A_287 = tpu.vector_load_idx %arg12[%parallel_loop3A_286] : memref<1024xf32, #tpu.memory_space<vmem>>[vector<16xi32>], vector<16xf32>,
      %parallel_loop3A_288 = arith.addf %parallel_loop3A_283, %parallel_loop3A_287 : vector<16xf32>
      %parallel_loop3A_289 = arith.constant 15 : i32
      %parallel_loop3A_290 = vector.broadcast %parallel_loop3A_289 : i32 to vector<16xi32>
      %parallel_loop3A_291 = arith.addi %parallel_loop3A_217, %parallel_loop3A_290 : vector<16xi32>
      %parallel_loop3A_292 = tpu.vector_load_idx %arg12[%parallel_loop3A_291] : memref<1024xf32, #tpu.memory_space<vmem>>[vector<16xi32>], vector<16xf32>,
      %parallel_loop3A_293 = arith.addf %parallel_loop3A_288, %parallel_loop3A_292 : vector<16xf32>
      %parallel_loop3A_294 = arith.constant 9.99999996E-13 : f32
      %parallel_loop3A_295 = vector.broadcast %parallel_loop3A_294 : f32 to vector<16xf32>
      %parallel_loop3A_296 = arith.addf %parallel_loop3A_293, %parallel_loop3A_295 : vector<16xf32>
      %parallel_loop3A_297 = vector.bitcast %parallel_loop3A_296 : vector<16xf32> to vector<16xi32>
      %parallel_loop3A_298 = arith.constant 1 : i32
      %parallel_loop3A_299 = vector.broadcast %parallel_loop3A_298 : i32 to vector<16xi32>
      %parallel_loop3A_300 = arith.shrsi %parallel_loop3A_297, %parallel_loop3A_299 : vector<16xi32>
      %parallel_loop3A_301 = arith.constant 1597463007 : i32
      %parallel_loop3A_302 = vector.broadcast %parallel_loop3A_301 : i32 to vector<16xi32>
      %parallel_loop3A_303 = arith.subi %parallel_loop3A_302, %parallel_loop3A_300 : vector<16xi32>
      %parallel_loop3A_304 = vector.bitcast %parallel_loop3A_303 : vector<16xi32> to vector<16xf32>
      %parallel_loop3A_305 = arith.constant 5.000000e-01 : f32
      %parallel_loop3A_306 = vector.broadcast %parallel_loop3A_305 : f32 to vector<16xf32>
      %parallel_loop3A_307 = arith.mulf %parallel_loop3A_296, %parallel_loop3A_306 : vector<16xf32>
      %parallel_loop3A_308 = arith.mulf %parallel_loop3A_307, %parallel_loop3A_304 : vector<16xf32>
      %parallel_loop3A_309 = arith.mulf %parallel_loop3A_308, %parallel_loop3A_304 : vector<16xf32>
      %parallel_loop3A_310 = arith.constant 1.500000e+00 : f32
      %parallel_loop3A_311 = vector.broadcast %parallel_loop3A_310 : f32 to vector<16xf32>
      %parallel_loop3A_312 = arith.subf %parallel_loop3A_311, %parallel_loop3A_309 : vector<16xf32>
      %parallel_loop3A_313 = arith.mulf %parallel_loop3A_304, %parallel_loop3A_312 : vector<16xf32>
      %parallel_loop3A_314 = arith.mulf %parallel_loop3A_307, %parallel_loop3A_313 : vector<16xf32>
      %parallel_loop3A_315 = arith.mulf %parallel_loop3A_314, %parallel_loop3A_313 : vector<16xf32>
      %parallel_loop3A_316 = arith.constant 1.500000e+00 : f32
      %parallel_loop3A_317 = vector.broadcast %parallel_loop3A_316 : f32 to vector<16xf32>
      %parallel_loop3A_318 = arith.subf %parallel_loop3A_317, %parallel_loop3A_315 : vector<16xf32>
      %parallel_loop3A_319 = arith.mulf %parallel_loop3A_313, %parallel_loop3A_318 : vector<16xf32>
      %parallel_loop3A_320 = arith.mulf %parallel_loop3A_307, %parallel_loop3A_319 : vector<16xf32>
      %parallel_loop3A_321 = arith.mulf %parallel_loop3A_320, %parallel_loop3A_319 : vector<16xf32>
      %parallel_loop3A_322 = arith.constant 1.500000e+00 : f32
      %parallel_loop3A_323 = vector.broadcast %parallel_loop3A_322 : f32 to vector<16xf32>
      %parallel_loop3A_324 = arith.subf %parallel_loop3A_323, %parallel_loop3A_321 : vector<16xf32>
      %parallel_loop3A_325 = arith.mulf %parallel_loop3A_319, %parallel_loop3A_324 : vector<16xf32>
      %parallel_loop3A_326 = arith.mulf %parallel_loop3A_296, %parallel_loop3A_325 : vector<16xf32>
      %parallel_loop3A_327 = arith.mulf %parallel_loop3A_326, %exp3A : vector<16xf32>
      %parallel_loop3A_328 = arith.constant 16 : i32
      %parallel_loop3A_329 = arith.muli %parallel_loop3A_210, %parallel_loop3A_328 : i32
      %parallel_loop3A_330 = arith.constant 128 : i32
      %parallel_loop3A_331 = arith.addi %parallel_loop3A_330, %parallel_loop3A_329 : i32
      %parallel_loop3A_332 = arith.index_cast %parallel_loop3A_331 : i32 to index
      %parallel_loop3A_333 = tpu.vector_load %arg11[%parallel_loop3A_332] {strides = array<i32>} : memref<512xf32, #tpu.memory_space<vmem>>, vector<16xf32>,
      tpu.vector_store %arg11[%parallel_loop3A_332], %parallel_loop3A_327 {strides = array<i32>} : memref<512xf32, #tpu.memory_space<vmem>>, vector<16xf32>,
    } {sc.loop_unroll_factor = 1 : i64, sc.parallel_access}
    %dma_start3A_92 = arith.constant 5 : i32
    %dma_start3A_93 = arith.constant 0 : i32
    %dma_start3A_94 = tpu.memref_slice %arg6[%dma_start3A_92, %dma_start3A_93] : memref<8x128xi32, #tpu.memory_space<vmem>> -> memref<1x128xi32, #tpu.memory_space<vmem>>
    %dma_start3A_95 = tpu.memref_squeeze %dma_start3A_94 : memref<1x128xi32, #tpu.memory_space<vmem>> -> memref<128xi32, #tpu.memory_space<vmem>>
    %dma_start3A_96 = arith.constant 0 : i32
    %dma_start3A_97 = arith.constant 0 : i32
    %dma_start3A_98 = tpu.memref_slice %arg2[%dma_start3A_96, %dma_start3A_97] : memref<100000x128xf32, #tpu.memory_space<hbm>> -> memref<100000x128xf32, #tpu.memory_space<hbm>>
    tpu.enqueue_indirect_dma source(%dma_start3A_98 : memref<100000x128xf32, #tpu.memory_space<hbm>>) target(%arg9 : memref<128x128xf32, #tpu.memory_space<vmem>>) offsets(%dma_start3A_95 : memref<128xi32, #tpu.memory_space<vmem>>) semaphore(%arg15 : memref<!tpu.dma_semaphore, #tpu.memory_space<semaphore_mem>>)
    %dma_wait3A_99 = arith.constant 3 : i32
    %dma_wait3A_100 = arith.constant 0 : i32
    %dma_wait3A_101 = tpu.memref_slice %arg6[%dma_wait3A_99, %dma_wait3A_100] : memref<8x128xi32, #tpu.memory_space<vmem>> -> memref<1x128xi32, #tpu.memory_space<vmem>>
    %dma_wait3A_102 = tpu.memref_squeeze %dma_wait3A_101 : memref<1x128xi32, #tpu.memory_space<vmem>> -> memref<128xi32, #tpu.memory_space<vmem>>
    %dma_wait3A_103 = arith.constant 0 : i32
    %dma_wait3A_104 = arith.constant 0 : i32
    %dma_wait3A_105 = tpu.memref_slice %arg2[%dma_wait3A_103, %dma_wait3A_104] : memref<100000x128xf32, #tpu.memory_space<hbm>> -> memref<100000x128xf32, #tpu.memory_space<hbm>>
    tpu.wait_indirect_dma semaphore(%arg13 : memref<!tpu.dma_semaphore, #tpu.memory_space<semaphore_mem>>) src(%dma_wait3A_105 : memref<100000x128xf32, #tpu.memory_space<hbm>>) dst(%arg7 : memref<128x128xf32, #tpu.memory_space<vmem>>)
    %parallel_loop3A_106 = arith.constant 0 : i32
    %parallel_loop3A_107 = arith.constant 64 : i32
    %parallel_loop3A_108 = arith.constant 1 : i32
    %parallel_loop3A_109 = arith.constant 0 : i32
    %parallel_loop3A_110 = scf.for %parallel_loop3A_210 = %parallel_loop3A_106 to %parallel_loop3A_107 step %parallel_loop3A_108 iter_args(%parallel_loop3A_211 = %parallel_loop3A_109) -> (i32)  : i32 {
      %parallel_loop3A_212 = arith.constant 2 : i32
      %parallel_loop3A_213 = arith.muli %parallel_loop3A_212, %parallel_loop3A_210 : i32
      %parallel_loop3A_214 = arith.index_cast %parallel_loop3A_213 : i32 to index
      %parallel_loop3A_215 = arith.constant 0 : index
      %parallel_loop3A_216 = tpu.vector_load %arg7[%parallel_loop3A_214, %parallel_loop3A_215] {strides = array<i32>} : memref<128x128xf32, #tpu.memory_space<vmem>>, vector<16xf32>,
      %parallel_loop3A_217 = arith.constant 1 : i32
      %parallel_loop3A_218 = arith.addi %parallel_loop3A_213, %parallel_loop3A_217 : i32
      %parallel_loop3A_219 = arith.index_cast %parallel_loop3A_218 : i32 to index
      %parallel_loop3A_220 = arith.constant 0 : index
      %parallel_loop3A_221 = tpu.vector_load %arg7[%parallel_loop3A_219, %parallel_loop3A_220] {strides = array<i32>} : memref<128x128xf32, #tpu.memory_space<vmem>>, vector<16xf32>,
      %parallel_loop3A_222 = arith.subf %parallel_loop3A_216, %parallel_loop3A_221 : vector<16xf32>
      %parallel_loop3A_223 = arith.mulf %parallel_loop3A_222, %parallel_loop3A_222 : vector<16xf32>
      %parallel_loop3A_224 = arith.index_cast %parallel_loop3A_213 : i32 to index
      %parallel_loop3A_225 = arith.constant 16 : index
      %parallel_loop3A_226 = tpu.vector_load %arg7[%parallel_loop3A_224, %parallel_loop3A_225] {strides = array<i32>} : memref<128x128xf32, #tpu.memory_space<vmem>>, vector<16xf32>,
      %parallel_loop3A_227 = arith.constant 1 : i32
      %parallel_loop3A_228 = arith.addi %parallel_loop3A_213, %parallel_loop3A_227 : i32
      %parallel_loop3A_229 = arith.index_cast %parallel_loop3A_228 : i32 to index
      %parallel_loop3A_230 = arith.constant 16 : index
      %parallel_loop3A_231 = tpu.vector_load %arg7[%parallel_loop3A_229, %parallel_loop3A_230] {strides = array<i32>} : memref<128x128xf32, #tpu.memory_space<vmem>>, vector<16xf32>,
      %parallel_loop3A_232 = arith.subf %parallel_loop3A_226, %parallel_loop3A_231 : vector<16xf32>
      %parallel_loop3A_233 = arith.mulf %parallel_loop3A_232, %parallel_loop3A_232 : vector<16xf32>
      %parallel_loop3A_234 = arith.index_cast %parallel_loop3A_213 : i32 to index
      %parallel_loop3A_235 = arith.constant 32 : index
      %parallel_loop3A_236 = tpu.vector_load %arg7[%parallel_loop3A_234, %parallel_loop3A_235] {strides = array<i32>} : memref<128x128xf32, #tpu.memory_space<vmem>>, vector<16xf32>,
      %parallel_loop3A_237 = arith.constant 1 : i32
      %parallel_loop3A_238 = arith.addi %parallel_loop3A_213, %parallel_loop3A_237 : i32
      %parallel_loop3A_239 = arith.index_cast %parallel_loop3A_238 : i32 to index
      %parallel_loop3A_240 = arith.constant 32 : index
      %parallel_loop3A_241 = tpu.vector_load %arg7[%parallel_loop3A_239, %parallel_loop3A_240] {strides = array<i32>} : memref<128x128xf32, #tpu.memory_space<vmem>>, vector<16xf32>,
      %parallel_loop3A_242 = arith.subf %parallel_loop3A_236, %parallel_loop3A_241 : vector<16xf32>
      %parallel_loop3A_243 = arith.mulf %parallel_loop3A_242, %parallel_loop3A_242 : vector<16xf32>
      %parallel_loop3A_244 = arith.addf %parallel_loop3A_223, %parallel_loop3A_243 : vector<16xf32>
      %parallel_loop3A_245 = arith.index_cast %parallel_loop3A_213 : i32 to index
      %parallel_loop3A_246 = arith.constant 48 : index
      %parallel_loop3A_247 = tpu.vector_load %arg7[%parallel_loop3A_245, %parallel_loop3A_246] {strides = array<i32>} : memref<128x128xf32, #tpu.memory_space<vmem>>, vector<16xf32>,
      %parallel_loop3A_248 = arith.constant 1 : i32
      %parallel_loop3A_249 = arith.addi %parallel_loop3A_213, %parallel_loop3A_248 : i32
      %parallel_loop3A_250 = arith.index_cast %parallel_loop3A_249 : i32 to index
      %parallel_loop3A_251 = arith.constant 48 : index
      %parallel_loop3A_252 = tpu.vector_load %arg7[%parallel_loop3A_250, %parallel_loop3A_251] {strides = array<i32>} : memref<128x128xf32, #tpu.memory_space<vmem>>, vector<16xf32>,
      %parallel_loop3A_253 = arith.subf %parallel_loop3A_247, %parallel_loop3A_252 : vector<16xf32>
      %parallel_loop3A_254 = arith.mulf %parallel_loop3A_253, %parallel_loop3A_253 : vector<16xf32>
      %parallel_loop3A_255 = arith.addf %parallel_loop3A_233, %parallel_loop3A_254 : vector<16xf32>
      %parallel_loop3A_256 = arith.index_cast %parallel_loop3A_213 : i32 to index
      %parallel_loop3A_257 = arith.constant 64 : index
      %parallel_loop3A_258 = tpu.vector_load %arg7[%parallel_loop3A_256, %parallel_loop3A_257] {strides = array<i32>} : memref<128x128xf32, #tpu.memory_space<vmem>>, vector<16xf32>,
      %parallel_loop3A_259 = arith.constant 1 : i32
      %parallel_loop3A_260 = arith.addi %parallel_loop3A_213, %parallel_loop3A_259 : i32
      %parallel_loop3A_261 = arith.index_cast %parallel_loop3A_260 : i32 to index
      %parallel_loop3A_262 = arith.constant 64 : index
      %parallel_loop3A_263 = tpu.vector_load %arg7[%parallel_loop3A_261, %parallel_loop3A_262] {strides = array<i32>} : memref<128x128xf32, #tpu.memory_space<vmem>>, vector<16xf32>,
      %parallel_loop3A_264 = arith.subf %parallel_loop3A_258, %parallel_loop3A_263 : vector<16xf32>
      %parallel_loop3A_265 = arith.mulf %parallel_loop3A_264, %parallel_loop3A_264 : vector<16xf32>
      %parallel_loop3A_266 = arith.addf %parallel_loop3A_244, %parallel_loop3A_265 : vector<16xf32>
      %parallel_loop3A_267 = arith.index_cast %parallel_loop3A_213 : i32 to index
      %parallel_loop3A_268 = arith.constant 80 : index
      %parallel_loop3A_269 = tpu.vector_load %arg7[%parallel_loop3A_267, %parallel_loop3A_268] {strides = array<i32>} : memref<128x128xf32, #tpu.memory_space<vmem>>, vector<16xf32>,
      %parallel_loop3A_270 = arith.constant 1 : i32
      %parallel_loop3A_271 = arith.addi %parallel_loop3A_213, %parallel_loop3A_270 : i32
      %parallel_loop3A_272 = arith.index_cast %parallel_loop3A_271 : i32 to index
      %parallel_loop3A_273 = arith.constant 80 : index
      %parallel_loop3A_274 = tpu.vector_load %arg7[%parallel_loop3A_272, %parallel_loop3A_273] {strides = array<i32>} : memref<128x128xf32, #tpu.memory_space<vmem>>, vector<16xf32>,
      %parallel_loop3A_275 = arith.subf %parallel_loop3A_269, %parallel_loop3A_274 : vector<16xf32>
      %parallel_loop3A_276 = arith.mulf %parallel_loop3A_275, %parallel_loop3A_275 : vector<16xf32>
      %parallel_loop3A_277 = arith.addf %parallel_loop3A_255, %parallel_loop3A_276 : vector<16xf32>
      %parallel_loop3A_278 = arith.index_cast %parallel_loop3A_213 : i32 to index
      %parallel_loop3A_279 = arith.constant 96 : index
      %parallel_loop3A_280 = tpu.vector_load %arg7[%parallel_loop3A_278, %parallel_loop3A_279] {strides = array<i32>} : memref<128x128xf32, #tpu.memory_space<vmem>>, vector<16xf32>,
      %parallel_loop3A_281 = arith.constant 1 : i32
      %parallel_loop3A_282 = arith.addi %parallel_loop3A_213, %parallel_loop3A_281 : i32
      %parallel_loop3A_283 = arith.index_cast %parallel_loop3A_282 : i32 to index
      %parallel_loop3A_284 = arith.constant 96 : index
      %parallel_loop3A_285 = tpu.vector_load %arg7[%parallel_loop3A_283, %parallel_loop3A_284] {strides = array<i32>} : memref<128x128xf32, #tpu.memory_space<vmem>>, vector<16xf32>,
      %parallel_loop3A_286 = arith.subf %parallel_loop3A_280, %parallel_loop3A_285 : vector<16xf32>
      %parallel_loop3A_287 = arith.mulf %parallel_loop3A_286, %parallel_loop3A_286 : vector<16xf32>
      %parallel_loop3A_288 = arith.addf %parallel_loop3A_266, %parallel_loop3A_287 : vector<16xf32>
      %parallel_loop3A_289 = arith.index_cast %parallel_loop3A_213 : i32 to index
      %parallel_loop3A_290 = arith.constant 112 : index
      %parallel_loop3A_291 = tpu.vector_load %arg7[%parallel_loop3A_289, %parallel_loop3A_290] {strides = array<i32>} : memref<128x128xf32, #tpu.memory_space<vmem>>, vector<16xf32>,
      %parallel_loop3A_292 = arith.constant 1 : i32
      %parallel_loop3A_293 = arith.addi %parallel_loop3A_213, %parallel_loop3A_292 : i32
      %parallel_loop3A_294 = arith.index_cast %parallel_loop3A_293 : i32 to index
      %parallel_loop3A_295 = arith.constant 112 : index
      %parallel_loop3A_296 = tpu.vector_load %arg7[%parallel_loop3A_294, %parallel_loop3A_295] {strides = array<i32>} : memref<128x128xf32, #tpu.memory_space<vmem>>, vector<16xf32>,
      %parallel_loop3A_297 = arith.subf %parallel_loop3A_291, %parallel_loop3A_296 : vector<16xf32>
      %parallel_loop3A_298 = arith.mulf %parallel_loop3A_297, %parallel_loop3A_297 : vector<16xf32>
      %parallel_loop3A_299 = arith.addf %parallel_loop3A_277, %parallel_loop3A_298 : vector<16xf32>
      %parallel_loop3A_300 = arith.addf %parallel_loop3A_288, %parallel_loop3A_299 : vector<16xf32>
      %parallel_loop3A_301 = arith.constant 16 : i32
      %parallel_loop3A_302 = arith.muli %parallel_loop3A_210, %parallel_loop3A_301 : i32
      %parallel_loop3A_303 = arith.index_cast %parallel_loop3A_302 : i32 to index
      %parallel_loop3A_304 = tpu.vector_load %arg12[%parallel_loop3A_303] {strides = array<i32>} : memref<1024xf32, #tpu.memory_space<vmem>>, vector<16xf32>,
      tpu.vector_store %arg12[%parallel_loop3A_303], %parallel_loop3A_300 {strides = array<i32>} : memref<1024xf32, #tpu.memory_space<vmem>>, vector<16xf32>,
      %parallel_loop3A_305 = arith.constant 1 : i32
      %parallel_loop3A_306 = arith.addi %parallel_loop3A_211, %parallel_loop3A_305 : i32
      scf.yield %parallel_loop3A_306 : i32
    } {sc.loop_unroll_factor = 2 : i64, sc.parallel_access}
    %iota3A_111 = tpu.iota {dimensions = array<i32: 0>} : vector<16xi32>
    %mul3A_112 = arith.constant 16 : i32
    %mul3A_113 = vector.broadcast %mul3A_112 : i32 to vector<16xi32>
    %mul3A_114 = arith.muli %iota3A_111, %mul3A_113 : vector<16xi32>
    %parallel_loop3A_115 = arith.constant 0 : i32
    %parallel_loop3A_116 = arith.constant 4 : i32
    %parallel_loop3A_117 = arith.constant 1 : i32
    scf.for %parallel_loop3A_210 = %parallel_loop3A_115 to %parallel_loop3A_116 step %parallel_loop3A_117  : i32 {
      %parallel_loop3A_211 = arith.constant 256 : i32
      %parallel_loop3A_212 = arith.muli %parallel_loop3A_210, %parallel_loop3A_211 : i32
      %parallel_loop3A_213 = arith.addi %parallel_loop3A_212, %parallel_loop3A_110 : i32
      %parallel_loop3A_214 = arith.constant 64 : i32
      %parallel_loop3A_215 = arith.subi %parallel_loop3A_213, %parallel_loop3A_214 : i32
      %parallel_loop3A_216 = vector.broadcast %parallel_loop3A_215 : i32 to vector<16xi32>
      %parallel_loop3A_217 = arith.addi %mul3A_114, %parallel_loop3A_216 : vector<16xi32>
      %parallel_loop3A_218 = tpu.vector_load_idx %arg12[%parallel_loop3A_217] : memref<1024xf32, #tpu.memory_space<vmem>>[vector<16xi32>], vector<16xf32>,
      %parallel_loop3A_219 = arith.constant 1 : i32
      %parallel_loop3A_220 = vector.broadcast %parallel_loop3A_219 : i32 to vector<16xi32>
      %parallel_loop3A_221 = arith.addi %parallel_loop3A_217, %parallel_loop3A_220 : vector<16xi32>
      %parallel_loop3A_222 = tpu.vector_load_idx %arg12[%parallel_loop3A_221] : memref<1024xf32, #tpu.memory_space<vmem>>[vector<16xi32>], vector<16xf32>,
      %parallel_loop3A_223 = arith.addf %parallel_loop3A_218, %parallel_loop3A_222 : vector<16xf32>
      %parallel_loop3A_224 = arith.constant 2 : i32
      %parallel_loop3A_225 = vector.broadcast %parallel_loop3A_224 : i32 to vector<16xi32>
      %parallel_loop3A_226 = arith.addi %parallel_loop3A_217, %parallel_loop3A_225 : vector<16xi32>
      %parallel_loop3A_227 = tpu.vector_load_idx %arg12[%parallel_loop3A_226] : memref<1024xf32, #tpu.memory_space<vmem>>[vector<16xi32>], vector<16xf32>,
      %parallel_loop3A_228 = arith.addf %parallel_loop3A_223, %parallel_loop3A_227 : vector<16xf32>
      %parallel_loop3A_229 = arith.constant 3 : i32
      %parallel_loop3A_230 = vector.broadcast %parallel_loop3A_229 : i32 to vector<16xi32>
      %parallel_loop3A_231 = arith.addi %parallel_loop3A_217, %parallel_loop3A_230 : vector<16xi32>
      %parallel_loop3A_232 = tpu.vector_load_idx %arg12[%parallel_loop3A_231] : memref<1024xf32, #tpu.memory_space<vmem>>[vector<16xi32>], vector<16xf32>,
      %parallel_loop3A_233 = arith.addf %parallel_loop3A_228, %parallel_loop3A_232 : vector<16xf32>
      %parallel_loop3A_234 = arith.constant 4 : i32
      %parallel_loop3A_235 = vector.broadcast %parallel_loop3A_234 : i32 to vector<16xi32>
      %parallel_loop3A_236 = arith.addi %parallel_loop3A_217, %parallel_loop3A_235 : vector<16xi32>
      %parallel_loop3A_237 = tpu.vector_load_idx %arg12[%parallel_loop3A_236] : memref<1024xf32, #tpu.memory_space<vmem>>[vector<16xi32>], vector<16xf32>,
      %parallel_loop3A_238 = arith.addf %parallel_loop3A_233, %parallel_loop3A_237 : vector<16xf32>
      %parallel_loop3A_239 = arith.constant 5 : i32
      %parallel_loop3A_240 = vector.broadcast %parallel_loop3A_239 : i32 to vector<16xi32>
      %parallel_loop3A_241 = arith.addi %parallel_loop3A_217, %parallel_loop3A_240 : vector<16xi32>
      %parallel_loop3A_242 = tpu.vector_load_idx %arg12[%parallel_loop3A_241] : memref<1024xf32, #tpu.memory_space<vmem>>[vector<16xi32>], vector<16xf32>,
      %parallel_loop3A_243 = arith.addf %parallel_loop3A_238, %parallel_loop3A_242 : vector<16xf32>
      %parallel_loop3A_244 = arith.constant 6 : i32
      %parallel_loop3A_245 = vector.broadcast %parallel_loop3A_244 : i32 to vector<16xi32>
      %parallel_loop3A_246 = arith.addi %parallel_loop3A_217, %parallel_loop3A_245 : vector<16xi32>
      %parallel_loop3A_247 = tpu.vector_load_idx %arg12[%parallel_loop3A_246] : memref<1024xf32, #tpu.memory_space<vmem>>[vector<16xi32>], vector<16xf32>,
      %parallel_loop3A_248 = arith.addf %parallel_loop3A_243, %parallel_loop3A_247 : vector<16xf32>
      %parallel_loop3A_249 = arith.constant 7 : i32
      %parallel_loop3A_250 = vector.broadcast %parallel_loop3A_249 : i32 to vector<16xi32>
      %parallel_loop3A_251 = arith.addi %parallel_loop3A_217, %parallel_loop3A_250 : vector<16xi32>
      %parallel_loop3A_252 = tpu.vector_load_idx %arg12[%parallel_loop3A_251] : memref<1024xf32, #tpu.memory_space<vmem>>[vector<16xi32>], vector<16xf32>,
      %parallel_loop3A_253 = arith.addf %parallel_loop3A_248, %parallel_loop3A_252 : vector<16xf32>
      %parallel_loop3A_254 = arith.constant 8 : i32
      %parallel_loop3A_255 = vector.broadcast %parallel_loop3A_254 : i32 to vector<16xi32>
      %parallel_loop3A_256 = arith.addi %parallel_loop3A_217, %parallel_loop3A_255 : vector<16xi32>
      %parallel_loop3A_257 = tpu.vector_load_idx %arg12[%parallel_loop3A_256] : memref<1024xf32, #tpu.memory_space<vmem>>[vector<16xi32>], vector<16xf32>,
      %parallel_loop3A_258 = arith.addf %parallel_loop3A_253, %parallel_loop3A_257 : vector<16xf32>
      %parallel_loop3A_259 = arith.constant 9 : i32
      %parallel_loop3A_260 = vector.broadcast %parallel_loop3A_259 : i32 to vector<16xi32>
      %parallel_loop3A_261 = arith.addi %parallel_loop3A_217, %parallel_loop3A_260 : vector<16xi32>
      %parallel_loop3A_262 = tpu.vector_load_idx %arg12[%parallel_loop3A_261] : memref<1024xf32, #tpu.memory_space<vmem>>[vector<16xi32>], vector<16xf32>,
      %parallel_loop3A_263 = arith.addf %parallel_loop3A_258, %parallel_loop3A_262 : vector<16xf32>
      %parallel_loop3A_264 = arith.constant 10 : i32
      %parallel_loop3A_265 = vector.broadcast %parallel_loop3A_264 : i32 to vector<16xi32>
      %parallel_loop3A_266 = arith.addi %parallel_loop3A_217, %parallel_loop3A_265 : vector<16xi32>
      %parallel_loop3A_267 = tpu.vector_load_idx %arg12[%parallel_loop3A_266] : memref<1024xf32, #tpu.memory_space<vmem>>[vector<16xi32>], vector<16xf32>,
      %parallel_loop3A_268 = arith.addf %parallel_loop3A_263, %parallel_loop3A_267 : vector<16xf32>
      %parallel_loop3A_269 = arith.constant 11 : i32
      %parallel_loop3A_270 = vector.broadcast %parallel_loop3A_269 : i32 to vector<16xi32>
      %parallel_loop3A_271 = arith.addi %parallel_loop3A_217, %parallel_loop3A_270 : vector<16xi32>
      %parallel_loop3A_272 = tpu.vector_load_idx %arg12[%parallel_loop3A_271] : memref<1024xf32, #tpu.memory_space<vmem>>[vector<16xi32>], vector<16xf32>,
      %parallel_loop3A_273 = arith.addf %parallel_loop3A_268, %parallel_loop3A_272 : vector<16xf32>
      %parallel_loop3A_274 = arith.constant 12 : i32
      %parallel_loop3A_275 = vector.broadcast %parallel_loop3A_274 : i32 to vector<16xi32>
      %parallel_loop3A_276 = arith.addi %parallel_loop3A_217, %parallel_loop3A_275 : vector<16xi32>
      %parallel_loop3A_277 = tpu.vector_load_idx %arg12[%parallel_loop3A_276] : memref<1024xf32, #tpu.memory_space<vmem>>[vector<16xi32>], vector<16xf32>,
      %parallel_loop3A_278 = arith.addf %parallel_loop3A_273, %parallel_loop3A_277 : vector<16xf32>
      %parallel_loop3A_279 = arith.constant 13 : i32
      %parallel_loop3A_280 = vector.broadcast %parallel_loop3A_279 : i32 to vector<16xi32>
      %parallel_loop3A_281 = arith.addi %parallel_loop3A_217, %parallel_loop3A_280 : vector<16xi32>
      %parallel_loop3A_282 = tpu.vector_load_idx %arg12[%parallel_loop3A_281] : memref<1024xf32, #tpu.memory_space<vmem>>[vector<16xi32>], vector<16xf32>,
      %parallel_loop3A_283 = arith.addf %parallel_loop3A_278, %parallel_loop3A_282 : vector<16xf32>
      %parallel_loop3A_284 = arith.constant 14 : i32
      %parallel_loop3A_285 = vector.broadcast %parallel_loop3A_284 : i32 to vector<16xi32>
      %parallel_loop3A_286 = arith.addi %parallel_loop3A_217, %parallel_loop3A_285 : vector<16xi32>
      %parallel_loop3A_287 = tpu.vector_load_idx %arg12[%parallel_loop3A_286] : memref<1024xf32, #tpu.memory_space<vmem>>[vector<16xi32>], vector<16xf32>,
      %parallel_loop3A_288 = arith.addf %parallel_loop3A_283, %parallel_loop3A_287 : vector<16xf32>
      %parallel_loop3A_289 = arith.constant 15 : i32
      %parallel_loop3A_290 = vector.broadcast %parallel_loop3A_289 : i32 to vector<16xi32>
      %parallel_loop3A_291 = arith.addi %parallel_loop3A_217, %parallel_loop3A_290 : vector<16xi32>
      %parallel_loop3A_292 = tpu.vector_load_idx %arg12[%parallel_loop3A_291] : memref<1024xf32, #tpu.memory_space<vmem>>[vector<16xi32>], vector<16xf32>,
      %parallel_loop3A_293 = arith.addf %parallel_loop3A_288, %parallel_loop3A_292 : vector<16xf32>
      %parallel_loop3A_294 = arith.constant 9.99999996E-13 : f32
      %parallel_loop3A_295 = vector.broadcast %parallel_loop3A_294 : f32 to vector<16xf32>
      %parallel_loop3A_296 = arith.addf %parallel_loop3A_293, %parallel_loop3A_295 : vector<16xf32>
      %parallel_loop3A_297 = vector.bitcast %parallel_loop3A_296 : vector<16xf32> to vector<16xi32>
      %parallel_loop3A_298 = arith.constant 1 : i32
      %parallel_loop3A_299 = vector.broadcast %parallel_loop3A_298 : i32 to vector<16xi32>
      %parallel_loop3A_300 = arith.shrsi %parallel_loop3A_297, %parallel_loop3A_299 : vector<16xi32>
      %parallel_loop3A_301 = arith.constant 1597463007 : i32
      %parallel_loop3A_302 = vector.broadcast %parallel_loop3A_301 : i32 to vector<16xi32>
      %parallel_loop3A_303 = arith.subi %parallel_loop3A_302, %parallel_loop3A_300 : vector<16xi32>
      %parallel_loop3A_304 = vector.bitcast %parallel_loop3A_303 : vector<16xi32> to vector<16xf32>
      %parallel_loop3A_305 = arith.constant 5.000000e-01 : f32
      %parallel_loop3A_306 = vector.broadcast %parallel_loop3A_305 : f32 to vector<16xf32>
      %parallel_loop3A_307 = arith.mulf %parallel_loop3A_296, %parallel_loop3A_306 : vector<16xf32>
      %parallel_loop3A_308 = arith.mulf %parallel_loop3A_307, %parallel_loop3A_304 : vector<16xf32>
      %parallel_loop3A_309 = arith.mulf %parallel_loop3A_308, %parallel_loop3A_304 : vector<16xf32>
      %parallel_loop3A_310 = arith.constant 1.500000e+00 : f32
      %parallel_loop3A_311 = vector.broadcast %parallel_loop3A_310 : f32 to vector<16xf32>
      %parallel_loop3A_312 = arith.subf %parallel_loop3A_311, %parallel_loop3A_309 : vector<16xf32>
      %parallel_loop3A_313 = arith.mulf %parallel_loop3A_304, %parallel_loop3A_312 : vector<16xf32>
      %parallel_loop3A_314 = arith.mulf %parallel_loop3A_307, %parallel_loop3A_313 : vector<16xf32>
      %parallel_loop3A_315 = arith.mulf %parallel_loop3A_314, %parallel_loop3A_313 : vector<16xf32>
      %parallel_loop3A_316 = arith.constant 1.500000e+00 : f32
      %parallel_loop3A_317 = vector.broadcast %parallel_loop3A_316 : f32 to vector<16xf32>
      %parallel_loop3A_318 = arith.subf %parallel_loop3A_317, %parallel_loop3A_315 : vector<16xf32>
      %parallel_loop3A_319 = arith.mulf %parallel_loop3A_313, %parallel_loop3A_318 : vector<16xf32>
      %parallel_loop3A_320 = arith.mulf %parallel_loop3A_307, %parallel_loop3A_319 : vector<16xf32>
      %parallel_loop3A_321 = arith.mulf %parallel_loop3A_320, %parallel_loop3A_319 : vector<16xf32>
      %parallel_loop3A_322 = arith.constant 1.500000e+00 : f32
      %parallel_loop3A_323 = vector.broadcast %parallel_loop3A_322 : f32 to vector<16xf32>
      %parallel_loop3A_324 = arith.subf %parallel_loop3A_323, %parallel_loop3A_321 : vector<16xf32>
      %parallel_loop3A_325 = arith.mulf %parallel_loop3A_319, %parallel_loop3A_324 : vector<16xf32>
      %parallel_loop3A_326 = arith.mulf %parallel_loop3A_296, %parallel_loop3A_325 : vector<16xf32>
      %parallel_loop3A_327 = arith.mulf %parallel_loop3A_326, %exp3A : vector<16xf32>
      %parallel_loop3A_328 = arith.constant 16 : i32
      %parallel_loop3A_329 = arith.muli %parallel_loop3A_210, %parallel_loop3A_328 : i32
      %parallel_loop3A_330 = arith.constant 192 : i32
      %parallel_loop3A_331 = arith.addi %parallel_loop3A_330, %parallel_loop3A_329 : i32
      %parallel_loop3A_332 = arith.index_cast %parallel_loop3A_331 : i32 to index
      %parallel_loop3A_333 = tpu.vector_load %arg11[%parallel_loop3A_332] {strides = array<i32>} : memref<512xf32, #tpu.memory_space<vmem>>, vector<16xf32>,
      tpu.vector_store %arg11[%parallel_loop3A_332], %parallel_loop3A_327 {strides = array<i32>} : memref<512xf32, #tpu.memory_space<vmem>>, vector<16xf32>,
    } {sc.loop_unroll_factor = 1 : i64, sc.parallel_access}
    %dma_start3A_118 = arith.constant 6 : i32
    %dma_start3A_119 = arith.constant 0 : i32
    %dma_start3A_120 = tpu.memref_slice %arg6[%dma_start3A_118, %dma_start3A_119] : memref<8x128xi32, #tpu.memory_space<vmem>> -> memref<1x128xi32, #tpu.memory_space<vmem>>
    %dma_start3A_121 = tpu.memref_squeeze %dma_start3A_120 : memref<1x128xi32, #tpu.memory_space<vmem>> -> memref<128xi32, #tpu.memory_space<vmem>>
    %dma_start3A_122 = arith.constant 0 : i32
    %dma_start3A_123 = arith.constant 0 : i32
    %dma_start3A_124 = tpu.memref_slice %arg2[%dma_start3A_122, %dma_start3A_123] : memref<100000x128xf32, #tpu.memory_space<hbm>> -> memref<100000x128xf32, #tpu.memory_space<hbm>>
    tpu.enqueue_indirect_dma source(%dma_start3A_124 : memref<100000x128xf32, #tpu.memory_space<hbm>>) target(%arg7 : memref<128x128xf32, #tpu.memory_space<vmem>>) offsets(%dma_start3A_121 : memref<128xi32, #tpu.memory_space<vmem>>) semaphore(%arg13 : memref<!tpu.dma_semaphore, #tpu.memory_space<semaphore_mem>>)
    %dma_wait3A_125 = arith.constant 4 : i32
    %dma_wait3A_126 = arith.constant 0 : i32
    %dma_wait3A_127 = tpu.memref_slice %arg6[%dma_wait3A_125, %dma_wait3A_126] : memref<8x128xi32, #tpu.memory_space<vmem>> -> memref<1x128xi32, #tpu.memory_space<vmem>>
    %dma_wait3A_128 = tpu.memref_squeeze %dma_wait3A_127 : memref<1x128xi32, #tpu.memory_space<vmem>> -> memref<128xi32, #tpu.memory_space<vmem>>
    %dma_wait3A_129 = arith.constant 0 : i32
    %dma_wait3A_130 = arith.constant 0 : i32
    %dma_wait3A_131 = tpu.memref_slice %arg2[%dma_wait3A_129, %dma_wait3A_130] : memref<100000x128xf32, #tpu.memory_space<hbm>> -> memref<100000x128xf32, #tpu.memory_space<hbm>>
    tpu.wait_indirect_dma semaphore(%arg14 : memref<!tpu.dma_semaphore, #tpu.memory_space<semaphore_mem>>) src(%dma_wait3A_131 : memref<100000x128xf32, #tpu.memory_space<hbm>>) dst(%arg8 : memref<128x128xf32, #tpu.memory_space<vmem>>)
    %parallel_loop3A_132 = arith.constant 0 : i32
    %parallel_loop3A_133 = arith.constant 64 : i32
    %parallel_loop3A_134 = arith.constant 1 : i32
    %parallel_loop3A_135 = arith.constant 0 : i32
    %parallel_loop3A_136 = scf.for %parallel_loop3A_210 = %parallel_loop3A_132 to %parallel_loop3A_133 step %parallel_loop3A_134 iter_args(%parallel_loop3A_211 = %parallel_loop3A_135) -> (i32)  : i32 {
      %parallel_loop3A_212 = arith.constant 2 : i32
      %parallel_loop3A_213 = arith.muli %parallel_loop3A_212, %parallel_loop3A_210 : i32
      %parallel_loop3A_214 = arith.index_cast %parallel_loop3A_213 : i32 to index
      %parallel_loop3A_215 = arith.constant 0 : index
      %parallel_loop3A_216 = tpu.vector_load %arg8[%parallel_loop3A_214, %parallel_loop3A_215] {strides = array<i32>} : memref<128x128xf32, #tpu.memory_space<vmem>>, vector<16xf32>,
      %parallel_loop3A_217 = arith.constant 1 : i32
      %parallel_loop3A_218 = arith.addi %parallel_loop3A_213, %parallel_loop3A_217 : i32
      %parallel_loop3A_219 = arith.index_cast %parallel_loop3A_218 : i32 to index
      %parallel_loop3A_220 = arith.constant 0 : index
      %parallel_loop3A_221 = tpu.vector_load %arg8[%parallel_loop3A_219, %parallel_loop3A_220] {strides = array<i32>} : memref<128x128xf32, #tpu.memory_space<vmem>>, vector<16xf32>,
      %parallel_loop3A_222 = arith.subf %parallel_loop3A_216, %parallel_loop3A_221 : vector<16xf32>
      %parallel_loop3A_223 = arith.mulf %parallel_loop3A_222, %parallel_loop3A_222 : vector<16xf32>
      %parallel_loop3A_224 = arith.index_cast %parallel_loop3A_213 : i32 to index
      %parallel_loop3A_225 = arith.constant 16 : index
      %parallel_loop3A_226 = tpu.vector_load %arg8[%parallel_loop3A_224, %parallel_loop3A_225] {strides = array<i32>} : memref<128x128xf32, #tpu.memory_space<vmem>>, vector<16xf32>,
      %parallel_loop3A_227 = arith.constant 1 : i32
      %parallel_loop3A_228 = arith.addi %parallel_loop3A_213, %parallel_loop3A_227 : i32
      %parallel_loop3A_229 = arith.index_cast %parallel_loop3A_228 : i32 to index
      %parallel_loop3A_230 = arith.constant 16 : index
      %parallel_loop3A_231 = tpu.vector_load %arg8[%parallel_loop3A_229, %parallel_loop3A_230] {strides = array<i32>} : memref<128x128xf32, #tpu.memory_space<vmem>>, vector<16xf32>,
      %parallel_loop3A_232 = arith.subf %parallel_loop3A_226, %parallel_loop3A_231 : vector<16xf32>
      %parallel_loop3A_233 = arith.mulf %parallel_loop3A_232, %parallel_loop3A_232 : vector<16xf32>
      %parallel_loop3A_234 = arith.index_cast %parallel_loop3A_213 : i32 to index
      %parallel_loop3A_235 = arith.constant 32 : index
      %parallel_loop3A_236 = tpu.vector_load %arg8[%parallel_loop3A_234, %parallel_loop3A_235] {strides = array<i32>} : memref<128x128xf32, #tpu.memory_space<vmem>>, vector<16xf32>,
      %parallel_loop3A_237 = arith.constant 1 : i32
      %parallel_loop3A_238 = arith.addi %parallel_loop3A_213, %parallel_loop3A_237 : i32
      %parallel_loop3A_239 = arith.index_cast %parallel_loop3A_238 : i32 to index
      %parallel_loop3A_240 = arith.constant 32 : index
      %parallel_loop3A_241 = tpu.vector_load %arg8[%parallel_loop3A_239, %parallel_loop3A_240] {strides = array<i32>} : memref<128x128xf32, #tpu.memory_space<vmem>>, vector<16xf32>,
      %parallel_loop3A_242 = arith.subf %parallel_loop3A_236, %parallel_loop3A_241 : vector<16xf32>
      %parallel_loop3A_243 = arith.mulf %parallel_loop3A_242, %parallel_loop3A_242 : vector<16xf32>
      %parallel_loop3A_244 = arith.addf %parallel_loop3A_223, %parallel_loop3A_243 : vector<16xf32>
      %parallel_loop3A_245 = arith.index_cast %parallel_loop3A_213 : i32 to index
      %parallel_loop3A_246 = arith.constant 48 : index
      %parallel_loop3A_247 = tpu.vector_load %arg8[%parallel_loop3A_245, %parallel_loop3A_246] {strides = array<i32>} : memref<128x128xf32, #tpu.memory_space<vmem>>, vector<16xf32>,
      %parallel_loop3A_248 = arith.constant 1 : i32
      %parallel_loop3A_249 = arith.addi %parallel_loop3A_213, %parallel_loop3A_248 : i32
      %parallel_loop3A_250 = arith.index_cast %parallel_loop3A_249 : i32 to index
      %parallel_loop3A_251 = arith.constant 48 : index
      %parallel_loop3A_252 = tpu.vector_load %arg8[%parallel_loop3A_250, %parallel_loop3A_251] {strides = array<i32>} : memref<128x128xf32, #tpu.memory_space<vmem>>, vector<16xf32>,
      %parallel_loop3A_253 = arith.subf %parallel_loop3A_247, %parallel_loop3A_252 : vector<16xf32>
      %parallel_loop3A_254 = arith.mulf %parallel_loop3A_253, %parallel_loop3A_253 : vector<16xf32>
      %parallel_loop3A_255 = arith.addf %parallel_loop3A_233, %parallel_loop3A_254 : vector<16xf32>
      %parallel_loop3A_256 = arith.index_cast %parallel_loop3A_213 : i32 to index
      %parallel_loop3A_257 = arith.constant 64 : index
      %parallel_loop3A_258 = tpu.vector_load %arg8[%parallel_loop3A_256, %parallel_loop3A_257] {strides = array<i32>} : memref<128x128xf32, #tpu.memory_space<vmem>>, vector<16xf32>,
      %parallel_loop3A_259 = arith.constant 1 : i32
      %parallel_loop3A_260 = arith.addi %parallel_loop3A_213, %parallel_loop3A_259 : i32
      %parallel_loop3A_261 = arith.index_cast %parallel_loop3A_260 : i32 to index
      %parallel_loop3A_262 = arith.constant 64 : index
      %parallel_loop3A_263 = tpu.vector_load %arg8[%parallel_loop3A_261, %parallel_loop3A_262] {strides = array<i32>} : memref<128x128xf32, #tpu.memory_space<vmem>>, vector<16xf32>,
      %parallel_loop3A_264 = arith.subf %parallel_loop3A_258, %parallel_loop3A_263 : vector<16xf32>
      %parallel_loop3A_265 = arith.mulf %parallel_loop3A_264, %parallel_loop3A_264 : vector<16xf32>
      %parallel_loop3A_266 = arith.addf %parallel_loop3A_244, %parallel_loop3A_265 : vector<16xf32>
      %parallel_loop3A_267 = arith.index_cast %parallel_loop3A_213 : i32 to index
      %parallel_loop3A_268 = arith.constant 80 : index
      %parallel_loop3A_269 = tpu.vector_load %arg8[%parallel_loop3A_267, %parallel_loop3A_268] {strides = array<i32>} : memref<128x128xf32, #tpu.memory_space<vmem>>, vector<16xf32>,
      %parallel_loop3A_270 = arith.constant 1 : i32
      %parallel_loop3A_271 = arith.addi %parallel_loop3A_213, %parallel_loop3A_270 : i32
      %parallel_loop3A_272 = arith.index_cast %parallel_loop3A_271 : i32 to index
      %parallel_loop3A_273 = arith.constant 80 : index
      %parallel_loop3A_274 = tpu.vector_load %arg8[%parallel_loop3A_272, %parallel_loop3A_273] {strides = array<i32>} : memref<128x128xf32, #tpu.memory_space<vmem>>, vector<16xf32>,
      %parallel_loop3A_275 = arith.subf %parallel_loop3A_269, %parallel_loop3A_274 : vector<16xf32>
      %parallel_loop3A_276 = arith.mulf %parallel_loop3A_275, %parallel_loop3A_275 : vector<16xf32>
      %parallel_loop3A_277 = arith.addf %parallel_loop3A_255, %parallel_loop3A_276 : vector<16xf32>
      %parallel_loop3A_278 = arith.index_cast %parallel_loop3A_213 : i32 to index
      %parallel_loop3A_279 = arith.constant 96 : index
      %parallel_loop3A_280 = tpu.vector_load %arg8[%parallel_loop3A_278, %parallel_loop3A_279] {strides = array<i32>} : memref<128x128xf32, #tpu.memory_space<vmem>>, vector<16xf32>,
      %parallel_loop3A_281 = arith.constant 1 : i32
      %parallel_loop3A_282 = arith.addi %parallel_loop3A_213, %parallel_loop3A_281 : i32
      %parallel_loop3A_283 = arith.index_cast %parallel_loop3A_282 : i32 to index
      %parallel_loop3A_284 = arith.constant 96 : index
      %parallel_loop3A_285 = tpu.vector_load %arg8[%parallel_loop3A_283, %parallel_loop3A_284] {strides = array<i32>} : memref<128x128xf32, #tpu.memory_space<vmem>>, vector<16xf32>,
      %parallel_loop3A_286 = arith.subf %parallel_loop3A_280, %parallel_loop3A_285 : vector<16xf32>
      %parallel_loop3A_287 = arith.mulf %parallel_loop3A_286, %parallel_loop3A_286 : vector<16xf32>
      %parallel_loop3A_288 = arith.addf %parallel_loop3A_266, %parallel_loop3A_287 : vector<16xf32>
      %parallel_loop3A_289 = arith.index_cast %parallel_loop3A_213 : i32 to index
      %parallel_loop3A_290 = arith.constant 112 : index
      %parallel_loop3A_291 = tpu.vector_load %arg8[%parallel_loop3A_289, %parallel_loop3A_290] {strides = array<i32>} : memref<128x128xf32, #tpu.memory_space<vmem>>, vector<16xf32>,
      %parallel_loop3A_292 = arith.constant 1 : i32
      %parallel_loop3A_293 = arith.addi %parallel_loop3A_213, %parallel_loop3A_292 : i32
      %parallel_loop3A_294 = arith.index_cast %parallel_loop3A_293 : i32 to index
      %parallel_loop3A_295 = arith.constant 112 : index
      %parallel_loop3A_296 = tpu.vector_load %arg8[%parallel_loop3A_294, %parallel_loop3A_295] {strides = array<i32>} : memref<128x128xf32, #tpu.memory_space<vmem>>, vector<16xf32>,
      %parallel_loop3A_297 = arith.subf %parallel_loop3A_291, %parallel_loop3A_296 : vector<16xf32>
      %parallel_loop3A_298 = arith.mulf %parallel_loop3A_297, %parallel_loop3A_297 : vector<16xf32>
      %parallel_loop3A_299 = arith.addf %parallel_loop3A_277, %parallel_loop3A_298 : vector<16xf32>
      %parallel_loop3A_300 = arith.addf %parallel_loop3A_288, %parallel_loop3A_299 : vector<16xf32>
      %parallel_loop3A_301 = arith.constant 16 : i32
      %parallel_loop3A_302 = arith.muli %parallel_loop3A_210, %parallel_loop3A_301 : i32
      %parallel_loop3A_303 = arith.index_cast %parallel_loop3A_302 : i32 to index
      %parallel_loop3A_304 = tpu.vector_load %arg12[%parallel_loop3A_303] {strides = array<i32>} : memref<1024xf32, #tpu.memory_space<vmem>>, vector<16xf32>,
      tpu.vector_store %arg12[%parallel_loop3A_303], %parallel_loop3A_300 {strides = array<i32>} : memref<1024xf32, #tpu.memory_space<vmem>>, vector<16xf32>,
      %parallel_loop3A_305 = arith.constant 1 : i32
      %parallel_loop3A_306 = arith.addi %parallel_loop3A_211, %parallel_loop3A_305 : i32
      scf.yield %parallel_loop3A_306 : i32
    } {sc.loop_unroll_factor = 2 : i64, sc.parallel_access}
    %iota3A_137 = tpu.iota {dimensions = array<i32: 0>} : vector<16xi32>
    %mul3A_138 = arith.constant 16 : i32
    %mul3A_139 = vector.broadcast %mul3A_138 : i32 to vector<16xi32>
    %mul3A_140 = arith.muli %iota3A_137, %mul3A_139 : vector<16xi32>
    %parallel_loop3A_141 = arith.constant 0 : i32
    %parallel_loop3A_142 = arith.constant 4 : i32
    %parallel_loop3A_143 = arith.constant 1 : i32
    scf.for %parallel_loop3A_210 = %parallel_loop3A_141 to %parallel_loop3A_142 step %parallel_loop3A_143  : i32 {
      %parallel_loop3A_211 = arith.constant 256 : i32
      %parallel_loop3A_212 = arith.muli %parallel_loop3A_210, %parallel_loop3A_211 : i32
      %parallel_loop3A_213 = arith.addi %parallel_loop3A_212, %parallel_loop3A_136 : i32
      %parallel_loop3A_214 = arith.constant 64 : i32
      %parallel_loop3A_215 = arith.subi %parallel_loop3A_213, %parallel_loop3A_214 : i32
      %parallel_loop3A_216 = vector.broadcast %parallel_loop3A_215 : i32 to vector<16xi32>
      %parallel_loop3A_217 = arith.addi %mul3A_140, %parallel_loop3A_216 : vector<16xi32>
      %parallel_loop3A_218 = tpu.vector_load_idx %arg12[%parallel_loop3A_217] : memref<1024xf32, #tpu.memory_space<vmem>>[vector<16xi32>], vector<16xf32>,
      %parallel_loop3A_219 = arith.constant 1 : i32
      %parallel_loop3A_220 = vector.broadcast %parallel_loop3A_219 : i32 to vector<16xi32>
      %parallel_loop3A_221 = arith.addi %parallel_loop3A_217, %parallel_loop3A_220 : vector<16xi32>
      %parallel_loop3A_222 = tpu.vector_load_idx %arg12[%parallel_loop3A_221] : memref<1024xf32, #tpu.memory_space<vmem>>[vector<16xi32>], vector<16xf32>,
      %parallel_loop3A_223 = arith.addf %parallel_loop3A_218, %parallel_loop3A_222 : vector<16xf32>
      %parallel_loop3A_224 = arith.constant 2 : i32
      %parallel_loop3A_225 = vector.broadcast %parallel_loop3A_224 : i32 to vector<16xi32>
      %parallel_loop3A_226 = arith.addi %parallel_loop3A_217, %parallel_loop3A_225 : vector<16xi32>
      %parallel_loop3A_227 = tpu.vector_load_idx %arg12[%parallel_loop3A_226] : memref<1024xf32, #tpu.memory_space<vmem>>[vector<16xi32>], vector<16xf32>,
      %parallel_loop3A_228 = arith.addf %parallel_loop3A_223, %parallel_loop3A_227 : vector<16xf32>
      %parallel_loop3A_229 = arith.constant 3 : i32
      %parallel_loop3A_230 = vector.broadcast %parallel_loop3A_229 : i32 to vector<16xi32>
      %parallel_loop3A_231 = arith.addi %parallel_loop3A_217, %parallel_loop3A_230 : vector<16xi32>
      %parallel_loop3A_232 = tpu.vector_load_idx %arg12[%parallel_loop3A_231] : memref<1024xf32, #tpu.memory_space<vmem>>[vector<16xi32>], vector<16xf32>,
      %parallel_loop3A_233 = arith.addf %parallel_loop3A_228, %parallel_loop3A_232 : vector<16xf32>
      %parallel_loop3A_234 = arith.constant 4 : i32
      %parallel_loop3A_235 = vector.broadcast %parallel_loop3A_234 : i32 to vector<16xi32>
      %parallel_loop3A_236 = arith.addi %parallel_loop3A_217, %parallel_loop3A_235 : vector<16xi32>
      %parallel_loop3A_237 = tpu.vector_load_idx %arg12[%parallel_loop3A_236] : memref<1024xf32, #tpu.memory_space<vmem>>[vector<16xi32>], vector<16xf32>,
      %parallel_loop3A_238 = arith.addf %parallel_loop3A_233, %parallel_loop3A_237 : vector<16xf32>
      %parallel_loop3A_239 = arith.constant 5 : i32
      %parallel_loop3A_240 = vector.broadcast %parallel_loop3A_239 : i32 to vector<16xi32>
      %parallel_loop3A_241 = arith.addi %parallel_loop3A_217, %parallel_loop3A_240 : vector<16xi32>
      %parallel_loop3A_242 = tpu.vector_load_idx %arg12[%parallel_loop3A_241] : memref<1024xf32, #tpu.memory_space<vmem>>[vector<16xi32>], vector<16xf32>,
      %parallel_loop3A_243 = arith.addf %parallel_loop3A_238, %parallel_loop3A_242 : vector<16xf32>
      %parallel_loop3A_244 = arith.constant 6 : i32
      %parallel_loop3A_245 = vector.broadcast %parallel_loop3A_244 : i32 to vector<16xi32>
      %parallel_loop3A_246 = arith.addi %parallel_loop3A_217, %parallel_loop3A_245 : vector<16xi32>
      %parallel_loop3A_247 = tpu.vector_load_idx %arg12[%parallel_loop3A_246] : memref<1024xf32, #tpu.memory_space<vmem>>[vector<16xi32>], vector<16xf32>,
      %parallel_loop3A_248 = arith.addf %parallel_loop3A_243, %parallel_loop3A_247 : vector<16xf32>
      %parallel_loop3A_249 = arith.constant 7 : i32
      %parallel_loop3A_250 = vector.broadcast %parallel_loop3A_249 : i32 to vector<16xi32>
      %parallel_loop3A_251 = arith.addi %parallel_loop3A_217, %parallel_loop3A_250 : vector<16xi32>
      %parallel_loop3A_252 = tpu.vector_load_idx %arg12[%parallel_loop3A_251] : memref<1024xf32, #tpu.memory_space<vmem>>[vector<16xi32>], vector<16xf32>,
      %parallel_loop3A_253 = arith.addf %parallel_loop3A_248, %parallel_loop3A_252 : vector<16xf32>
      %parallel_loop3A_254 = arith.constant 8 : i32
      %parallel_loop3A_255 = vector.broadcast %parallel_loop3A_254 : i32 to vector<16xi32>
      %parallel_loop3A_256 = arith.addi %parallel_loop3A_217, %parallel_loop3A_255 : vector<16xi32>
      %parallel_loop3A_257 = tpu.vector_load_idx %arg12[%parallel_loop3A_256] : memref<1024xf32, #tpu.memory_space<vmem>>[vector<16xi32>], vector<16xf32>,
      %parallel_loop3A_258 = arith.addf %parallel_loop3A_253, %parallel_loop3A_257 : vector<16xf32>
      %parallel_loop3A_259 = arith.constant 9 : i32
      %parallel_loop3A_260 = vector.broadcast %parallel_loop3A_259 : i32 to vector<16xi32>
      %parallel_loop3A_261 = arith.addi %parallel_loop3A_217, %parallel_loop3A_260 : vector<16xi32>
      %parallel_loop3A_262 = tpu.vector_load_idx %arg12[%parallel_loop3A_261] : memref<1024xf32, #tpu.memory_space<vmem>>[vector<16xi32>], vector<16xf32>,
      %parallel_loop3A_263 = arith.addf %parallel_loop3A_258, %parallel_loop3A_262 : vector<16xf32>
      %parallel_loop3A_264 = arith.constant 10 : i32
      %parallel_loop3A_265 = vector.broadcast %parallel_loop3A_264 : i32 to vector<16xi32>
      %parallel_loop3A_266 = arith.addi %parallel_loop3A_217, %parallel_loop3A_265 : vector<16xi32>
      %parallel_loop3A_267 = tpu.vector_load_idx %arg12[%parallel_loop3A_266] : memref<1024xf32, #tpu.memory_space<vmem>>[vector<16xi32>], vector<16xf32>,
      %parallel_loop3A_268 = arith.addf %parallel_loop3A_263, %parallel_loop3A_267 : vector<16xf32>
      %parallel_loop3A_269 = arith.constant 11 : i32
      %parallel_loop3A_270 = vector.broadcast %parallel_loop3A_269 : i32 to vector<16xi32>
      %parallel_loop3A_271 = arith.addi %parallel_loop3A_217, %parallel_loop3A_270 : vector<16xi32>
      %parallel_loop3A_272 = tpu.vector_load_idx %arg12[%parallel_loop3A_271] : memref<1024xf32, #tpu.memory_space<vmem>>[vector<16xi32>], vector<16xf32>,
      %parallel_loop3A_273 = arith.addf %parallel_loop3A_268, %parallel_loop3A_272 : vector<16xf32>
      %parallel_loop3A_274 = arith.constant 12 : i32
      %parallel_loop3A_275 = vector.broadcast %parallel_loop3A_274 : i32 to vector<16xi32>
      %parallel_loop3A_276 = arith.addi %parallel_loop3A_217, %parallel_loop3A_275 : vector<16xi32>
      %parallel_loop3A_277 = tpu.vector_load_idx %arg12[%parallel_loop3A_276] : memref<1024xf32, #tpu.memory_space<vmem>>[vector<16xi32>], vector<16xf32>,
      %parallel_loop3A_278 = arith.addf %parallel_loop3A_273, %parallel_loop3A_277 : vector<16xf32>
      %parallel_loop3A_279 = arith.constant 13 : i32
      %parallel_loop3A_280 = vector.broadcast %parallel_loop3A_279 : i32 to vector<16xi32>
      %parallel_loop3A_281 = arith.addi %parallel_loop3A_217, %parallel_loop3A_280 : vector<16xi32>
      %parallel_loop3A_282 = tpu.vector_load_idx %arg12[%parallel_loop3A_281] : memref<1024xf32, #tpu.memory_space<vmem>>[vector<16xi32>], vector<16xf32>,
      %parallel_loop3A_283 = arith.addf %parallel_loop3A_278, %parallel_loop3A_282 : vector<16xf32>
      %parallel_loop3A_284 = arith.constant 14 : i32
      %parallel_loop3A_285 = vector.broadcast %parallel_loop3A_284 : i32 to vector<16xi32>
      %parallel_loop3A_286 = arith.addi %parallel_loop3A_217, %parallel_loop3A_285 : vector<16xi32>
      %parallel_loop3A_287 = tpu.vector_load_idx %arg12[%parallel_loop3A_286] : memref<1024xf32, #tpu.memory_space<vmem>>[vector<16xi32>], vector<16xf32>,
      %parallel_loop3A_288 = arith.addf %parallel_loop3A_283, %parallel_loop3A_287 : vector<16xf32>
      %parallel_loop3A_289 = arith.constant 15 : i32
      %parallel_loop3A_290 = vector.broadcast %parallel_loop3A_289 : i32 to vector<16xi32>
      %parallel_loop3A_291 = arith.addi %parallel_loop3A_217, %parallel_loop3A_290 : vector<16xi32>
      %parallel_loop3A_292 = tpu.vector_load_idx %arg12[%parallel_loop3A_291] : memref<1024xf32, #tpu.memory_space<vmem>>[vector<16xi32>], vector<16xf32>,
      %parallel_loop3A_293 = arith.addf %parallel_loop3A_288, %parallel_loop3A_292 : vector<16xf32>
      %parallel_loop3A_294 = arith.constant 9.99999996E-13 : f32
      %parallel_loop3A_295 = vector.broadcast %parallel_loop3A_294 : f32 to vector<16xf32>
      %parallel_loop3A_296 = arith.addf %parallel_loop3A_293, %parallel_loop3A_295 : vector<16xf32>
      %parallel_loop3A_297 = vector.bitcast %parallel_loop3A_296 : vector<16xf32> to vector<16xi32>
      %parallel_loop3A_298 = arith.constant 1 : i32
      %parallel_loop3A_299 = vector.broadcast %parallel_loop3A_298 : i32 to vector<16xi32>
      %parallel_loop3A_300 = arith.shrsi %parallel_loop3A_297, %parallel_loop3A_299 : vector<16xi32>
      %parallel_loop3A_301 = arith.constant 1597463007 : i32
      %parallel_loop3A_302 = vector.broadcast %parallel_loop3A_301 : i32 to vector<16xi32>
      %parallel_loop3A_303 = arith.subi %parallel_loop3A_302, %parallel_loop3A_300 : vector<16xi32>
      %parallel_loop3A_304 = vector.bitcast %parallel_loop3A_303 : vector<16xi32> to vector<16xf32>
      %parallel_loop3A_305 = arith.constant 5.000000e-01 : f32
      %parallel_loop3A_306 = vector.broadcast %parallel_loop3A_305 : f32 to vector<16xf32>
      %parallel_loop3A_307 = arith.mulf %parallel_loop3A_296, %parallel_loop3A_306 : vector<16xf32>
      %parallel_loop3A_308 = arith.mulf %parallel_loop3A_307, %parallel_loop3A_304 : vector<16xf32>
      %parallel_loop3A_309 = arith.mulf %parallel_loop3A_308, %parallel_loop3A_304 : vector<16xf32>
      %parallel_loop3A_310 = arith.constant 1.500000e+00 : f32
      %parallel_loop3A_311 = vector.broadcast %parallel_loop3A_310 : f32 to vector<16xf32>
      %parallel_loop3A_312 = arith.subf %parallel_loop3A_311, %parallel_loop3A_309 : vector<16xf32>
      %parallel_loop3A_313 = arith.mulf %parallel_loop3A_304, %parallel_loop3A_312 : vector<16xf32>
      %parallel_loop3A_314 = arith.mulf %parallel_loop3A_307, %parallel_loop3A_313 : vector<16xf32>
      %parallel_loop3A_315 = arith.mulf %parallel_loop3A_314, %parallel_loop3A_313 : vector<16xf32>
      %parallel_loop3A_316 = arith.constant 1.500000e+00 : f32
      %parallel_loop3A_317 = vector.broadcast %parallel_loop3A_316 : f32 to vector<16xf32>
      %parallel_loop3A_318 = arith.subf %parallel_loop3A_317, %parallel_loop3A_315 : vector<16xf32>
      %parallel_loop3A_319 = arith.mulf %parallel_loop3A_313, %parallel_loop3A_318 : vector<16xf32>
      %parallel_loop3A_320 = arith.mulf %parallel_loop3A_307, %parallel_loop3A_319 : vector<16xf32>
      %parallel_loop3A_321 = arith.mulf %parallel_loop3A_320, %parallel_loop3A_319 : vector<16xf32>
      %parallel_loop3A_322 = arith.constant 1.500000e+00 : f32
      %parallel_loop3A_323 = vector.broadcast %parallel_loop3A_322 : f32 to vector<16xf32>
      %parallel_loop3A_324 = arith.subf %parallel_loop3A_323, %parallel_loop3A_321 : vector<16xf32>
      %parallel_loop3A_325 = arith.mulf %parallel_loop3A_319, %parallel_loop3A_324 : vector<16xf32>
      %parallel_loop3A_326 = arith.mulf %parallel_loop3A_296, %parallel_loop3A_325 : vector<16xf32>
      %parallel_loop3A_327 = arith.mulf %parallel_loop3A_326, %exp3A : vector<16xf32>
      %parallel_loop3A_328 = arith.constant 16 : i32
      %parallel_loop3A_329 = arith.muli %parallel_loop3A_210, %parallel_loop3A_328 : i32
      %parallel_loop3A_330 = arith.constant 256 : i32
      %parallel_loop3A_331 = arith.addi %parallel_loop3A_330, %parallel_loop3A_329 : i32
      %parallel_loop3A_332 = arith.index_cast %parallel_loop3A_331 : i32 to index
      %parallel_loop3A_333 = tpu.vector_load %arg11[%parallel_loop3A_332] {strides = array<i32>} : memref<512xf32, #tpu.memory_space<vmem>>, vector<16xf32>,
      tpu.vector_store %arg11[%parallel_loop3A_332], %parallel_loop3A_327 {strides = array<i32>} : memref<512xf32, #tpu.memory_space<vmem>>, vector<16xf32>,
    } {sc.loop_unroll_factor = 1 : i64, sc.parallel_access}
    %dma_start3A_144 = arith.constant 7 : i32
    %dma_start3A_145 = arith.constant 0 : i32
    %dma_start3A_146 = tpu.memref_slice %arg6[%dma_start3A_144, %dma_start3A_145] : memref<8x128xi32, #tpu.memory_space<vmem>> -> memref<1x128xi32, #tpu.memory_space<vmem>>
    %dma_start3A_147 = tpu.memref_squeeze %dma_start3A_146 : memref<1x128xi32, #tpu.memory_space<vmem>> -> memref<128xi32, #tpu.memory_space<vmem>>
    %dma_start3A_148 = arith.constant 0 : i32
    %dma_start3A_149 = arith.constant 0 : i32
    %dma_start3A_150 = tpu.memref_slice %arg2[%dma_start3A_148, %dma_start3A_149] : memref<100000x128xf32, #tpu.memory_space<hbm>> -> memref<100000x128xf32, #tpu.memory_space<hbm>>
    tpu.enqueue_indirect_dma source(%dma_start3A_150 : memref<100000x128xf32, #tpu.memory_space<hbm>>) target(%arg8 : memref<128x128xf32, #tpu.memory_space<vmem>>) offsets(%dma_start3A_147 : memref<128xi32, #tpu.memory_space<vmem>>) semaphore(%arg14 : memref<!tpu.dma_semaphore, #tpu.memory_space<semaphore_mem>>)
    %dma_wait3A_151 = arith.constant 5 : i32
    %dma_wait3A_152 = arith.constant 0 : i32
    %dma_wait3A_153 = tpu.memref_slice %arg6[%dma_wait3A_151, %dma_wait3A_152] : memref<8x128xi32, #tpu.memory_space<vmem>> -> memref<1x128xi32, #tpu.memory_space<vmem>>
    %dma_wait3A_154 = tpu.memref_squeeze %dma_wait3A_153 : memref<1x128xi32, #tpu.memory_space<vmem>> -> memref<128xi32, #tpu.memory_space<vmem>>
    %dma_wait3A_155 = arith.constant 0 : i32
    %dma_wait3A_156 = arith.constant 0 : i32
    %dma_wait3A_157 = tpu.memref_slice %arg2[%dma_wait3A_155, %dma_wait3A_156] : memref<100000x128xf32, #tpu.memory_space<hbm>> -> memref<100000x128xf32, #tpu.memory_space<hbm>>
    tpu.wait_indirect_dma semaphore(%arg15 : memref<!tpu.dma_semaphore, #tpu.memory_space<semaphore_mem>>) src(%dma_wait3A_157 : memref<100000x128xf32, #tpu.memory_space<hbm>>) dst(%arg9 : memref<128x128xf32, #tpu.memory_space<vmem>>)
    %parallel_loop3A_158 = arith.constant 0 : i32
    %parallel_loop3A_159 = arith.constant 64 : i32
    %parallel_loop3A_160 = arith.constant 1 : i32
    %parallel_loop3A_161 = arith.constant 0 : i32
    %parallel_loop3A_162 = scf.for %parallel_loop3A_210 = %parallel_loop3A_158 to %parallel_loop3A_159 step %parallel_loop3A_160 iter_args(%parallel_loop3A_211 = %parallel_loop3A_161) -> (i32)  : i32 {
      %parallel_loop3A_212 = arith.constant 2 : i32
      %parallel_loop3A_213 = arith.muli %parallel_loop3A_212, %parallel_loop3A_210 : i32
      %parallel_loop3A_214 = arith.index_cast %parallel_loop3A_213 : i32 to index
      %parallel_loop3A_215 = arith.constant 0 : index
      %parallel_loop3A_216 = tpu.vector_load %arg9[%parallel_loop3A_214, %parallel_loop3A_215] {strides = array<i32>} : memref<128x128xf32, #tpu.memory_space<vmem>>, vector<16xf32>,
      %parallel_loop3A_217 = arith.constant 1 : i32
      %parallel_loop3A_218 = arith.addi %parallel_loop3A_213, %parallel_loop3A_217 : i32
      %parallel_loop3A_219 = arith.index_cast %parallel_loop3A_218 : i32 to index
      %parallel_loop3A_220 = arith.constant 0 : index
      %parallel_loop3A_221 = tpu.vector_load %arg9[%parallel_loop3A_219, %parallel_loop3A_220] {strides = array<i32>} : memref<128x128xf32, #tpu.memory_space<vmem>>, vector<16xf32>,
      %parallel_loop3A_222 = arith.subf %parallel_loop3A_216, %parallel_loop3A_221 : vector<16xf32>
      %parallel_loop3A_223 = arith.mulf %parallel_loop3A_222, %parallel_loop3A_222 : vector<16xf32>
      %parallel_loop3A_224 = arith.index_cast %parallel_loop3A_213 : i32 to index
      %parallel_loop3A_225 = arith.constant 16 : index
      %parallel_loop3A_226 = tpu.vector_load %arg9[%parallel_loop3A_224, %parallel_loop3A_225] {strides = array<i32>} : memref<128x128xf32, #tpu.memory_space<vmem>>, vector<16xf32>,
      %parallel_loop3A_227 = arith.constant 1 : i32
      %parallel_loop3A_228 = arith.addi %parallel_loop3A_213, %parallel_loop3A_227 : i32
      %parallel_loop3A_229 = arith.index_cast %parallel_loop3A_228 : i32 to index
      %parallel_loop3A_230 = arith.constant 16 : index
      %parallel_loop3A_231 = tpu.vector_load %arg9[%parallel_loop3A_229, %parallel_loop3A_230] {strides = array<i32>} : memref<128x128xf32, #tpu.memory_space<vmem>>, vector<16xf32>,
      %parallel_loop3A_232 = arith.subf %parallel_loop3A_226, %parallel_loop3A_231 : vector<16xf32>
      %parallel_loop3A_233 = arith.mulf %parallel_loop3A_232, %parallel_loop3A_232 : vector<16xf32>
      %parallel_loop3A_234 = arith.index_cast %parallel_loop3A_213 : i32 to index
      %parallel_loop3A_235 = arith.constant 32 : index
      %parallel_loop3A_236 = tpu.vector_load %arg9[%parallel_loop3A_234, %parallel_loop3A_235] {strides = array<i32>} : memref<128x128xf32, #tpu.memory_space<vmem>>, vector<16xf32>,
      %parallel_loop3A_237 = arith.constant 1 : i32
      %parallel_loop3A_238 = arith.addi %parallel_loop3A_213, %parallel_loop3A_237 : i32
      %parallel_loop3A_239 = arith.index_cast %parallel_loop3A_238 : i32 to index
      %parallel_loop3A_240 = arith.constant 32 : index
      %parallel_loop3A_241 = tpu.vector_load %arg9[%parallel_loop3A_239, %parallel_loop3A_240] {strides = array<i32>} : memref<128x128xf32, #tpu.memory_space<vmem>>, vector<16xf32>,
      %parallel_loop3A_242 = arith.subf %parallel_loop3A_236, %parallel_loop3A_241 : vector<16xf32>
      %parallel_loop3A_243 = arith.mulf %parallel_loop3A_242, %parallel_loop3A_242 : vector<16xf32>
      %parallel_loop3A_244 = arith.addf %parallel_loop3A_223, %parallel_loop3A_243 : vector<16xf32>
      %parallel_loop3A_245 = arith.index_cast %parallel_loop3A_213 : i32 to index
      %parallel_loop3A_246 = arith.constant 48 : index
      %parallel_loop3A_247 = tpu.vector_load %arg9[%parallel_loop3A_245, %parallel_loop3A_246] {strides = array<i32>} : memref<128x128xf32, #tpu.memory_space<vmem>>, vector<16xf32>,
      %parallel_loop3A_248 = arith.constant 1 : i32
      %parallel_loop3A_249 = arith.addi %parallel_loop3A_213, %parallel_loop3A_248 : i32
      %parallel_loop3A_250 = arith.index_cast %parallel_loop3A_249 : i32 to index
      %parallel_loop3A_251 = arith.constant 48 : index
      %parallel_loop3A_252 = tpu.vector_load %arg9[%parallel_loop3A_250, %parallel_loop3A_251] {strides = array<i32>} : memref<128x128xf32, #tpu.memory_space<vmem>>, vector<16xf32>,
      %parallel_loop3A_253 = arith.subf %parallel_loop3A_247, %parallel_loop3A_252 : vector<16xf32>
      %parallel_loop3A_254 = arith.mulf %parallel_loop3A_253, %parallel_loop3A_253 : vector<16xf32>
      %parallel_loop3A_255 = arith.addf %parallel_loop3A_233, %parallel_loop3A_254 : vector<16xf32>
      %parallel_loop3A_256 = arith.index_cast %parallel_loop3A_213 : i32 to index
      %parallel_loop3A_257 = arith.constant 64 : index
      %parallel_loop3A_258 = tpu.vector_load %arg9[%parallel_loop3A_256, %parallel_loop3A_257] {strides = array<i32>} : memref<128x128xf32, #tpu.memory_space<vmem>>, vector<16xf32>,
      %parallel_loop3A_259 = arith.constant 1 : i32
      %parallel_loop3A_260 = arith.addi %parallel_loop3A_213, %parallel_loop3A_259 : i32
      %parallel_loop3A_261 = arith.index_cast %parallel_loop3A_260 : i32 to index
      %parallel_loop3A_262 = arith.constant 64 : index
      %parallel_loop3A_263 = tpu.vector_load %arg9[%parallel_loop3A_261, %parallel_loop3A_262] {strides = array<i32>} : memref<128x128xf32, #tpu.memory_space<vmem>>, vector<16xf32>,
      %parallel_loop3A_264 = arith.subf %parallel_loop3A_258, %parallel_loop3A_263 : vector<16xf32>
      %parallel_loop3A_265 = arith.mulf %parallel_loop3A_264, %parallel_loop3A_264 : vector<16xf32>
      %parallel_loop3A_266 = arith.addf %parallel_loop3A_244, %parallel_loop3A_265 : vector<16xf32>
      %parallel_loop3A_267 = arith.index_cast %parallel_loop3A_213 : i32 to index
      %parallel_loop3A_268 = arith.constant 80 : index
      %parallel_loop3A_269 = tpu.vector_load %arg9[%parallel_loop3A_267, %parallel_loop3A_268] {strides = array<i32>} : memref<128x128xf32, #tpu.memory_space<vmem>>, vector<16xf32>,
      %parallel_loop3A_270 = arith.constant 1 : i32
      %parallel_loop3A_271 = arith.addi %parallel_loop3A_213, %parallel_loop3A_270 : i32
      %parallel_loop3A_272 = arith.index_cast %parallel_loop3A_271 : i32 to index
      %parallel_loop3A_273 = arith.constant 80 : index
      %parallel_loop3A_274 = tpu.vector_load %arg9[%parallel_loop3A_272, %parallel_loop3A_273] {strides = array<i32>} : memref<128x128xf32, #tpu.memory_space<vmem>>, vector<16xf32>,
      %parallel_loop3A_275 = arith.subf %parallel_loop3A_269, %parallel_loop3A_274 : vector<16xf32>
      %parallel_loop3A_276 = arith.mulf %parallel_loop3A_275, %parallel_loop3A_275 : vector<16xf32>
      %parallel_loop3A_277 = arith.addf %parallel_loop3A_255, %parallel_loop3A_276 : vector<16xf32>
      %parallel_loop3A_278 = arith.index_cast %parallel_loop3A_213 : i32 to index
      %parallel_loop3A_279 = arith.constant 96 : index
      %parallel_loop3A_280 = tpu.vector_load %arg9[%parallel_loop3A_278, %parallel_loop3A_279] {strides = array<i32>} : memref<128x128xf32, #tpu.memory_space<vmem>>, vector<16xf32>,
      %parallel_loop3A_281 = arith.constant 1 : i32
      %parallel_loop3A_282 = arith.addi %parallel_loop3A_213, %parallel_loop3A_281 : i32
      %parallel_loop3A_283 = arith.index_cast %parallel_loop3A_282 : i32 to index
      %parallel_loop3A_284 = arith.constant 96 : index
      %parallel_loop3A_285 = tpu.vector_load %arg9[%parallel_loop3A_283, %parallel_loop3A_284] {strides = array<i32>} : memref<128x128xf32, #tpu.memory_space<vmem>>, vector<16xf32>,
      %parallel_loop3A_286 = arith.subf %parallel_loop3A_280, %parallel_loop3A_285 : vector<16xf32>
      %parallel_loop3A_287 = arith.mulf %parallel_loop3A_286, %parallel_loop3A_286 : vector<16xf32>
      %parallel_loop3A_288 = arith.addf %parallel_loop3A_266, %parallel_loop3A_287 : vector<16xf32>
      %parallel_loop3A_289 = arith.index_cast %parallel_loop3A_213 : i32 to index
      %parallel_loop3A_290 = arith.constant 112 : index
      %parallel_loop3A_291 = tpu.vector_load %arg9[%parallel_loop3A_289, %parallel_loop3A_290] {strides = array<i32>} : memref<128x128xf32, #tpu.memory_space<vmem>>, vector<16xf32>,
      %parallel_loop3A_292 = arith.constant 1 : i32
      %parallel_loop3A_293 = arith.addi %parallel_loop3A_213, %parallel_loop3A_292 : i32
      %parallel_loop3A_294 = arith.index_cast %parallel_loop3A_293 : i32 to index
      %parallel_loop3A_295 = arith.constant 112 : index
      %parallel_loop3A_296 = tpu.vector_load %arg9[%parallel_loop3A_294, %parallel_loop3A_295] {strides = array<i32>} : memref<128x128xf32, #tpu.memory_space<vmem>>, vector<16xf32>,
      %parallel_loop3A_297 = arith.subf %parallel_loop3A_291, %parallel_loop3A_296 : vector<16xf32>
      %parallel_loop3A_298 = arith.mulf %parallel_loop3A_297, %parallel_loop3A_297 : vector<16xf32>
      %parallel_loop3A_299 = arith.addf %parallel_loop3A_277, %parallel_loop3A_298 : vector<16xf32>
      %parallel_loop3A_300 = arith.addf %parallel_loop3A_288, %parallel_loop3A_299 : vector<16xf32>
      %parallel_loop3A_301 = arith.constant 16 : i32
      %parallel_loop3A_302 = arith.muli %parallel_loop3A_210, %parallel_loop3A_301 : i32
      %parallel_loop3A_303 = arith.index_cast %parallel_loop3A_302 : i32 to index
      %parallel_loop3A_304 = tpu.vector_load %arg12[%parallel_loop3A_303] {strides = array<i32>} : memref<1024xf32, #tpu.memory_space<vmem>>, vector<16xf32>,
      tpu.vector_store %arg12[%parallel_loop3A_303], %parallel_loop3A_300 {strides = array<i32>} : memref<1024xf32, #tpu.memory_space<vmem>>, vector<16xf32>,
      %parallel_loop3A_305 = arith.constant 1 : i32
      %parallel_loop3A_306 = arith.addi %parallel_loop3A_211, %parallel_loop3A_305 : i32
      scf.yield %parallel_loop3A_306 : i32
    } {sc.loop_unroll_factor = 2 : i64, sc.parallel_access}
    %iota3A_163 = tpu.iota {dimensions = array<i32: 0>} : vector<16xi32>
    %mul3A_164 = arith.constant 16 : i32
    %mul3A_165 = vector.broadcast %mul3A_164 : i32 to vector<16xi32>
    %mul3A_166 = arith.muli %iota3A_163, %mul3A_165 : vector<16xi32>
    %parallel_loop3A_167 = arith.constant 0 : i32
    %parallel_loop3A_168 = arith.constant 4 : i32
    %parallel_loop3A_169 = arith.constant 1 : i32
    scf.for %parallel_loop3A_210 = %parallel_loop3A_167 to %parallel_loop3A_168 step %parallel_loop3A_169  : i32 {
      %parallel_loop3A_211 = arith.constant 256 : i32
      %parallel_loop3A_212 = arith.muli %parallel_loop3A_210, %parallel_loop3A_211 : i32
      %parallel_loop3A_213 = arith.addi %parallel_loop3A_212, %parallel_loop3A_162 : i32
      %parallel_loop3A_214 = arith.constant 64 : i32
      %parallel_loop3A_215 = arith.subi %parallel_loop3A_213, %parallel_loop3A_214 : i32
      %parallel_loop3A_216 = vector.broadcast %parallel_loop3A_215 : i32 to vector<16xi32>
      %parallel_loop3A_217 = arith.addi %mul3A_166, %parallel_loop3A_216 : vector<16xi32>
      %parallel_loop3A_218 = tpu.vector_load_idx %arg12[%parallel_loop3A_217] : memref<1024xf32, #tpu.memory_space<vmem>>[vector<16xi32>], vector<16xf32>,
      %parallel_loop3A_219 = arith.constant 1 : i32
      %parallel_loop3A_220 = vector.broadcast %parallel_loop3A_219 : i32 to vector<16xi32>
      %parallel_loop3A_221 = arith.addi %parallel_loop3A_217, %parallel_loop3A_220 : vector<16xi32>
      %parallel_loop3A_222 = tpu.vector_load_idx %arg12[%parallel_loop3A_221] : memref<1024xf32, #tpu.memory_space<vmem>>[vector<16xi32>], vector<16xf32>,
      %parallel_loop3A_223 = arith.addf %parallel_loop3A_218, %parallel_loop3A_222 : vector<16xf32>
      %parallel_loop3A_224 = arith.constant 2 : i32
      %parallel_loop3A_225 = vector.broadcast %parallel_loop3A_224 : i32 to vector<16xi32>
      %parallel_loop3A_226 = arith.addi %parallel_loop3A_217, %parallel_loop3A_225 : vector<16xi32>
      %parallel_loop3A_227 = tpu.vector_load_idx %arg12[%parallel_loop3A_226] : memref<1024xf32, #tpu.memory_space<vmem>>[vector<16xi32>], vector<16xf32>,
      %parallel_loop3A_228 = arith.addf %parallel_loop3A_223, %parallel_loop3A_227 : vector<16xf32>
      %parallel_loop3A_229 = arith.constant 3 : i32
      %parallel_loop3A_230 = vector.broadcast %parallel_loop3A_229 : i32 to vector<16xi32>
      %parallel_loop3A_231 = arith.addi %parallel_loop3A_217, %parallel_loop3A_230 : vector<16xi32>
      %parallel_loop3A_232 = tpu.vector_load_idx %arg12[%parallel_loop3A_231] : memref<1024xf32, #tpu.memory_space<vmem>>[vector<16xi32>], vector<16xf32>,
      %parallel_loop3A_233 = arith.addf %parallel_loop3A_228, %parallel_loop3A_232 : vector<16xf32>
      %parallel_loop3A_234 = arith.constant 4 : i32
      %parallel_loop3A_235 = vector.broadcast %parallel_loop3A_234 : i32 to vector<16xi32>
      %parallel_loop3A_236 = arith.addi %parallel_loop3A_217, %parallel_loop3A_235 : vector<16xi32>
      %parallel_loop3A_237 = tpu.vector_load_idx %arg12[%parallel_loop3A_236] : memref<1024xf32, #tpu.memory_space<vmem>>[vector<16xi32>], vector<16xf32>,
      %parallel_loop3A_238 = arith.addf %parallel_loop3A_233, %parallel_loop3A_237 : vector<16xf32>
      %parallel_loop3A_239 = arith.constant 5 : i32
      %parallel_loop3A_240 = vector.broadcast %parallel_loop3A_239 : i32 to vector<16xi32>
      %parallel_loop3A_241 = arith.addi %parallel_loop3A_217, %parallel_loop3A_240 : vector<16xi32>
      %parallel_loop3A_242 = tpu.vector_load_idx %arg12[%parallel_loop3A_241] : memref<1024xf32, #tpu.memory_space<vmem>>[vector<16xi32>], vector<16xf32>,
      %parallel_loop3A_243 = arith.addf %parallel_loop3A_238, %parallel_loop3A_242 : vector<16xf32>
      %parallel_loop3A_244 = arith.constant 6 : i32
      %parallel_loop3A_245 = vector.broadcast %parallel_loop3A_244 : i32 to vector<16xi32>
      %parallel_loop3A_246 = arith.addi %parallel_loop3A_217, %parallel_loop3A_245 : vector<16xi32>
      %parallel_loop3A_247 = tpu.vector_load_idx %arg12[%parallel_loop3A_246] : memref<1024xf32, #tpu.memory_space<vmem>>[vector<16xi32>], vector<16xf32>,
      %parallel_loop3A_248 = arith.addf %parallel_loop3A_243, %parallel_loop3A_247 : vector<16xf32>
      %parallel_loop3A_249 = arith.constant 7 : i32
      %parallel_loop3A_250 = vector.broadcast %parallel_loop3A_249 : i32 to vector<16xi32>
      %parallel_loop3A_251 = arith.addi %parallel_loop3A_217, %parallel_loop3A_250 : vector<16xi32>
      %parallel_loop3A_252 = tpu.vector_load_idx %arg12[%parallel_loop3A_251] : memref<1024xf32, #tpu.memory_space<vmem>>[vector<16xi32>], vector<16xf32>,
      %parallel_loop3A_253 = arith.addf %parallel_loop3A_248, %parallel_loop3A_252 : vector<16xf32>
      %parallel_loop3A_254 = arith.constant 8 : i32
      %parallel_loop3A_255 = vector.broadcast %parallel_loop3A_254 : i32 to vector<16xi32>
      %parallel_loop3A_256 = arith.addi %parallel_loop3A_217, %parallel_loop3A_255 : vector<16xi32>
      %parallel_loop3A_257 = tpu.vector_load_idx %arg12[%parallel_loop3A_256] : memref<1024xf32, #tpu.memory_space<vmem>>[vector<16xi32>], vector<16xf32>,
      %parallel_loop3A_258 = arith.addf %parallel_loop3A_253, %parallel_loop3A_257 : vector<16xf32>
      %parallel_loop3A_259 = arith.constant 9 : i32
      %parallel_loop3A_260 = vector.broadcast %parallel_loop3A_259 : i32 to vector<16xi32>
      %parallel_loop3A_261 = arith.addi %parallel_loop3A_217, %parallel_loop3A_260 : vector<16xi32>
      %parallel_loop3A_262 = tpu.vector_load_idx %arg12[%parallel_loop3A_261] : memref<1024xf32, #tpu.memory_space<vmem>>[vector<16xi32>], vector<16xf32>,
      %parallel_loop3A_263 = arith.addf %parallel_loop3A_258, %parallel_loop3A_262 : vector<16xf32>
      %parallel_loop3A_264 = arith.constant 10 : i32
      %parallel_loop3A_265 = vector.broadcast %parallel_loop3A_264 : i32 to vector<16xi32>
      %parallel_loop3A_266 = arith.addi %parallel_loop3A_217, %parallel_loop3A_265 : vector<16xi32>
      %parallel_loop3A_267 = tpu.vector_load_idx %arg12[%parallel_loop3A_266] : memref<1024xf32, #tpu.memory_space<vmem>>[vector<16xi32>], vector<16xf32>,
      %parallel_loop3A_268 = arith.addf %parallel_loop3A_263, %parallel_loop3A_267 : vector<16xf32>
      %parallel_loop3A_269 = arith.constant 11 : i32
      %parallel_loop3A_270 = vector.broadcast %parallel_loop3A_269 : i32 to vector<16xi32>
      %parallel_loop3A_271 = arith.addi %parallel_loop3A_217, %parallel_loop3A_270 : vector<16xi32>
      %parallel_loop3A_272 = tpu.vector_load_idx %arg12[%parallel_loop3A_271] : memref<1024xf32, #tpu.memory_space<vmem>>[vector<16xi32>], vector<16xf32>,
      %parallel_loop3A_273 = arith.addf %parallel_loop3A_268, %parallel_loop3A_272 : vector<16xf32>
      %parallel_loop3A_274 = arith.constant 12 : i32
      %parallel_loop3A_275 = vector.broadcast %parallel_loop3A_274 : i32 to vector<16xi32>
      %parallel_loop3A_276 = arith.addi %parallel_loop3A_217, %parallel_loop3A_275 : vector<16xi32>
      %parallel_loop3A_277 = tpu.vector_load_idx %arg12[%parallel_loop3A_276] : memref<1024xf32, #tpu.memory_space<vmem>>[vector<16xi32>], vector<16xf32>,
      %parallel_loop3A_278 = arith.addf %parallel_loop3A_273, %parallel_loop3A_277 : vector<16xf32>
      %parallel_loop3A_279 = arith.constant 13 : i32
      %parallel_loop3A_280 = vector.broadcast %parallel_loop3A_279 : i32 to vector<16xi32>
      %parallel_loop3A_281 = arith.addi %parallel_loop3A_217, %parallel_loop3A_280 : vector<16xi32>
      %parallel_loop3A_282 = tpu.vector_load_idx %arg12[%parallel_loop3A_281] : memref<1024xf32, #tpu.memory_space<vmem>>[vector<16xi32>], vector<16xf32>,
      %parallel_loop3A_283 = arith.addf %parallel_loop3A_278, %parallel_loop3A_282 : vector<16xf32>
      %parallel_loop3A_284 = arith.constant 14 : i32
      %parallel_loop3A_285 = vector.broadcast %parallel_loop3A_284 : i32 to vector<16xi32>
      %parallel_loop3A_286 = arith.addi %parallel_loop3A_217, %parallel_loop3A_285 : vector<16xi32>
      %parallel_loop3A_287 = tpu.vector_load_idx %arg12[%parallel_loop3A_286] : memref<1024xf32, #tpu.memory_space<vmem>>[vector<16xi32>], vector<16xf32>,
      %parallel_loop3A_288 = arith.addf %parallel_loop3A_283, %parallel_loop3A_287 : vector<16xf32>
      %parallel_loop3A_289 = arith.constant 15 : i32
      %parallel_loop3A_290 = vector.broadcast %parallel_loop3A_289 : i32 to vector<16xi32>
      %parallel_loop3A_291 = arith.addi %parallel_loop3A_217, %parallel_loop3A_290 : vector<16xi32>
      %parallel_loop3A_292 = tpu.vector_load_idx %arg12[%parallel_loop3A_291] : memref<1024xf32, #tpu.memory_space<vmem>>[vector<16xi32>], vector<16xf32>,
      %parallel_loop3A_293 = arith.addf %parallel_loop3A_288, %parallel_loop3A_292 : vector<16xf32>
      %parallel_loop3A_294 = arith.constant 9.99999996E-13 : f32
      %parallel_loop3A_295 = vector.broadcast %parallel_loop3A_294 : f32 to vector<16xf32>
      %parallel_loop3A_296 = arith.addf %parallel_loop3A_293, %parallel_loop3A_295 : vector<16xf32>
      %parallel_loop3A_297 = vector.bitcast %parallel_loop3A_296 : vector<16xf32> to vector<16xi32>
      %parallel_loop3A_298 = arith.constant 1 : i32
      %parallel_loop3A_299 = vector.broadcast %parallel_loop3A_298 : i32 to vector<16xi32>
      %parallel_loop3A_300 = arith.shrsi %parallel_loop3A_297, %parallel_loop3A_299 : vector<16xi32>
      %parallel_loop3A_301 = arith.constant 1597463007 : i32
      %parallel_loop3A_302 = vector.broadcast %parallel_loop3A_301 : i32 to vector<16xi32>
      %parallel_loop3A_303 = arith.subi %parallel_loop3A_302, %parallel_loop3A_300 : vector<16xi32>
      %parallel_loop3A_304 = vector.bitcast %parallel_loop3A_303 : vector<16xi32> to vector<16xf32>
      %parallel_loop3A_305 = arith.constant 5.000000e-01 : f32
      %parallel_loop3A_306 = vector.broadcast %parallel_loop3A_305 : f32 to vector<16xf32>
      %parallel_loop3A_307 = arith.mulf %parallel_loop3A_296, %parallel_loop3A_306 : vector<16xf32>
      %parallel_loop3A_308 = arith.mulf %parallel_loop3A_307, %parallel_loop3A_304 : vector<16xf32>
      %parallel_loop3A_309 = arith.mulf %parallel_loop3A_308, %parallel_loop3A_304 : vector<16xf32>
      %parallel_loop3A_310 = arith.constant 1.500000e+00 : f32
      %parallel_loop3A_311 = vector.broadcast %parallel_loop3A_310 : f32 to vector<16xf32>
      %parallel_loop3A_312 = arith.subf %parallel_loop3A_311, %parallel_loop3A_309 : vector<16xf32>
      %parallel_loop3A_313 = arith.mulf %parallel_loop3A_304, %parallel_loop3A_312 : vector<16xf32>
      %parallel_loop3A_314 = arith.mulf %parallel_loop3A_307, %parallel_loop3A_313 : vector<16xf32>
      %parallel_loop3A_315 = arith.mulf %parallel_loop3A_314, %parallel_loop3A_313 : vector<16xf32>
      %parallel_loop3A_316 = arith.constant 1.500000e+00 : f32
      %parallel_loop3A_317 = vector.broadcast %parallel_loop3A_316 : f32 to vector<16xf32>
      %parallel_loop3A_318 = arith.subf %parallel_loop3A_317, %parallel_loop3A_315 : vector<16xf32>
      %parallel_loop3A_319 = arith.mulf %parallel_loop3A_313, %parallel_loop3A_318 : vector<16xf32>
      %parallel_loop3A_320 = arith.mulf %parallel_loop3A_307, %parallel_loop3A_319 : vector<16xf32>
      %parallel_loop3A_321 = arith.mulf %parallel_loop3A_320, %parallel_loop3A_319 : vector<16xf32>
      %parallel_loop3A_322 = arith.constant 1.500000e+00 : f32
      %parallel_loop3A_323 = vector.broadcast %parallel_loop3A_322 : f32 to vector<16xf32>
      %parallel_loop3A_324 = arith.subf %parallel_loop3A_323, %parallel_loop3A_321 : vector<16xf32>
      %parallel_loop3A_325 = arith.mulf %parallel_loop3A_319, %parallel_loop3A_324 : vector<16xf32>
      %parallel_loop3A_326 = arith.mulf %parallel_loop3A_296, %parallel_loop3A_325 : vector<16xf32>
      %parallel_loop3A_327 = arith.mulf %parallel_loop3A_326, %exp3A : vector<16xf32>
      %parallel_loop3A_328 = arith.constant 16 : i32
      %parallel_loop3A_329 = arith.muli %parallel_loop3A_210, %parallel_loop3A_328 : i32
      %parallel_loop3A_330 = arith.constant 320 : i32
      %parallel_loop3A_331 = arith.addi %parallel_loop3A_330, %parallel_loop3A_329 : i32
      %parallel_loop3A_332 = arith.index_cast %parallel_loop3A_331 : i32 to index
      %parallel_loop3A_333 = tpu.vector_load %arg11[%parallel_loop3A_332] {strides = array<i32>} : memref<512xf32, #tpu.memory_space<vmem>>, vector<16xf32>,
      tpu.vector_store %arg11[%parallel_loop3A_332], %parallel_loop3A_327 {strides = array<i32>} : memref<512xf32, #tpu.memory_space<vmem>>, vector<16xf32>,
    } {sc.loop_unroll_factor = 1 : i64, sc.parallel_access}
    %dma_wait3A_170 = arith.constant 6 : i32
    %dma_wait3A_171 = arith.constant 0 : i32
    %dma_wait3A_172 = tpu.memref_slice %arg6[%dma_wait3A_170, %dma_wait3A_171] : memref<8x128xi32, #tpu.memory_space<vmem>> -> memref<1x128xi32, #tpu.memory_space<vmem>>
    %dma_wait3A_173 = tpu.memref_squeeze %dma_wait3A_172 : memref<1x128xi32, #tpu.memory_space<vmem>> -> memref<128xi32, #tpu.memory_space<vmem>>
    %dma_wait3A_174 = arith.constant 0 : i32
    %dma_wait3A_175 = arith.constant 0 : i32
    %dma_wait3A_176 = tpu.memref_slice %arg2[%dma_wait3A_174, %dma_wait3A_175] : memref<100000x128xf32, #tpu.memory_space<hbm>> -> memref<100000x128xf32, #tpu.memory_space<hbm>>
    tpu.wait_indirect_dma semaphore(%arg13 : memref<!tpu.dma_semaphore, #tpu.memory_space<semaphore_mem>>) src(%dma_wait3A_176 : memref<100000x128xf32, #tpu.memory_space<hbm>>) dst(%arg7 : memref<128x128xf32, #tpu.memory_space<vmem>>)
    %parallel_loop3A_177 = arith.constant 0 : i32
    %parallel_loop3A_178 = arith.constant 64 : i32
    %parallel_loop3A_179 = arith.constant 1 : i32
    %parallel_loop3A_180 = arith.constant 0 : i32
    %parallel_loop3A_181 = scf.for %parallel_loop3A_210 = %parallel_loop3A_177 to %parallel_loop3A_178 step %parallel_loop3A_179 iter_args(%parallel_loop3A_211 = %parallel_loop3A_180) -> (i32)  : i32 {
      %parallel_loop3A_212 = arith.constant 2 : i32
      %parallel_loop3A_213 = arith.muli %parallel_loop3A_212, %parallel_loop3A_210 : i32
      %parallel_loop3A_214 = arith.index_cast %parallel_loop3A_213 : i32 to index
      %parallel_loop3A_215 = arith.constant 0 : index
      %parallel_loop3A_216 = tpu.vector_load %arg7[%parallel_loop3A_214, %parallel_loop3A_215] {strides = array<i32>} : memref<128x128xf32, #tpu.memory_space<vmem>>, vector<16xf32>,
      %parallel_loop3A_217 = arith.constant 1 : i32
      %parallel_loop3A_218 = arith.addi %parallel_loop3A_213, %parallel_loop3A_217 : i32
      %parallel_loop3A_219 = arith.index_cast %parallel_loop3A_218 : i32 to index
      %parallel_loop3A_220 = arith.constant 0 : index
      %parallel_loop3A_221 = tpu.vector_load %arg7[%parallel_loop3A_219, %parallel_loop3A_220] {strides = array<i32>} : memref<128x128xf32, #tpu.memory_space<vmem>>, vector<16xf32>,
      %parallel_loop3A_222 = arith.subf %parallel_loop3A_216, %parallel_loop3A_221 : vector<16xf32>
      %parallel_loop3A_223 = arith.mulf %parallel_loop3A_222, %parallel_loop3A_222 : vector<16xf32>
      %parallel_loop3A_224 = arith.index_cast %parallel_loop3A_213 : i32 to index
      %parallel_loop3A_225 = arith.constant 16 : index
      %parallel_loop3A_226 = tpu.vector_load %arg7[%parallel_loop3A_224, %parallel_loop3A_225] {strides = array<i32>} : memref<128x128xf32, #tpu.memory_space<vmem>>, vector<16xf32>,
      %parallel_loop3A_227 = arith.constant 1 : i32
      %parallel_loop3A_228 = arith.addi %parallel_loop3A_213, %parallel_loop3A_227 : i32
      %parallel_loop3A_229 = arith.index_cast %parallel_loop3A_228 : i32 to index
      %parallel_loop3A_230 = arith.constant 16 : index
      %parallel_loop3A_231 = tpu.vector_load %arg7[%parallel_loop3A_229, %parallel_loop3A_230] {strides = array<i32>} : memref<128x128xf32, #tpu.memory_space<vmem>>, vector<16xf32>,
      %parallel_loop3A_232 = arith.subf %parallel_loop3A_226, %parallel_loop3A_231 : vector<16xf32>
      %parallel_loop3A_233 = arith.mulf %parallel_loop3A_232, %parallel_loop3A_232 : vector<16xf32>
      %parallel_loop3A_234 = arith.index_cast %parallel_loop3A_213 : i32 to index
      %parallel_loop3A_235 = arith.constant 32 : index
      %parallel_loop3A_236 = tpu.vector_load %arg7[%parallel_loop3A_234, %parallel_loop3A_235] {strides = array<i32>} : memref<128x128xf32, #tpu.memory_space<vmem>>, vector<16xf32>,
      %parallel_loop3A_237 = arith.constant 1 : i32
      %parallel_loop3A_238 = arith.addi %parallel_loop3A_213, %parallel_loop3A_237 : i32
      %parallel_loop3A_239 = arith.index_cast %parallel_loop3A_238 : i32 to index
      %parallel_loop3A_240 = arith.constant 32 : index
      %parallel_loop3A_241 = tpu.vector_load %arg7[%parallel_loop3A_239, %parallel_loop3A_240] {strides = array<i32>} : memref<128x128xf32, #tpu.memory_space<vmem>>, vector<16xf32>,
      %parallel_loop3A_242 = arith.subf %parallel_loop3A_236, %parallel_loop3A_241 : vector<16xf32>
      %parallel_loop3A_243 = arith.mulf %parallel_loop3A_242, %parallel_loop3A_242 : vector<16xf32>
      %parallel_loop3A_244 = arith.addf %parallel_loop3A_223, %parallel_loop3A_243 : vector<16xf32>
      %parallel_loop3A_245 = arith.index_cast %parallel_loop3A_213 : i32 to index
      %parallel_loop3A_246 = arith.constant 48 : index
      %parallel_loop3A_247 = tpu.vector_load %arg7[%parallel_loop3A_245, %parallel_loop3A_246] {strides = array<i32>} : memref<128x128xf32, #tpu.memory_space<vmem>>, vector<16xf32>,
      %parallel_loop3A_248 = arith.constant 1 : i32
      %parallel_loop3A_249 = arith.addi %parallel_loop3A_213, %parallel_loop3A_248 : i32
      %parallel_loop3A_250 = arith.index_cast %parallel_loop3A_249 : i32 to index
      %parallel_loop3A_251 = arith.constant 48 : index
      %parallel_loop3A_252 = tpu.vector_load %arg7[%parallel_loop3A_250, %parallel_loop3A_251] {strides = array<i32>} : memref<128x128xf32, #tpu.memory_space<vmem>>, vector<16xf32>,
      %parallel_loop3A_253 = arith.subf %parallel_loop3A_247, %parallel_loop3A_252 : vector<16xf32>
      %parallel_loop3A_254 = arith.mulf %parallel_loop3A_253, %parallel_loop3A_253 : vector<16xf32>
      %parallel_loop3A_255 = arith.addf %parallel_loop3A_233, %parallel_loop3A_254 : vector<16xf32>
      %parallel_loop3A_256 = arith.index_cast %parallel_loop3A_213 : i32 to index
      %parallel_loop3A_257 = arith.constant 64 : index
      %parallel_loop3A_258 = tpu.vector_load %arg7[%parallel_loop3A_256, %parallel_loop3A_257] {strides = array<i32>} : memref<128x128xf32, #tpu.memory_space<vmem>>, vector<16xf32>,
      %parallel_loop3A_259 = arith.constant 1 : i32
      %parallel_loop3A_260 = arith.addi %parallel_loop3A_213, %parallel_loop3A_259 : i32
      %parallel_loop3A_261 = arith.index_cast %parallel_loop3A_260 : i32 to index
      %parallel_loop3A_262 = arith.constant 64 : index
      %parallel_loop3A_263 = tpu.vector_load %arg7[%parallel_loop3A_261, %parallel_loop3A_262] {strides = array<i32>} : memref<128x128xf32, #tpu.memory_space<vmem>>, vector<16xf32>,
      %parallel_loop3A_264 = arith.subf %parallel_loop3A_258, %parallel_loop3A_263 : vector<16xf32>
      %parallel_loop3A_265 = arith.mulf %parallel_loop3A_264, %parallel_loop3A_264 : vector<16xf32>
      %parallel_loop3A_266 = arith.addf %parallel_loop3A_244, %parallel_loop3A_265 : vector<16xf32>
      %parallel_loop3A_267 = arith.index_cast %parallel_loop3A_213 : i32 to index
      %parallel_loop3A_268 = arith.constant 80 : index
      %parallel_loop3A_269 = tpu.vector_load %arg7[%parallel_loop3A_267, %parallel_loop3A_268] {strides = array<i32>} : memref<128x128xf32, #tpu.memory_space<vmem>>, vector<16xf32>,
      %parallel_loop3A_270 = arith.constant 1 : i32
      %parallel_loop3A_271 = arith.addi %parallel_loop3A_213, %parallel_loop3A_270 : i32
      %parallel_loop3A_272 = arith.index_cast %parallel_loop3A_271 : i32 to index
      %parallel_loop3A_273 = arith.constant 80 : index
      %parallel_loop3A_274 = tpu.vector_load %arg7[%parallel_loop3A_272, %parallel_loop3A_273] {strides = array<i32>} : memref<128x128xf32, #tpu.memory_space<vmem>>, vector<16xf32>,
      %parallel_loop3A_275 = arith.subf %parallel_loop3A_269, %parallel_loop3A_274 : vector<16xf32>
      %parallel_loop3A_276 = arith.mulf %parallel_loop3A_275, %parallel_loop3A_275 : vector<16xf32>
      %parallel_loop3A_277 = arith.addf %parallel_loop3A_255, %parallel_loop3A_276 : vector<16xf32>
      %parallel_loop3A_278 = arith.index_cast %parallel_loop3A_213 : i32 to index
      %parallel_loop3A_279 = arith.constant 96 : index
      %parallel_loop3A_280 = tpu.vector_load %arg7[%parallel_loop3A_278, %parallel_loop3A_279] {strides = array<i32>} : memref<128x128xf32, #tpu.memory_space<vmem>>, vector<16xf32>,
      %parallel_loop3A_281 = arith.constant 1 : i32
      %parallel_loop3A_282 = arith.addi %parallel_loop3A_213, %parallel_loop3A_281 : i32
      %parallel_loop3A_283 = arith.index_cast %parallel_loop3A_282 : i32 to index
      %parallel_loop3A_284 = arith.constant 96 : index
      %parallel_loop3A_285 = tpu.vector_load %arg7[%parallel_loop3A_283, %parallel_loop3A_284] {strides = array<i32>} : memref<128x128xf32, #tpu.memory_space<vmem>>, vector<16xf32>,
      %parallel_loop3A_286 = arith.subf %parallel_loop3A_280, %parallel_loop3A_285 : vector<16xf32>
      %parallel_loop3A_287 = arith.mulf %parallel_loop3A_286, %parallel_loop3A_286 : vector<16xf32>
      %parallel_loop3A_288 = arith.addf %parallel_loop3A_266, %parallel_loop3A_287 : vector<16xf32>
      %parallel_loop3A_289 = arith.index_cast %parallel_loop3A_213 : i32 to index
      %parallel_loop3A_290 = arith.constant 112 : index
      %parallel_loop3A_291 = tpu.vector_load %arg7[%parallel_loop3A_289, %parallel_loop3A_290] {strides = array<i32>} : memref<128x128xf32, #tpu.memory_space<vmem>>, vector<16xf32>,
      %parallel_loop3A_292 = arith.constant 1 : i32
      %parallel_loop3A_293 = arith.addi %parallel_loop3A_213, %parallel_loop3A_292 : i32
      %parallel_loop3A_294 = arith.index_cast %parallel_loop3A_293 : i32 to index
      %parallel_loop3A_295 = arith.constant 112 : index
      %parallel_loop3A_296 = tpu.vector_load %arg7[%parallel_loop3A_294, %parallel_loop3A_295] {strides = array<i32>} : memref<128x128xf32, #tpu.memory_space<vmem>>, vector<16xf32>,
      %parallel_loop3A_297 = arith.subf %parallel_loop3A_291, %parallel_loop3A_296 : vector<16xf32>
      %parallel_loop3A_298 = arith.mulf %parallel_loop3A_297, %parallel_loop3A_297 : vector<16xf32>
      %parallel_loop3A_299 = arith.addf %parallel_loop3A_277, %parallel_loop3A_298 : vector<16xf32>
      %parallel_loop3A_300 = arith.addf %parallel_loop3A_288, %parallel_loop3A_299 : vector<16xf32>
      %parallel_loop3A_301 = arith.constant 16 : i32
      %parallel_loop3A_302 = arith.muli %parallel_loop3A_210, %parallel_loop3A_301 : i32
      %parallel_loop3A_303 = arith.index_cast %parallel_loop3A_302 : i32 to index
      %parallel_loop3A_304 = tpu.vector_load %arg12[%parallel_loop3A_303] {strides = array<i32>} : memref<1024xf32, #tpu.memory_space<vmem>>, vector<16xf32>,
      tpu.vector_store %arg12[%parallel_loop3A_303], %parallel_loop3A_300 {strides = array<i32>} : memref<1024xf32, #tpu.memory_space<vmem>>, vector<16xf32>,
      %parallel_loop3A_305 = arith.constant 1 : i32
      %parallel_loop3A_306 = arith.addi %parallel_loop3A_211, %parallel_loop3A_305 : i32
      scf.yield %parallel_loop3A_306 : i32
    } {sc.loop_unroll_factor = 2 : i64, sc.parallel_access}
    %iota3A_182 = tpu.iota {dimensions = array<i32: 0>} : vector<16xi32>
    %mul3A_183 = arith.constant 16 : i32
    %mul3A_184 = vector.broadcast %mul3A_183 : i32 to vector<16xi32>
    %mul3A_185 = arith.muli %iota3A_182, %mul3A_184 : vector<16xi32>
    %parallel_loop3A_186 = arith.constant 0 : i32
    %parallel_loop3A_187 = arith.constant 4 : i32
    %parallel_loop3A_188 = arith.constant 1 : i32
    scf.for %parallel_loop3A_210 = %parallel_loop3A_186 to %parallel_loop3A_187 step %parallel_loop3A_188  : i32 {
      %parallel_loop3A_211 = arith.constant 256 : i32
      %parallel_loop3A_212 = arith.muli %parallel_loop3A_210, %parallel_loop3A_211 : i32
      %parallel_loop3A_213 = arith.addi %parallel_loop3A_212, %parallel_loop3A_181 : i32
      %parallel_loop3A_214 = arith.constant 64 : i32
      %parallel_loop3A_215 = arith.subi %parallel_loop3A_213, %parallel_loop3A_214 : i32
      %parallel_loop3A_216 = vector.broadcast %parallel_loop3A_215 : i32 to vector<16xi32>
      %parallel_loop3A_217 = arith.addi %mul3A_185, %parallel_loop3A_216 : vector<16xi32>
      %parallel_loop3A_218 = tpu.vector_load_idx %arg12[%parallel_loop3A_217] : memref<1024xf32, #tpu.memory_space<vmem>>[vector<16xi32>], vector<16xf32>,
      %parallel_loop3A_219 = arith.constant 1 : i32
      %parallel_loop3A_220 = vector.broadcast %parallel_loop3A_219 : i32 to vector<16xi32>
      %parallel_loop3A_221 = arith.addi %parallel_loop3A_217, %parallel_loop3A_220 : vector<16xi32>
      %parallel_loop3A_222 = tpu.vector_load_idx %arg12[%parallel_loop3A_221] : memref<1024xf32, #tpu.memory_space<vmem>>[vector<16xi32>], vector<16xf32>,
      %parallel_loop3A_223 = arith.addf %parallel_loop3A_218, %parallel_loop3A_222 : vector<16xf32>
      %parallel_loop3A_224 = arith.constant 2 : i32
      %parallel_loop3A_225 = vector.broadcast %parallel_loop3A_224 : i32 to vector<16xi32>
      %parallel_loop3A_226 = arith.addi %parallel_loop3A_217, %parallel_loop3A_225 : vector<16xi32>
      %parallel_loop3A_227 = tpu.vector_load_idx %arg12[%parallel_loop3A_226] : memref<1024xf32, #tpu.memory_space<vmem>>[vector<16xi32>], vector<16xf32>,
      %parallel_loop3A_228 = arith.addf %parallel_loop3A_223, %parallel_loop3A_227 : vector<16xf32>
      %parallel_loop3A_229 = arith.constant 3 : i32
      %parallel_loop3A_230 = vector.broadcast %parallel_loop3A_229 : i32 to vector<16xi32>
      %parallel_loop3A_231 = arith.addi %parallel_loop3A_217, %parallel_loop3A_230 : vector<16xi32>
      %parallel_loop3A_232 = tpu.vector_load_idx %arg12[%parallel_loop3A_231] : memref<1024xf32, #tpu.memory_space<vmem>>[vector<16xi32>], vector<16xf32>,
      %parallel_loop3A_233 = arith.addf %parallel_loop3A_228, %parallel_loop3A_232 : vector<16xf32>
      %parallel_loop3A_234 = arith.constant 4 : i32
      %parallel_loop3A_235 = vector.broadcast %parallel_loop3A_234 : i32 to vector<16xi32>
      %parallel_loop3A_236 = arith.addi %parallel_loop3A_217, %parallel_loop3A_235 : vector<16xi32>
      %parallel_loop3A_237 = tpu.vector_load_idx %arg12[%parallel_loop3A_236] : memref<1024xf32, #tpu.memory_space<vmem>>[vector<16xi32>], vector<16xf32>,
      %parallel_loop3A_238 = arith.addf %parallel_loop3A_233, %parallel_loop3A_237 : vector<16xf32>
      %parallel_loop3A_239 = arith.constant 5 : i32
      %parallel_loop3A_240 = vector.broadcast %parallel_loop3A_239 : i32 to vector<16xi32>
      %parallel_loop3A_241 = arith.addi %parallel_loop3A_217, %parallel_loop3A_240 : vector<16xi32>
      %parallel_loop3A_242 = tpu.vector_load_idx %arg12[%parallel_loop3A_241] : memref<1024xf32, #tpu.memory_space<vmem>>[vector<16xi32>], vector<16xf32>,
      %parallel_loop3A_243 = arith.addf %parallel_loop3A_238, %parallel_loop3A_242 : vector<16xf32>
      %parallel_loop3A_244 = arith.constant 6 : i32
      %parallel_loop3A_245 = vector.broadcast %parallel_loop3A_244 : i32 to vector<16xi32>
      %parallel_loop3A_246 = arith.addi %parallel_loop3A_217, %parallel_loop3A_245 : vector<16xi32>
      %parallel_loop3A_247 = tpu.vector_load_idx %arg12[%parallel_loop3A_246] : memref<1024xf32, #tpu.memory_space<vmem>>[vector<16xi32>], vector<16xf32>,
      %parallel_loop3A_248 = arith.addf %parallel_loop3A_243, %parallel_loop3A_247 : vector<16xf32>
      %parallel_loop3A_249 = arith.constant 7 : i32
      %parallel_loop3A_250 = vector.broadcast %parallel_loop3A_249 : i32 to vector<16xi32>
      %parallel_loop3A_251 = arith.addi %parallel_loop3A_217, %parallel_loop3A_250 : vector<16xi32>
      %parallel_loop3A_252 = tpu.vector_load_idx %arg12[%parallel_loop3A_251] : memref<1024xf32, #tpu.memory_space<vmem>>[vector<16xi32>], vector<16xf32>,
      %parallel_loop3A_253 = arith.addf %parallel_loop3A_248, %parallel_loop3A_252 : vector<16xf32>
      %parallel_loop3A_254 = arith.constant 8 : i32
      %parallel_loop3A_255 = vector.broadcast %parallel_loop3A_254 : i32 to vector<16xi32>
      %parallel_loop3A_256 = arith.addi %parallel_loop3A_217, %parallel_loop3A_255 : vector<16xi32>
      %parallel_loop3A_257 = tpu.vector_load_idx %arg12[%parallel_loop3A_256] : memref<1024xf32, #tpu.memory_space<vmem>>[vector<16xi32>], vector<16xf32>,
      %parallel_loop3A_258 = arith.addf %parallel_loop3A_253, %parallel_loop3A_257 : vector<16xf32>
      %parallel_loop3A_259 = arith.constant 9 : i32
      %parallel_loop3A_260 = vector.broadcast %parallel_loop3A_259 : i32 to vector<16xi32>
      %parallel_loop3A_261 = arith.addi %parallel_loop3A_217, %parallel_loop3A_260 : vector<16xi32>
      %parallel_loop3A_262 = tpu.vector_load_idx %arg12[%parallel_loop3A_261] : memref<1024xf32, #tpu.memory_space<vmem>>[vector<16xi32>], vector<16xf32>,
      %parallel_loop3A_263 = arith.addf %parallel_loop3A_258, %parallel_loop3A_262 : vector<16xf32>
      %parallel_loop3A_264 = arith.constant 10 : i32
      %parallel_loop3A_265 = vector.broadcast %parallel_loop3A_264 : i32 to vector<16xi32>
      %parallel_loop3A_266 = arith.addi %parallel_loop3A_217, %parallel_loop3A_265 : vector<16xi32>
      %parallel_loop3A_267 = tpu.vector_load_idx %arg12[%parallel_loop3A_266] : memref<1024xf32, #tpu.memory_space<vmem>>[vector<16xi32>], vector<16xf32>,
      %parallel_loop3A_268 = arith.addf %parallel_loop3A_263, %parallel_loop3A_267 : vector<16xf32>
      %parallel_loop3A_269 = arith.constant 11 : i32
      %parallel_loop3A_270 = vector.broadcast %parallel_loop3A_269 : i32 to vector<16xi32>
      %parallel_loop3A_271 = arith.addi %parallel_loop3A_217, %parallel_loop3A_270 : vector<16xi32>
      %parallel_loop3A_272 = tpu.vector_load_idx %arg12[%parallel_loop3A_271] : memref<1024xf32, #tpu.memory_space<vmem>>[vector<16xi32>], vector<16xf32>,
      %parallel_loop3A_273 = arith.addf %parallel_loop3A_268, %parallel_loop3A_272 : vector<16xf32>
      %parallel_loop3A_274 = arith.constant 12 : i32
      %parallel_loop3A_275 = vector.broadcast %parallel_loop3A_274 : i32 to vector<16xi32>
      %parallel_loop3A_276 = arith.addi %parallel_loop3A_217, %parallel_loop3A_275 : vector<16xi32>
      %parallel_loop3A_277 = tpu.vector_load_idx %arg12[%parallel_loop3A_276] : memref<1024xf32, #tpu.memory_space<vmem>>[vector<16xi32>], vector<16xf32>,
      %parallel_loop3A_278 = arith.addf %parallel_loop3A_273, %parallel_loop3A_277 : vector<16xf32>
      %parallel_loop3A_279 = arith.constant 13 : i32
      %parallel_loop3A_280 = vector.broadcast %parallel_loop3A_279 : i32 to vector<16xi32>
      %parallel_loop3A_281 = arith.addi %parallel_loop3A_217, %parallel_loop3A_280 : vector<16xi32>
      %parallel_loop3A_282 = tpu.vector_load_idx %arg12[%parallel_loop3A_281] : memref<1024xf32, #tpu.memory_space<vmem>>[vector<16xi32>], vector<16xf32>,
      %parallel_loop3A_283 = arith.addf %parallel_loop3A_278, %parallel_loop3A_282 : vector<16xf32>
      %parallel_loop3A_284 = arith.constant 14 : i32
      %parallel_loop3A_285 = vector.broadcast %parallel_loop3A_284 : i32 to vector<16xi32>
      %parallel_loop3A_286 = arith.addi %parallel_loop3A_217, %parallel_loop3A_285 : vector<16xi32>
      %parallel_loop3A_287 = tpu.vector_load_idx %arg12[%parallel_loop3A_286] : memref<1024xf32, #tpu.memory_space<vmem>>[vector<16xi32>], vector<16xf32>,
      %parallel_loop3A_288 = arith.addf %parallel_loop3A_283, %parallel_loop3A_287 : vector<16xf32>
      %parallel_loop3A_289 = arith.constant 15 : i32
      %parallel_loop3A_290 = vector.broadcast %parallel_loop3A_289 : i32 to vector<16xi32>
      %parallel_loop3A_291 = arith.addi %parallel_loop3A_217, %parallel_loop3A_290 : vector<16xi32>
      %parallel_loop3A_292 = tpu.vector_load_idx %arg12[%parallel_loop3A_291] : memref<1024xf32, #tpu.memory_space<vmem>>[vector<16xi32>], vector<16xf32>,
      %parallel_loop3A_293 = arith.addf %parallel_loop3A_288, %parallel_loop3A_292 : vector<16xf32>
      %parallel_loop3A_294 = arith.constant 9.99999996E-13 : f32
      %parallel_loop3A_295 = vector.broadcast %parallel_loop3A_294 : f32 to vector<16xf32>
      %parallel_loop3A_296 = arith.addf %parallel_loop3A_293, %parallel_loop3A_295 : vector<16xf32>
      %parallel_loop3A_297 = vector.bitcast %parallel_loop3A_296 : vector<16xf32> to vector<16xi32>
      %parallel_loop3A_298 = arith.constant 1 : i32
      %parallel_loop3A_299 = vector.broadcast %parallel_loop3A_298 : i32 to vector<16xi32>
      %parallel_loop3A_300 = arith.shrsi %parallel_loop3A_297, %parallel_loop3A_299 : vector<16xi32>
      %parallel_loop3A_301 = arith.constant 1597463007 : i32
      %parallel_loop3A_302 = vector.broadcast %parallel_loop3A_301 : i32 to vector<16xi32>
      %parallel_loop3A_303 = arith.subi %parallel_loop3A_302, %parallel_loop3A_300 : vector<16xi32>
      %parallel_loop3A_304 = vector.bitcast %parallel_loop3A_303 : vector<16xi32> to vector<16xf32>
      %parallel_loop3A_305 = arith.constant 5.000000e-01 : f32
      %parallel_loop3A_306 = vector.broadcast %parallel_loop3A_305 : f32 to vector<16xf32>
      %parallel_loop3A_307 = arith.mulf %parallel_loop3A_296, %parallel_loop3A_306 : vector<16xf32>
      %parallel_loop3A_308 = arith.mulf %parallel_loop3A_307, %parallel_loop3A_304 : vector<16xf32>
      %parallel_loop3A_309 = arith.mulf %parallel_loop3A_308, %parallel_loop3A_304 : vector<16xf32>
      %parallel_loop3A_310 = arith.constant 1.500000e+00 : f32
      %parallel_loop3A_311 = vector.broadcast %parallel_loop3A_310 : f32 to vector<16xf32>
      %parallel_loop3A_312 = arith.subf %parallel_loop3A_311, %parallel_loop3A_309 : vector<16xf32>
      %parallel_loop3A_313 = arith.mulf %parallel_loop3A_304, %parallel_loop3A_312 : vector<16xf32>
      %parallel_loop3A_314 = arith.mulf %parallel_loop3A_307, %parallel_loop3A_313 : vector<16xf32>
      %parallel_loop3A_315 = arith.mulf %parallel_loop3A_314, %parallel_loop3A_313 : vector<16xf32>
      %parallel_loop3A_316 = arith.constant 1.500000e+00 : f32
      %parallel_loop3A_317 = vector.broadcast %parallel_loop3A_316 : f32 to vector<16xf32>
      %parallel_loop3A_318 = arith.subf %parallel_loop3A_317, %parallel_loop3A_315 : vector<16xf32>
      %parallel_loop3A_319 = arith.mulf %parallel_loop3A_313, %parallel_loop3A_318 : vector<16xf32>
      %parallel_loop3A_320 = arith.mulf %parallel_loop3A_307, %parallel_loop3A_319 : vector<16xf32>
      %parallel_loop3A_321 = arith.mulf %parallel_loop3A_320, %parallel_loop3A_319 : vector<16xf32>
      %parallel_loop3A_322 = arith.constant 1.500000e+00 : f32
      %parallel_loop3A_323 = vector.broadcast %parallel_loop3A_322 : f32 to vector<16xf32>
      %parallel_loop3A_324 = arith.subf %parallel_loop3A_323, %parallel_loop3A_321 : vector<16xf32>
      %parallel_loop3A_325 = arith.mulf %parallel_loop3A_319, %parallel_loop3A_324 : vector<16xf32>
      %parallel_loop3A_326 = arith.mulf %parallel_loop3A_296, %parallel_loop3A_325 : vector<16xf32>
      %parallel_loop3A_327 = arith.mulf %parallel_loop3A_326, %exp3A : vector<16xf32>
      %parallel_loop3A_328 = arith.constant 16 : i32
      %parallel_loop3A_329 = arith.muli %parallel_loop3A_210, %parallel_loop3A_328 : i32
      %parallel_loop3A_330 = arith.constant 384 : i32
      %parallel_loop3A_331 = arith.addi %parallel_loop3A_330, %parallel_loop3A_329 : i32
      %parallel_loop3A_332 = arith.index_cast %parallel_loop3A_331 : i32 to index
      %parallel_loop3A_333 = tpu.vector_load %arg11[%parallel_loop3A_332] {strides = array<i32>} : memref<512xf32, #tpu.memory_space<vmem>>, vector<16xf32>,
      tpu.vector_store %arg11[%parallel_loop3A_332], %parallel_loop3A_327 {strides = array<i32>} : memref<512xf32, #tpu.memory_space<vmem>>, vector<16xf32>,
    } {sc.loop_unroll_factor = 1 : i64, sc.parallel_access}
    %dma_wait3A_189 = arith.constant 7 : i32
    %dma_wait3A_190 = arith.constant 0 : i32
    %dma_wait3A_191 = tpu.memref_slice %arg6[%dma_wait3A_189, %dma_wait3A_190] : memref<8x128xi32, #tpu.memory_space<vmem>> -> memref<1x128xi32, #tpu.memory_space<vmem>>
    %dma_wait3A_192 = tpu.memref_squeeze %dma_wait3A_191 : memref<1x128xi32, #tpu.memory_space<vmem>> -> memref<128xi32, #tpu.memory_space<vmem>>
    %dma_wait3A_193 = arith.constant 0 : i32
    %dma_wait3A_194 = arith.constant 0 : i32
    %dma_wait3A_195 = tpu.memref_slice %arg2[%dma_wait3A_193, %dma_wait3A_194] : memref<100000x128xf32, #tpu.memory_space<hbm>> -> memref<100000x128xf32, #tpu.memory_space<hbm>>
    tpu.wait_indirect_dma semaphore(%arg14 : memref<!tpu.dma_semaphore, #tpu.memory_space<semaphore_mem>>) src(%dma_wait3A_195 : memref<100000x128xf32, #tpu.memory_space<hbm>>) dst(%arg8 : memref<128x128xf32, #tpu.memory_space<vmem>>)
    %parallel_loop3A_196 = arith.constant 0 : i32
    %parallel_loop3A_197 = arith.constant 64 : i32
    %parallel_loop3A_198 = arith.constant 1 : i32
    %parallel_loop3A_199 = arith.constant 0 : i32
    %parallel_loop3A_200 = scf.for %parallel_loop3A_210 = %parallel_loop3A_196 to %parallel_loop3A_197 step %parallel_loop3A_198 iter_args(%parallel_loop3A_211 = %parallel_loop3A_199) -> (i32)  : i32 {
      %parallel_loop3A_212 = arith.constant 2 : i32
      %parallel_loop3A_213 = arith.muli %parallel_loop3A_212, %parallel_loop3A_210 : i32
      %parallel_loop3A_214 = arith.index_cast %parallel_loop3A_213 : i32 to index
      %parallel_loop3A_215 = arith.constant 0 : index
      %parallel_loop3A_216 = tpu.vector_load %arg8[%parallel_loop3A_214, %parallel_loop3A_215] {strides = array<i32>} : memref<128x128xf32, #tpu.memory_space<vmem>>, vector<16xf32>,
      %parallel_loop3A_217 = arith.constant 1 : i32
      %parallel_loop3A_218 = arith.addi %parallel_loop3A_213, %parallel_loop3A_217 : i32
      %parallel_loop3A_219 = arith.index_cast %parallel_loop3A_218 : i32 to index
      %parallel_loop3A_220 = arith.constant 0 : index
      %parallel_loop3A_221 = tpu.vector_load %arg8[%parallel_loop3A_219, %parallel_loop3A_220] {strides = array<i32>} : memref<128x128xf32, #tpu.memory_space<vmem>>, vector<16xf32>,
      %parallel_loop3A_222 = arith.subf %parallel_loop3A_216, %parallel_loop3A_221 : vector<16xf32>
      %parallel_loop3A_223 = arith.mulf %parallel_loop3A_222, %parallel_loop3A_222 : vector<16xf32>
      %parallel_loop3A_224 = arith.index_cast %parallel_loop3A_213 : i32 to index
      %parallel_loop3A_225 = arith.constant 16 : index
      %parallel_loop3A_226 = tpu.vector_load %arg8[%parallel_loop3A_224, %parallel_loop3A_225] {strides = array<i32>} : memref<128x128xf32, #tpu.memory_space<vmem>>, vector<16xf32>,
      %parallel_loop3A_227 = arith.constant 1 : i32
      %parallel_loop3A_228 = arith.addi %parallel_loop3A_213, %parallel_loop3A_227 : i32
      %parallel_loop3A_229 = arith.index_cast %parallel_loop3A_228 : i32 to index
      %parallel_loop3A_230 = arith.constant 16 : index
      %parallel_loop3A_231 = tpu.vector_load %arg8[%parallel_loop3A_229, %parallel_loop3A_230] {strides = array<i32>} : memref<128x128xf32, #tpu.memory_space<vmem>>, vector<16xf32>,
      %parallel_loop3A_232 = arith.subf %parallel_loop3A_226, %parallel_loop3A_231 : vector<16xf32>
      %parallel_loop3A_233 = arith.mulf %parallel_loop3A_232, %parallel_loop3A_232 : vector<16xf32>
      %parallel_loop3A_234 = arith.index_cast %parallel_loop3A_213 : i32 to index
      %parallel_loop3A_235 = arith.constant 32 : index
      %parallel_loop3A_236 = tpu.vector_load %arg8[%parallel_loop3A_234, %parallel_loop3A_235] {strides = array<i32>} : memref<128x128xf32, #tpu.memory_space<vmem>>, vector<16xf32>,
      %parallel_loop3A_237 = arith.constant 1 : i32
      %parallel_loop3A_238 = arith.addi %parallel_loop3A_213, %parallel_loop3A_237 : i32
      %parallel_loop3A_239 = arith.index_cast %parallel_loop3A_238 : i32 to index
      %parallel_loop3A_240 = arith.constant 32 : index
      %parallel_loop3A_241 = tpu.vector_load %arg8[%parallel_loop3A_239, %parallel_loop3A_240] {strides = array<i32>} : memref<128x128xf32, #tpu.memory_space<vmem>>, vector<16xf32>,
      %parallel_loop3A_242 = arith.subf %parallel_loop3A_236, %parallel_loop3A_241 : vector<16xf32>
      %parallel_loop3A_243 = arith.mulf %parallel_loop3A_242, %parallel_loop3A_242 : vector<16xf32>
      %parallel_loop3A_244 = arith.addf %parallel_loop3A_223, %parallel_loop3A_243 : vector<16xf32>
      %parallel_loop3A_245 = arith.index_cast %parallel_loop3A_213 : i32 to index
      %parallel_loop3A_246 = arith.constant 48 : index
      %parallel_loop3A_247 = tpu.vector_load %arg8[%parallel_loop3A_245, %parallel_loop3A_246] {strides = array<i32>} : memref<128x128xf32, #tpu.memory_space<vmem>>, vector<16xf32>,
      %parallel_loop3A_248 = arith.constant 1 : i32
      %parallel_loop3A_249 = arith.addi %parallel_loop3A_213, %parallel_loop3A_248 : i32
      %parallel_loop3A_250 = arith.index_cast %parallel_loop3A_249 : i32 to index
      %parallel_loop3A_251 = arith.constant 48 : index
      %parallel_loop3A_252 = tpu.vector_load %arg8[%parallel_loop3A_250, %parallel_loop3A_251] {strides = array<i32>} : memref<128x128xf32, #tpu.memory_space<vmem>>, vector<16xf32>,
      %parallel_loop3A_253 = arith.subf %parallel_loop3A_247, %parallel_loop3A_252 : vector<16xf32>
      %parallel_loop3A_254 = arith.mulf %parallel_loop3A_253, %parallel_loop3A_253 : vector<16xf32>
      %parallel_loop3A_255 = arith.addf %parallel_loop3A_233, %parallel_loop3A_254 : vector<16xf32>
      %parallel_loop3A_256 = arith.index_cast %parallel_loop3A_213 : i32 to index
      %parallel_loop3A_257 = arith.constant 64 : index
      %parallel_loop3A_258 = tpu.vector_load %arg8[%parallel_loop3A_256, %parallel_loop3A_257] {strides = array<i32>} : memref<128x128xf32, #tpu.memory_space<vmem>>, vector<16xf32>,
      %parallel_loop3A_259 = arith.constant 1 : i32
      %parallel_loop3A_260 = arith.addi %parallel_loop3A_213, %parallel_loop3A_259 : i32
      %parallel_loop3A_261 = arith.index_cast %parallel_loop3A_260 : i32 to index
      %parallel_loop3A_262 = arith.constant 64 : index
      %parallel_loop3A_263 = tpu.vector_load %arg8[%parallel_loop3A_261, %parallel_loop3A_262] {strides = array<i32>} : memref<128x128xf32, #tpu.memory_space<vmem>>, vector<16xf32>,
      %parallel_loop3A_264 = arith.subf %parallel_loop3A_258, %parallel_loop3A_263 : vector<16xf32>
      %parallel_loop3A_265 = arith.mulf %parallel_loop3A_264, %parallel_loop3A_264 : vector<16xf32>
      %parallel_loop3A_266 = arith.addf %parallel_loop3A_244, %parallel_loop3A_265 : vector<16xf32>
      %parallel_loop3A_267 = arith.index_cast %parallel_loop3A_213 : i32 to index
      %parallel_loop3A_268 = arith.constant 80 : index
      %parallel_loop3A_269 = tpu.vector_load %arg8[%parallel_loop3A_267, %parallel_loop3A_268] {strides = array<i32>} : memref<128x128xf32, #tpu.memory_space<vmem>>, vector<16xf32>,
      %parallel_loop3A_270 = arith.constant 1 : i32
      %parallel_loop3A_271 = arith.addi %parallel_loop3A_213, %parallel_loop3A_270 : i32
      %parallel_loop3A_272 = arith.index_cast %parallel_loop3A_271 : i32 to index
      %parallel_loop3A_273 = arith.constant 80 : index
      %parallel_loop3A_274 = tpu.vector_load %arg8[%parallel_loop3A_272, %parallel_loop3A_273] {strides = array<i32>} : memref<128x128xf32, #tpu.memory_space<vmem>>, vector<16xf32>,
      %parallel_loop3A_275 = arith.subf %parallel_loop3A_269, %parallel_loop3A_274 : vector<16xf32>
      %parallel_loop3A_276 = arith.mulf %parallel_loop3A_275, %parallel_loop3A_275 : vector<16xf32>
      %parallel_loop3A_277 = arith.addf %parallel_loop3A_255, %parallel_loop3A_276 : vector<16xf32>
      %parallel_loop3A_278 = arith.index_cast %parallel_loop3A_213 : i32 to index
      %parallel_loop3A_279 = arith.constant 96 : index
      %parallel_loop3A_280 = tpu.vector_load %arg8[%parallel_loop3A_278, %parallel_loop3A_279] {strides = array<i32>} : memref<128x128xf32, #tpu.memory_space<vmem>>, vector<16xf32>,
      %parallel_loop3A_281 = arith.constant 1 : i32
      %parallel_loop3A_282 = arith.addi %parallel_loop3A_213, %parallel_loop3A_281 : i32
      %parallel_loop3A_283 = arith.index_cast %parallel_loop3A_282 : i32 to index
      %parallel_loop3A_284 = arith.constant 96 : index
      %parallel_loop3A_285 = tpu.vector_load %arg8[%parallel_loop3A_283, %parallel_loop3A_284] {strides = array<i32>} : memref<128x128xf32, #tpu.memory_space<vmem>>, vector<16xf32>,
      %parallel_loop3A_286 = arith.subf %parallel_loop3A_280, %parallel_loop3A_285 : vector<16xf32>
      %parallel_loop3A_287 = arith.mulf %parallel_loop3A_286, %parallel_loop3A_286 : vector<16xf32>
      %parallel_loop3A_288 = arith.addf %parallel_loop3A_266, %parallel_loop3A_287 : vector<16xf32>
      %parallel_loop3A_289 = arith.index_cast %parallel_loop3A_213 : i32 to index
      %parallel_loop3A_290 = arith.constant 112 : index
      %parallel_loop3A_291 = tpu.vector_load %arg8[%parallel_loop3A_289, %parallel_loop3A_290] {strides = array<i32>} : memref<128x128xf32, #tpu.memory_space<vmem>>, vector<16xf32>,
      %parallel_loop3A_292 = arith.constant 1 : i32
      %parallel_loop3A_293 = arith.addi %parallel_loop3A_213, %parallel_loop3A_292 : i32
      %parallel_loop3A_294 = arith.index_cast %parallel_loop3A_293 : i32 to index
      %parallel_loop3A_295 = arith.constant 112 : index
      %parallel_loop3A_296 = tpu.vector_load %arg8[%parallel_loop3A_294, %parallel_loop3A_295] {strides = array<i32>} : memref<128x128xf32, #tpu.memory_space<vmem>>, vector<16xf32>,
      %parallel_loop3A_297 = arith.subf %parallel_loop3A_291, %parallel_loop3A_296 : vector<16xf32>
      %parallel_loop3A_298 = arith.mulf %parallel_loop3A_297, %parallel_loop3A_297 : vector<16xf32>
      %parallel_loop3A_299 = arith.addf %parallel_loop3A_277, %parallel_loop3A_298 : vector<16xf32>
      %parallel_loop3A_300 = arith.addf %parallel_loop3A_288, %parallel_loop3A_299 : vector<16xf32>
      %parallel_loop3A_301 = arith.constant 16 : i32
      %parallel_loop3A_302 = arith.muli %parallel_loop3A_210, %parallel_loop3A_301 : i32
      %parallel_loop3A_303 = arith.index_cast %parallel_loop3A_302 : i32 to index
      %parallel_loop3A_304 = tpu.vector_load %arg12[%parallel_loop3A_303] {strides = array<i32>} : memref<1024xf32, #tpu.memory_space<vmem>>, vector<16xf32>,
      tpu.vector_store %arg12[%parallel_loop3A_303], %parallel_loop3A_300 {strides = array<i32>} : memref<1024xf32, #tpu.memory_space<vmem>>, vector<16xf32>,
      %parallel_loop3A_305 = arith.constant 1 : i32
      %parallel_loop3A_306 = arith.addi %parallel_loop3A_211, %parallel_loop3A_305 : i32
      scf.yield %parallel_loop3A_306 : i32
    } {sc.loop_unroll_factor = 2 : i64, sc.parallel_access}
    %iota3A_201 = tpu.iota {dimensions = array<i32: 0>} : vector<16xi32>
    %mul3A_202 = arith.constant 16 : i32
    %mul3A_203 = vector.broadcast %mul3A_202 : i32 to vector<16xi32>
    %mul3A_204 = arith.muli %iota3A_201, %mul3A_203 : vector<16xi32>
    %parallel_loop3A_205 = arith.constant 0 : i32
    %parallel_loop3A_206 = arith.constant 4 : i32
    %parallel_loop3A_207 = arith.constant 1 : i32
    scf.for %parallel_loop3A_210 = %parallel_loop3A_205 to %parallel_loop3A_206 step %parallel_loop3A_207  : i32 {
      %parallel_loop3A_211 = arith.constant 256 : i32
      %parallel_loop3A_212 = arith.muli %parallel_loop3A_210, %parallel_loop3A_211 : i32
      %parallel_loop3A_213 = arith.addi %parallel_loop3A_212, %parallel_loop3A_200 : i32
      %parallel_loop3A_214 = arith.constant 64 : i32
      %parallel_loop3A_215 = arith.subi %parallel_loop3A_213, %parallel_loop3A_214 : i32
      %parallel_loop3A_216 = vector.broadcast %parallel_loop3A_215 : i32 to vector<16xi32>
      %parallel_loop3A_217 = arith.addi %mul3A_204, %parallel_loop3A_216 : vector<16xi32>
      %parallel_loop3A_218 = tpu.vector_load_idx %arg12[%parallel_loop3A_217] : memref<1024xf32, #tpu.memory_space<vmem>>[vector<16xi32>], vector<16xf32>,
      %parallel_loop3A_219 = arith.constant 1 : i32
      %parallel_loop3A_220 = vector.broadcast %parallel_loop3A_219 : i32 to vector<16xi32>
      %parallel_loop3A_221 = arith.addi %parallel_loop3A_217, %parallel_loop3A_220 : vector<16xi32>
      %parallel_loop3A_222 = tpu.vector_load_idx %arg12[%parallel_loop3A_221] : memref<1024xf32, #tpu.memory_space<vmem>>[vector<16xi32>], vector<16xf32>,
      %parallel_loop3A_223 = arith.addf %parallel_loop3A_218, %parallel_loop3A_222 : vector<16xf32>
      %parallel_loop3A_224 = arith.constant 2 : i32
      %parallel_loop3A_225 = vector.broadcast %parallel_loop3A_224 : i32 to vector<16xi32>
      %parallel_loop3A_226 = arith.addi %parallel_loop3A_217, %parallel_loop3A_225 : vector<16xi32>
      %parallel_loop3A_227 = tpu.vector_load_idx %arg12[%parallel_loop3A_226] : memref<1024xf32, #tpu.memory_space<vmem>>[vector<16xi32>], vector<16xf32>,
      %parallel_loop3A_228 = arith.addf %parallel_loop3A_223, %parallel_loop3A_227 : vector<16xf32>
      %parallel_loop3A_229 = arith.constant 3 : i32
      %parallel_loop3A_230 = vector.broadcast %parallel_loop3A_229 : i32 to vector<16xi32>
      %parallel_loop3A_231 = arith.addi %parallel_loop3A_217, %parallel_loop3A_230 : vector<16xi32>
      %parallel_loop3A_232 = tpu.vector_load_idx %arg12[%parallel_loop3A_231] : memref<1024xf32, #tpu.memory_space<vmem>>[vector<16xi32>], vector<16xf32>,
      %parallel_loop3A_233 = arith.addf %parallel_loop3A_228, %parallel_loop3A_232 : vector<16xf32>
      %parallel_loop3A_234 = arith.constant 4 : i32
      %parallel_loop3A_235 = vector.broadcast %parallel_loop3A_234 : i32 to vector<16xi32>
      %parallel_loop3A_236 = arith.addi %parallel_loop3A_217, %parallel_loop3A_235 : vector<16xi32>
      %parallel_loop3A_237 = tpu.vector_load_idx %arg12[%parallel_loop3A_236] : memref<1024xf32, #tpu.memory_space<vmem>>[vector<16xi32>], vector<16xf32>,
      %parallel_loop3A_238 = arith.addf %parallel_loop3A_233, %parallel_loop3A_237 : vector<16xf32>
      %parallel_loop3A_239 = arith.constant 5 : i32
      %parallel_loop3A_240 = vector.broadcast %parallel_loop3A_239 : i32 to vector<16xi32>
      %parallel_loop3A_241 = arith.addi %parallel_loop3A_217, %parallel_loop3A_240 : vector<16xi32>
      %parallel_loop3A_242 = tpu.vector_load_idx %arg12[%parallel_loop3A_241] : memref<1024xf32, #tpu.memory_space<vmem>>[vector<16xi32>], vector<16xf32>,
      %parallel_loop3A_243 = arith.addf %parallel_loop3A_238, %parallel_loop3A_242 : vector<16xf32>
      %parallel_loop3A_244 = arith.constant 6 : i32
      %parallel_loop3A_245 = vector.broadcast %parallel_loop3A_244 : i32 to vector<16xi32>
      %parallel_loop3A_246 = arith.addi %parallel_loop3A_217, %parallel_loop3A_245 : vector<16xi32>
      %parallel_loop3A_247 = tpu.vector_load_idx %arg12[%parallel_loop3A_246] : memref<1024xf32, #tpu.memory_space<vmem>>[vector<16xi32>], vector<16xf32>,
      %parallel_loop3A_248 = arith.addf %parallel_loop3A_243, %parallel_loop3A_247 : vector<16xf32>
      %parallel_loop3A_249 = arith.constant 7 : i32
      %parallel_loop3A_250 = vector.broadcast %parallel_loop3A_249 : i32 to vector<16xi32>
      %parallel_loop3A_251 = arith.addi %parallel_loop3A_217, %parallel_loop3A_250 : vector<16xi32>
      %parallel_loop3A_252 = tpu.vector_load_idx %arg12[%parallel_loop3A_251] : memref<1024xf32, #tpu.memory_space<vmem>>[vector<16xi32>], vector<16xf32>,
      %parallel_loop3A_253 = arith.addf %parallel_loop3A_248, %parallel_loop3A_252 : vector<16xf32>
      %parallel_loop3A_254 = arith.constant 8 : i32
      %parallel_loop3A_255 = vector.broadcast %parallel_loop3A_254 : i32 to vector<16xi32>
      %parallel_loop3A_256 = arith.addi %parallel_loop3A_217, %parallel_loop3A_255 : vector<16xi32>
      %parallel_loop3A_257 = tpu.vector_load_idx %arg12[%parallel_loop3A_256] : memref<1024xf32, #tpu.memory_space<vmem>>[vector<16xi32>], vector<16xf32>,
      %parallel_loop3A_258 = arith.addf %parallel_loop3A_253, %parallel_loop3A_257 : vector<16xf32>
      %parallel_loop3A_259 = arith.constant 9 : i32
      %parallel_loop3A_260 = vector.broadcast %parallel_loop3A_259 : i32 to vector<16xi32>
      %parallel_loop3A_261 = arith.addi %parallel_loop3A_217, %parallel_loop3A_260 : vector<16xi32>
      %parallel_loop3A_262 = tpu.vector_load_idx %arg12[%parallel_loop3A_261] : memref<1024xf32, #tpu.memory_space<vmem>>[vector<16xi32>], vector<16xf32>,
      %parallel_loop3A_263 = arith.addf %parallel_loop3A_258, %parallel_loop3A_262 : vector<16xf32>
      %parallel_loop3A_264 = arith.constant 10 : i32
      %parallel_loop3A_265 = vector.broadcast %parallel_loop3A_264 : i32 to vector<16xi32>
      %parallel_loop3A_266 = arith.addi %parallel_loop3A_217, %parallel_loop3A_265 : vector<16xi32>
      %parallel_loop3A_267 = tpu.vector_load_idx %arg12[%parallel_loop3A_266] : memref<1024xf32, #tpu.memory_space<vmem>>[vector<16xi32>], vector<16xf32>,
      %parallel_loop3A_268 = arith.addf %parallel_loop3A_263, %parallel_loop3A_267 : vector<16xf32>
      %parallel_loop3A_269 = arith.constant 11 : i32
      %parallel_loop3A_270 = vector.broadcast %parallel_loop3A_269 : i32 to vector<16xi32>
      %parallel_loop3A_271 = arith.addi %parallel_loop3A_217, %parallel_loop3A_270 : vector<16xi32>
      %parallel_loop3A_272 = tpu.vector_load_idx %arg12[%parallel_loop3A_271] : memref<1024xf32, #tpu.memory_space<vmem>>[vector<16xi32>], vector<16xf32>,
      %parallel_loop3A_273 = arith.addf %parallel_loop3A_268, %parallel_loop3A_272 : vector<16xf32>
      %parallel_loop3A_274 = arith.constant 12 : i32
      %parallel_loop3A_275 = vector.broadcast %parallel_loop3A_274 : i32 to vector<16xi32>
      %parallel_loop3A_276 = arith.addi %parallel_loop3A_217, %parallel_loop3A_275 : vector<16xi32>
      %parallel_loop3A_277 = tpu.vector_load_idx %arg12[%parallel_loop3A_276] : memref<1024xf32, #tpu.memory_space<vmem>>[vector<16xi32>], vector<16xf32>,
      %parallel_loop3A_278 = arith.addf %parallel_loop3A_273, %parallel_loop3A_277 : vector<16xf32>
      %parallel_loop3A_279 = arith.constant 13 : i32
      %parallel_loop3A_280 = vector.broadcast %parallel_loop3A_279 : i32 to vector<16xi32>
      %parallel_loop3A_281 = arith.addi %parallel_loop3A_217, %parallel_loop3A_280 : vector<16xi32>
      %parallel_loop3A_282 = tpu.vector_load_idx %arg12[%parallel_loop3A_281] : memref<1024xf32, #tpu.memory_space<vmem>>[vector<16xi32>], vector<16xf32>,
      %parallel_loop3A_283 = arith.addf %parallel_loop3A_278, %parallel_loop3A_282 : vector<16xf32>
      %parallel_loop3A_284 = arith.constant 14 : i32
      %parallel_loop3A_285 = vector.broadcast %parallel_loop3A_284 : i32 to vector<16xi32>
      %parallel_loop3A_286 = arith.addi %parallel_loop3A_217, %parallel_loop3A_285 : vector<16xi32>
      %parallel_loop3A_287 = tpu.vector_load_idx %arg12[%parallel_loop3A_286] : memref<1024xf32, #tpu.memory_space<vmem>>[vector<16xi32>], vector<16xf32>,
      %parallel_loop3A_288 = arith.addf %parallel_loop3A_283, %parallel_loop3A_287 : vector<16xf32>
      %parallel_loop3A_289 = arith.constant 15 : i32
      %parallel_loop3A_290 = vector.broadcast %parallel_loop3A_289 : i32 to vector<16xi32>
      %parallel_loop3A_291 = arith.addi %parallel_loop3A_217, %parallel_loop3A_290 : vector<16xi32>
      %parallel_loop3A_292 = tpu.vector_load_idx %arg12[%parallel_loop3A_291] : memref<1024xf32, #tpu.memory_space<vmem>>[vector<16xi32>], vector<16xf32>,
      %parallel_loop3A_293 = arith.addf %parallel_loop3A_288, %parallel_loop3A_292 : vector<16xf32>
      %parallel_loop3A_294 = arith.constant 9.99999996E-13 : f32
      %parallel_loop3A_295 = vector.broadcast %parallel_loop3A_294 : f32 to vector<16xf32>
      %parallel_loop3A_296 = arith.addf %parallel_loop3A_293, %parallel_loop3A_295 : vector<16xf32>
      %parallel_loop3A_297 = vector.bitcast %parallel_loop3A_296 : vector<16xf32> to vector<16xi32>
      %parallel_loop3A_298 = arith.constant 1 : i32
      %parallel_loop3A_299 = vector.broadcast %parallel_loop3A_298 : i32 to vector<16xi32>
      %parallel_loop3A_300 = arith.shrsi %parallel_loop3A_297, %parallel_loop3A_299 : vector<16xi32>
      %parallel_loop3A_301 = arith.constant 1597463007 : i32
      %parallel_loop3A_302 = vector.broadcast %parallel_loop3A_301 : i32 to vector<16xi32>
      %parallel_loop3A_303 = arith.subi %parallel_loop3A_302, %parallel_loop3A_300 : vector<16xi32>
      %parallel_loop3A_304 = vector.bitcast %parallel_loop3A_303 : vector<16xi32> to vector<16xf32>
      %parallel_loop3A_305 = arith.constant 5.000000e-01 : f32
      %parallel_loop3A_306 = vector.broadcast %parallel_loop3A_305 : f32 to vector<16xf32>
      %parallel_loop3A_307 = arith.mulf %parallel_loop3A_296, %parallel_loop3A_306 : vector<16xf32>
      %parallel_loop3A_308 = arith.mulf %parallel_loop3A_307, %parallel_loop3A_304 : vector<16xf32>
      %parallel_loop3A_309 = arith.mulf %parallel_loop3A_308, %parallel_loop3A_304 : vector<16xf32>
      %parallel_loop3A_310 = arith.constant 1.500000e+00 : f32
      %parallel_loop3A_311 = vector.broadcast %parallel_loop3A_310 : f32 to vector<16xf32>
      %parallel_loop3A_312 = arith.subf %parallel_loop3A_311, %parallel_loop3A_309 : vector<16xf32>
      %parallel_loop3A_313 = arith.mulf %parallel_loop3A_304, %parallel_loop3A_312 : vector<16xf32>
      %parallel_loop3A_314 = arith.mulf %parallel_loop3A_307, %parallel_loop3A_313 : vector<16xf32>
      %parallel_loop3A_315 = arith.mulf %parallel_loop3A_314, %parallel_loop3A_313 : vector<16xf32>
      %parallel_loop3A_316 = arith.constant 1.500000e+00 : f32
      %parallel_loop3A_317 = vector.broadcast %parallel_loop3A_316 : f32 to vector<16xf32>
      %parallel_loop3A_318 = arith.subf %parallel_loop3A_317, %parallel_loop3A_315 : vector<16xf32>
      %parallel_loop3A_319 = arith.mulf %parallel_loop3A_313, %parallel_loop3A_318 : vector<16xf32>
      %parallel_loop3A_320 = arith.mulf %parallel_loop3A_307, %parallel_loop3A_319 : vector<16xf32>
      %parallel_loop3A_321 = arith.mulf %parallel_loop3A_320, %parallel_loop3A_319 : vector<16xf32>
      %parallel_loop3A_322 = arith.constant 1.500000e+00 : f32
      %parallel_loop3A_323 = vector.broadcast %parallel_loop3A_322 : f32 to vector<16xf32>
      %parallel_loop3A_324 = arith.subf %parallel_loop3A_323, %parallel_loop3A_321 : vector<16xf32>
      %parallel_loop3A_325 = arith.mulf %parallel_loop3A_319, %parallel_loop3A_324 : vector<16xf32>
      %parallel_loop3A_326 = arith.mulf %parallel_loop3A_296, %parallel_loop3A_325 : vector<16xf32>
      %parallel_loop3A_327 = arith.mulf %parallel_loop3A_326, %exp3A : vector<16xf32>
      %parallel_loop3A_328 = arith.constant 16 : i32
      %parallel_loop3A_329 = arith.muli %parallel_loop3A_210, %parallel_loop3A_328 : i32
      %parallel_loop3A_330 = arith.constant 448 : i32
      %parallel_loop3A_331 = arith.addi %parallel_loop3A_330, %parallel_loop3A_329 : i32
      %parallel_loop3A_332 = arith.index_cast %parallel_loop3A_331 : i32 to index
      %parallel_loop3A_333 = tpu.vector_load %arg11[%parallel_loop3A_332] {strides = array<i32>} : memref<512xf32, #tpu.memory_space<vmem>>, vector<16xf32>,
      tpu.vector_store %arg11[%parallel_loop3A_332], %parallel_loop3A_327 {strides = array<i32>} : memref<512xf32, #tpu.memory_space<vmem>>, vector<16xf32>,
    } {sc.loop_unroll_factor = 1 : i64, sc.parallel_access}
    %mul3A_208 = arith.constant 512 : i32
    %mul3A_209 = arith.muli %add3A, %mul3A_208 : i32
    "tpu.region"() ({
      %run_scoped3A = tpu.sem_alloc : memref<!tpu.dma_semaphore, #tpu.memory_space<semaphore_mem>>
      %dma_start3A_210 = tpu.memref_slice %arg5[%mul3A_209] : memref<16384xf32, #tpu.memory_space<hbm>> -> memref<512xf32, #tpu.memory_space<hbm>>
      %dma_start3A_211 = tpu.memref_slice %arg5[%mul3A_209] : memref<16384xf32, #tpu.memory_space<hbm>> -> memref<512xf32, #tpu.memory_space<hbm>>
      tpu.enqueue_dma source(%arg11 : memref<512xf32, #tpu.memory_space<vmem>>) target(%dma_start3A_211 : memref<512xf32, #tpu.memory_space<hbm>>) target_semaphore(%run_scoped3A : memref<!tpu.dma_semaphore, #tpu.memory_space<semaphore_mem>>)
      %dma_wait3A_212 = tpu.memref_slice %arg5[%mul3A_209] : memref<16384xf32, #tpu.memory_space<hbm>> -> memref<512xf32, #tpu.memory_space<hbm>>
      %dma_wait3A_213 = tpu.memref_slice %arg5[%mul3A_209] : memref<16384xf32, #tpu.memory_space<hbm>> -> memref<512xf32, #tpu.memory_space<hbm>>
      tpu.wait_dma2 semaphore(%run_scoped3A : memref<!tpu.dma_semaphore, #tpu.memory_space<semaphore_mem>>) src(%arg11 : memref<512xf32, #tpu.memory_space<vmem>>) dst(%dma_wait3A_213 : memref<512xf32, #tpu.memory_space<hbm>>)
      tpu.yield
    }) : () -> ()
    return
  }
}

</mosaic_0001>

<sc_bundles>
// kernel: _run.3.cloned.1.call-start
scs
__scs_entry_jumppad:
0x0: {  	(pc) =	sbr.rel $0x88, $3  }
0x1: {  	(tag) =	ssettag $0x0;
	lr =	simm.s32 $0x1  }
0x2: {  	[smem:$0x3F9E] =	sst lr;
	_ =	strace $0xD0000000  }
0x3: {  	_ = 	snop  }
0x4: {  	_ = 	snop  }
0x5: {  	_ = 	snop  }
0x6: {  	_ = 	snop  }
0x7: {  	_ = 	snop  }
__scs_overlays_trampoline_lowered:
0x8: {  	[smem:$0x3FAD] =	sst s0  }
0x9: {  	[smem:$0x3FAE] =	sst s1  }
0xa: {  	[smem:$0x3FAF] =	sst s2  }
0xb: {  	[smem:$0x3FB0] =	sst s3  }
0xc: {  	[smem:$0x3FB1] =	sst s4  }
0xd: {  	[smem:$0x3FB2] =	sst s5  }
0xe: {  	[smem:$0x3FB3] =	sst s6  }
0xf: {  	[smem:$0x3FB4] =	sst s7  }
0x10: {  	[smem:$0x3FB5] =	sst s8  }
0x11: {  	[smem:$0x3FB6] =	sst s9;
	s0 =	simm.s32 @!p0 $0x0  }
0x12: {  	s1 =	sld [smem:$0x3F9C];
	s0 =	simm.s32 @p0 $0x1  }
0x13: {  	[smem:$0x3FB7] =	sst s0;
	s0 =	simm.s32 @!p1 $0x0  }
0x14: {  	s2 =	sld [smem:$0x3F9B];
	s0 =	simm.s32 @p1 $0x1  }
0x15: {  	[smem:$0x3FB8] =	sst s0;
	s0 =	simm.s32 @!p2 $0x0  }
0x16: {  	s3 =	sld [smem:$0x3FDB];
	s0 =	simm.s32 @p2 $0x1  }
0x17: {  	s4 =	simm.s32 $0x1BF5;
	[smem:$0x3FBA] =	sst s0  }
0x18: {  	s0 =	sld [smem:$0x3F9D];
	_ =	swait.ge [sflag:s4], $0x0  }
0x19: {  	s7 =	sld [smem:$0x3F9E]  }
0x1a: {  	s8 =	sadd.s32 $0xFFFFE003, lr  }
0x1b: {  	s9 =	sadd.s32 $0xFFFFFEF7, lr;
	s5 =	simm.s32 $0xFFFFFFFF;
	p2 =	slt.u32 s8, $0xFFFFF086  }
0x1c: {  	p1 =	slt.u32 s9, $0xF7A;
	s5 =	simm.s32 @!p2 $0x0  }
0x1d: {  	s5 =	simm.s32 @p1 $0x1;
	p0 =	seq.s32 s7, s2  }
0x1e: {  	s7 =	smul.u32 @!p0 $0xF7A, s2;
	p2 =	seq.s32 @!p0 s5, $0x0  }
0x1f: {  	s9 =	smul.u32 $0xF7A, s1;
	s8 =	simm.s32 @!p0 $0x1BF5;
	p2 =	por !p2, p0  }
0x20: {  	[sflag:s8] =	ssyncset.s32 @!p0 $0xFFFFF086;
	s6 =	sadd.s32 @!p0 s3, s7;
	s7 =	simm.s32 @!p0 $0x108  }
0x21: {  	s3 =	sadd.s32 s3, s9;
	s6 =	sadd.s32 @!p0 $0x88, s6;
	s7 =	simm.s32 @p2 $0x1082  }
0x22: {  	[simem:s7], [sflag:s8] =	dma.local @!p0 [hbm:s6], $0xF7A  }
0x23: {  	s9 =	sor.u32 $0xD0000000, s2;
	s6 =	simm.s32 $0x108;
	_ =	swait.ge @!p0 [sflag:s8], $0x0  }
0x24: {  	s3 =	sadd.s32 $0x88, s3;
	s6 =	simm.s32 @!p1 $0x1082;
	[sflag:s4] =	ssyncset.s32 $0xFFFFF086  }
0x25: {  	[simem:s6], [sflag:s4] =	dma.local [hbm:s3], $0xF7A  }
0x26: {  	[smem:$0x3F9E] =	sst s1;
	(tag) =	ssettag s2;
	_ =	strace s9  }
0x27: {  	s1 =	sld [smem:$0x3FAE]  }
0x28: {  	s2 =	sld [smem:$0x3FAF]  }
0x29: {  	s4 =	sld [smem:$0x3FB1]  }
0x2a: {  	p0 =	seq.s32 s5, $0x0;
	s5 =	sld [smem:$0x3FB2]  }
0x2b: {  	s6 =	sld [smem:$0x3FB3]  }
0x2c: {  	s7 =	sld [smem:$0x3FB4]  }
0x2d: {  	s3 =	simm.s32 $0x108;
	s8 =	sld [smem:$0x3FB5]  }
0x2e: {  	s3 =	simm.s32 @!p0 $0x1082;
	s9 =	sld [smem:$0x3FB6]  }
0x2f: {  	lr =	sadd.s32 s0, s3;
	s0 =	sld [smem:$0x3FAD]  }
0x30: {  	s3 =	sld [smem:$0x3FB0]  }
0x31: {  	[smem:$0x3FB9] =	sst s10  }
0x32: {  	s10 =	sld [smem:$0x3FB7];
	_ =	sdelay $0x3  }
0x33: {  	p0 =	seq.s32 s10, $0x1;
	s10 =	sld [smem:$0x3FB9];
	_ =	sdelay $0x3  }
0x34: {  	[smem:$0x3FB9] =	sst s10  }
0x35: {  	s10 =	sld [smem:$0x3FB8];
	_ =	sdelay $0x3  }
0x36: {  	p1 =	seq.s32 s10, $0x1;
	s10 =	sld [smem:$0x3FB9];
	_ =	sdelay $0x3  }
0x37: {  	[smem:$0x3FB9] =	sst s10  }
0x38: {  	s10 =	sld [smem:$0x3FBA]  }
0x39: {  	_ = 	snop;
	(pc) =	sbr.ind lr, $3  }
0x3a: {  	_ = 	snop  }
0x3b: {  	_ = 	snop  }
0x3c: {  	p2 =	seq.s32 s10, $0x1;
	s10 =	sld [smem:$0x3FB9]  }
0x3d: {  	_ =	shalt  }
0x3e: {  	_ =	shalt  }
0x3f: {  	_ =	shalt  }
0x40: {  	_ =	shalt  }
0x41: {  	_ =	shalt  }
0x42: {  	_ =	shalt  }
0x43: {  	_ =	shalt  }
0x44: {  	_ =	shalt  }
0x45: {  	_ =	shalt  }
0x46: {  	_ =	shalt  }
0x47: {  	_ =	shalt  }
0x48: {  	_ =	shalt  }
0x49: {  	_ =	shalt  }
0x4a: {  	_ =	shalt  }
0x4b: {  	_ =	shalt  }
0x4c: {  	_ =	shalt  }
0x4d: {  	_ =	shalt  }
0x4e: {  	_ =	shalt  }
0x4f: {  	_ =	shalt  }
0x50: {  	_ =	shalt  }
0x51: {  	_ =	shalt  }
0x52: {  	_ =	shalt  }
0x53: {  	_ =	shalt  }
0x54: {  	_ =	shalt  }
0x55: {  	_ =	shalt  }
0x56: {  	_ =	shalt  }
0x57: {  	_ =	shalt  }
0x58: {  	_ =	shalt  }
0x59: {  	_ =	shalt  }
0x5a: {  	_ =	shalt  }
0x5b: {  	_ =	shalt  }
0x5c: {  	_ =	shalt  }
0x5d: {  	_ =	shalt  }
0x5e: {  	_ =	shalt  }
0x5f: {  	_ =	shalt  }
0x60: {  	_ =	shalt  }
0x61: {  	_ =	shalt  }
0x62: {  	_ =	shalt  }
0x63: {  	_ =	shalt  }
0x64: {  	_ =	shalt  }
0x65: {  	_ =	shalt  }
0x66: {  	_ =	shalt  }
0x67: {  	_ =	shalt  }
0x68: {  	_ =	shalt  }
0x69: {  	_ =	shalt  }
0x6a: {  	_ =	shalt  }
0x6b: {  	_ =	shalt  }
0x6c: {  	_ =	shalt  }
0x6d: {  	_ =	shalt  }
0x6e: {  	_ =	shalt  }
0x6f: {  	_ =	shalt  }
0x70: {  	_ =	shalt  }
0x71: {  	_ =	shalt  }
0x72: {  	_ =	shalt  }
0x73: {  	_ =	shalt  }
0x74: {  	_ =	shalt  }
0x75: {  	_ =	shalt  }
0x76: {  	_ =	shalt  }
0x77: {  	_ =	shalt  }
0x78: {  	_ =	shalt  }
0x79: {  	_ =	shalt  }
0x7a: {  	_ =	shalt  }
0x7b: {  	_ =	shalt  }
0x7c: {  	_ =	shalt  }
0x7d: {  	_ =	shalt  }
0x7e: {  	_ =	shalt  }
0x7f: {  	_ =	shalt  }
0x80: {  	_ =	shalt  }
0x81: {  	_ =	shalt  }
0x82: {  	_ =	shalt  }
0x83: {  	_ =	shalt  }
0x84: {  	_ =	shalt  }
0x85: {  	_ =	shalt  }
0x86: {  	_ =	shalt  }
0x87: {  	_ =	shalt  }
.Lfunc_end0:
.L_simem_size_0:
called_computation_lowered:
.L_overlay_start_0:
0x88: {  	s2 =	sld [smem:$0x3FD9]  }
0x89: {  	s3 =	sld [smem:$0x3FFE];
	_ =	sdelay $0x1  }
0x8a: {  	s1 =	srdreg.scid  }
0x8b: {  	s0 =	sand.u32 $0x1, s1  }
0x8c: {  	s18 =	sshll.u32 s0, $0xA;
	s2 =	sadd.s32 s3, s2  }
0x8d: {  	s2 =	sadd.s32 s2, s18  }
0x8e: {  	[smem:$0x3FC5] =	sst s2  }
0x8f: {  	_ = 	snop  }
0x90: {  	s2 =	sld [smem:$0x3FC9]  }
0x91: {  	s19 =	sld [smem:$0x3FC8]  }
0x92: {  	s4 =	sld [smem:$0x3FC7]  }
0x93: {  	s5 =	sld [smem:$0x3FD0];
	(tm) =	ssettm $0x1  }
0x94: {  	s6 =	sld [smem:$0x3FFB];
	_ =	sdelay $0x3  }
0x95: {  	_ =	strace s6  }
0x96: {  	s6 =	sld [smem:$0x3FFC];
	_ =	sdelay $0x3  }
0x97: {  	_ =	strace s6  }
0x98: {  	s6 =	sld [smem:$0x3FFD];
	_ =	sdelay $0x3  }
0x99: {  	_ =	strace s6  }
0x9a: {  	_ =	strace $0x8FFFFFFF  }
0x9b: {  	s20 =	sld [smem:$0x3FDB];
	_ =	sdelay $0x1  }
0x9c: {  	s7 =	simm.s32 $_scs_section_size  }
0x9d: {  	s8 =	simm.s32 $_size__tile_overlayer_lowered;
	s9 =	simm.s32 $_tile_overlayer_lowered  }
0x9e: {  	s23 =	simm.s32 $0x1BFF;
	s22 =	sshll.u32 s9, $0x1;
	s6 =	sadd.s32 s7, s20  }
0x9f: {  	s10 =	simm.s32 $0x0;
	s21 =	sshll.u32 s8, $0x1;
	s8 =	sadd.s32 s22, s6  }
0xa0: {  	[timem:s10], [sflag:s23] =	dma.local [hbm:s8], s21  }
0xa1: {  	_ =	swait.ge [sflag:s23], s21  }
0xa2: {  	s7 =	ssub.s32 $0x0, s21;
	[sflag:s23] =	ssyncset.done $0x0  }
0xa3: {  	[sflag:s23] =	ssyncadd.s32 s7;
	_ =	sdelay $0x1  }
0xa4: {  	s24 =	simm.s32 $0x1B8B  }
0xa5: {  	_ =	swait.ge [sflag:s24], $0x1  }
0xa6: {  	[sflag:s24] =	ssyncset.done $0x0  }
0xa7: {  	s25 =	simm.s32 $0x1B8E;
	[sflag:s24] =	ssyncadd.s32 $0xFFFFFFFF  }
0xa8: {  	s26 =	simm.s32 $execute0_lowered;
	[smem:$0x3FD2] =	sst s25  }
0xa9: {  	s7 =	sshll.u32 s26, $0x1;
	_ =	strace $0x80000046;
	[dreg:$0x1] =	wrdreg $0xFFFFFFFF  }
0xaa: {  	s28 =	simm.s32 $_size_execute0_lowered;
	s6 =	sadd.s32 s6, s7;
	[dreg:$0x0] =	wrdreg $0x0  }
0xab: {  	s7 =	sshll.u32 s28, $0x1;
	[dreg:$0x2] =	wrdreg s6  }
0xac: {  	[dreg:$0x3] =	wrdreg s7  }
0xad: {  	[dreg:$0x4] =	wrdreg $0xC0  }
0xae: {  	_ =	task [dreg:s10], $0x5FFFF  }
0xaf: {  	[dreg:$0x1] =	wrdreg $0xFFFFFFFF  }
0xb0: {  	[dreg:$0x0] =	wrdreg $0x60  }
0xb1: {  	[dreg:$0x2] =	wrdreg s2  }
0xb2: {  	[dreg:$0x3] =	wrdreg s19  }
0xb3: {  	[dreg:$0x4] =	wrdreg s4  }
0xb4: {  	[dreg:$0x5] =	wrdreg s5  }
0xb5: {  	[dreg:$0x6] =	wrdreg $0x9  }
0xb6: {  	_ =	task.clear_ibuf [dreg:s10], $0x7FFFF;
	_ =	strace $0x90000046  }
0xb7: {  	s29 =	simm.s32 $0x9;
	_ =	strace $0x80000048  }
0xb8: {  	_ =	swait.ge [sflag:s29], $0x1  }
0xb9: {  	[sflag:s29] =	ssyncadd.s32 $0xFFFFFFFF  }
0xba: {  	_ =	strace $0x90000048  }
0xbb: {  	_ =	sfence  }
0xbc: {  	s30 =	sld [smem:$0x0];
	_ =	sdelay $0x2  }
0xbd: {  	s31 =	sshll.u32 s1, $0xD;
	s1 =	sshrl.u32 s1, $0x2  }
0xbe: {  	s3 =	sand.u32 $0x4000, s31;
	s1 =	sadd.s32 s1, s30  }
0xbf: {  	s0 =	sor.u32 s3, s0;
	s1 =	sshll.u32 s1, $0x11  }
0xc0: {  	s0 =	sor.u32 s1, s0  }
0xc1: {  	s0 =	sadd.s32 $0x8F2B, s0  }
0xc2: {  	[sflag:s0] =	ssyncadd.remote.s32 $0x1  }
0xc3: {  	_ =	sfence.sel $0xFFFF  }
0xc4: {  	[dreg:$0x0] =	wrdreg $0xFFFFFFFF;
	(pc) =	sbr.abs _section_cstart, $3  }
0xc5: {  	[dreg:$0x1] =	wrdreg $0xFFFFFFFF  }
0xc6: {  	_ =	task.clear_ibuf [dreg:s10], $0x2FFFF;
	_ =	strace $0x9FFFFFFF  }
0xc7: {  	(tm) =	ssettm $0x7FFFFFFF  }
tec
execute0_lowered:
.L_overlay_start_1:
0x0: {  	(tag) =	ssettag $0x1  }
0x1: {  	s1 =	rddreg [dreg:$0x0]  }
0x2: {  	s5 =	rddreg [dreg:$0x1]  }
0x3: {  	s2 =	rddreg [dreg:$0x2]  }
0x4: {  	s6 =	rddreg [dreg:$0x3]  }
0x5: {  	s0 =	rddreg [dreg:$0x4];
	s7 =	srdreg.scid  }
0x6: {  	s4 =	simm.s32 $0x0;
	s3 =	stileid.u32;
	s11 =	simm.s32 $0x400  }
0x7: {  	s12 =	simm.s32 $0x4400;
	s13 =	simm.s32 $0x100;
	s14 =	simm.s32 $0x8400  }
0x8: {  	s15 =	simm.s32 $0x1;
	s16 =	simm.s32 $0xC680;
	s17 =	simm.s32 $0x180  }
0x9: {  	v0 =	vlaneseq.u32;
	s18 =	simm.s32 $0x2;
	s19 =	simm.s32 $0x200;
	s20 =	simm.s32 $0x3  }
0xa: {  	s21 =	simm.s32 $0x280;
	s22 =	simm.s32 $0x300;
	s23 =	simm.s32 $0x380;
	v0 =	vmul.u32 $0x10, v0  }
0xb: {  	s24 =	simm.s32 $0xC480;
	s25 =	simm.s32 $0x0;
	s7 =	sand.u32 $0x1, s7  }
0xc: {  	[smem:$0x7FF] =	sst s4;
	s9 =	sshll.u32 s3, $0x1;
	s8 =	ssub.s32 $0x2, s7;
	v1 =	vor.u32 $0x1, v0;
	v2 =	vor.u32 $0x2, v0;
	v3 =	vor.u32 $0x3, v0  }
0xd: {  	_ =	strace $0x80000047;
	s7 =	sor.u32 s7, s9;
	s10 =	sshrl.u32 s8, $0x1;
	v4 =	vor.u32 $0x4, v0;
	v5 =	vor.u32 $0x5, v0;
	v6 =	vor.u32 $0x6, v0  }
0xe: {  	s9 =	sshll.u32 s7, $0x7;
	s7 =	sshll.u32 s7, $0x6;
	v7 =	vor.u32 $0x7, v0;
	v8 =	vor.u32 $0x8, v0;
	v9 =	vor.u32 $0x9, v0;
	s8 =	ssub.s32 s8, s10  }
0xf: {  	v10 =	vor.u32 $0xA, v0;
	v11 =	vor.u32 $0xB, v0;
	v12 =	vor.u32 $0xC, v0;
	s5 =	sadd.s32 s5, s9;
	s6 =	sadd.s32 s6, s7;
	s9 =	simm.s32 $0xC400  }
0x10: {  	v13 =	vor.u32 $0xD, v0;
	v14 =	vor.u32 $0xE, v0;
	v15 =	vor.u32 $0xF, v0;
	s10 =	simm.s32 $0x80;
	s7 =	smax.u32 s8, $0x1;
	s8 =	simm.s32 $0x4  }
.LBB2_1:
0x11: {  	[tilespmem:s4], [sflag:$0x4] =	stream.linear.gather [hbm4b:s5+s4], $0x400, $0x38;
	[tilespmem:$0xCA80] =	vst v63  }
0x12: {  	_ =	swait.ge [sflag:s8], $0x400  }
0x13: {  	[sflag:s8] =	ssyncset.done $0x0  }
0x14: {  	[sflag:s8] =	ssyncadd.s32 $0xFFFFFC00  }
0x15: {  	[tilespmem:s9], [sflag:$0x4] =	stream.linear.gather [hbm4b:s2+s4], $0x80, $0x38;
	[tilespmem:$0xCA80] =	vst v63  }
0x16: {  	_ =	swait.ge [sflag:s8], $0x80  }
0x17: {  	[sflag:s8] =	ssyncset.done $0x0  }
0x18: {  	[sflag:s8] =	ssyncadd.s32 $0xFFFFFF80  }
0x19: {  	v16 =	vld [tilespmem:$0xC400];
	[tilespmem:s11], [sflag:$0x1] =	stream.indirect.gather [hbm4b:s1+s10], $0x80, s4, s10, $0xb8  }
0x1a: {  	_ = 	snop  }
0x1b: {  	[tilespmem:s12], [sflag:$0x2] =	stream.indirect.gather [hbm4b:s1+s10], $0x80, s10, s10, $0xb8;
	[tilespmem:$0xCA80] =	vst v63  }
0x1c: {  	_ = 	snop  }
0x1d: {  	[tilespmem:s14], [sflag:$0x3] =	stream.indirect.gather [hbm4b:s1+s10], $0x80, s13, s10, $0xb8;
	[tilespmem:$0xCA80] =	vst v63  }
0x1e: {  	_ =	swait.ge [sflag:s15], $0x4000  }
0x1f: {  	[sflag:s15] =	ssyncset.done $0x0  }
0x20: {  	s29 =	simm.s32 $0x500;
	[sflag:s15] =	ssyncadd.s32 $0xFFFFC000  }
0x21: {  	v17 =	vld [tilespmem:s29+$0x60]  }
0x22: {  	v18 =	vld [tilespmem:s29+$0xE0]  }
0x23: {  	v19 =	vld [tilespmem:s29+$0x70]  }
0x24: {  	v20 =	vld [tilespmem:s29+$0x40]  }
0x25: {  	v21 =	vld [tilespmem:s29+$0xC0]  }
0x26: {  	v22 =	vld [tilespmem:s29+$0x0]  }
0x27: {  	v23 =	vld [tilespmem:s29+$0x80]  }
0x28: {  	v24 =	vld [tilespmem:s29+$0x10]  }
0x29: {  	v25 =	vld [tilespmem:s29+$0x90]  }
0x2a: {  	v26 =	vld [tilespmem:s29+$0x20]  }
0x2b: {  	v27 =	vld [tilespmem:s29+$0xA0]  }
0x2c: {  	v28 =	vld [tilespmem:s29+$0x30]  }
0x2d: {  	v29 =	vld [tilespmem:s29+$0xB0]  }
0x2e: {  	v30 =	vld [tilespmem:s29+$0x50]  }
0x2f: {  	v31 =	vld [tilespmem:s29+$0xD0]  }
0x30: {  	v32 =	vld [tilespmem:s29+$0xF0]  }
0x31: {  	v33 =	vld [tilespmem:s29+$0xFFFFFF80]  }
0x32: {  	v34 =	vld [tilespmem:s29+$0xFFFFFF10];
	v22 =	vsub.f32 v22, v23;
	v23 =	vsub.f32 v26, v27  }
0x33: {  	v62 =	vld [tilespmem:s29+$0xFFFFFF30];
	v24 =	vsub.f32 v24, v25;
	v25 =	vsub.f32 v28, v29  }
0x34: {  	v26 =	vld [tilespmem:s29+$0xFFFFFF90];
	v20 =	vsub.f32 v20, v21;
	v22 =	vmul.f32 v22, v22;
	v21 =	vmul.f32 v23, v23  }
0x35: {  	v27 =	vld [tilespmem:s29+$0xFFFFFF20];
	v61 =	vsub.f32 v30, v31;
	v24 =	vmul.f32 v24, v24;
	v25 =	vmul.f32 v25, v25  }
0x36: {  	v17 =	vsub.f32 v17, v18;
	v19 =	vsub.f32 v19, v32;
	v23 =	vld [tilespmem:s29+$0xFFFFFFA0];
	v20 =	vmul.f32 v20, v20  }
0x37: {  	v18 =	vadd.f32 v21, v22;
	v21 =	vld [tilespmem:s29+$0xFFFFFFB0];
	v22 =	vadd.f32 v25, v24;
	v24 =	vmul.f32 v61, v61  }
0x38: {  	v17 =	vmul.f32 v17, v17;
	v25 =	vld [tilespmem:s29+$0xFFFFFF00]  }
0x39: {  	v63 =	vld [tilespmem:s29+$0xFFFFFF40];
	v19 =	vmul.f32 v19, v19;
	v18 =	vadd.f32 v20, v18;
	v20 =	vadd.f32 v24, v22  }
0x3a: {  	v22 =	vld [tilespmem:s29+$0xFFFFFFC0];
	v24 =	vsub.f32 v34, v26  }
0x3b: {  	v26 =	vadd.f32 v17, v18;
	v17 =	vld [tilespmem:s29+$0xFFFFFF50];
	v20 =	vadd.f32 v19, v20  }
0x3c: {  	v23 =	vsub.f32 v27, v23;
	v19 =	vld [tilespmem:s29+$0xFFFFFFD0];
	v21 =	vsub.f32 v62, v21  }
0x3d: {  	v18 =	vld [tilespmem:s29+$0xFFFFFF60];
	v25 =	vsub.f32 v25, v33;
	v26 =	vadd.f32 v20, v26  }
0x3e: {  	s26 =	simm.s32 $0xC690;
	v24 =	vmul.f32 v24, v24;
	v27 =	vmul.f32 v21, v21;
	v21 =	vld [tilespmem:s29+$0xFFFFFFE0]  }
0x3f: {  	v23 =	vmul.f32 v23, v23;
	v20 =	vld [tilespmem:s29+$0xFFFFFF70];
	v25 =	vmul.f32 v25, v25;
	[tilespmem:s26+$0x0] =	vst v26;
	v26 =	vsub.f32 v63, v22  }
0x40: {  	s28 =	simm.s32 $0x0;
	v22 =	vadd.f32 v27, v24;
	v24 =	vld [tilespmem:s29+$0xFFFFFFF0];
	s29 =	simm.s32 $0x700  }
.LBB2_2:
0x41: {  	v27 =	vld [tilespmem:s29+$0x60];
	v23 =	vadd.f32 v23, v25;
	v25 =	vmul.f32 v26, v26;
	v17 =	vsub.f32 v17, v19  }
0x42: {  	v19 =	vld [tilespmem:s29+$0xE0]  }
0x43: {  	v26 =	vld [tilespmem:s29+$0x70];
	v23 =	vadd.f32 v25, v23;
	v17 =	vmul.f32 v17, v17;
	v18 =	vsub.f32 v18, v21  }
0x44: {  	v21 =	vld [tilespmem:s29+$0x40]  }
0x45: {  	v25 =	vld [tilespmem:s29+$0xC0];
	v17 =	vadd.f32 v17, v22;
	v18 =	vmul.f32 v18, v18;
	v20 =	vsub.f32 v20, v24  }
0x46: {  	v22 =	vld [tilespmem:s29+$0x0]  }
0x47: {  	v24 =	vld [tilespmem:s29+$0x80];
	v18 =	vadd.f32 v18, v23;
	v20 =	vmul.f32 v20, v20  }
0x48: {  	v23 =	vld [tilespmem:s29+$0x10]  }
0x49: {  	v28 =	vld [tilespmem:s29+$0x90];
	v17 =	vadd.f32 v20, v17  }
0x4a: {  	v20 =	vld [tilespmem:s29+$0x20]  }
0x4b: {  	v29 =	vld [tilespmem:s29+$0xA0];
	v17 =	vadd.f32 v17, v18  }
0x4c: {  	v18 =	vld [tilespmem:s29+$0x30]  }
0x4d: {  	s28 =	sadd.s32 $0x2, s28;
	v30 =	vld [tilespmem:s29+$0xB0];
	[tilespmem:s26+$0xFFFFFFF0] =	vst v17  }
0x4e: {  	p0 =	slt.u32 s28, $0x3E;
	v17 =	vld [tilespmem:s29+$0x50]  }
0x4f: {  	v31 =	vld [tilespmem:s29+$0xD0]  }
0x50: {  	v32 =	vld [tilespmem:s29+$0xF0]  }
0x51: {  	v22 =	vsub.f32 v22, v24;
	v23 =	vsub.f32 v23, v28;
	v33 =	vld [tilespmem:s29+$0xFFFFFF80]  }
0x52: {  	v20 =	vsub.f32 v20, v29;
	v24 =	vld [tilespmem:s29+$0xFFFFFF10];
	v18 =	vsub.f32 v18, v30  }
0x53: {  	v21 =	vsub.f32 v21, v25;
	v22 =	vmul.f32 v22, v22;
	v23 =	vmul.f32 v23, v23;
	v28 =	vld [tilespmem:s29+$0xFFFFFF90]  }
0x54: {  	v20 =	vmul.f32 v20, v20;
	v25 =	vld [tilespmem:s29+$0xFFFFFF20];
	v18 =	vmul.f32 v18, v18;
	v17 =	vsub.f32 v17, v31  }
0x55: {  	v19 =	vsub.f32 v27, v19;
	v21 =	vmul.f32 v21, v21;
	v29 =	vld [tilespmem:s29+$0xFFFFFFA0];
	v26 =	vsub.f32 v26, v32  }
0x56: {  	v20 =	vadd.f32 v20, v22;
	v27 =	vld [tilespmem:s29+$0xFFFFFF30];
	v18 =	vadd.f32 v18, v23;
	v17 =	vmul.f32 v17, v17  }
0x57: {  	v19 =	vmul.f32 v19, v19;
	v22 =	vld [tilespmem:s29+$0xFFFFFFB0]  }
0x58: {  	v20 =	vadd.f32 v21, v20;
	v23 =	vld [tilespmem:s29+$0xFFFFFF00];
	v17 =	vadd.f32 v17, v18;
	v18 =	vmul.f32 v26, v26  }
0x59: {  	v21 =	vsub.f32 v24, v28;
	v24 =	vld [tilespmem:s29+$0xFFFFFF40]  }
0x5a: {  	v20 =	vadd.f32 v19, v20;
	v26 =	vld [tilespmem:s29+$0xFFFFFFC0];
	v18 =	vadd.f32 v18, v17  }
0x5b: {  	v28 =	vmul.f32 v21, v21;
	v21 =	vsub.f32 v25, v29;
	v17 =	vld [tilespmem:s29+$0xFFFFFF50]  }
.Ltmp0:
0x5c: {  	v22 =	vsub.f32 v27, v22;
	v19 =	vld [tilespmem:s29+$0xFFFFFFD0];
	v20 =	vadd.f32 v18, v20;
	(pc) =	sbr.rel @p0 .LBB2_2-.Ltmp0, $4  }
0x5d: {  	s26 =	sadd.s32 $0x20, s26;
	v25 =	vsub.f32 v23, v33;
	v23 =	vmul.f32 v21, v21;
	v18 =	vld [tilespmem:s29+$0xFFFFFF60]  }
0x5e: {  	v22 =	vmul.f32 v22, v22;
	v21 =	vld [tilespmem:s29+$0xFFFFFFE0];
	[tilespmem:s26+$0x0] =	vst v20  }
0x5f: {  	v25 =	vmul.f32 v25, v25;
	v26 =	vsub.f32 v24, v26;
	v20 =	vld [tilespmem:s29+$0xFFFFFF70]  }
0x60: {  	v22 =	vadd.f32 v22, v28;
	v24 =	vld [tilespmem:s29+$0xFFFFFFF0];
	s29 =	sadd.s32 $0x200, s29  }
0x61: {  	_ =	sdelay $0x1  }
0x62: {  	v17 =	vsub.f32 v17, v19  }
0x63: {  	v19 =	vadd.f32 v23, v25;
	v23 =	vmul.f32 v26, v26  }
0x64: {  	v17 =	vmul.f32 v17, v17;
	v18 =	vsub.f32 v18, v21;
	v20 =	vsub.f32 v20, v24  }
0x65: {  	v19 =	vadd.f32 v23, v19  }
0x66: {  	v17 =	vadd.f32 v17, v22;
	v18 =	vmul.f32 v18, v18;
	v20 =	vmul.f32 v20, v20;
	_ =	sdelay $0x1  }
0x67: {  	v18 =	vadd.f32 v18, v19;
	v17 =	vadd.f32 v20, v17;
	_ =	sdelay $0x1  }
0x68: {  	s28 =	simm.s32 $0x0;
	v17 =	vadd.f32 v17, v18  }
0x69: {  	v18 =	vor.u32 s28, v1  }
0x6a: {  	[tilespmem:s26+$0xFFFFFFF0] =	vst v17;
	v17 =	vor.u32 s28, v0;
	_ =	sdelay $0x1  }
0x6b: {  	v19 =	vor.u32 s28, v2;
	_ =	sdelay $0x1  }
0x6c: {  	v20 =	vor.u32 s28, v3;
	v18 =	vld.idx.msk [tilespmem:v18+s16+$0x0], $0xffff  }
0x6d: {  	v17 =	vld.idx.msk [tilespmem:v17+s16+$0x0], $0xffff  }
0x6e: {  	v21 =	vor.u32 s28, v4  }
0x6f: {  	v19 =	vld.idx.msk [tilespmem:v19+s16+$0x0], $0xffff  }
0x70: {  	v22 =	vor.u32 s28, v5  }
0x71: {  	v20 =	vld.idx.msk [tilespmem:v20+s16+$0x0], $0xffff  }
0x72: {  	v23 =	vor.u32 s28, v6;
	v17 =	vadd.f32 v18, v17  }
0x73: {  	v18 =	vld.idx.msk [tilespmem:v21+s16+$0x0], $0xffff  }
0x74: {  	v21 =	vor.u32 s28, v7;
	v17 =	vadd.f32 v19, v17  }
0x75: {  	v19 =	vld.idx.msk [tilespmem:v22+s16+$0x0], $0xffff  }
0x76: {  	v22 =	vor.u32 s28, v8;
	v17 =	vadd.f32 v20, v17  }
0x77: {  	v20 =	vld.idx.msk [tilespmem:v23+s16+$0x0], $0xffff  }
0x78: {  	v23 =	vor.u32 s28, v9;
	v17 =	vadd.f32 v18, v17  }
0x79: {  	v18 =	vld.idx.msk [tilespmem:v21+s16+$0x0], $0xffff  }
0x7a: {  	v21 =	vor.u32 s28, v10;
	v17 =	vadd.f32 v19, v17  }
0x7b: {  	v19 =	vld.idx.msk [tilespmem:v22+s16+$0x0], $0xffff  }
0x7c: {  	v22 =	vor.u32 s28, v11;
	v17 =	vadd.f32 v20, v17  }
0x7d: {  	v20 =	vld.idx.msk [tilespmem:v23+s16+$0x0], $0xffff  }
0x7e: {  	v23 =	vor.u32 s28, v12;
	v17 =	vadd.f32 v18, v17  }
0x7f: {  	v18 =	vld.idx.msk [tilespmem:v21+s16+$0x0], $0xffff  }
0x80: {  	v21 =	vor.u32 s28, v13;
	v17 =	vadd.f32 v19, v17  }
0x81: {  	v19 =	vld.idx.msk [tilespmem:v22+s16+$0x0], $0xffff  }
0x82: {  	v22 =	vor.u32 s28, v14;
	v17 =	vadd.f32 v20, v17  }
0x83: {  	v20 =	vld.idx.msk [tilespmem:v23+s16+$0x0], $0xffff  }
0x84: {  	v23 =	vor.u32 s28, v15;
	v17 =	vadd.f32 v18, v17  }
0x85: {  	v18 =	vld.idx.msk [tilespmem:v21+s16+$0x0], $0xffff  }
0x86: {  	v17 =	vadd.f32 v19, v17  }
0x87: {  	v19 =	vld.idx.msk [tilespmem:v22+s16+$0x0], $0xffff  }
0x88: {  	v17 =	vadd.f32 v20, v17  }
0x89: {  	v20 =	vld.idx.msk [tilespmem:v23+s16+$0x0], $0xffff  }
0x8a: {  	v17 =	vadd.f32 v18, v17;
	_ =	sdelay $0x1  }
0x8b: {  	s28 =	simm.s32 $0x100;
	v17 =	vadd.f32 v19, v17  }
0x8c: {  	v18 =	vor.u32 s28, v0  }
0x8d: {  	v19 =	vor.u32 s28, v1;
	v17 =	vadd.f32 v20, v17;
	_ =	sdelay $0x1  }
0x8e: {  	v20 =	vor.u32 s28, v2;
	v17 =	vadd.f32 $9.999999960e-13, v17;
	_ =	sdelay $0x1  }
0x8f: {  	v21 =	vor.u32 s28, v3;
	v18 =	vld.idx.msk [tilespmem:v18+s16+$0x0], $0xffff;
	v22 =	vshra.s32 v17, $0x1;
	v23 =	vmul.f32 $5.000000000e-01, v17  }
0x90: {  	v19 =	vld.idx.msk [tilespmem:v19+s16+$0x0], $0xffff;
	v22 =	vsub.s32 $0x5F3759DF, v22  }
0x91: {  	v52 =	vor.u32 s28, v4;
	v53 =	vmul.f32 v22, v23  }
0x92: {  	v20 =	vld.idx.msk [tilespmem:v20+s16+$0x0], $0xffff  }
0x93: {  	v54 =	vor.u32 s28, v5;
	v25 =	vmul.f32 v22, v53  }
0x94: {  	v21 =	vld.idx.msk [tilespmem:v21+s16+$0x0], $0xffff  }
0x95: {  	v27 =	vor.u32 s28, v6;
	v18 =	vadd.f32 v19, v18;
	v19 =	vsub.f32 $1.500000000e+00, v25  }
0x96: {  	v24 =	vld.idx.msk [tilespmem:v52+s16+$0x0], $0xffff  }
0x97: {  	v55 =	vor.u32 s28, v7;
	v18 =	vadd.f32 v20, v18;
	v19 =	vmul.f32 v22, v19  }
0x98: {  	v20 =	vld.idx.msk [tilespmem:v54+s16+$0x0], $0xffff  }
0x99: {  	v22 =	vor.u32 s28, v8;
	v18 =	vadd.f32 v21, v18;
	v21 =	vmul.f32 v19, v23  }
0x9a: {  	v56 =	vld.idx.msk [tilespmem:v27+s16+$0x0], $0xffff  }
0x9b: {  	v57 =	vor.u32 s28, v9;
	v18 =	vadd.f32 v24, v18;
	v21 =	vmul.f32 v21, v19  }
0x9c: {  	v58 =	vld.idx.msk [tilespmem:v55+s16+$0x0], $0xffff  }
0x9d: {  	v59 =	vor.u32 s28, v10;
	v18 =	vadd.f32 v20, v18;
	v20 =	vsub.f32 $1.500000000e+00, v21  }
0x9e: {  	v16 =	vmul.f32 $1.442695020e+00, v16;
	v21 =	vld.idx.msk [tilespmem:v22+s16+$0x0], $0xffff  }
0x9f: {  	v22 =	vor.u32 s28, v11;
	v18 =	vadd.f32 v56, v18;
	v19 =	vmul.f32 v20, v19  }
0xa0: {  	(erf) = vpow2.f32 v16;
	v20 =	vld.idx.msk [tilespmem:v57+s16+$0x0], $0xffff  }
0xa1: {  	v60 =	vor.u32 s28, v12;
	v18 =	vadd.f32 v58, v18;
	v23 =	vmul.f32 v19, v23  }
0xa2: {  	v61 =	vld.idx.msk [tilespmem:v59+s16+$0x0], $0xffff  }
0xa3: {  	v18 =	vadd.f32 v21, v18;
	v21 =	vmul.f32 v23, v19;
	v23 =	vor.u32 s28, v13  }
0xa4: {  	v22 =	vld.idx.msk [tilespmem:v22+s16+$0x0], $0xffff  }
0xa5: {  	v62 =	vor.u32 s28, v14;
	v18 =	vadd.f32 v20, v18;
	v20 =	vsub.f32 $1.500000000e+00, v21  }
0xa6: {  	v63 =	vor.u32 s28, v15;
	v21 =	vld.idx.msk [tilespmem:v60+s16+$0x0], $0xffff  }
0xa7: {  	v18 =	vadd.f32 v61, v18;
	v19 =	vmul.f32 v20, v19  }
0xa8: {  	v20 =	vld.idx.msk [tilespmem:v23+s16+$0x0], $0xffff  }
0xa9: {  	v22 =	vadd.f32 v22, v18;
	v17 =	vmul.f32 v19, v17  }
0xaa: {  	v16 =	vpop (erf);
	v18 =	vld.idx.msk [tilespmem:v62+s16+$0x0], $0xffff  }
0xab: {  	s29 =	simm.s32 $0x200;
	s26 =	simm.s32 $0xC480;
	s28 =	simm.s32 $0xC480;
	v19 =	vld.idx.msk [tilespmem:v63+s16+$0x0], $0xffff;
	v21 =	vadd.f32 v21, v22;
	v17 =	vmul.f32 v17, v16  }
.LBB2_4:
0xac: {  	p0 =	sne.s32 s29, $0x300  }
0xad: {  	v20 =	vadd.f32 v20, v21;
	s26 =	sadd.s32 $0x10, s26;
	s30 =	smov.u32 s29;
	s29 =	sadd.s32 $0x100, s29  }
0xae: {  	v21 =	vor.u32 s30, v0;
	v22 =	vor.u32 s30, v1;
	[tilespmem:s28+$0x0] =	vst v17;
	s28 =	smov.u32 s26  }
0xaf: {  	v17 =	vadd.f32 v18, v20  }
0xb0: {  	v18 =	vor.u32 s30, v2  }
0xb1: {  	v17 =	vadd.f32 v19, v17  }
0xb2: {  	v19 =	vor.u32 s30, v3  }
0xb3: {  	v20 =	vld.idx.msk [tilespmem:v21+s16+$0x0], $0xffff;
	v17 =	vadd.f32 $9.999999960e-13, v17  }
0xb4: {  	v21 =	vld.idx.msk [tilespmem:v22+s16+$0x0], $0xffff;
	v22 =	vor.u32 s30, v4  }
0xb5: {  	v18 =	vld.idx.msk [tilespmem:v18+s16+$0x0], $0xffff;
	v23 =	vshra.s32 v17, $0x1;
	v24 =	vmul.f32 $5.000000000e-01, v17  }
0xb6: {  	v25 =	vor.u32 s30, v5;
	v23 =	vsub.s32 $0x5F3759DF, v23  }
0xb7: {  	v19 =	vld.idx.msk [tilespmem:v19+s16+$0x0], $0xffff;
	v26 =	vmul.f32 v23, v24  }
0xb8: {  	v27 =	vor.u32 s30, v6  }
0xb9: {  	v22 =	vld.idx.msk [tilespmem:v22+s16+$0x0], $0xffff;
	v26 =	vmul.f32 v23, v26  }
0xba: {  	v20 =	vadd.f32 v21, v20;
	v21 =	vor.u32 s30, v7  }
0xbb: {  	v25 =	vld.idx.msk [tilespmem:v25+s16+$0x0], $0xffff;
	v26 =	vsub.f32 $1.500000000e+00, v26  }
0xbc: {  	v18 =	vadd.f32 v18, v20;
	v20 =	vor.u32 s30, v8  }
0xbd: {  	v27 =	vld.idx.msk [tilespmem:v27+s16+$0x0], $0xffff;
	v23 =	vmul.f32 v23, v26  }
0xbe: {  	v18 =	vadd.f32 v19, v18;
	v19 =	vor.u32 s30, v9  }
0xbf: {  	v21 =	vld.idx.msk [tilespmem:v21+s16+$0x0], $0xffff;
	v26 =	vmul.f32 v23, v24  }
0xc0: {  	v18 =	vadd.f32 v22, v18;
	v22 =	vor.u32 s30, v10  }
0xc1: {  	v20 =	vld.idx.msk [tilespmem:v20+s16+$0x0], $0xffff;
	v26 =	vmul.f32 v26, v23  }
0xc2: {  	v18 =	vadd.f32 v25, v18;
	v25 =	vor.u32 s30, v11  }
0xc3: {  	v19 =	vld.idx.msk [tilespmem:v19+s16+$0x0], $0xffff;
	v26 =	vsub.f32 $1.500000000e+00, v26  }
0xc4: {  	v18 =	vadd.f32 v27, v18;
	v27 =	vor.u32 s30, v12  }
0xc5: {  	v22 =	vld.idx.msk [tilespmem:v22+s16+$0x0], $0xffff;
	v23 =	vmul.f32 v26, v23  }
0xc6: {  	v18 =	vadd.f32 v21, v18;
	v21 =	vor.u32 s30, v13  }
0xc7: {  	v25 =	vld.idx.msk [tilespmem:v25+s16+$0x0], $0xffff;
	v24 =	vmul.f32 v23, v24  }
0xc8: {  	v26 =	vor.u32 s30, v14;
	v18 =	vadd.f32 v20, v18  }
0xc9: {  	v27 =	vld.idx.msk [tilespmem:v27+s16+$0x0], $0xffff;
	v24 =	vmul.f32 v24, v23  }
0xca: {  	v18 =	vadd.f32 v19, v18;
	v19 =	vor.u32 s30, v15  }
0xcb: {  	v20 =	vld.idx.msk [tilespmem:v21+s16+$0x0], $0xffff;
	v21 =	vsub.f32 $1.500000000e+00, v24  }
0xcc: {  	v22 =	vadd.f32 v22, v18  }
.Ltmp1:
0xcd: {  	v18 =	vld.idx.msk [tilespmem:v26+s16+$0x0], $0xffff;
	v21 =	vmul.f32 v21, v23;
	(pc) =	sbr.rel @p0 .LBB2_4-.Ltmp1, $4  }
0xce: {  	v22 =	vadd.f32 v25, v22  }
0xcf: {  	v19 =	vld.idx.msk [tilespmem:v19+s16+$0x0], $0xffff;
	v17 =	vmul.f32 v21, v17  }
0xd0: {  	v21 =	vadd.f32 v27, v22  }
0xd1: {  	v17 =	vmul.f32 v17, v16  }
0xd2: {  	v20 =	vadd.f32 v20, v21;
	_ =	sdelay $0x1  }
0xd3: {  	v18 =	vadd.f32 v18, v20;
	_ =	sdelay $0x1  }
0xd4: {  	v18 =	vadd.f32 v19, v18;
	_ =	sdelay $0x1  }
0xd5: {  	v18 =	vadd.f32 $9.999999960e-13, v18;
	_ =	sdelay $0x1  }
0xd6: {  	v19 =	vshra.s32 v18, $0x1;
	v20 =	vmul.f32 $5.000000000e-01, v18  }
0xd7: {  	v19 =	vsub.s32 $0x5F3759DF, v19  }
0xd8: {  	v21 =	vmul.f32 v19, v20;
	_ =	sdelay $0x1  }
0xd9: {  	v21 =	vmul.f32 v19, v21;
	_ =	sdelay $0x1  }
0xda: {  	v21 =	vsub.f32 $1.500000000e+00, v21;
	_ =	sdelay $0x1  }
0xdb: {  	v19 =	vmul.f32 v19, v21;
	_ =	sdelay $0x1  }
0xdc: {  	v21 =	vmul.f32 v19, v20;
	_ =	sdelay $0x1  }
0xdd: {  	v21 =	vmul.f32 v21, v19;
	_ =	sdelay $0x1  }
0xde: {  	v21 =	vsub.f32 $1.500000000e+00, v21;
	_ =	sdelay $0x1  }
0xdf: {  	v19 =	vmul.f32 v21, v19;
	_ =	sdelay $0x1  }
0xe0: {  	v20 =	vmul.f32 v19, v20;
	_ =	sdelay $0x1  }
0xe1: {  	v20 =	vmul.f32 v20, v19;
	_ =	sdelay $0x1  }
0xe2: {  	v20 =	vsub.f32 $1.500000000e+00, v20;
	_ =	sdelay $0x1  }
0xe3: {  	v19 =	vmul.f32 v20, v19;
	_ =	sdelay $0x1  }
0xe4: {  	v18 =	vmul.f32 v19, v18;
	_ =	sdelay $0x1  }
0xe5: {  	v18 =	vmul.f32 v18, v16  }
0xe6: {  	s26 =	sadd.s32 $0x10, s26;
	[tilespmem:s28+$0x0] =	vst v17  }
0xe7: {  	[tilespmem:s26+$0x0] =	vst v18  }
0xe8: {  	[tilespmem:s11], [sflag:$0x1] =	stream.indirect.gather [hbm4b:s1+s10], $0x80, s17, s10, $0xb8;
	[tilespmem:$0xCA80] =	vst v63  }
0xe9: {  	_ =	swait.ge [sflag:s18], $0x4000  }
0xea: {  	[sflag:s18] =	ssyncset.done $0x0  }
0xeb: {  	s30 =	simm.s32 $0x4500;
	[sflag:s18] =	ssyncadd.s32 $0xFFFFC000  }
0xec: {  	v17 =	vld [tilespmem:s30+$0x60]  }
0xed: {  	v18 =	vld [tilespmem:s30+$0xE0]  }
0xee: {  	v19 =	vld [tilespmem:s30+$0x70]  }
0xef: {  	v20 =	vld [tilespmem:s30+$0x40]  }
0xf0: {  	v21 =	vld [tilespmem:s30+$0xC0]  }
0xf1: {  	v22 =	vld [tilespmem:s30+$0x0]  }
0xf2: {  	v23 =	vld [tilespmem:s30+$0x80]  }
0xf3: {  	v24 =	vld [tilespmem:s30+$0x10]  }
0xf4: {  	v25 =	vld [tilespmem:s30+$0x90]  }
0xf5: {  	v26 =	vld [tilespmem:s30+$0x20]  }
0xf6: {  	v27 =	vld [tilespmem:s30+$0xA0]  }
0xf7: {  	v28 =	vld [tilespmem:s30+$0x30]  }
0xf8: {  	v29 =	vld [tilespmem:s30+$0xB0]  }
0xf9: {  	v30 =	vld [tilespmem:s30+$0x50]  }
0xfa: {  	v31 =	vld [tilespmem:s30+$0xD0]  }
0xfb: {  	v32 =	vld [tilespmem:s30+$0xF0]  }
0xfc: {  	v33 =	vld [tilespmem:s30+$0xFFFFFF80]  }
0xfd: {  	v34 =	vld [tilespmem:s30+$0xFFFFFF10]  }
0xfe: {  	v61 =	vld [tilespmem:s30+$0xFFFFFF30];
	v22 =	vsub.f32 v22, v23;
	v23 =	vsub.f32 v26, v27  }
0xff: {  	v26 =	vld [tilespmem:s30+$0xFFFFFF90];
	v24 =	vsub.f32 v24, v25;
	v25 =	vsub.f32 v28, v29  }
0x100: {  	v27 =	vld [tilespmem:s30+$0xFFFFFF20];
	v20 =	vsub.f32 v20, v21;
	v22 =	vmul.f32 v22, v22;
	v21 =	vmul.f32 v23, v23  }
0x101: {  	v60 =	vsub.f32 v30, v31;
	v23 =	vld [tilespmem:s30+$0xFFFFFFA0];
	v24 =	vmul.f32 v24, v24;
	v25 =	vmul.f32 v25, v25  }
0x102: {  	v17 =	vsub.f32 v17, v18;
	v20 =	vmul.f32 v20, v20;
	v18 =	vadd.f32 v21, v22;
	v21 =	vld [tilespmem:s30+$0xFFFFFFB0]  }
0x103: {  	v19 =	vsub.f32 v19, v32;
	v22 =	vadd.f32 v25, v24;
	v24 =	vmul.f32 v60, v60;
	v25 =	vld [tilespmem:s30+$0xFFFFFF00]  }
0x104: {  	v62 =	vld [tilespmem:s30+$0xFFFFFF40];
	v17 =	vmul.f32 v17, v17;
	v18 =	vadd.f32 v20, v18  }
0x105: {  	v19 =	vmul.f32 v19, v19;
	v20 =	vadd.f32 v24, v22;
	v24 =	vld [tilespmem:s30+$0xFFFFFFC0]  }
0x106: {  	v22 =	vsub.f32 v34, v26;
	v26 =	vadd.f32 v17, v18;
	v17 =	vld [tilespmem:s30+$0xFFFFFF50]  }
0x107: {  	v20 =	vadd.f32 v19, v20;
	v19 =	vld [tilespmem:s30+$0xFFFFFFD0];
	v21 =	vsub.f32 v61, v21  }
0x108: {  	v63 =	vmul.f32 v22, v22;
	v22 =	vsub.f32 v27, v23;
	v18 =	vld [tilespmem:s30+$0xFFFFFF60];
	v25 =	vsub.f32 v25, v33  }
0x109: {  	v23 =	vadd.f32 v20, v26;
	v20 =	vld [tilespmem:s30+$0xFFFFFFE0];
	v27 =	vmul.f32 v21, v21  }
0x10a: {  	s28 =	simm.s32 $0xC690;
	v22 =	vmul.f32 v22, v22;
	v21 =	vld [tilespmem:s30+$0xFFFFFF70];
	v25 =	vmul.f32 v25, v25;
	v26 =	vsub.f32 v62, v24  }
0x10b: {  	s29 =	simm.s32 $0x0;
	s26 =	simm.s32 $0xC4C0;
	v24 =	vld [tilespmem:s30+$0xFFFFFFF0];
	s30 =	simm.s32 $0x4700;
	[tilespmem:s28+$0x0] =	vst v23;
	v23 =	vadd.f32 v27, v63  }
.LBB2_6:
0x10c: {  	v27 =	vld [tilespmem:s30+$0x60];
	v22 =	vadd.f32 v22, v25;
	v25 =	vmul.f32 v26, v26;
	v17 =	vsub.f32 v17, v19  }
0x10d: {  	v19 =	vld [tilespmem:s30+$0xE0]  }
0x10e: {  	v26 =	vld [tilespmem:s30+$0x70];
	v22 =	vadd.f32 v25, v22;
	v17 =	vmul.f32 v17, v17;
	v18 =	vsub.f32 v18, v20  }
0x10f: {  	v20 =	vld [tilespmem:s30+$0x40]  }
0x110: {  	v25 =	vld [tilespmem:s30+$0xC0];
	v17 =	vadd.f32 v17, v23;
	v18 =	vmul.f32 v18, v18;
	v21 =	vsub.f32 v21, v24  }
0x111: {  	v23 =	vld [tilespmem:s30+$0x0]  }
0x112: {  	v24 =	vld [tilespmem:s30+$0x80];
	v18 =	vadd.f32 v18, v22;
	v21 =	vmul.f32 v21, v21  }
0x113: {  	v22 =	vld [tilespmem:s30+$0x10]  }
0x114: {  	v28 =	vld [tilespmem:s30+$0x90];
	v17 =	vadd.f32 v21, v17  }
0x115: {  	v21 =	vld [tilespmem:s30+$0x20]  }
0x116: {  	v29 =	vld [tilespmem:s30+$0xA0];
	v17 =	vadd.f32 v17, v18  }
0x117: {  	v18 =	vld [tilespmem:s30+$0x30]  }
0x118: {  	s29 =	sadd.s32 $0x2, s29;
	v30 =	vld [tilespmem:s30+$0xB0];
	[tilespmem:s28+$0xFFFFFFF0] =	vst v17  }
0x119: {  	p0 =	slt.u32 s29, $0x3E;
	v17 =	vld [tilespmem:s30+$0x50]  }
0x11a: {  	v31 =	vld [tilespmem:s30+$0xD0]  }
0x11b: {  	v32 =	vld [tilespmem:s30+$0xF0]  }
0x11c: {  	v23 =	vsub.f32 v23, v24;
	v22 =	vsub.f32 v22, v28;
	v33 =	vld [tilespmem:s30+$0xFFFFFF80]  }
0x11d: {  	v21 =	vsub.f32 v21, v29;
	v24 =	vld [tilespmem:s30+$0xFFFFFF10];
	v18 =	vsub.f32 v18, v30  }
0x11e: {  	v20 =	vsub.f32 v20, v25;
	v23 =	vmul.f32 v23, v23;
	v22 =	vmul.f32 v22, v22;
	v28 =	vld [tilespmem:s30+$0xFFFFFF90]  }
0x11f: {  	v21 =	vmul.f32 v21, v21;
	v25 =	vld [tilespmem:s30+$0xFFFFFF20];
	v18 =	vmul.f32 v18, v18;
	v17 =	vsub.f32 v17, v31  }
0x120: {  	v19 =	vsub.f32 v27, v19;
	v20 =	vmul.f32 v20, v20;
	v29 =	vld [tilespmem:s30+$0xFFFFFFA0];
	v26 =	vsub.f32 v26, v32  }
0x121: {  	v21 =	vadd.f32 v21, v23;
	v27 =	vld [tilespmem:s30+$0xFFFFFF30];
	v18 =	vadd.f32 v18, v22;
	v17 =	vmul.f32 v17, v17  }
0x122: {  	v19 =	vmul.f32 v19, v19;
	v22 =	vld [tilespmem:s30+$0xFFFFFFB0]  }
0x123: {  	v20 =	vadd.f32 v20, v21;
	v23 =	vld [tilespmem:s30+$0xFFFFFF00];
	v17 =	vadd.f32 v17, v18;
	v18 =	vmul.f32 v26, v26  }
0x124: {  	v21 =	vsub.f32 v24, v28;
	v24 =	vld [tilespmem:s30+$0xFFFFFF40]  }
0x125: {  	v20 =	vadd.f32 v19, v20;
	v26 =	vld [tilespmem:s30+$0xFFFFFFC0];
	v18 =	vadd.f32 v18, v17  }
0x126: {  	v28 =	vmul.f32 v21, v21;
	v21 =	vsub.f32 v25, v29;
	v17 =	vld [tilespmem:s30+$0xFFFFFF50]  }
.Ltmp2:
0x127: {  	v25 =	vsub.f32 v27, v22;
	v19 =	vld [tilespmem:s30+$0xFFFFFFD0];
	v27 =	vadd.f32 v18, v20;
	(pc) =	sbr.rel @p0 .LBB2_6-.Ltmp2, $4  }
0x128: {  	s28 =	sadd.s32 $0x20, s28;
	v22 =	vmul.f32 v21, v21;
	v23 =	vsub.f32 v23, v33;
	v18 =	vld [tilespmem:s30+$0xFFFFFF60]  }
0x129: {  	s31 =	simm.s32 $0x0;
	v29 =	vmul.f32 v25, v25;
	v20 =	vld [tilespmem:s30+$0xFFFFFFE0];
	[tilespmem:s28+$0x0] =	vst v27  }
0x12a: {  	v25 =	vmul.f32 v23, v23;
	v26 =	vsub.f32 v24, v26;
	v21 =	vld [tilespmem:s30+$0xFFFFFF70]  }
0x12b: {  	v23 =	vadd.f32 v29, v28;
	v24 =	vld [tilespmem:s30+$0xFFFFFFF0];
	s30 =	sadd.s32 $0x200, s30  }
0x12c: {  	_ =	sdelay $0x1  }
0x12d: {  	v17 =	vsub.f32 v17, v19  }
0x12e: {  	v19 =	vadd.f32 v22, v25;
	v22 =	vmul.f32 v26, v26  }
0x12f: {  	v17 =	vmul.f32 v17, v17;
	v18 =	vsub.f32 v18, v20;
	v20 =	vsub.f32 v21, v24  }
0x130: {  	v19 =	vadd.f32 v22, v19  }
0x131: {  	v17 =	vadd.f32 v17, v23;
	v18 =	vmul.f32 v18, v18;
	v20 =	vmul.f32 v20, v20;
	_ =	sdelay $0x1  }
0x132: {  	v18 =	vadd.f32 v18, v19;
	v19 =	vor.u32 s31, v0;
	v17 =	vadd.f32 v20, v17  }
0x133: {  	v20 =	vor.u32 s31, v1  }
0x134: {  	v17 =	vadd.f32 v17, v18  }
0x135: {  	v18 =	vor.u32 s31, v2  }
0x136: {  	[tilespmem:s28+$0xFFFFFFF0] =	vst v17  }
0x137: {  	v17 =	vor.u32 s31, v3;
	v19 =	vld.idx.msk [tilespmem:v19+s16+$0x0], $0xffff  }
0x138: {  	v20 =	vld.idx.msk [tilespmem:v20+s16+$0x0], $0xffff  }
0x139: {  	v21 =	vor.u32 s31, v4  }
0x13a: {  	v18 =	vld.idx.msk [tilespmem:v18+s16+$0x0], $0xffff  }
0x13b: {  	v22 =	vor.u32 s31, v5  }
0x13c: {  	v17 =	vld.idx.msk [tilespmem:v17+s16+$0x0], $0xffff  }
0x13d: {  	v23 =	vor.u32 s31, v6;
	v19 =	vadd.f32 v20, v19  }
0x13e: {  	v20 =	vld.idx.msk [tilespmem:v21+s16+$0x0], $0xffff  }
0x13f: {  	v21 =	vor.u32 s31, v7;
	v18 =	vadd.f32 v18, v19  }
0x140: {  	v19 =	vld.idx.msk [tilespmem:v22+s16+$0x0], $0xffff  }
0x141: {  	v22 =	vor.u32 s31, v8;
	v17 =	vadd.f32 v17, v18  }
0x142: {  	v18 =	vld.idx.msk [tilespmem:v23+s16+$0x0], $0xffff  }
0x143: {  	v23 =	vor.u32 s31, v9;
	v17 =	vadd.f32 v20, v17  }
0x144: {  	v20 =	vld.idx.msk [tilespmem:v21+s16+$0x0], $0xffff  }
0x145: {  	v21 =	vor.u32 s31, v10;
	v17 =	vadd.f32 v19, v17  }
0x146: {  	v19 =	vld.idx.msk [tilespmem:v22+s16+$0x0], $0xffff  }
0x147: {  	v22 =	vor.u32 s31, v11;
	v17 =	vadd.f32 v18, v17  }
0x148: {  	v18 =	vld.idx.msk [tilespmem:v23+s16+$0x0], $0xffff  }
0x149: {  	v23 =	vor.u32 s31, v12;
	v17 =	vadd.f32 v20, v17  }
0x14a: {  	v20 =	vld.idx.msk [tilespmem:v21+s16+$0x0], $0xffff  }
0x14b: {  	v21 =	vor.u32 s31, v13;
	v17 =	vadd.f32 v19, v17  }
0x14c: {  	v19 =	vld.idx.msk [tilespmem:v22+s16+$0x0], $0xffff  }
0x14d: {  	v22 =	vor.u32 s31, v14;
	v17 =	vadd.f32 v18, v17  }
0x14e: {  	v18 =	vld.idx.msk [tilespmem:v23+s16+$0x0], $0xffff  }
0x14f: {  	v23 =	vor.u32 s31, v15;
	v17 =	vadd.f32 v20, v17  }
0x150: {  	v20 =	vld.idx.msk [tilespmem:v21+s16+$0x0], $0xffff  }
0x151: {  	v17 =	vadd.f32 v19, v17  }
0x152: {  	v19 =	vld.idx.msk [tilespmem:v22+s16+$0x0], $0xffff  }
0x153: {  	v17 =	vadd.f32 v18, v17  }
0x154: {  	v18 =	vld.idx.msk [tilespmem:v23+s16+$0x0], $0xffff  }
0x155: {  	v17 =	vadd.f32 v20, v17;
	_ =	sdelay $0x1  }
0x156: {  	s28 =	simm.s32 $0x100;
	v17 =	vadd.f32 v19, v17  }
0x157: {  	v20 =	vor.u32 s28, v1  }
0x158: {  	v19 =	vor.u32 s28, v0;
	v17 =	vadd.f32 v18, v17;
	_ =	sdelay $0x1  }
0x159: {  	v18 =	vor.u32 s28, v2;
	v17 =	vadd.f32 $9.999999960e-13, v17;
	_ =	sdelay $0x1  }
0x15a: {  	v21 =	vor.u32 s28, v3;
	v20 =	vld.idx.msk [tilespmem:v20+s16+$0x0], $0xffff;
	v22 =	vshra.s32 v17, $0x1;
	v23 =	vmul.f32 $5.000000000e-01, v17  }
0x15b: {  	v19 =	vld.idx.msk [tilespmem:v19+s16+$0x0], $0xffff;
	v22 =	vsub.s32 $0x5F3759DF, v22  }
0x15c: {  	v52 =	vor.u32 s28, v4;
	v53 =	vmul.f32 v22, v23  }
0x15d: {  	v18 =	vld.idx.msk [tilespmem:v18+s16+$0x0], $0xffff  }
0x15e: {  	v54 =	vor.u32 s28, v5;
	v25 =	vmul.f32 v22, v53  }
0x15f: {  	v21 =	vld.idx.msk [tilespmem:v21+s16+$0x0], $0xffff  }
0x160: {  	v27 =	vor.u32 s28, v6;
	v19 =	vadd.f32 v20, v19;
	v20 =	vsub.f32 $1.500000000e+00, v25  }
0x161: {  	v24 =	vld.idx.msk [tilespmem:v52+s16+$0x0], $0xffff  }
0x162: {  	v55 =	vor.u32 s28, v7;
	v18 =	vadd.f32 v18, v19;
	v19 =	vmul.f32 v22, v20  }
0x163: {  	v20 =	vld.idx.msk [tilespmem:v54+s16+$0x0], $0xffff  }
0x164: {  	v22 =	vor.u32 s28, v8;
	v18 =	vadd.f32 v21, v18;
	v21 =	vmul.f32 v19, v23  }
0x165: {  	v56 =	vld.idx.msk [tilespmem:v27+s16+$0x0], $0xffff  }
0x166: {  	v57 =	vor.u32 s28, v9;
	v18 =	vadd.f32 v24, v18;
	v21 =	vmul.f32 v21, v19  }
0x167: {  	v58 =	vld.idx.msk [tilespmem:v55+s16+$0x0], $0xffff  }
0x168: {  	v59 =	vor.u32 s28, v10;
	v18 =	vadd.f32 v20, v18;
	v20 =	vsub.f32 $1.500000000e+00, v21  }
0x169: {  	v21 =	vld.idx.msk [tilespmem:v22+s16+$0x0], $0xffff  }
0x16a: {  	v22 =	vor.u32 s28, v11;
	v18 =	vadd.f32 v56, v18;
	v19 =	vmul.f32 v20, v19  }
0x16b: {  	v20 =	vld.idx.msk [tilespmem:v57+s16+$0x0], $0xffff  }
0x16c: {  	v60 =	vor.u32 s28, v12;
	v18 =	vadd.f32 v58, v18;
	v23 =	vmul.f32 v19, v23  }
0x16d: {  	v61 =	vld.idx.msk [tilespmem:v59+s16+$0x0], $0xffff  }
0x16e: {  	v18 =	vadd.f32 v21, v18;
	v21 =	vmul.f32 v23, v19;
	v23 =	vor.u32 s28, v13  }
0x16f: {  	v22 =	vld.idx.msk [tilespmem:v22+s16+$0x0], $0xffff  }
0x170: {  	v62 =	vor.u32 s28, v14;
	v18 =	vadd.f32 v20, v18;
	v20 =	vsub.f32 $1.500000000e+00, v21  }
0x171: {  	v63 =	vor.u32 s28, v15;
	v21 =	vld.idx.msk [tilespmem:v60+s16+$0x0], $0xffff  }
0x172: {  	v18 =	vadd.f32 v61, v18;
	v19 =	vmul.f32 v20, v19  }
0x173: {  	v20 =	vld.idx.msk [tilespmem:v23+s16+$0x0], $0xffff  }
0x174: {  	v22 =	vadd.f32 v22, v18;
	v17 =	vmul.f32 v19, v17  }
0x175: {  	v18 =	vld.idx.msk [tilespmem:v62+s16+$0x0], $0xffff  }
0x176: {  	s29 =	simm.s32 $0x200;
	s28 =	simm.s32 $0xC4C0;
	v19 =	vld.idx.msk [tilespmem:v63+s16+$0x0], $0xffff;
	v21 =	vadd.f32 v21, v22;
	v17 =	vmul.f32 v17, v16  }
.LBB2_8:
0x177: {  	p0 =	sne.s32 s29, $0x300  }
0x178: {  	v20 =	vadd.f32 v20, v21;
	s26 =	sadd.s32 $0x10, s26;
	s30 =	smov.u32 s29;
	s29 =	sadd.s32 $0x100, s29  }
0x179: {  	v21 =	vor.u32 s30, v0;
	v22 =	vor.u32 s30, v1;
	[tilespmem:s28+$0x0] =	vst v17;
	s28 =	smov.u32 s26  }
0x17a: {  	v17 =	vadd.f32 v18, v20  }
0x17b: {  	v18 =	vor.u32 s30, v2  }
0x17c: {  	v17 =	vadd.f32 v19, v17  }
0x17d: {  	v19 =	vor.u32 s30, v3  }
0x17e: {  	v20 =	vld.idx.msk [tilespmem:v21+s16+$0x0], $0xffff;
	v17 =	vadd.f32 $9.999999960e-13, v17  }
0x17f: {  	v21 =	vld.idx.msk [tilespmem:v22+s16+$0x0], $0xffff;
	v22 =	vor.u32 s30, v4  }
0x180: {  	v18 =	vld.idx.msk [tilespmem:v18+s16+$0x0], $0xffff;
	v23 =	vshra.s32 v17, $0x1;
	v24 =	vmul.f32 $5.000000000e-01, v17  }
0x181: {  	v25 =	vor.u32 s30, v5;
	v23 =	vsub.s32 $0x5F3759DF, v23  }
0x182: {  	v19 =	vld.idx.msk [tilespmem:v19+s16+$0x0], $0xffff;
	v26 =	vmul.f32 v23, v24  }
0x183: {  	v27 =	vor.u32 s30, v6  }
0x184: {  	v22 =	vld.idx.msk [tilespmem:v22+s16+$0x0], $0xffff;
	v26 =	vmul.f32 v23, v26  }
0x185: {  	v20 =	vadd.f32 v21, v20;
	v21 =	vor.u32 s30, v7  }
0x186: {  	v25 =	vld.idx.msk [tilespmem:v25+s16+$0x0], $0xffff;
	v26 =	vsub.f32 $1.500000000e+00, v26  }
0x187: {  	v18 =	vadd.f32 v18, v20;
	v20 =	vor.u32 s30, v8  }
0x188: {  	v27 =	vld.idx.msk [tilespmem:v27+s16+$0x0], $0xffff;
	v23 =	vmul.f32 v23, v26  }
0x189: {  	v18 =	vadd.f32 v19, v18;
	v19 =	vor.u32 s30, v9  }
0x18a: {  	v21 =	vld.idx.msk [tilespmem:v21+s16+$0x0], $0xffff;
	v26 =	vmul.f32 v23, v24  }
0x18b: {  	v18 =	vadd.f32 v22, v18;
	v22 =	vor.u32 s30, v10  }
0x18c: {  	v20 =	vld.idx.msk [tilespmem:v20+s16+$0x0], $0xffff;
	v26 =	vmul.f32 v26, v23  }
0x18d: {  	v18 =	vadd.f32 v25, v18;
	v25 =	vor.u32 s30, v11  }
0x18e: {  	v19 =	vld.idx.msk [tilespmem:v19+s16+$0x0], $0xffff;
	v26 =	vsub.f32 $1.500000000e+00, v26  }
0x18f: {  	v18 =	vadd.f32 v27, v18;
	v27 =	vor.u32 s30, v12  }
0x190: {  	v22 =	vld.idx.msk [tilespmem:v22+s16+$0x0], $0xffff;
	v23 =	vmul.f32 v26, v23  }
0x191: {  	v18 =	vadd.f32 v21, v18;
	v21 =	vor.u32 s30, v13  }
0x192: {  	v25 =	vld.idx.msk [tilespmem:v25+s16+$0x0], $0xffff;
	v24 =	vmul.f32 v23, v24  }
0x193: {  	v26 =	vor.u32 s30, v14;
	v18 =	vadd.f32 v20, v18  }
0x194: {  	v27 =	vld.idx.msk [tilespmem:v27+s16+$0x0], $0xffff;
	v24 =	vmul.f32 v24, v23  }
0x195: {  	v18 =	vadd.f32 v19, v18;
	v19 =	vor.u32 s30, v15  }
0x196: {  	v20 =	vld.idx.msk [tilespmem:v21+s16+$0x0], $0xffff;
	v21 =	vsub.f32 $1.500000000e+00, v24  }
0x197: {  	v22 =	vadd.f32 v22, v18  }
.Ltmp3:
0x198: {  	v18 =	vld.idx.msk [tilespmem:v26+s16+$0x0], $0xffff;
	v21 =	vmul.f32 v21, v23;
	(pc) =	sbr.rel @p0 .LBB2_8-.Ltmp3, $4  }
0x199: {  	v22 =	vadd.f32 v25, v22  }
0x19a: {  	v19 =	vld.idx.msk [tilespmem:v19+s16+$0x0], $0xffff;
	v17 =	vmul.f32 v21, v17  }
0x19b: {  	v21 =	vadd.f32 v27, v22  }
0x19c: {  	v17 =	vmul.f32 v17, v16  }
0x19d: {  	v20 =	vadd.f32 v20, v21;
	_ =	sdelay $0x1  }
0x19e: {  	v18 =	vadd.f32 v18, v20;
	_ =	sdelay $0x1  }
0x19f: {  	v18 =	vadd.f32 v19, v18;
	_ =	sdelay $0x1  }
0x1a0: {  	v18 =	vadd.f32 $9.999999960e-13, v18;
	_ =	sdelay $0x1  }
0x1a1: {  	v19 =	vshra.s32 v18, $0x1;
	v20 =	vmul.f32 $5.000000000e-01, v18  }
0x1a2: {  	v19 =	vsub.s32 $0x5F3759DF, v19  }
0x1a3: {  	v21 =	vmul.f32 v19, v20;
	_ =	sdelay $0x1  }
0x1a4: {  	v21 =	vmul.f32 v19, v21;
	_ =	sdelay $0x1  }
0x1a5: {  	v21 =	vsub.f32 $1.500000000e+00, v21;
	_ =	sdelay $0x1  }
0x1a6: {  	v19 =	vmul.f32 v19, v21;
	_ =	sdelay $0x1  }
0x1a7: {  	v21 =	vmul.f32 v19, v20;
	_ =	sdelay $0x1  }
0x1a8: {  	v21 =	vmul.f32 v21, v19;
	_ =	sdelay $0x1  }
0x1a9: {  	v21 =	vsub.f32 $1.500000000e+00, v21;
	_ =	sdelay $0x1  }
0x1aa: {  	v19 =	vmul.f32 v21, v19;
	_ =	sdelay $0x1  }
0x1ab: {  	v20 =	vmul.f32 v19, v20;
	_ =	sdelay $0x1  }
0x1ac: {  	v20 =	vmul.f32 v20, v19;
	_ =	sdelay $0x1  }
0x1ad: {  	v20 =	vsub.f32 $1.500000000e+00, v20;
	_ =	sdelay $0x1  }
0x1ae: {  	v19 =	vmul.f32 v20, v19;
	_ =	sdelay $0x1  }
0x1af: {  	v18 =	vmul.f32 v19, v18;
	_ =	sdelay $0x1  }
0x1b0: {  	v18 =	vmul.f32 v18, v16  }
0x1b1: {  	s26 =	sadd.s32 $0x10, s26;
	[tilespmem:s28+$0x0] =	vst v17  }
0x1b2: {  	[tilespmem:s26+$0x0] =	vst v18  }
0x1b3: {  	[tilespmem:s12], [sflag:$0x2] =	stream.indirect.gather [hbm4b:s1+s10], $0x80, s19, s10, $0xb8;
	[tilespmem:$0xCA80] =	vst v63  }
0x1b4: {  	_ =	swait.ge [sflag:s20], $0x4000  }
0x1b5: {  	[sflag:s20] =	ssyncset.done $0x0  }
0x1b6: {  	s30 =	simm.s32 $0x8500;
	[sflag:s20] =	ssyncadd.s32 $0xFFFFC000  }
0x1b7: {  	v17 =	vld [tilespmem:s30+$0x60]  }
0x1b8: {  	v18 =	vld [tilespmem:s30+$0xE0]  }
0x1b9: {  	v19 =	vld [tilespmem:s30+$0x70]  }
0x1ba: {  	v20 =	vld [tilespmem:s30+$0x40]  }
0x1bb: {  	v21 =	vld [tilespmem:s30+$0xC0]  }
0x1bc: {  	v22 =	vld [tilespmem:s30+$0x0]  }
0x1bd: {  	v23 =	vld [tilespmem:s30+$0x80]  }
0x1be: {  	v24 =	vld [tilespmem:s30+$0x10]  }
0x1bf: {  	v25 =	vld [tilespmem:s30+$0x90]  }
0x1c0: {  	v26 =	vld [tilespmem:s30+$0x20]  }
0x1c1: {  	v27 =	vld [tilespmem:s30+$0xA0]  }
0x1c2: {  	v28 =	vld [tilespmem:s30+$0x30]  }
0x1c3: {  	v29 =	vld [tilespmem:s30+$0xB0]  }
0x1c4: {  	v30 =	vld [tilespmem:s30+$0x50]  }
0x1c5: {  	v31 =	vld [tilespmem:s30+$0xD0]  }
0x1c6: {  	v32 =	vld [tilespmem:s30+$0xF0]  }
0x1c7: {  	v33 =	vld [tilespmem:s30+$0xFFFFFF80]  }
0x1c8: {  	v34 =	vld [tilespmem:s30+$0xFFFFFF10]  }
0x1c9: {  	v61 =	vld [tilespmem:s30+$0xFFFFFF30];
	v22 =	vsub.f32 v22, v23;
	v23 =	vsub.f32 v26, v27  }
0x1ca: {  	v26 =	vld [tilespmem:s30+$0xFFFFFF90];
	v24 =	vsub.f32 v24, v25;
	v25 =	vsub.f32 v28, v29  }
0x1cb: {  	v27 =	vld [tilespmem:s30+$0xFFFFFF20];
	v20 =	vsub.f32 v20, v21;
	v22 =	vmul.f32 v22, v22;
	v21 =	vmul.f32 v23, v23  }
0x1cc: {  	v60 =	vsub.f32 v30, v31;
	v23 =	vld [tilespmem:s30+$0xFFFFFFA0];
	v24 =	vmul.f32 v24, v24;
	v25 =	vmul.f32 v25, v25  }
0x1cd: {  	v17 =	vsub.f32 v17, v18;
	v20 =	vmul.f32 v20, v20;
	v18 =	vadd.f32 v21, v22;
	v21 =	vld [tilespmem:s30+$0xFFFFFFB0]  }
0x1ce: {  	v19 =	vsub.f32 v19, v32;
	v22 =	vadd.f32 v25, v24;
	v24 =	vmul.f32 v60, v60;
	v25 =	vld [tilespmem:s30+$0xFFFFFF00]  }
0x1cf: {  	v62 =	vld [tilespmem:s30+$0xFFFFFF40];
	v17 =	vmul.f32 v17, v17;
	v18 =	vadd.f32 v20, v18  }
0x1d0: {  	v19 =	vmul.f32 v19, v19;
	v20 =	vadd.f32 v24, v22;
	v24 =	vld [tilespmem:s30+$0xFFFFFFC0]  }
0x1d1: {  	v22 =	vsub.f32 v34, v26;
	v26 =	vadd.f32 v17, v18;
	v17 =	vld [tilespmem:s30+$0xFFFFFF50]  }
0x1d2: {  	v20 =	vadd.f32 v19, v20;
	v19 =	vld [tilespmem:s30+$0xFFFFFFD0];
	v21 =	vsub.f32 v61, v21  }
0x1d3: {  	v63 =	vmul.f32 v22, v22;
	v22 =	vsub.f32 v27, v23;
	v18 =	vld [tilespmem:s30+$0xFFFFFF60];
	v25 =	vsub.f32 v25, v33  }
0x1d4: {  	v23 =	vadd.f32 v20, v26;
	v20 =	vld [tilespmem:s30+$0xFFFFFFE0];
	v27 =	vmul.f32 v21, v21  }
0x1d5: {  	s28 =	simm.s32 $0xC690;
	v22 =	vmul.f32 v22, v22;
	v21 =	vld [tilespmem:s30+$0xFFFFFF70];
	v25 =	vmul.f32 v25, v25;
	v26 =	vsub.f32 v62, v24  }
0x1d6: {  	s29 =	simm.s32 $0x0;
	s26 =	simm.s32 $0xC500;
	v24 =	vld [tilespmem:s30+$0xFFFFFFF0];
	s30 =	simm.s32 $0x8700;
	[tilespmem:s28+$0x0] =	vst v23;
	v23 =	vadd.f32 v27, v63  }
.LBB2_10:
0x1d7: {  	v27 =	vld [tilespmem:s30+$0x60];
	v22 =	vadd.f32 v22, v25;
	v25 =	vmul.f32 v26, v26;
	v17 =	vsub.f32 v17, v19  }
0x1d8: {  	v19 =	vld [tilespmem:s30+$0xE0]  }
0x1d9: {  	v26 =	vld [tilespmem:s30+$0x70];
	v22 =	vadd.f32 v25, v22;
	v17 =	vmul.f32 v17, v17;
	v18 =	vsub.f32 v18, v20  }
0x1da: {  	v20 =	vld [tilespmem:s30+$0x40]  }
0x1db: {  	v25 =	vld [tilespmem:s30+$0xC0];
	v17 =	vadd.f32 v17, v23;
	v18 =	vmul.f32 v18, v18;
	v21 =	vsub.f32 v21, v24  }
0x1dc: {  	v23 =	vld [tilespmem:s30+$0x0]  }
0x1dd: {  	v24 =	vld [tilespmem:s30+$0x80];
	v18 =	vadd.f32 v18, v22;
	v21 =	vmul.f32 v21, v21  }
0x1de: {  	v22 =	vld [tilespmem:s30+$0x10]  }
0x1df: {  	v28 =	vld [tilespmem:s30+$0x90];
	v17 =	vadd.f32 v21, v17  }
0x1e0: {  	v21 =	vld [tilespmem:s30+$0x20]  }
0x1e1: {  	v29 =	vld [tilespmem:s30+$0xA0];
	v17 =	vadd.f32 v17, v18  }
0x1e2: {  	v18 =	vld [tilespmem:s30+$0x30]  }
0x1e3: {  	s29 =	sadd.s32 $0x2, s29;
	v30 =	vld [tilespmem:s30+$0xB0];
	[tilespmem:s28+$0xFFFFFFF0] =	vst v17  }
0x1e4: {  	p0 =	slt.u32 s29, $0x3E;
	v17 =	vld [tilespmem:s30+$0x50]  }
0x1e5: {  	v31 =	vld [tilespmem:s30+$0xD0]  }
0x1e6: {  	v32 =	vld [tilespmem:s30+$0xF0]  }
0x1e7: {  	v23 =	vsub.f32 v23, v24;
	v22 =	vsub.f32 v22, v28;
	v33 =	vld [tilespmem:s30+$0xFFFFFF80]  }
0x1e8: {  	v21 =	vsub.f32 v21, v29;
	v24 =	vld [tilespmem:s30+$0xFFFFFF10];
	v18 =	vsub.f32 v18, v30  }
0x1e9: {  	v20 =	vsub.f32 v20, v25;
	v23 =	vmul.f32 v23, v23;
	v22 =	vmul.f32 v22, v22;
	v28 =	vld [tilespmem:s30+$0xFFFFFF90]  }
0x1ea: {  	v21 =	vmul.f32 v21, v21;
	v25 =	vld [tilespmem:s30+$0xFFFFFF20];
	v18 =	vmul.f32 v18, v18;
	v17 =	vsub.f32 v17, v31  }
0x1eb: {  	v19 =	vsub.f32 v27, v19;
	v20 =	vmul.f32 v20, v20;
	v29 =	vld [tilespmem:s30+$0xFFFFFFA0];
	v26 =	vsub.f32 v26, v32  }
0x1ec: {  	v21 =	vadd.f32 v21, v23;
	v27 =	vld [tilespmem:s30+$0xFFFFFF30];
	v18 =	vadd.f32 v18, v22;
	v17 =	vmul.f32 v17, v17  }
0x1ed: {  	v19 =	vmul.f32 v19, v19;
	v22 =	vld [tilespmem:s30+$0xFFFFFFB0]  }
0x1ee: {  	v20 =	vadd.f32 v20, v21;
	v23 =	vld [tilespmem:s30+$0xFFFFFF00];
	v17 =	vadd.f32 v17, v18;
	v18 =	vmul.f32 v26, v26  }
0x1ef: {  	v21 =	vsub.f32 v24, v28;
	v24 =	vld [tilespmem:s30+$0xFFFFFF40]  }
0x1f0: {  	v20 =	vadd.f32 v19, v20;
	v26 =	vld [tilespmem:s30+$0xFFFFFFC0];
	v18 =	vadd.f32 v18, v17  }
0x1f1: {  	v28 =	vmul.f32 v21, v21;
	v21 =	vsub.f32 v25, v29;
	v17 =	vld [tilespmem:s30+$0xFFFFFF50]  }
.Ltmp4:
0x1f2: {  	v25 =	vsub.f32 v27, v22;
	v19 =	vld [tilespmem:s30+$0xFFFFFFD0];
	v27 =	vadd.f32 v18, v20;
	(pc) =	sbr.rel @p0 .LBB2_10-.Ltmp4, $4  }
0x1f3: {  	s28 =	sadd.s32 $0x20, s28;
	v22 =	vmul.f32 v21, v21;
	v23 =	vsub.f32 v23, v33;
	v18 =	vld [tilespmem:s30+$0xFFFFFF60]  }
0x1f4: {  	s31 =	simm.s32 $0x0;
	v29 =	vmul.f32 v25, v25;
	v20 =	vld [tilespmem:s30+$0xFFFFFFE0];
	[tilespmem:s28+$0x0] =	vst v27  }
0x1f5: {  	v25 =	vmul.f32 v23, v23;
	v26 =	vsub.f32 v24, v26;
	v21 =	vld [tilespmem:s30+$0xFFFFFF70]  }
0x1f6: {  	v23 =	vadd.f32 v29, v28;
	v24 =	vld [tilespmem:s30+$0xFFFFFFF0];
	s30 =	sadd.s32 $0x200, s30  }
0x1f7: {  	_ =	sdelay $0x1  }
0x1f8: {  	v17 =	vsub.f32 v17, v19  }
0x1f9: {  	v19 =	vadd.f32 v22, v25;
	v22 =	vmul.f32 v26, v26  }
0x1fa: {  	v17 =	vmul.f32 v17, v17;
	v18 =	vsub.f32 v18, v20;
	v20 =	vsub.f32 v21, v24  }
0x1fb: {  	v19 =	vadd.f32 v22, v19  }
0x1fc: {  	v17 =	vadd.f32 v17, v23;
	v18 =	vmul.f32 v18, v18;
	v20 =	vmul.f32 v20, v20;
	_ =	sdelay $0x1  }
0x1fd: {  	v18 =	vadd.f32 v18, v19;
	v19 =	vor.u32 s31, v0;
	v17 =	vadd.f32 v20, v17  }
0x1fe: {  	v20 =	vor.u32 s31, v1  }
0x1ff: {  	v17 =	vadd.f32 v17, v18  }
0x200: {  	v18 =	vor.u32 s31, v2  }
0x201: {  	[tilespmem:s28+$0xFFFFFFF0] =	vst v17  }
0x202: {  	v17 =	vor.u32 s31, v3;
	v19 =	vld.idx.msk [tilespmem:v19+s16+$0x0], $0xffff  }
0x203: {  	v20 =	vld.idx.msk [tilespmem:v20+s16+$0x0], $0xffff  }
0x204: {  	v21 =	vor.u32 s31, v4  }
0x205: {  	v18 =	vld.idx.msk [tilespmem:v18+s16+$0x0], $0xffff  }
0x206: {  	v22 =	vor.u32 s31, v5  }
0x207: {  	v17 =	vld.idx.msk [tilespmem:v17+s16+$0x0], $0xffff  }
0x208: {  	v23 =	vor.u32 s31, v6;
	v19 =	vadd.f32 v20, v19  }
0x209: {  	v20 =	vld.idx.msk [tilespmem:v21+s16+$0x0], $0xffff  }
0x20a: {  	v21 =	vor.u32 s31, v7;
	v18 =	vadd.f32 v18, v19  }
0x20b: {  	v19 =	vld.idx.msk [tilespmem:v22+s16+$0x0], $0xffff  }
0x20c: {  	v22 =	vor.u32 s31, v8;
	v17 =	vadd.f32 v17, v18  }
0x20d: {  	v18 =	vld.idx.msk [tilespmem:v23+s16+$0x0], $0xffff  }
0x20e: {  	v23 =	vor.u32 s31, v9;
	v17 =	vadd.f32 v20, v17  }
0x20f: {  	v20 =	vld.idx.msk [tilespmem:v21+s16+$0x0], $0xffff  }
0x210: {  	v21 =	vor.u32 s31, v10;
	v17 =	vadd.f32 v19, v17  }
0x211: {  	v19 =	vld.idx.msk [tilespmem:v22+s16+$0x0], $0xffff  }
0x212: {  	v22 =	vor.u32 s31, v11;
	v17 =	vadd.f32 v18, v17  }
0x213: {  	v18 =	vld.idx.msk [tilespmem:v23+s16+$0x0], $0xffff  }
0x214: {  	v23 =	vor.u32 s31, v12;
	v17 =	vadd.f32 v20, v17  }
0x215: {  	v20 =	vld.idx.msk [tilespmem:v21+s16+$0x0], $0xffff  }
0x216: {  	v21 =	vor.u32 s31, v13;
	v17 =	vadd.f32 v19, v17  }
0x217: {  	v19 =	vld.idx.msk [tilespmem:v22+s16+$0x0], $0xffff  }
0x218: {  	v22 =	vor.u32 s31, v14;
	v17 =	vadd.f32 v18, v17  }
0x219: {  	v18 =	vld.idx.msk [tilespmem:v23+s16+$0x0], $0xffff  }
0x21a: {  	v23 =	vor.u32 s31, v15;
	v17 =	vadd.f32 v20, v17  }
0x21b: {  	v20 =	vld.idx.msk [tilespmem:v21+s16+$0x0], $0xffff  }
0x21c: {  	v17 =	vadd.f32 v19, v17  }
0x21d: {  	v19 =	vld.idx.msk [tilespmem:v22+s16+$0x0], $0xffff  }
0x21e: {  	v17 =	vadd.f32 v18, v17  }
0x21f: {  	v18 =	vld.idx.msk [tilespmem:v23+s16+$0x0], $0xffff  }
0x220: {  	v17 =	vadd.f32 v20, v17;
	_ =	sdelay $0x1  }
0x221: {  	s28 =	simm.s32 $0x100;
	v17 =	vadd.f32 v19, v17  }
0x222: {  	v20 =	vor.u32 s28, v1  }
0x223: {  	v19 =	vor.u32 s28, v0;
	v17 =	vadd.f32 v18, v17;
	_ =	sdelay $0x1  }
0x224: {  	v18 =	vor.u32 s28, v2;
	v17 =	vadd.f32 $9.999999960e-13, v17;
	_ =	sdelay $0x1  }
0x225: {  	v21 =	vor.u32 s28, v3;
	v20 =	vld.idx.msk [tilespmem:v20+s16+$0x0], $0xffff;
	v22 =	vshra.s32 v17, $0x1;
	v23 =	vmul.f32 $5.000000000e-01, v17  }
0x226: {  	v19 =	vld.idx.msk [tilespmem:v19+s16+$0x0], $0xffff;
	v22 =	vsub.s32 $0x5F3759DF, v22  }
0x227: {  	v52 =	vor.u32 s28, v4;
	v53 =	vmul.f32 v22, v23  }
0x228: {  	v18 =	vld.idx.msk [tilespmem:v18+s16+$0x0], $0xffff  }
0x229: {  	v54 =	vor.u32 s28, v5;
	v25 =	vmul.f32 v22, v53  }
0x22a: {  	v21 =	vld.idx.msk [tilespmem:v21+s16+$0x0], $0xffff  }
0x22b: {  	v27 =	vor.u32 s28, v6;
	v19 =	vadd.f32 v20, v19;
	v20 =	vsub.f32 $1.500000000e+00, v25  }
0x22c: {  	v24 =	vld.idx.msk [tilespmem:v52+s16+$0x0], $0xffff  }
0x22d: {  	v55 =	vor.u32 s28, v7;
	v18 =	vadd.f32 v18, v19;
	v19 =	vmul.f32 v22, v20  }
0x22e: {  	v20 =	vld.idx.msk [tilespmem:v54+s16+$0x0], $0xffff  }
0x22f: {  	v22 =	vor.u32 s28, v8;
	v18 =	vadd.f32 v21, v18;
	v21 =	vmul.f32 v19, v23  }
0x230: {  	v56 =	vld.idx.msk [tilespmem:v27+s16+$0x0], $0xffff  }
0x231: {  	v57 =	vor.u32 s28, v9;
	v18 =	vadd.f32 v24, v18;
	v21 =	vmul.f32 v21, v19  }
0x232: {  	v58 =	vld.idx.msk [tilespmem:v55+s16+$0x0], $0xffff  }
0x233: {  	v59 =	vor.u32 s28, v10;
	v18 =	vadd.f32 v20, v18;
	v20 =	vsub.f32 $1.500000000e+00, v21  }
0x234: {  	v21 =	vld.idx.msk [tilespmem:v22+s16+$0x0], $0xffff  }
0x235: {  	v22 =	vor.u32 s28, v11;
	v18 =	vadd.f32 v56, v18;
	v19 =	vmul.f32 v20, v19  }
0x236: {  	v20 =	vld.idx.msk [tilespmem:v57+s16+$0x0], $0xffff  }
0x237: {  	v60 =	vor.u32 s28, v12;
	v18 =	vadd.f32 v58, v18;
	v23 =	vmul.f32 v19, v23  }
0x238: {  	v61 =	vld.idx.msk [tilespmem:v59+s16+$0x0], $0xffff  }
0x239: {  	v18 =	vadd.f32 v21, v18;
	v21 =	vmul.f32 v23, v19;
	v23 =	vor.u32 s28, v13  }
0x23a: {  	v22 =	vld.idx.msk [tilespmem:v22+s16+$0x0], $0xffff  }
0x23b: {  	v62 =	vor.u32 s28, v14;
	v18 =	vadd.f32 v20, v18;
	v20 =	vsub.f32 $1.500000000e+00, v21  }
0x23c: {  	v63 =	vor.u32 s28, v15;
	v21 =	vld.idx.msk [tilespmem:v60+s16+$0x0], $0xffff  }
0x23d: {  	v18 =	vadd.f32 v61, v18;
	v19 =	vmul.f32 v20, v19  }
0x23e: {  	v20 =	vld.idx.msk [tilespmem:v23+s16+$0x0], $0xffff  }
0x23f: {  	v22 =	vadd.f32 v22, v18;
	v17 =	vmul.f32 v19, v17  }
0x240: {  	v18 =	vld.idx.msk [tilespmem:v62+s16+$0x0], $0xffff  }
0x241: {  	s29 =	simm.s32 $0x200;
	s28 =	simm.s32 $0xC500;
	v19 =	vld.idx.msk [tilespmem:v63+s16+$0x0], $0xffff;
	v21 =	vadd.f32 v21, v22;
	v17 =	vmul.f32 v17, v16  }
.LBB2_12:
0x242: {  	p0 =	sne.s32 s29, $0x300  }
0x243: {  	v20 =	vadd.f32 v20, v21;
	s26 =	sadd.s32 $0x10, s26;
	s30 =	smov.u32 s29;
	s29 =	sadd.s32 $0x100, s29  }
0x244: {  	v21 =	vor.u32 s30, v0;
	v22 =	vor.u32 s30, v1;
	[tilespmem:s28+$0x0] =	vst v17;
	s28 =	smov.u32 s26  }
0x245: {  	v17 =	vadd.f32 v18, v20  }
0x246: {  	v18 =	vor.u32 s30, v2  }
0x247: {  	v17 =	vadd.f32 v19, v17  }
0x248: {  	v19 =	vor.u32 s30, v3  }
0x249: {  	v20 =	vld.idx.msk [tilespmem:v21+s16+$0x0], $0xffff;
	v17 =	vadd.f32 $9.999999960e-13, v17  }
0x24a: {  	v21 =	vld.idx.msk [tilespmem:v22+s16+$0x0], $0xffff;
	v22 =	vor.u32 s30, v4  }
0x24b: {  	v18 =	vld.idx.msk [tilespmem:v18+s16+$0x0], $0xffff;
	v23 =	vshra.s32 v17, $0x1;
	v24 =	vmul.f32 $5.000000000e-01, v17  }
0x24c: {  	v25 =	vor.u32 s30, v5;
	v23 =	vsub.s32 $0x5F3759DF, v23  }
0x24d: {  	v19 =	vld.idx.msk [tilespmem:v19+s16+$0x0], $0xffff;
	v26 =	vmul.f32 v23, v24  }
0x24e: {  	v27 =	vor.u32 s30, v6  }
0x24f: {  	v22 =	vld.idx.msk [tilespmem:v22+s16+$0x0], $0xffff;
	v26 =	vmul.f32 v23, v26  }
0x250: {  	v20 =	vadd.f32 v21, v20;
	v21 =	vor.u32 s30, v7  }
0x251: {  	v25 =	vld.idx.msk [tilespmem:v25+s16+$0x0], $0xffff;
	v26 =	vsub.f32 $1.500000000e+00, v26  }
0x252: {  	v18 =	vadd.f32 v18, v20;
	v20 =	vor.u32 s30, v8  }
0x253: {  	v27 =	vld.idx.msk [tilespmem:v27+s16+$0x0], $0xffff;
	v23 =	vmul.f32 v23, v26  }
0x254: {  	v18 =	vadd.f32 v19, v18;
	v19 =	vor.u32 s30, v9  }
0x255: {  	v21 =	vld.idx.msk [tilespmem:v21+s16+$0x0], $0xffff;
	v26 =	vmul.f32 v23, v24  }
0x256: {  	v18 =	vadd.f32 v22, v18;
	v22 =	vor.u32 s30, v10  }
0x257: {  	v20 =	vld.idx.msk [tilespmem:v20+s16+$0x0], $0xffff;
	v26 =	vmul.f32 v26, v23  }
0x258: {  	v18 =	vadd.f32 v25, v18;
	v25 =	vor.u32 s30, v11  }
0x259: {  	v19 =	vld.idx.msk [tilespmem:v19+s16+$0x0], $0xffff;
	v26 =	vsub.f32 $1.500000000e+00, v26  }
0x25a: {  	v18 =	vadd.f32 v27, v18;
	v27 =	vor.u32 s30, v12  }
0x25b: {  	v22 =	vld.idx.msk [tilespmem:v22+s16+$0x0], $0xffff;
	v23 =	vmul.f32 v26, v23  }
0x25c: {  	v18 =	vadd.f32 v21, v18;
	v21 =	vor.u32 s30, v13  }
0x25d: {  	v25 =	vld.idx.msk [tilespmem:v25+s16+$0x0], $0xffff;
	v24 =	vmul.f32 v23, v24  }
0x25e: {  	v26 =	vor.u32 s30, v14;
	v18 =	vadd.f32 v20, v18  }
0x25f: {  	v27 =	vld.idx.msk [tilespmem:v27+s16+$0x0], $0xffff;
	v24 =	vmul.f32 v24, v23  }
0x260: {  	v18 =	vadd.f32 v19, v18;
	v19 =	vor.u32 s30, v15  }
0x261: {  	v20 =	vld.idx.msk [tilespmem:v21+s16+$0x0], $0xffff;
	v21 =	vsub.f32 $1.500000000e+00, v24  }
0x262: {  	v22 =	vadd.f32 v22, v18  }
.Ltmp5:
0x263: {  	v18 =	vld.idx.msk [tilespmem:v26+s16+$0x0], $0xffff;
	v21 =	vmul.f32 v21, v23;
	(pc) =	sbr.rel @p0 .LBB2_12-.Ltmp5, $4  }
0x264: {  	v22 =	vadd.f32 v25, v22  }
0x265: {  	v19 =	vld.idx.msk [tilespmem:v19+s16+$0x0], $0xffff;
	v17 =	vmul.f32 v21, v17  }
0x266: {  	v21 =	vadd.f32 v27, v22  }
0x267: {  	v17 =	vmul.f32 v17, v16  }
0x268: {  	v20 =	vadd.f32 v20, v21;
	_ =	sdelay $0x1  }
0x269: {  	v18 =	vadd.f32 v18, v20;
	_ =	sdelay $0x1  }
0x26a: {  	v18 =	vadd.f32 v19, v18;
	_ =	sdelay $0x1  }
0x26b: {  	v18 =	vadd.f32 $9.999999960e-13, v18;
	_ =	sdelay $0x1  }
0x26c: {  	v19 =	vshra.s32 v18, $0x1;
	v20 =	vmul.f32 $5.000000000e-01, v18  }
0x26d: {  	v19 =	vsub.s32 $0x5F3759DF, v19  }
0x26e: {  	v21 =	vmul.f32 v19, v20;
	_ =	sdelay $0x1  }
0x26f: {  	v21 =	vmul.f32 v19, v21;
	_ =	sdelay $0x1  }
0x270: {  	v21 =	vsub.f32 $1.500000000e+00, v21;
	_ =	sdelay $0x1  }
0x271: {  	v19 =	vmul.f32 v19, v21;
	_ =	sdelay $0x1  }
0x272: {  	v21 =	vmul.f32 v19, v20;
	_ =	sdelay $0x1  }
0x273: {  	v21 =	vmul.f32 v21, v19;
	_ =	sdelay $0x1  }
0x274: {  	v21 =	vsub.f32 $1.500000000e+00, v21;
	_ =	sdelay $0x1  }
0x275: {  	v19 =	vmul.f32 v21, v19;
	_ =	sdelay $0x1  }
0x276: {  	v20 =	vmul.f32 v19, v20;
	_ =	sdelay $0x1  }
0x277: {  	v20 =	vmul.f32 v20, v19;
	_ =	sdelay $0x1  }
0x278: {  	v20 =	vsub.f32 $1.500000000e+00, v20;
	_ =	sdelay $0x1  }
0x279: {  	v19 =	vmul.f32 v20, v19;
	_ =	sdelay $0x1  }
0x27a: {  	v18 =	vmul.f32 v19, v18;
	_ =	sdelay $0x1  }
0x27b: {  	v18 =	vmul.f32 v18, v16  }
0x27c: {  	s26 =	sadd.s32 $0x10, s26;
	[tilespmem:s28+$0x0] =	vst v17  }
0x27d: {  	[tilespmem:s26+$0x0] =	vst v18  }
0x27e: {  	[tilespmem:s14], [sflag:$0x3] =	stream.indirect.gather [hbm4b:s1+s10], $0x80, s21, s10, $0xb8;
	[tilespmem:$0xCA80] =	vst v63  }
0x27f: {  	_ =	swait.ge [sflag:s15], $0x4000  }
0x280: {  	[sflag:s15] =	ssyncset.done $0x0  }
0x281: {  	s30 =	simm.s32 $0x500;
	[sflag:s15] =	ssyncadd.s32 $0xFFFFC000  }
0x282: {  	v17 =	vld [tilespmem:s30+$0x60]  }
0x283: {  	v18 =	vld [tilespmem:s30+$0xE0]  }
0x284: {  	v19 =	vld [tilespmem:s30+$0x70]  }
0x285: {  	v20 =	vld [tilespmem:s30+$0x40]  }
0x286: {  	v21 =	vld [tilespmem:s30+$0xC0]  }
0x287: {  	v22 =	vld [tilespmem:s30+$0x0]  }
0x288: {  	v23 =	vld [tilespmem:s30+$0x80]  }
0x289: {  	v24 =	vld [tilespmem:s30+$0x10]  }
0x28a: {  	v25 =	vld [tilespmem:s30+$0x90]  }
0x28b: {  	v26 =	vld [tilespmem:s30+$0x20]  }
0x28c: {  	v27 =	vld [tilespmem:s30+$0xA0]  }
0x28d: {  	v28 =	vld [tilespmem:s30+$0x30]  }
0x28e: {  	v29 =	vld [tilespmem:s30+$0xB0]  }
0x28f: {  	v30 =	vld [tilespmem:s30+$0x50]  }
0x290: {  	v31 =	vld [tilespmem:s30+$0xD0]  }
0x291: {  	v32 =	vld [tilespmem:s30+$0xF0]  }
0x292: {  	v33 =	vld [tilespmem:s30+$0xFFFFFF80]  }
0x293: {  	v34 =	vld [tilespmem:s30+$0xFFFFFF10]  }
0x294: {  	v61 =	vld [tilespmem:s30+$0xFFFFFF30];
	v22 =	vsub.f32 v22, v23;
	v23 =	vsub.f32 v26, v27  }
0x295: {  	v26 =	vld [tilespmem:s30+$0xFFFFFF90];
	v24 =	vsub.f32 v24, v25;
	v25 =	vsub.f32 v28, v29  }
0x296: {  	v27 =	vld [tilespmem:s30+$0xFFFFFF20];
	v20 =	vsub.f32 v20, v21;
	v22 =	vmul.f32 v22, v22;
	v21 =	vmul.f32 v23, v23  }
0x297: {  	v60 =	vsub.f32 v30, v31;
	v23 =	vld [tilespmem:s30+$0xFFFFFFA0];
	v24 =	vmul.f32 v24, v24;
	v25 =	vmul.f32 v25, v25  }
0x298: {  	v17 =	vsub.f32 v17, v18;
	v20 =	vmul.f32 v20, v20;
	v18 =	vadd.f32 v21, v22;
	v21 =	vld [tilespmem:s30+$0xFFFFFFB0]  }
0x299: {  	v19 =	vsub.f32 v19, v32;
	v22 =	vadd.f32 v25, v24;
	v24 =	vmul.f32 v60, v60;
	v25 =	vld [tilespmem:s30+$0xFFFFFF00]  }
0x29a: {  	v62 =	vld [tilespmem:s30+$0xFFFFFF40];
	v17 =	vmul.f32 v17, v17;
	v18 =	vadd.f32 v20, v18  }
0x29b: {  	v19 =	vmul.f32 v19, v19;
	v20 =	vadd.f32 v24, v22;
	v24 =	vld [tilespmem:s30+$0xFFFFFFC0]  }
0x29c: {  	v22 =	vsub.f32 v34, v26;
	v26 =	vadd.f32 v17, v18;
	v17 =	vld [tilespmem:s30+$0xFFFFFF50]  }
0x29d: {  	v20 =	vadd.f32 v19, v20;
	v19 =	vld [tilespmem:s30+$0xFFFFFFD0];
	v21 =	vsub.f32 v61, v21  }
0x29e: {  	v63 =	vmul.f32 v22, v22;
	v22 =	vsub.f32 v27, v23;
	v18 =	vld [tilespmem:s30+$0xFFFFFF60];
	v25 =	vsub.f32 v25, v33  }
0x29f: {  	v23 =	vadd.f32 v20, v26;
	v20 =	vld [tilespmem:s30+$0xFFFFFFE0];
	v27 =	vmul.f32 v21, v21  }
0x2a0: {  	s28 =	simm.s32 $0xC690;
	v22 =	vmul.f32 v22, v22;
	v21 =	vld [tilespmem:s30+$0xFFFFFF70];
	v25 =	vmul.f32 v25, v25;
	v26 =	vsub.f32 v62, v24  }
0x2a1: {  	s29 =	simm.s32 $0x0;
	s26 =	simm.s32 $0xC540;
	v24 =	vld [tilespmem:s30+$0xFFFFFFF0];
	s30 =	simm.s32 $0x700;
	[tilespmem:s28+$0x0] =	vst v23;
	v23 =	vadd.f32 v27, v63  }
.LBB2_14:
0x2a2: {  	v27 =	vld [tilespmem:s30+$0x60];
	v22 =	vadd.f32 v22, v25;
	v25 =	vmul.f32 v26, v26;
	v17 =	vsub.f32 v17, v19  }
0x2a3: {  	v19 =	vld [tilespmem:s30+$0xE0]  }
0x2a4: {  	v26 =	vld [tilespmem:s30+$0x70];
	v22 =	vadd.f32 v25, v22;
	v17 =	vmul.f32 v17, v17;
	v18 =	vsub.f32 v18, v20  }
0x2a5: {  	v20 =	vld [tilespmem:s30+$0x40]  }
0x2a6: {  	v25 =	vld [tilespmem:s30+$0xC0];
	v17 =	vadd.f32 v17, v23;
	v18 =	vmul.f32 v18, v18;
	v21 =	vsub.f32 v21, v24  }
0x2a7: {  	v23 =	vld [tilespmem:s30+$0x0]  }
0x2a8: {  	v24 =	vld [tilespmem:s30+$0x80];
	v18 =	vadd.f32 v18, v22;
	v21 =	vmul.f32 v21, v21  }
0x2a9: {  	v22 =	vld [tilespmem:s30+$0x10]  }
0x2aa: {  	v28 =	vld [tilespmem:s30+$0x90];
	v17 =	vadd.f32 v21, v17  }
0x2ab: {  	v21 =	vld [tilespmem:s30+$0x20]  }
0x2ac: {  	v29 =	vld [tilespmem:s30+$0xA0];
	v17 =	vadd.f32 v17, v18  }
0x2ad: {  	v18 =	vld [tilespmem:s30+$0x30]  }
0x2ae: {  	s29 =	sadd.s32 $0x2, s29;
	v30 =	vld [tilespmem:s30+$0xB0];
	[tilespmem:s28+$0xFFFFFFF0] =	vst v17  }
0x2af: {  	p0 =	slt.u32 s29, $0x3E;
	v17 =	vld [tilespmem:s30+$0x50]  }
0x2b0: {  	v31 =	vld [tilespmem:s30+$0xD0]  }
0x2b1: {  	v32 =	vld [tilespmem:s30+$0xF0]  }
0x2b2: {  	v23 =	vsub.f32 v23, v24;
	v22 =	vsub.f32 v22, v28;
	v33 =	vld [tilespmem:s30+$0xFFFFFF80]  }
0x2b3: {  	v21 =	vsub.f32 v21, v29;
	v24 =	vld [tilespmem:s30+$0xFFFFFF10];
	v18 =	vsub.f32 v18, v30  }
0x2b4: {  	v20 =	vsub.f32 v20, v25;
	v23 =	vmul.f32 v23, v23;
	v22 =	vmul.f32 v22, v22;
	v28 =	vld [tilespmem:s30+$0xFFFFFF90]  }
0x2b5: {  	v21 =	vmul.f32 v21, v21;
	v25 =	vld [tilespmem:s30+$0xFFFFFF20];
	v18 =	vmul.f32 v18, v18;
	v17 =	vsub.f32 v17, v31  }
0x2b6: {  	v19 =	vsub.f32 v27, v19;
	v20 =	vmul.f32 v20, v20;
	v29 =	vld [tilespmem:s30+$0xFFFFFFA0];
	v26 =	vsub.f32 v26, v32  }
0x2b7: {  	v21 =	vadd.f32 v21, v23;
	v27 =	vld [tilespmem:s30+$0xFFFFFF30];
	v18 =	vadd.f32 v18, v22;
	v17 =	vmul.f32 v17, v17  }
0x2b8: {  	v19 =	vmul.f32 v19, v19;
	v22 =	vld [tilespmem:s30+$0xFFFFFFB0]  }
0x2b9: {  	v20 =	vadd.f32 v20, v21;
	v23 =	vld [tilespmem:s30+$0xFFFFFF00];
	v17 =	vadd.f32 v17, v18;
	v18 =	vmul.f32 v26, v26  }
0x2ba: {  	v21 =	vsub.f32 v24, v28;
	v24 =	vld [tilespmem:s30+$0xFFFFFF40]  }
0x2bb: {  	v20 =	vadd.f32 v19, v20;
	v26 =	vld [tilespmem:s30+$0xFFFFFFC0];
	v18 =	vadd.f32 v18, v17  }
0x2bc: {  	v28 =	vmul.f32 v21, v21;
	v21 =	vsub.f32 v25, v29;
	v17 =	vld [tilespmem:s30+$0xFFFFFF50]  }
.Ltmp6:
0x2bd: {  	v25 =	vsub.f32 v27, v22;
	v19 =	vld [tilespmem:s30+$0xFFFFFFD0];
	v27 =	vadd.f32 v18, v20;
	(pc) =	sbr.rel @p0 .LBB2_14-.Ltmp6, $4  }
0x2be: {  	s28 =	sadd.s32 $0x20, s28;
	v22 =	vmul.f32 v21, v21;
	v23 =	vsub.f32 v23, v33;
	v18 =	vld [tilespmem:s30+$0xFFFFFF60]  }
0x2bf: {  	s31 =	simm.s32 $0x0;
	v29 =	vmul.f32 v25, v25;
	v20 =	vld [tilespmem:s30+$0xFFFFFFE0];
	[tilespmem:s28+$0x0] =	vst v27  }
0x2c0: {  	v25 =	vmul.f32 v23, v23;
	v26 =	vsub.f32 v24, v26;
	v21 =	vld [tilespmem:s30+$0xFFFFFF70]  }
0x2c1: {  	v23 =	vadd.f32 v29, v28;
	v24 =	vld [tilespmem:s30+$0xFFFFFFF0];
	s30 =	sadd.s32 $0x200, s30  }
0x2c2: {  	_ =	sdelay $0x1  }
0x2c3: {  	v17 =	vsub.f32 v17, v19  }
0x2c4: {  	v19 =	vadd.f32 v22, v25;
	v22 =	vmul.f32 v26, v26  }
0x2c5: {  	v17 =	vmul.f32 v17, v17;
	v18 =	vsub.f32 v18, v20;
	v20 =	vsub.f32 v21, v24  }
0x2c6: {  	v19 =	vadd.f32 v22, v19  }
0x2c7: {  	v17 =	vadd.f32 v17, v23;
	v18 =	vmul.f32 v18, v18;
	v20 =	vmul.f32 v20, v20;
	_ =	sdelay $0x1  }
0x2c8: {  	v18 =	vadd.f32 v18, v19;
	v19 =	vor.u32 s31, v0;
	v17 =	vadd.f32 v20, v17  }
0x2c9: {  	v20 =	vor.u32 s31, v1  }
0x2ca: {  	v17 =	vadd.f32 v17, v18  }
0x2cb: {  	v18 =	vor.u32 s31, v2  }
0x2cc: {  	[tilespmem:s28+$0xFFFFFFF0] =	vst v17  }
0x2cd: {  	v17 =	vor.u32 s31, v3;
	v19 =	vld.idx.msk [tilespmem:v19+s16+$0x0], $0xffff  }
0x2ce: {  	v20 =	vld.idx.msk [tilespmem:v20+s16+$0x0], $0xffff  }
0x2cf: {  	v21 =	vor.u32 s31, v4  }
0x2d0: {  	v18 =	vld.idx.msk [tilespmem:v18+s16+$0x0], $0xffff  }
0x2d1: {  	v22 =	vor.u32 s31, v5  }
0x2d2: {  	v17 =	vld.idx.msk [tilespmem:v17+s16+$0x0], $0xffff  }
0x2d3: {  	v23 =	vor.u32 s31, v6;
	v19 =	vadd.f32 v20, v19  }
0x2d4: {  	v20 =	vld.idx.msk [tilespmem:v21+s16+$0x0], $0xffff  }
0x2d5: {  	v21 =	vor.u32 s31, v7;
	v18 =	vadd.f32 v18, v19  }
0x2d6: {  	v19 =	vld.idx.msk [tilespmem:v22+s16+$0x0], $0xffff  }
0x2d7: {  	v22 =	vor.u32 s31, v8;
	v17 =	vadd.f32 v17, v18  }
0x2d8: {  	v18 =	vld.idx.msk [tilespmem:v23+s16+$0x0], $0xffff  }
0x2d9: {  	v23 =	vor.u32 s31, v9;
	v17 =	vadd.f32 v20, v17  }
0x2da: {  	v20 =	vld.idx.msk [tilespmem:v21+s16+$0x0], $0xffff  }
0x2db: {  	v21 =	vor.u32 s31, v10;
	v17 =	vadd.f32 v19, v17  }
0x2dc: {  	v19 =	vld.idx.msk [tilespmem:v22+s16+$0x0], $0xffff  }
0x2dd: {  	v22 =	vor.u32 s31, v11;
	v17 =	vadd.f32 v18, v17  }
0x2de: {  	v18 =	vld.idx.msk [tilespmem:v23+s16+$0x0], $0xffff  }
0x2df: {  	v23 =	vor.u32 s31, v12;
	v17 =	vadd.f32 v20, v17  }
0x2e0: {  	v20 =	vld.idx.msk [tilespmem:v21+s16+$0x0], $0xffff  }
0x2e1: {  	v21 =	vor.u32 s31, v13;
	v17 =	vadd.f32 v19, v17  }
0x2e2: {  	v19 =	vld.idx.msk [tilespmem:v22+s16+$0x0], $0xffff  }
0x2e3: {  	v22 =	vor.u32 s31, v14;
	v17 =	vadd.f32 v18, v17  }
0x2e4: {  	v18 =	vld.idx.msk [tilespmem:v23+s16+$0x0], $0xffff  }
0x2e5: {  	v23 =	vor.u32 s31, v15;
	v17 =	vadd.f32 v20, v17  }
0x2e6: {  	v20 =	vld.idx.msk [tilespmem:v21+s16+$0x0], $0xffff  }
0x2e7: {  	v17 =	vadd.f32 v19, v17  }
0x2e8: {  	v19 =	vld.idx.msk [tilespmem:v22+s16+$0x0], $0xffff  }
0x2e9: {  	v17 =	vadd.f32 v18, v17  }
0x2ea: {  	v18 =	vld.idx.msk [tilespmem:v23+s16+$0x0], $0xffff  }
0x2eb: {  	v17 =	vadd.f32 v20, v17;
	_ =	sdelay $0x1  }
0x2ec: {  	s28 =	simm.s32 $0x100;
	v17 =	vadd.f32 v19, v17  }
0x2ed: {  	v20 =	vor.u32 s28, v1  }
0x2ee: {  	v19 =	vor.u32 s28, v0;
	v17 =	vadd.f32 v18, v17;
	_ =	sdelay $0x1  }
0x2ef: {  	v18 =	vor.u32 s28, v2;
	v17 =	vadd.f32 $9.999999960e-13, v17;
	_ =	sdelay $0x1  }
0x2f0: {  	v21 =	vor.u32 s28, v3;
	v20 =	vld.idx.msk [tilespmem:v20+s16+$0x0], $0xffff;
	v22 =	vshra.s32 v17, $0x1;
	v23 =	vmul.f32 $5.000000000e-01, v17  }
0x2f1: {  	v19 =	vld.idx.msk [tilespmem:v19+s16+$0x0], $0xffff;
	v22 =	vsub.s32 $0x5F3759DF, v22  }
0x2f2: {  	v52 =	vor.u32 s28, v4;
	v53 =	vmul.f32 v22, v23  }
0x2f3: {  	v18 =	vld.idx.msk [tilespmem:v18+s16+$0x0], $0xffff  }
0x2f4: {  	v54 =	vor.u32 s28, v5;
	v25 =	vmul.f32 v22, v53  }
0x2f5: {  	v21 =	vld.idx.msk [tilespmem:v21+s16+$0x0], $0xffff  }
0x2f6: {  	v27 =	vor.u32 s28, v6;
	v19 =	vadd.f32 v20, v19;
	v20 =	vsub.f32 $1.500000000e+00, v25  }
0x2f7: {  	v24 =	vld.idx.msk [tilespmem:v52+s16+$0x0], $0xffff  }
0x2f8: {  	v55 =	vor.u32 s28, v7;
	v18 =	vadd.f32 v18, v19;
	v19 =	vmul.f32 v22, v20  }
0x2f9: {  	v20 =	vld.idx.msk [tilespmem:v54+s16+$0x0], $0xffff  }
0x2fa: {  	v22 =	vor.u32 s28, v8;
	v18 =	vadd.f32 v21, v18;
	v21 =	vmul.f32 v19, v23  }
0x2fb: {  	v56 =	vld.idx.msk [tilespmem:v27+s16+$0x0], $0xffff  }
0x2fc: {  	v57 =	vor.u32 s28, v9;
	v18 =	vadd.f32 v24, v18;
	v21 =	vmul.f32 v21, v19  }
0x2fd: {  	v58 =	vld.idx.msk [tilespmem:v55+s16+$0x0], $0xffff  }
0x2fe: {  	v59 =	vor.u32 s28, v10;
	v18 =	vadd.f32 v20, v18;
	v20 =	vsub.f32 $1.500000000e+00, v21  }
0x2ff: {  	v21 =	vld.idx.msk [tilespmem:v22+s16+$0x0], $0xffff  }
0x300: {  	v22 =	vor.u32 s28, v11;
	v18 =	vadd.f32 v56, v18;
	v19 =	vmul.f32 v20, v19  }
0x301: {  	v20 =	vld.idx.msk [tilespmem:v57+s16+$0x0], $0xffff  }
0x302: {  	v60 =	vor.u32 s28, v12;
	v18 =	vadd.f32 v58, v18;
	v23 =	vmul.f32 v19, v23  }
0x303: {  	v61 =	vld.idx.msk [tilespmem:v59+s16+$0x0], $0xffff  }
0x304: {  	v18 =	vadd.f32 v21, v18;
	v21 =	vmul.f32 v23, v19;
	v23 =	vor.u32 s28, v13  }
0x305: {  	v22 =	vld.idx.msk [tilespmem:v22+s16+$0x0], $0xffff  }
0x306: {  	v62 =	vor.u32 s28, v14;
	v18 =	vadd.f32 v20, v18;
	v20 =	vsub.f32 $1.500000000e+00, v21  }
0x307: {  	v63 =	vor.u32 s28, v15;
	v21 =	vld.idx.msk [tilespmem:v60+s16+$0x0], $0xffff  }
0x308: {  	v18 =	vadd.f32 v61, v18;
	v19 =	vmul.f32 v20, v19  }
0x309: {  	v20 =	vld.idx.msk [tilespmem:v23+s16+$0x0], $0xffff  }
0x30a: {  	v22 =	vadd.f32 v22, v18;
	v17 =	vmul.f32 v19, v17  }
0x30b: {  	v18 =	vld.idx.msk [tilespmem:v62+s16+$0x0], $0xffff  }
0x30c: {  	s29 =	simm.s32 $0x200;
	s28 =	simm.s32 $0xC540;
	v19 =	vld.idx.msk [tilespmem:v63+s16+$0x0], $0xffff;
	v21 =	vadd.f32 v21, v22;
	v17 =	vmul.f32 v17, v16  }
.LBB2_16:
0x30d: {  	p0 =	sne.s32 s29, $0x300  }
0x30e: {  	v20 =	vadd.f32 v20, v21;
	s26 =	sadd.s32 $0x10, s26;
	s30 =	smov.u32 s29;
	s29 =	sadd.s32 $0x100, s29  }
0x30f: {  	v21 =	vor.u32 s30, v0;
	v22 =	vor.u32 s30, v1;
	[tilespmem:s28+$0x0] =	vst v17;
	s28 =	smov.u32 s26  }
0x310: {  	v17 =	vadd.f32 v18, v20  }
0x311: {  	v18 =	vor.u32 s30, v2  }
0x312: {  	v17 =	vadd.f32 v19, v17  }
0x313: {  	v19 =	vor.u32 s30, v3  }
0x314: {  	v20 =	vld.idx.msk [tilespmem:v21+s16+$0x0], $0xffff;
	v17 =	vadd.f32 $9.999999960e-13, v17  }
0x315: {  	v21 =	vld.idx.msk [tilespmem:v22+s16+$0x0], $0xffff;
	v22 =	vor.u32 s30, v4  }
0x316: {  	v18 =	vld.idx.msk [tilespmem:v18+s16+$0x0], $0xffff;
	v23 =	vshra.s32 v17, $0x1;
	v24 =	vmul.f32 $5.000000000e-01, v17  }
0x317: {  	v25 =	vor.u32 s30, v5;
	v23 =	vsub.s32 $0x5F3759DF, v23  }
0x318: {  	v19 =	vld.idx.msk [tilespmem:v19+s16+$0x0], $0xffff;
	v26 =	vmul.f32 v23, v24  }
0x319: {  	v27 =	vor.u32 s30, v6  }
0x31a: {  	v22 =	vld.idx.msk [tilespmem:v22+s16+$0x0], $0xffff;
	v26 =	vmul.f32 v23, v26  }
0x31b: {  	v20 =	vadd.f32 v21, v20;
	v21 =	vor.u32 s30, v7  }
0x31c: {  	v25 =	vld.idx.msk [tilespmem:v25+s16+$0x0], $0xffff;
	v26 =	vsub.f32 $1.500000000e+00, v26  }
0x31d: {  	v18 =	vadd.f32 v18, v20;
	v20 =	vor.u32 s30, v8  }
0x31e: {  	v27 =	vld.idx.msk [tilespmem:v27+s16+$0x0], $0xffff;
	v23 =	vmul.f32 v23, v26  }
0x31f: {  	v18 =	vadd.f32 v19, v18;
	v19 =	vor.u32 s30, v9  }
0x320: {  	v21 =	vld.idx.msk [tilespmem:v21+s16+$0x0], $0xffff;
	v26 =	vmul.f32 v23, v24  }
0x321: {  	v18 =	vadd.f32 v22, v18;
	v22 =	vor.u32 s30, v10  }
0x322: {  	v20 =	vld.idx.msk [tilespmem:v20+s16+$0x0], $0xffff;
	v26 =	vmul.f32 v26, v23  }
0x323: {  	v18 =	vadd.f32 v25, v18;
	v25 =	vor.u32 s30, v11  }
0x324: {  	v19 =	vld.idx.msk [tilespmem:v19+s16+$0x0], $0xffff;
	v26 =	vsub.f32 $1.500000000e+00, v26  }
0x325: {  	v18 =	vadd.f32 v27, v18;
	v27 =	vor.u32 s30, v12  }
0x326: {  	v22 =	vld.idx.msk [tilespmem:v22+s16+$0x0], $0xffff;
	v23 =	vmul.f32 v26, v23  }
0x327: {  	v18 =	vadd.f32 v21, v18;
	v21 =	vor.u32 s30, v13  }
0x328: {  	v25 =	vld.idx.msk [tilespmem:v25+s16+$0x0], $0xffff;
	v24 =	vmul.f32 v23, v24  }
0x329: {  	v26 =	vor.u32 s30, v14;
	v18 =	vadd.f32 v20, v18  }
0x32a: {  	v27 =	vld.idx.msk [tilespmem:v27+s16+$0x0], $0xffff;
	v24 =	vmul.f32 v24, v23  }
0x32b: {  	v18 =	vadd.f32 v19, v18;
	v19 =	vor.u32 s30, v15  }
0x32c: {  	v20 =	vld.idx.msk [tilespmem:v21+s16+$0x0], $0xffff;
	v21 =	vsub.f32 $1.500000000e+00, v24  }
0x32d: {  	v22 =	vadd.f32 v22, v18  }
.Ltmp7:
0x32e: {  	v18 =	vld.idx.msk [tilespmem:v26+s16+$0x0], $0xffff;
	v21 =	vmul.f32 v21, v23;
	(pc) =	sbr.rel @p0 .LBB2_16-.Ltmp7, $4  }
0x32f: {  	v22 =	vadd.f32 v25, v22  }
0x330: {  	v19 =	vld.idx.msk [tilespmem:v19+s16+$0x0], $0xffff;
	v17 =	vmul.f32 v21, v17  }
0x331: {  	v21 =	vadd.f32 v27, v22  }
0x332: {  	v17 =	vmul.f32 v17, v16  }
0x333: {  	v20 =	vadd.f32 v20, v21;
	_ =	sdelay $0x1  }
0x334: {  	v18 =	vadd.f32 v18, v20;
	_ =	sdelay $0x1  }
0x335: {  	v18 =	vadd.f32 v19, v18;
	_ =	sdelay $0x1  }
0x336: {  	v18 =	vadd.f32 $9.999999960e-13, v18;
	_ =	sdelay $0x1  }
0x337: {  	v19 =	vshra.s32 v18, $0x1;
	v20 =	vmul.f32 $5.000000000e-01, v18  }
0x338: {  	v19 =	vsub.s32 $0x5F3759DF, v19  }
0x339: {  	v21 =	vmul.f32 v19, v20;
	_ =	sdelay $0x1  }
0x33a: {  	v21 =	vmul.f32 v19, v21;
	_ =	sdelay $0x1  }
0x33b: {  	v21 =	vsub.f32 $1.500000000e+00, v21;
	_ =	sdelay $0x1  }
0x33c: {  	v19 =	vmul.f32 v19, v21;
	_ =	sdelay $0x1  }
0x33d: {  	v21 =	vmul.f32 v19, v20;
	_ =	sdelay $0x1  }
0x33e: {  	v21 =	vmul.f32 v21, v19;
	_ =	sdelay $0x1  }
0x33f: {  	v21 =	vsub.f32 $1.500000000e+00, v21;
	_ =	sdelay $0x1  }
0x340: {  	v19 =	vmul.f32 v21, v19;
	_ =	sdelay $0x1  }
0x341: {  	v20 =	vmul.f32 v19, v20;
	_ =	sdelay $0x1  }
0x342: {  	v20 =	vmul.f32 v20, v19;
	_ =	sdelay $0x1  }
0x343: {  	v20 =	vsub.f32 $1.500000000e+00, v20;
	_ =	sdelay $0x1  }
0x344: {  	v19 =	vmul.f32 v20, v19;
	_ =	sdelay $0x1  }
0x345: {  	v18 =	vmul.f32 v19, v18;
	_ =	sdelay $0x1  }
0x346: {  	v18 =	vmul.f32 v18, v16  }
0x347: {  	s26 =	sadd.s32 $0x10, s26;
	[tilespmem:s28+$0x0] =	vst v17  }
0x348: {  	[tilespmem:s26+$0x0] =	vst v18  }
0x349: {  	[tilespmem:s11], [sflag:$0x1] =	stream.indirect.gather [hbm4b:s1+s10], $0x80, s22, s10, $0xb8;
	[tilespmem:$0xCA80] =	vst v63  }
0x34a: {  	_ =	swait.ge [sflag:s18], $0x4000  }
0x34b: {  	[sflag:s18] =	ssyncset.done $0x0  }
0x34c: {  	s30 =	simm.s32 $0x4500;
	[sflag:s18] =	ssyncadd.s32 $0xFFFFC000  }
0x34d: {  	v17 =	vld [tilespmem:s30+$0x60]  }
0x34e: {  	v18 =	vld [tilespmem:s30+$0xE0]  }
0x34f: {  	v19 =	vld [tilespmem:s30+$0x70]  }
0x350: {  	v20 =	vld [tilespmem:s30+$0x40]  }
0x351: {  	v21 =	vld [tilespmem:s30+$0xC0]  }
0x352: {  	v22 =	vld [tilespmem:s30+$0x0]  }
0x353: {  	v23 =	vld [tilespmem:s30+$0x80]  }
0x354: {  	v24 =	vld [tilespmem:s30+$0x10]  }
0x355: {  	v25 =	vld [tilespmem:s30+$0x90]  }
0x356: {  	v26 =	vld [tilespmem:s30+$0x20]  }
0x357: {  	v27 =	vld [tilespmem:s30+$0xA0]  }
0x358: {  	v28 =	vld [tilespmem:s30+$0x30]  }
0x359: {  	v29 =	vld [tilespmem:s30+$0xB0]  }
0x35a: {  	v30 =	vld [tilespmem:s30+$0x50]  }
0x35b: {  	v31 =	vld [tilespmem:s30+$0xD0]  }
0x35c: {  	v32 =	vld [tilespmem:s30+$0xF0]  }
0x35d: {  	v33 =	vld [tilespmem:s30+$0xFFFFFF80]  }
0x35e: {  	v34 =	vld [tilespmem:s30+$0xFFFFFF10]  }
0x35f: {  	v61 =	vld [tilespmem:s30+$0xFFFFFF30];
	v22 =	vsub.f32 v22, v23;
	v23 =	vsub.f32 v26, v27  }
0x360: {  	v26 =	vld [tilespmem:s30+$0xFFFFFF90];
	v24 =	vsub.f32 v24, v25;
	v25 =	vsub.f32 v28, v29  }
0x361: {  	v27 =	vld [tilespmem:s30+$0xFFFFFF20];
	v20 =	vsub.f32 v20, v21;
	v22 =	vmul.f32 v22, v22;
	v21 =	vmul.f32 v23, v23  }
0x362: {  	v60 =	vsub.f32 v30, v31;
	v23 =	vld [tilespmem:s30+$0xFFFFFFA0];
	v24 =	vmul.f32 v24, v24;
	v25 =	vmul.f32 v25, v25  }
0x363: {  	v17 =	vsub.f32 v17, v18;
	v20 =	vmul.f32 v20, v20;
	v18 =	vadd.f32 v21, v22;
	v21 =	vld [tilespmem:s30+$0xFFFFFFB0]  }
0x364: {  	v19 =	vsub.f32 v19, v32;
	v22 =	vadd.f32 v25, v24;
	v24 =	vmul.f32 v60, v60;
	v25 =	vld [tilespmem:s30+$0xFFFFFF00]  }
0x365: {  	v62 =	vld [tilespmem:s30+$0xFFFFFF40];
	v17 =	vmul.f32 v17, v17;
	v18 =	vadd.f32 v20, v18  }
0x366: {  	v19 =	vmul.f32 v19, v19;
	v20 =	vadd.f32 v24, v22;
	v24 =	vld [tilespmem:s30+$0xFFFFFFC0]  }
0x367: {  	v22 =	vsub.f32 v34, v26;
	v26 =	vadd.f32 v17, v18;
	v17 =	vld [tilespmem:s30+$0xFFFFFF50]  }
0x368: {  	v20 =	vadd.f32 v19, v20;
	v19 =	vld [tilespmem:s30+$0xFFFFFFD0];
	v21 =	vsub.f32 v61, v21  }
0x369: {  	v63 =	vmul.f32 v22, v22;
	v22 =	vsub.f32 v27, v23;
	v18 =	vld [tilespmem:s30+$0xFFFFFF60];
	v25 =	vsub.f32 v25, v33  }
0x36a: {  	v23 =	vadd.f32 v20, v26;
	v20 =	vld [tilespmem:s30+$0xFFFFFFE0];
	v27 =	vmul.f32 v21, v21  }
0x36b: {  	s28 =	simm.s32 $0xC690;
	v22 =	vmul.f32 v22, v22;
	v21 =	vld [tilespmem:s30+$0xFFFFFF70];
	v25 =	vmul.f32 v25, v25;
	v26 =	vsub.f32 v62, v24  }
0x36c: {  	s29 =	simm.s32 $0x0;
	s26 =	simm.s32 $0xC580;
	v24 =	vld [tilespmem:s30+$0xFFFFFFF0];
	s30 =	simm.s32 $0x4700;
	[tilespmem:s28+$0x0] =	vst v23;
	v23 =	vadd.f32 v27, v63  }
.LBB2_18:
0x36d: {  	v27 =	vld [tilespmem:s30+$0x60];
	v22 =	vadd.f32 v22, v25;
	v25 =	vmul.f32 v26, v26;
	v17 =	vsub.f32 v17, v19  }
0x36e: {  	v19 =	vld [tilespmem:s30+$0xE0]  }
0x36f: {  	v26 =	vld [tilespmem:s30+$0x70];
	v22 =	vadd.f32 v25, v22;
	v17 =	vmul.f32 v17, v17;
	v18 =	vsub.f32 v18, v20  }
0x370: {  	v20 =	vld [tilespmem:s30+$0x40]  }
0x371: {  	v25 =	vld [tilespmem:s30+$0xC0];
	v17 =	vadd.f32 v17, v23;
	v18 =	vmul.f32 v18, v18;
	v21 =	vsub.f32 v21, v24  }
0x372: {  	v23 =	vld [tilespmem:s30+$0x0]  }
0x373: {  	v24 =	vld [tilespmem:s30+$0x80];
	v18 =	vadd.f32 v18, v22;
	v21 =	vmul.f32 v21, v21  }
0x374: {  	v22 =	vld [tilespmem:s30+$0x10]  }
0x375: {  	v28 =	vld [tilespmem:s30+$0x90];
	v17 =	vadd.f32 v21, v17  }
0x376: {  	v21 =	vld [tilespmem:s30+$0x20]  }
0x377: {  	v29 =	vld [tilespmem:s30+$0xA0];
	v17 =	vadd.f32 v17, v18  }
0x378: {  	v18 =	vld [tilespmem:s30+$0x30]  }
0x379: {  	s29 =	sadd.s32 $0x2, s29;
	v30 =	vld [tilespmem:s30+$0xB0];
	[tilespmem:s28+$0xFFFFFFF0] =	vst v17  }
0x37a: {  	p0 =	slt.u32 s29, $0x3E;
	v17 =	vld [tilespmem:s30+$0x50]  }
0x37b: {  	v31 =	vld [tilespmem:s30+$0xD0]  }
0x37c: {  	v32 =	vld [tilespmem:s30+$0xF0]  }
0x37d: {  	v23 =	vsub.f32 v23, v24;
	v22 =	vsub.f32 v22, v28;
	v33 =	vld [tilespmem:s30+$0xFFFFFF80]  }
0x37e: {  	v21 =	vsub.f32 v21, v29;
	v24 =	vld [tilespmem:s30+$0xFFFFFF10];
	v18 =	vsub.f32 v18, v30  }
0x37f: {  	v20 =	vsub.f32 v20, v25;
	v23 =	vmul.f32 v23, v23;
	v22 =	vmul.f32 v22, v22;
	v28 =	vld [tilespmem:s30+$0xFFFFFF90]  }
0x380: {  	v21 =	vmul.f32 v21, v21;
	v25 =	vld [tilespmem:s30+$0xFFFFFF20];
	v18 =	vmul.f32 v18, v18;
	v17 =	vsub.f32 v17, v31  }
0x381: {  	v19 =	vsub.f32 v27, v19;
	v20 =	vmul.f32 v20, v20;
	v29 =	vld [tilespmem:s30+$0xFFFFFFA0];
	v26 =	vsub.f32 v26, v32  }
0x382: {  	v21 =	vadd.f32 v21, v23;
	v27 =	vld [tilespmem:s30+$0xFFFFFF30];
	v18 =	vadd.f32 v18, v22;
	v17 =	vmul.f32 v17, v17  }
0x383: {  	v19 =	vmul.f32 v19, v19;
	v22 =	vld [tilespmem:s30+$0xFFFFFFB0]  }
0x384: {  	v20 =	vadd.f32 v20, v21;
	v23 =	vld [tilespmem:s30+$0xFFFFFF00];
	v17 =	vadd.f32 v17, v18;
	v18 =	vmul.f32 v26, v26  }
0x385: {  	v21 =	vsub.f32 v24, v28;
	v24 =	vld [tilespmem:s30+$0xFFFFFF40]  }
0x386: {  	v20 =	vadd.f32 v19, v20;
	v26 =	vld [tilespmem:s30+$0xFFFFFFC0];
	v18 =	vadd.f32 v18, v17  }
0x387: {  	v28 =	vmul.f32 v21, v21;
	v21 =	vsub.f32 v25, v29;
	v17 =	vld [tilespmem:s30+$0xFFFFFF50]  }
.Ltmp8:
0x388: {  	v25 =	vsub.f32 v27, v22;
	v19 =	vld [tilespmem:s30+$0xFFFFFFD0];
	v27 =	vadd.f32 v18, v20;
	(pc) =	sbr.rel @p0 .LBB2_18-.Ltmp8, $4  }
0x389: {  	s28 =	sadd.s32 $0x20, s28;
	v22 =	vmul.f32 v21, v21;
	v23 =	vsub.f32 v23, v33;
	v18 =	vld [tilespmem:s30+$0xFFFFFF60]  }
0x38a: {  	s31 =	simm.s32 $0x0;
	v29 =	vmul.f32 v25, v25;
	v20 =	vld [tilespmem:s30+$0xFFFFFFE0];
	[tilespmem:s28+$0x0] =	vst v27  }
0x38b: {  	v25 =	vmul.f32 v23, v23;
	v26 =	vsub.f32 v24, v26;
	v21 =	vld [tilespmem:s30+$0xFFFFFF70]  }
0x38c: {  	v23 =	vadd.f32 v29, v28;
	v24 =	vld [tilespmem:s30+$0xFFFFFFF0];
	s30 =	sadd.s32 $0x200, s30  }
0x38d: {  	_ =	sdelay $0x1  }
0x38e: {  	v17 =	vsub.f32 v17, v19  }
0x38f: {  	v19 =	vadd.f32 v22, v25;
	v22 =	vmul.f32 v26, v26  }
0x390: {  	v17 =	vmul.f32 v17, v17;
	v18 =	vsub.f32 v18, v20;
	v20 =	vsub.f32 v21, v24  }
0x391: {  	v19 =	vadd.f32 v22, v19  }
0x392: {  	v17 =	vadd.f32 v17, v23;
	v18 =	vmul.f32 v18, v18;
	v20 =	vmul.f32 v20, v20;
	_ =	sdelay $0x1  }
0x393: {  	v18 =	vadd.f32 v18, v19;
	v19 =	vor.u32 s31, v0;
	v17 =	vadd.f32 v20, v17  }
0x394: {  	v20 =	vor.u32 s31, v1  }
0x395: {  	v17 =	vadd.f32 v17, v18  }
0x396: {  	v18 =	vor.u32 s31, v2  }
0x397: {  	[tilespmem:s28+$0xFFFFFFF0] =	vst v17  }
0x398: {  	v17 =	vor.u32 s31, v3;
	v19 =	vld.idx.msk [tilespmem:v19+s16+$0x0], $0xffff  }
0x399: {  	v20 =	vld.idx.msk [tilespmem:v20+s16+$0x0], $0xffff  }
0x39a: {  	v21 =	vor.u32 s31, v4  }
0x39b: {  	v18 =	vld.idx.msk [tilespmem:v18+s16+$0x0], $0xffff  }
0x39c: {  	v22 =	vor.u32 s31, v5  }
0x39d: {  	v17 =	vld.idx.msk [tilespmem:v17+s16+$0x0], $0xffff  }
0x39e: {  	v23 =	vor.u32 s31, v6;
	v19 =	vadd.f32 v20, v19  }
0x39f: {  	v20 =	vld.idx.msk [tilespmem:v21+s16+$0x0], $0xffff  }
0x3a0: {  	v21 =	vor.u32 s31, v7;
	v18 =	vadd.f32 v18, v19  }
0x3a1: {  	v19 =	vld.idx.msk [tilespmem:v22+s16+$0x0], $0xffff  }
0x3a2: {  	v22 =	vor.u32 s31, v8;
	v17 =	vadd.f32 v17, v18  }
0x3a3: {  	v18 =	vld.idx.msk [tilespmem:v23+s16+$0x0], $0xffff  }
0x3a4: {  	v23 =	vor.u32 s31, v9;
	v17 =	vadd.f32 v20, v17  }
0x3a5: {  	v20 =	vld.idx.msk [tilespmem:v21+s16+$0x0], $0xffff  }
0x3a6: {  	v21 =	vor.u32 s31, v10;
	v17 =	vadd.f32 v19, v17  }
0x3a7: {  	v19 =	vld.idx.msk [tilespmem:v22+s16+$0x0], $0xffff  }
0x3a8: {  	v22 =	vor.u32 s31, v11;
	v17 =	vadd.f32 v18, v17  }
0x3a9: {  	v18 =	vld.idx.msk [tilespmem:v23+s16+$0x0], $0xffff  }
0x3aa: {  	v23 =	vor.u32 s31, v12;
	v17 =	vadd.f32 v20, v17  }
0x3ab: {  	v20 =	vld.idx.msk [tilespmem:v21+s16+$0x0], $0xffff  }
0x3ac: {  	v21 =	vor.u32 s31, v13;
	v17 =	vadd.f32 v19, v17  }
0x3ad: {  	v19 =	vld.idx.msk [tilespmem:v22+s16+$0x0], $0xffff  }
0x3ae: {  	v22 =	vor.u32 s31, v14;
	v17 =	vadd.f32 v18, v17  }
0x3af: {  	v18 =	vld.idx.msk [tilespmem:v23+s16+$0x0], $0xffff  }
0x3b0: {  	v23 =	vor.u32 s31, v15;
	v17 =	vadd.f32 v20, v17  }
0x3b1: {  	v20 =	vld.idx.msk [tilespmem:v21+s16+$0x0], $0xffff  }
0x3b2: {  	v17 =	vadd.f32 v19, v17  }
0x3b3: {  	v19 =	vld.idx.msk [tilespmem:v22+s16+$0x0], $0xffff  }
0x3b4: {  	v17 =	vadd.f32 v18, v17  }
0x3b5: {  	v18 =	vld.idx.msk [tilespmem:v23+s16+$0x0], $0xffff  }
0x3b6: {  	v17 =	vadd.f32 v20, v17;
	_ =	sdelay $0x1  }
0x3b7: {  	s28 =	simm.s32 $0x100;
	v17 =	vadd.f32 v19, v17  }
0x3b8: {  	v20 =	vor.u32 s28, v1  }
0x3b9: {  	v19 =	vor.u32 s28, v0;
	v17 =	vadd.f32 v18, v17;
	_ =	sdelay $0x1  }
0x3ba: {  	v18 =	vor.u32 s28, v2;
	v17 =	vadd.f32 $9.999999960e-13, v17;
	_ =	sdelay $0x1  }
0x3bb: {  	v21 =	vor.u32 s28, v3;
	v20 =	vld.idx.msk [tilespmem:v20+s16+$0x0], $0xffff;
	v22 =	vshra.s32 v17, $0x1;
	v23 =	vmul.f32 $5.000000000e-01, v17  }
0x3bc: {  	v19 =	vld.idx.msk [tilespmem:v19+s16+$0x0], $0xffff;
	v22 =	vsub.s32 $0x5F3759DF, v22  }
0x3bd: {  	v52 =	vor.u32 s28, v4;
	v53 =	vmul.f32 v22, v23  }
0x3be: {  	v18 =	vld.idx.msk [tilespmem:v18+s16+$0x0], $0xffff  }
0x3bf: {  	v54 =	vor.u32 s28, v5;
	v25 =	vmul.f32 v22, v53  }
0x3c0: {  	v21 =	vld.idx.msk [tilespmem:v21+s16+$0x0], $0xffff  }
0x3c1: {  	v27 =	vor.u32 s28, v6;
	v19 =	vadd.f32 v20, v19;
	v20 =	vsub.f32 $1.500000000e+00, v25  }
0x3c2: {  	v24 =	vld.idx.msk [tilespmem:v52+s16+$0x0], $0xffff  }
0x3c3: {  	v55 =	vor.u32 s28, v7;
	v18 =	vadd.f32 v18, v19;
	v19 =	vmul.f32 v22, v20  }
0x3c4: {  	v20 =	vld.idx.msk [tilespmem:v54+s16+$0x0], $0xffff  }
0x3c5: {  	v22 =	vor.u32 s28, v8;
	v18 =	vadd.f32 v21, v18;
	v21 =	vmul.f32 v19, v23  }
0x3c6: {  	v56 =	vld.idx.msk [tilespmem:v27+s16+$0x0], $0xffff  }
0x3c7: {  	v57 =	vor.u32 s28, v9;
	v18 =	vadd.f32 v24, v18;
	v21 =	vmul.f32 v21, v19  }
0x3c8: {  	v58 =	vld.idx.msk [tilespmem:v55+s16+$0x0], $0xffff  }
0x3c9: {  	v59 =	vor.u32 s28, v10;
	v18 =	vadd.f32 v20, v18;
	v20 =	vsub.f32 $1.500000000e+00, v21  }
0x3ca: {  	v21 =	vld.idx.msk [tilespmem:v22+s16+$0x0], $0xffff  }
0x3cb: {  	v22 =	vor.u32 s28, v11;
	v18 =	vadd.f32 v56, v18;
	v19 =	vmul.f32 v20, v19  }
0x3cc: {  	v20 =	vld.idx.msk [tilespmem:v57+s16+$0x0], $0xffff  }
0x3cd: {  	v60 =	vor.u32 s28, v12;
	v18 =	vadd.f32 v58, v18;
	v23 =	vmul.f32 v19, v23  }
0x3ce: {  	v61 =	vld.idx.msk [tilespmem:v59+s16+$0x0], $0xffff  }
0x3cf: {  	v18 =	vadd.f32 v21, v18;
	v21 =	vmul.f32 v23, v19;
	v23 =	vor.u32 s28, v13  }
0x3d0: {  	v22 =	vld.idx.msk [tilespmem:v22+s16+$0x0], $0xffff  }
0x3d1: {  	v62 =	vor.u32 s28, v14;
	v18 =	vadd.f32 v20, v18;
	v20 =	vsub.f32 $1.500000000e+00, v21  }
0x3d2: {  	v63 =	vor.u32 s28, v15;
	v21 =	vld.idx.msk [tilespmem:v60+s16+$0x0], $0xffff  }
0x3d3: {  	v18 =	vadd.f32 v61, v18;
	v19 =	vmul.f32 v20, v19  }
0x3d4: {  	v20 =	vld.idx.msk [tilespmem:v23+s16+$0x0], $0xffff  }
0x3d5: {  	v22 =	vadd.f32 v22, v18;
	v17 =	vmul.f32 v19, v17  }
0x3d6: {  	v18 =	vld.idx.msk [tilespmem:v62+s16+$0x0], $0xffff  }
0x3d7: {  	s29 =	simm.s32 $0x200;
	s28 =	simm.s32 $0xC580;
	v19 =	vld.idx.msk [tilespmem:v63+s16+$0x0], $0xffff;
	v21 =	vadd.f32 v21, v22;
	v17 =	vmul.f32 v17, v16  }
.LBB2_20:
0x3d8: {  	p0 =	sne.s32 s29, $0x300  }
0x3d9: {  	v20 =	vadd.f32 v20, v21;
	s26 =	sadd.s32 $0x10, s26;
	s30 =	smov.u32 s29;
	s29 =	sadd.s32 $0x100, s29  }
0x3da: {  	v21 =	vor.u32 s30, v0;
	v22 =	vor.u32 s30, v1;
	[tilespmem:s28+$0x0] =	vst v17;
	s28 =	smov.u32 s26  }
0x3db: {  	v17 =	vadd.f32 v18, v20  }
0x3dc: {  	v18 =	vor.u32 s30, v2  }
0x3dd: {  	v17 =	vadd.f32 v19, v17  }
0x3de: {  	v19 =	vor.u32 s30, v3  }
0x3df: {  	v20 =	vld.idx.msk [tilespmem:v21+s16+$0x0], $0xffff;
	v17 =	vadd.f32 $9.999999960e-13, v17  }
0x3e0: {  	v21 =	vld.idx.msk [tilespmem:v22+s16+$0x0], $0xffff;
	v22 =	vor.u32 s30, v4  }
0x3e1: {  	v18 =	vld.idx.msk [tilespmem:v18+s16+$0x0], $0xffff;
	v23 =	vshra.s32 v17, $0x1;
	v24 =	vmul.f32 $5.000000000e-01, v17  }
0x3e2: {  	v25 =	vor.u32 s30, v5;
	v23 =	vsub.s32 $0x5F3759DF, v23  }
0x3e3: {  	v19 =	vld.idx.msk [tilespmem:v19+s16+$0x0], $0xffff;
	v26 =	vmul.f32 v23, v24  }
0x3e4: {  	v27 =	vor.u32 s30, v6  }
0x3e5: {  	v22 =	vld.idx.msk [tilespmem:v22+s16+$0x0], $0xffff;
	v26 =	vmul.f32 v23, v26  }
0x3e6: {  	v20 =	vadd.f32 v21, v20;
	v21 =	vor.u32 s30, v7  }
0x3e7: {  	v25 =	vld.idx.msk [tilespmem:v25+s16+$0x0], $0xffff;
	v26 =	vsub.f32 $1.500000000e+00, v26  }
0x3e8: {  	v18 =	vadd.f32 v18, v20;
	v20 =	vor.u32 s30, v8  }
0x3e9: {  	v27 =	vld.idx.msk [tilespmem:v27+s16+$0x0], $0xffff;
	v23 =	vmul.f32 v23, v26  }
0x3ea: {  	v18 =	vadd.f32 v19, v18;
	v19 =	vor.u32 s30, v9  }
0x3eb: {  	v21 =	vld.idx.msk [tilespmem:v21+s16+$0x0], $0xffff;
	v26 =	vmul.f32 v23, v24  }
0x3ec: {  	v18 =	vadd.f32 v22, v18;
	v22 =	vor.u32 s30, v10  }
0x3ed: {  	v20 =	vld.idx.msk [tilespmem:v20+s16+$0x0], $0xffff;
	v26 =	vmul.f32 v26, v23  }
0x3ee: {  	v18 =	vadd.f32 v25, v18;
	v25 =	vor.u32 s30, v11  }
0x3ef: {  	v19 =	vld.idx.msk [tilespmem:v19+s16+$0x0], $0xffff;
	v26 =	vsub.f32 $1.500000000e+00, v26  }
0x3f0: {  	v18 =	vadd.f32 v27, v18;
	v27 =	vor.u32 s30, v12  }
0x3f1: {  	v22 =	vld.idx.msk [tilespmem:v22+s16+$0x0], $0xffff;
	v23 =	vmul.f32 v26, v23  }
0x3f2: {  	v18 =	vadd.f32 v21, v18;
	v21 =	vor.u32 s30, v13  }
0x3f3: {  	v25 =	vld.idx.msk [tilespmem:v25+s16+$0x0], $0xffff;
	v24 =	vmul.f32 v23, v24  }
0x3f4: {  	v26 =	vor.u32 s30, v14;
	v18 =	vadd.f32 v20, v18  }
0x3f5: {  	v27 =	vld.idx.msk [tilespmem:v27+s16+$0x0], $0xffff;
	v24 =	vmul.f32 v24, v23  }
0x3f6: {  	v18 =	vadd.f32 v19, v18;
	v19 =	vor.u32 s30, v15  }
0x3f7: {  	v20 =	vld.idx.msk [tilespmem:v21+s16+$0x0], $0xffff;
	v21 =	vsub.f32 $1.500000000e+00, v24  }
0x3f8: {  	v22 =	vadd.f32 v22, v18  }
.Ltmp9:
0x3f9: {  	v18 =	vld.idx.msk [tilespmem:v26+s16+$0x0], $0xffff;
	v21 =	vmul.f32 v21, v23;
	(pc) =	sbr.rel @p0 .LBB2_20-.Ltmp9, $4  }
0x3fa: {  	v22 =	vadd.f32 v25, v22  }
0x3fb: {  	v19 =	vld.idx.msk [tilespmem:v19+s16+$0x0], $0xffff;
	v17 =	vmul.f32 v21, v17  }
0x3fc: {  	v21 =	vadd.f32 v27, v22  }
0x3fd: {  	v17 =	vmul.f32 v17, v16  }
0x3fe: {  	v20 =	vadd.f32 v20, v21;
	_ =	sdelay $0x1  }
0x3ff: {  	v18 =	vadd.f32 v18, v20;
	_ =	sdelay $0x1  }
0x400: {  	v18 =	vadd.f32 v19, v18;
	_ =	sdelay $0x1  }
0x401: {  	v18 =	vadd.f32 $9.999999960e-13, v18;
	_ =	sdelay $0x1  }
0x402: {  	v19 =	vshra.s32 v18, $0x1;
	v20 =	vmul.f32 $5.000000000e-01, v18  }
0x403: {  	v19 =	vsub.s32 $0x5F3759DF, v19  }
0x404: {  	v21 =	vmul.f32 v19, v20;
	_ =	sdelay $0x1  }
0x405: {  	v21 =	vmul.f32 v19, v21;
	_ =	sdelay $0x1  }
0x406: {  	v21 =	vsub.f32 $1.500000000e+00, v21;
	_ =	sdelay $0x1  }
0x407: {  	v19 =	vmul.f32 v19, v21;
	_ =	sdelay $0x1  }
0x408: {  	v21 =	vmul.f32 v19, v20;
	_ =	sdelay $0x1  }
0x409: {  	v21 =	vmul.f32 v21, v19;
	_ =	sdelay $0x1  }
0x40a: {  	v21 =	vsub.f32 $1.500000000e+00, v21;
	_ =	sdelay $0x1  }
0x40b: {  	v19 =	vmul.f32 v21, v19;
	_ =	sdelay $0x1  }
0x40c: {  	v20 =	vmul.f32 v19, v20;
	_ =	sdelay $0x1  }
0x40d: {  	v20 =	vmul.f32 v20, v19;
	_ =	sdelay $0x1  }
0x40e: {  	v20 =	vsub.f32 $1.500000000e+00, v20;
	_ =	sdelay $0x1  }
0x40f: {  	v19 =	vmul.f32 v20, v19;
	_ =	sdelay $0x1  }
0x410: {  	v18 =	vmul.f32 v19, v18;
	_ =	sdelay $0x1  }
0x411: {  	v18 =	vmul.f32 v18, v16  }
0x412: {  	s26 =	sadd.s32 $0x10, s26;
	[tilespmem:s28+$0x0] =	vst v17  }
0x413: {  	[tilespmem:s26+$0x0] =	vst v18  }
0x414: {  	[tilespmem:s12], [sflag:$0x2] =	stream.indirect.gather [hbm4b:s1+s10], $0x80, s23, s10, $0xb8;
	[tilespmem:$0xCA80] =	vst v63  }
0x415: {  	_ =	swait.ge [sflag:s20], $0x4000  }
0x416: {  	[sflag:s20] =	ssyncset.done $0x0  }
0x417: {  	s30 =	simm.s32 $0x8500;
	[sflag:s20] =	ssyncadd.s32 $0xFFFFC000  }
0x418: {  	v17 =	vld [tilespmem:s30+$0x60]  }
0x419: {  	v18 =	vld [tilespmem:s30+$0xE0]  }
0x41a: {  	v19 =	vld [tilespmem:s30+$0x70]  }
0x41b: {  	v20 =	vld [tilespmem:s30+$0x40]  }
0x41c: {  	v21 =	vld [tilespmem:s30+$0xC0]  }
0x41d: {  	v22 =	vld [tilespmem:s30+$0x0]  }
0x41e: {  	v23 =	vld [tilespmem:s30+$0x80]  }
0x41f: {  	v24 =	vld [tilespmem:s30+$0x10]  }
0x420: {  	v25 =	vld [tilespmem:s30+$0x90]  }
0x421: {  	v26 =	vld [tilespmem:s30+$0x20]  }
0x422: {  	v27 =	vld [tilespmem:s30+$0xA0]  }
0x423: {  	v28 =	vld [tilespmem:s30+$0x30]  }
0x424: {  	v29 =	vld [tilespmem:s30+$0xB0]  }
0x425: {  	v30 =	vld [tilespmem:s30+$0x50]  }
0x426: {  	v31 =	vld [tilespmem:s30+$0xD0]  }
0x427: {  	v32 =	vld [tilespmem:s30+$0xF0]  }
0x428: {  	v33 =	vld [tilespmem:s30+$0xFFFFFF80]  }
0x429: {  	v34 =	vld [tilespmem:s30+$0xFFFFFF10]  }
0x42a: {  	v61 =	vld [tilespmem:s30+$0xFFFFFF30];
	v22 =	vsub.f32 v22, v23;
	v23 =	vsub.f32 v26, v27  }
0x42b: {  	v26 =	vld [tilespmem:s30+$0xFFFFFF90];
	v24 =	vsub.f32 v24, v25;
	v25 =	vsub.f32 v28, v29  }
0x42c: {  	v27 =	vld [tilespmem:s30+$0xFFFFFF20];
	v20 =	vsub.f32 v20, v21;
	v22 =	vmul.f32 v22, v22;
	v21 =	vmul.f32 v23, v23  }
0x42d: {  	v60 =	vsub.f32 v30, v31;
	v23 =	vld [tilespmem:s30+$0xFFFFFFA0];
	v24 =	vmul.f32 v24, v24;
	v25 =	vmul.f32 v25, v25  }
0x42e: {  	v17 =	vsub.f32 v17, v18;
	v20 =	vmul.f32 v20, v20;
	v18 =	vadd.f32 v21, v22;
	v21 =	vld [tilespmem:s30+$0xFFFFFFB0]  }
0x42f: {  	v19 =	vsub.f32 v19, v32;
	v22 =	vadd.f32 v25, v24;
	v24 =	vmul.f32 v60, v60;
	v25 =	vld [tilespmem:s30+$0xFFFFFF00]  }
0x430: {  	v62 =	vld [tilespmem:s30+$0xFFFFFF40];
	v17 =	vmul.f32 v17, v17;
	v18 =	vadd.f32 v20, v18  }
0x431: {  	v19 =	vmul.f32 v19, v19;
	v20 =	vadd.f32 v24, v22;
	v24 =	vld [tilespmem:s30+$0xFFFFFFC0]  }
0x432: {  	v22 =	vsub.f32 v34, v26;
	v26 =	vadd.f32 v17, v18;
	v17 =	vld [tilespmem:s30+$0xFFFFFF50]  }
0x433: {  	v20 =	vadd.f32 v19, v20;
	v19 =	vld [tilespmem:s30+$0xFFFFFFD0];
	v21 =	vsub.f32 v61, v21  }
0x434: {  	v63 =	vmul.f32 v22, v22;
	v22 =	vsub.f32 v27, v23;
	v18 =	vld [tilespmem:s30+$0xFFFFFF60];
	v25 =	vsub.f32 v25, v33  }
0x435: {  	v23 =	vadd.f32 v20, v26;
	v20 =	vld [tilespmem:s30+$0xFFFFFFE0];
	v27 =	vmul.f32 v21, v21  }
0x436: {  	s28 =	simm.s32 $0xC690;
	v22 =	vmul.f32 v22, v22;
	v21 =	vld [tilespmem:s30+$0xFFFFFF70];
	v25 =	vmul.f32 v25, v25;
	v26 =	vsub.f32 v62, v24  }
0x437: {  	s29 =	simm.s32 $0x0;
	s26 =	simm.s32 $0xC5C0;
	v24 =	vld [tilespmem:s30+$0xFFFFFFF0];
	s30 =	simm.s32 $0x8700;
	[tilespmem:s28+$0x0] =	vst v23;
	v23 =	vadd.f32 v27, v63  }
.LBB2_22:
0x438: {  	v27 =	vld [tilespmem:s30+$0x60];
	v22 =	vadd.f32 v22, v25;
	v25 =	vmul.f32 v26, v26;
	v17 =	vsub.f32 v17, v19  }
0x439: {  	v19 =	vld [tilespmem:s30+$0xE0]  }
0x43a: {  	v26 =	vld [tilespmem:s30+$0x70];
	v22 =	vadd.f32 v25, v22;
	v17 =	vmul.f32 v17, v17;
	v18 =	vsub.f32 v18, v20  }
0x43b: {  	v20 =	vld [tilespmem:s30+$0x40]  }
0x43c: {  	v25 =	vld [tilespmem:s30+$0xC0];
	v17 =	vadd.f32 v17, v23;
	v18 =	vmul.f32 v18, v18;
	v21 =	vsub.f32 v21, v24  }
0x43d: {  	v23 =	vld [tilespmem:s30+$0x0]  }
0x43e: {  	v24 =	vld [tilespmem:s30+$0x80];
	v18 =	vadd.f32 v18, v22;
	v21 =	vmul.f32 v21, v21  }
0x43f: {  	v22 =	vld [tilespmem:s30+$0x10]  }
0x440: {  	v28 =	vld [tilespmem:s30+$0x90];
	v17 =	vadd.f32 v21, v17  }
0x441: {  	v21 =	vld [tilespmem:s30+$0x20]  }
0x442: {  	v29 =	vld [tilespmem:s30+$0xA0];
	v17 =	vadd.f32 v17, v18  }
0x443: {  	v18 =	vld [tilespmem:s30+$0x30]  }
0x444: {  	s29 =	sadd.s32 $0x2, s29;
	v30 =	vld [tilespmem:s30+$0xB0];
	[tilespmem:s28+$0xFFFFFFF0] =	vst v17  }
0x445: {  	p0 =	slt.u32 s29, $0x3E;
	v17 =	vld [tilespmem:s30+$0x50]  }
0x446: {  	v31 =	vld [tilespmem:s30+$0xD0]  }
0x447: {  	v32 =	vld [tilespmem:s30+$0xF0]  }
0x448: {  	v23 =	vsub.f32 v23, v24;
	v22 =	vsub.f32 v22, v28;
	v33 =	vld [tilespmem:s30+$0xFFFFFF80]  }
0x449: {  	v21 =	vsub.f32 v21, v29;
	v24 =	vld [tilespmem:s30+$0xFFFFFF10];
	v18 =	vsub.f32 v18, v30  }
0x44a: {  	v20 =	vsub.f32 v20, v25;
	v23 =	vmul.f32 v23, v23;
	v22 =	vmul.f32 v22, v22;
	v28 =	vld [tilespmem:s30+$0xFFFFFF90]  }
0x44b: {  	v21 =	vmul.f32 v21, v21;
	v25 =	vld [tilespmem:s30+$0xFFFFFF20];
	v18 =	vmul.f32 v18, v18;
	v17 =	vsub.f32 v17, v31  }
0x44c: {  	v19 =	vsub.f32 v27, v19;
	v20 =	vmul.f32 v20, v20;
	v29 =	vld [tilespmem:s30+$0xFFFFFFA0];
	v26 =	vsub.f32 v26, v32  }
0x44d: {  	v21 =	vadd.f32 v21, v23;
	v27 =	vld [tilespmem:s30+$0xFFFFFF30];
	v18 =	vadd.f32 v18, v22;
	v17 =	vmul.f32 v17, v17  }
0x44e: {  	v19 =	vmul.f32 v19, v19;
	v22 =	vld [tilespmem:s30+$0xFFFFFFB0]  }
0x44f: {  	v20 =	vadd.f32 v20, v21;
	v23 =	vld [tilespmem:s30+$0xFFFFFF00];
	v17 =	vadd.f32 v17, v18;
	v18 =	vmul.f32 v26, v26  }
0x450: {  	v21 =	vsub.f32 v24, v28;
	v24 =	vld [tilespmem:s30+$0xFFFFFF40]  }
0x451: {  	v20 =	vadd.f32 v19, v20;
	v26 =	vld [tilespmem:s30+$0xFFFFFFC0];
	v18 =	vadd.f32 v18, v17  }
0x452: {  	v28 =	vmul.f32 v21, v21;
	v21 =	vsub.f32 v25, v29;
	v17 =	vld [tilespmem:s30+$0xFFFFFF50]  }
.Ltmp10:
0x453: {  	v25 =	vsub.f32 v27, v22;
	v19 =	vld [tilespmem:s30+$0xFFFFFFD0];
	v27 =	vadd.f32 v18, v20;
	(pc) =	sbr.rel @p0 .LBB2_22-.Ltmp10, $4  }
0x454: {  	s28 =	sadd.s32 $0x20, s28;
	v22 =	vmul.f32 v21, v21;
	v23 =	vsub.f32 v23, v33;
	v18 =	vld [tilespmem:s30+$0xFFFFFF60]  }
0x455: {  	s31 =	simm.s32 $0x0;
	v29 =	vmul.f32 v25, v25;
	v20 =	vld [tilespmem:s30+$0xFFFFFFE0];
	[tilespmem:s28+$0x0] =	vst v27  }
0x456: {  	v25 =	vmul.f32 v23, v23;
	v26 =	vsub.f32 v24, v26;
	v21 =	vld [tilespmem:s30+$0xFFFFFF70]  }
0x457: {  	v23 =	vadd.f32 v29, v28;
	v24 =	vld [tilespmem:s30+$0xFFFFFFF0];
	s30 =	sadd.s32 $0x200, s30  }
0x458: {  	_ =	sdelay $0x1  }
0x459: {  	v17 =	vsub.f32 v17, v19  }
0x45a: {  	v19 =	vadd.f32 v22, v25;
	v22 =	vmul.f32 v26, v26  }
0x45b: {  	v17 =	vmul.f32 v17, v17;
	v18 =	vsub.f32 v18, v20;
	v20 =	vsub.f32 v21, v24  }
0x45c: {  	v19 =	vadd.f32 v22, v19  }
0x45d: {  	v17 =	vadd.f32 v17, v23;
	v18 =	vmul.f32 v18, v18;
	v20 =	vmul.f32 v20, v20;
	_ =	sdelay $0x1  }
0x45e: {  	v18 =	vadd.f32 v18, v19;
	v19 =	vor.u32 s31, v0;
	v17 =	vadd.f32 v20, v17  }
0x45f: {  	v20 =	vor.u32 s31, v1  }
0x460: {  	v17 =	vadd.f32 v17, v18  }
0x461: {  	v18 =	vor.u32 s31, v2  }
0x462: {  	[tilespmem:s28+$0xFFFFFFF0] =	vst v17  }
0x463: {  	v17 =	vor.u32 s31, v3;
	v19 =	vld.idx.msk [tilespmem:v19+s16+$0x0], $0xffff  }
0x464: {  	v20 =	vld.idx.msk [tilespmem:v20+s16+$0x0], $0xffff  }
0x465: {  	v21 =	vor.u32 s31, v4  }
0x466: {  	v18 =	vld.idx.msk [tilespmem:v18+s16+$0x0], $0xffff  }
0x467: {  	v22 =	vor.u32 s31, v5  }
0x468: {  	v17 =	vld.idx.msk [tilespmem:v17+s16+$0x0], $0xffff  }
0x469: {  	v23 =	vor.u32 s31, v6;
	v19 =	vadd.f32 v20, v19  }
0x46a: {  	v20 =	vld.idx.msk [tilespmem:v21+s16+$0x0], $0xffff  }
0x46b: {  	v21 =	vor.u32 s31, v7;
	v18 =	vadd.f32 v18, v19  }
0x46c: {  	v19 =	vld.idx.msk [tilespmem:v22+s16+$0x0], $0xffff  }
0x46d: {  	v22 =	vor.u32 s31, v8;
	v17 =	vadd.f32 v17, v18  }
0x46e: {  	v18 =	vld.idx.msk [tilespmem:v23+s16+$0x0], $0xffff  }
0x46f: {  	v23 =	vor.u32 s31, v9;
	v17 =	vadd.f32 v20, v17  }
0x470: {  	v20 =	vld.idx.msk [tilespmem:v21+s16+$0x0], $0xffff  }
0x471: {  	v21 =	vor.u32 s31, v10;
	v17 =	vadd.f32 v19, v17  }
0x472: {  	v19 =	vld.idx.msk [tilespmem:v22+s16+$0x0], $0xffff  }
0x473: {  	v22 =	vor.u32 s31, v11;
	v17 =	vadd.f32 v18, v17  }
0x474: {  	v18 =	vld.idx.msk [tilespmem:v23+s16+$0x0], $0xffff  }
0x475: {  	v23 =	vor.u32 s31, v12;
	v17 =	vadd.f32 v20, v17  }
0x476: {  	v20 =	vld.idx.msk [tilespmem:v21+s16+$0x0], $0xffff  }
0x477: {  	v21 =	vor.u32 s31, v13;
	v17 =	vadd.f32 v19, v17  }
0x478: {  	v19 =	vld.idx.msk [tilespmem:v22+s16+$0x0], $0xffff  }
0x479: {  	v22 =	vor.u32 s31, v14;
	v17 =	vadd.f32 v18, v17  }
0x47a: {  	v18 =	vld.idx.msk [tilespmem:v23+s16+$0x0], $0xffff  }
0x47b: {  	v23 =	vor.u32 s31, v15;
	v17 =	vadd.f32 v20, v17  }
0x47c: {  	v20 =	vld.idx.msk [tilespmem:v21+s16+$0x0], $0xffff  }
0x47d: {  	v17 =	vadd.f32 v19, v17  }
0x47e: {  	v19 =	vld.idx.msk [tilespmem:v22+s16+$0x0], $0xffff  }
0x47f: {  	v17 =	vadd.f32 v18, v17  }
0x480: {  	v18 =	vld.idx.msk [tilespmem:v23+s16+$0x0], $0xffff  }
0x481: {  	v17 =	vadd.f32 v20, v17;
	_ =	sdelay $0x1  }
0x482: {  	s28 =	simm.s32 $0x100;
	v17 =	vadd.f32 v19, v17  }
0x483: {  	v20 =	vor.u32 s28, v1  }
0x484: {  	v19 =	vor.u32 s28, v0;
	v17 =	vadd.f32 v18, v17;
	_ =	sdelay $0x1  }
0x485: {  	v18 =	vor.u32 s28, v2;
	v17 =	vadd.f32 $9.999999960e-13, v17;
	_ =	sdelay $0x1  }
0x486: {  	v21 =	vor.u32 s28, v3;
	v20 =	vld.idx.msk [tilespmem:v20+s16+$0x0], $0xffff;
	v22 =	vshra.s32 v17, $0x1;
	v23 =	vmul.f32 $5.000000000e-01, v17  }
0x487: {  	v19 =	vld.idx.msk [tilespmem:v19+s16+$0x0], $0xffff;
	v22 =	vsub.s32 $0x5F3759DF, v22  }
0x488: {  	v52 =	vor.u32 s28, v4;
	v53 =	vmul.f32 v22, v23  }
0x489: {  	v18 =	vld.idx.msk [tilespmem:v18+s16+$0x0], $0xffff  }
0x48a: {  	v54 =	vor.u32 s28, v5;
	v25 =	vmul.f32 v22, v53  }
0x48b: {  	v21 =	vld.idx.msk [tilespmem:v21+s16+$0x0], $0xffff  }
0x48c: {  	v27 =	vor.u32 s28, v6;
	v19 =	vadd.f32 v20, v19;
	v20 =	vsub.f32 $1.500000000e+00, v25  }
0x48d: {  	v24 =	vld.idx.msk [tilespmem:v52+s16+$0x0], $0xffff  }
0x48e: {  	v55 =	vor.u32 s28, v7;
	v18 =	vadd.f32 v18, v19;
	v19 =	vmul.f32 v22, v20  }
0x48f: {  	v20 =	vld.idx.msk [tilespmem:v54+s16+$0x0], $0xffff  }
0x490: {  	v22 =	vor.u32 s28, v8;
	v18 =	vadd.f32 v21, v18;
	v21 =	vmul.f32 v19, v23  }
0x491: {  	v56 =	vld.idx.msk [tilespmem:v27+s16+$0x0], $0xffff  }
0x492: {  	v57 =	vor.u32 s28, v9;
	v18 =	vadd.f32 v24, v18;
	v21 =	vmul.f32 v21, v19  }
0x493: {  	v58 =	vld.idx.msk [tilespmem:v55+s16+$0x0], $0xffff  }
0x494: {  	v59 =	vor.u32 s28, v10;
	v18 =	vadd.f32 v20, v18;
	v20 =	vsub.f32 $1.500000000e+00, v21  }
0x495: {  	v21 =	vld.idx.msk [tilespmem:v22+s16+$0x0], $0xffff  }
0x496: {  	v22 =	vor.u32 s28, v11;
	v18 =	vadd.f32 v56, v18;
	v19 =	vmul.f32 v20, v19  }
0x497: {  	v20 =	vld.idx.msk [tilespmem:v57+s16+$0x0], $0xffff  }
0x498: {  	v60 =	vor.u32 s28, v12;
	v18 =	vadd.f32 v58, v18;
	v23 =	vmul.f32 v19, v23  }
0x499: {  	v61 =	vld.idx.msk [tilespmem:v59+s16+$0x0], $0xffff  }
0x49a: {  	v18 =	vadd.f32 v21, v18;
	v21 =	vmul.f32 v23, v19;
	v23 =	vor.u32 s28, v13  }
0x49b: {  	v22 =	vld.idx.msk [tilespmem:v22+s16+$0x0], $0xffff  }
0x49c: {  	v62 =	vor.u32 s28, v14;
	v18 =	vadd.f32 v20, v18;
	v20 =	vsub.f32 $1.500000000e+00, v21  }
0x49d: {  	v63 =	vor.u32 s28, v15;
	v21 =	vld.idx.msk [tilespmem:v60+s16+$0x0], $0xffff  }
0x49e: {  	v18 =	vadd.f32 v61, v18;
	v19 =	vmul.f32 v20, v19  }
0x49f: {  	v20 =	vld.idx.msk [tilespmem:v23+s16+$0x0], $0xffff  }
0x4a0: {  	v22 =	vadd.f32 v22, v18;
	v17 =	vmul.f32 v19, v17  }
0x4a1: {  	v18 =	vld.idx.msk [tilespmem:v62+s16+$0x0], $0xffff  }
0x4a2: {  	s29 =	simm.s32 $0x200;
	s28 =	simm.s32 $0xC5C0;
	v19 =	vld.idx.msk [tilespmem:v63+s16+$0x0], $0xffff;
	v21 =	vadd.f32 v21, v22;
	v17 =	vmul.f32 v17, v16  }
.LBB2_24:
0x4a3: {  	p0 =	sne.s32 s29, $0x300  }
0x4a4: {  	v20 =	vadd.f32 v20, v21;
	s26 =	sadd.s32 $0x10, s26;
	s30 =	smov.u32 s29;
	s29 =	sadd.s32 $0x100, s29  }
0x4a5: {  	v21 =	vor.u32 s30, v0;
	v22 =	vor.u32 s30, v1;
	[tilespmem:s28+$0x0] =	vst v17;
	s28 =	smov.u32 s26  }
0x4a6: {  	v17 =	vadd.f32 v18, v20  }
0x4a7: {  	v18 =	vor.u32 s30, v2  }
0x4a8: {  	v17 =	vadd.f32 v19, v17  }
0x4a9: {  	v19 =	vor.u32 s30, v3  }
0x4aa: {  	v20 =	vld.idx.msk [tilespmem:v21+s16+$0x0], $0xffff;
	v17 =	vadd.f32 $9.999999960e-13, v17  }
0x4ab: {  	v21 =	vld.idx.msk [tilespmem:v22+s16+$0x0], $0xffff;
	v22 =	vor.u32 s30, v4  }
0x4ac: {  	v18 =	vld.idx.msk [tilespmem:v18+s16+$0x0], $0xffff;
	v23 =	vshra.s32 v17, $0x1;
	v24 =	vmul.f32 $5.000000000e-01, v17  }
0x4ad: {  	v25 =	vor.u32 s30, v5;
	v23 =	vsub.s32 $0x5F3759DF, v23  }
0x4ae: {  	v19 =	vld.idx.msk [tilespmem:v19+s16+$0x0], $0xffff;
	v26 =	vmul.f32 v23, v24  }
0x4af: {  	v27 =	vor.u32 s30, v6  }
0x4b0: {  	v22 =	vld.idx.msk [tilespmem:v22+s16+$0x0], $0xffff;
	v26 =	vmul.f32 v23, v26  }
0x4b1: {  	v20 =	vadd.f32 v21, v20;
	v21 =	vor.u32 s30, v7  }
0x4b2: {  	v25 =	vld.idx.msk [tilespmem:v25+s16+$0x0], $0xffff;
	v26 =	vsub.f32 $1.500000000e+00, v26  }
0x4b3: {  	v18 =	vadd.f32 v18, v20;
	v20 =	vor.u32 s30, v8  }
0x4b4: {  	v27 =	vld.idx.msk [tilespmem:v27+s16+$0x0], $0xffff;
	v23 =	vmul.f32 v23, v26  }
0x4b5: {  	v18 =	vadd.f32 v19, v18;
	v19 =	vor.u32 s30, v9  }
0x4b6: {  	v21 =	vld.idx.msk [tilespmem:v21+s16+$0x0], $0xffff;
	v26 =	vmul.f32 v23, v24  }
0x4b7: {  	v18 =	vadd.f32 v22, v18;
	v22 =	vor.u32 s30, v10  }
0x4b8: {  	v20 =	vld.idx.msk [tilespmem:v20+s16+$0x0], $0xffff;
	v26 =	vmul.f32 v26, v23  }
0x4b9: {  	v18 =	vadd.f32 v25, v18;
	v25 =	vor.u32 s30, v11  }
0x4ba: {  	v19 =	vld.idx.msk [tilespmem:v19+s16+$0x0], $0xffff;
	v26 =	vsub.f32 $1.500000000e+00, v26  }
0x4bb: {  	v18 =	vadd.f32 v27, v18;
	v27 =	vor.u32 s30, v12  }
0x4bc: {  	v22 =	vld.idx.msk [tilespmem:v22+s16+$0x0], $0xffff;
	v23 =	vmul.f32 v26, v23  }
0x4bd: {  	v18 =	vadd.f32 v21, v18;
	v21 =	vor.u32 s30, v13  }
0x4be: {  	v25 =	vld.idx.msk [tilespmem:v25+s16+$0x0], $0xffff;
	v24 =	vmul.f32 v23, v24  }
0x4bf: {  	v26 =	vor.u32 s30, v14;
	v18 =	vadd.f32 v20, v18  }
0x4c0: {  	v27 =	vld.idx.msk [tilespmem:v27+s16+$0x0], $0xffff;
	v24 =	vmul.f32 v24, v23  }
0x4c1: {  	v18 =	vadd.f32 v19, v18;
	v19 =	vor.u32 s30, v15  }
0x4c2: {  	v20 =	vld.idx.msk [tilespmem:v21+s16+$0x0], $0xffff;
	v21 =	vsub.f32 $1.500000000e+00, v24  }
0x4c3: {  	v22 =	vadd.f32 v22, v18  }
.Ltmp11:
0x4c4: {  	v18 =	vld.idx.msk [tilespmem:v26+s16+$0x0], $0xffff;
	v21 =	vmul.f32 v21, v23;
	(pc) =	sbr.rel @p0 .LBB2_24-.Ltmp11, $4  }
0x4c5: {  	v22 =	vadd.f32 v25, v22  }
0x4c6: {  	v19 =	vld.idx.msk [tilespmem:v19+s16+$0x0], $0xffff;
	v17 =	vmul.f32 v21, v17  }
0x4c7: {  	v21 =	vadd.f32 v27, v22  }
0x4c8: {  	v17 =	vmul.f32 v17, v16  }
0x4c9: {  	v20 =	vadd.f32 v20, v21;
	_ =	sdelay $0x1  }
0x4ca: {  	v18 =	vadd.f32 v18, v20;
	_ =	sdelay $0x1  }
0x4cb: {  	v18 =	vadd.f32 v19, v18;
	_ =	sdelay $0x1  }
0x4cc: {  	v18 =	vadd.f32 $9.999999960e-13, v18;
	_ =	sdelay $0x1  }
0x4cd: {  	v19 =	vshra.s32 v18, $0x1;
	v20 =	vmul.f32 $5.000000000e-01, v18  }
0x4ce: {  	v19 =	vsub.s32 $0x5F3759DF, v19  }
0x4cf: {  	v21 =	vmul.f32 v19, v20;
	_ =	sdelay $0x1  }
0x4d0: {  	v21 =	vmul.f32 v19, v21;
	_ =	sdelay $0x1  }
0x4d1: {  	v21 =	vsub.f32 $1.500000000e+00, v21;
	_ =	sdelay $0x1  }
0x4d2: {  	v19 =	vmul.f32 v19, v21;
	_ =	sdelay $0x1  }
0x4d3: {  	v21 =	vmul.f32 v19, v20;
	_ =	sdelay $0x1  }
0x4d4: {  	v21 =	vmul.f32 v21, v19;
	_ =	sdelay $0x1  }
0x4d5: {  	v21 =	vsub.f32 $1.500000000e+00, v21;
	_ =	sdelay $0x1  }
0x4d6: {  	v19 =	vmul.f32 v21, v19;
	_ =	sdelay $0x1  }
0x4d7: {  	v20 =	vmul.f32 v19, v20;
	_ =	sdelay $0x1  }
0x4d8: {  	v20 =	vmul.f32 v20, v19;
	_ =	sdelay $0x1  }
0x4d9: {  	v20 =	vsub.f32 $1.500000000e+00, v20;
	_ =	sdelay $0x1  }
0x4da: {  	v19 =	vmul.f32 v20, v19;
	_ =	sdelay $0x1  }
0x4db: {  	v18 =	vmul.f32 v19, v18;
	_ =	sdelay $0x1  }
0x4dc: {  	v18 =	vmul.f32 v18, v16  }
0x4dd: {  	s26 =	sadd.s32 $0x10, s26;
	[tilespmem:s28+$0x0] =	vst v17  }
0x4de: {  	[tilespmem:s26+$0x0] =	vst v18  }
0x4df: {  	_ =	swait.ge [sflag:s15], $0x4000  }
0x4e0: {  	[sflag:s15] =	ssyncset.done $0x0  }
0x4e1: {  	s30 =	simm.s32 $0x500;
	[sflag:s15] =	ssyncadd.s32 $0xFFFFC000  }
0x4e2: {  	v17 =	vld [tilespmem:s30+$0x60]  }
0x4e3: {  	v18 =	vld [tilespmem:s30+$0xE0]  }
0x4e4: {  	v19 =	vld [tilespmem:s30+$0x70]  }
0x4e5: {  	v20 =	vld [tilespmem:s30+$0x40]  }
0x4e6: {  	v21 =	vld [tilespmem:s30+$0xC0]  }
0x4e7: {  	v22 =	vld [tilespmem:s30+$0x0]  }
0x4e8: {  	v23 =	vld [tilespmem:s30+$0x80]  }
0x4e9: {  	v24 =	vld [tilespmem:s30+$0x10]  }
0x4ea: {  	v25 =	vld [tilespmem:s30+$0x90]  }
0x4eb: {  	v26 =	vld [tilespmem:s30+$0x20]  }
0x4ec: {  	v27 =	vld [tilespmem:s30+$0xA0]  }
0x4ed: {  	v28 =	vld [tilespmem:s30+$0x30]  }
0x4ee: {  	v29 =	vld [tilespmem:s30+$0xB0]  }
0x4ef: {  	v30 =	vld [tilespmem:s30+$0x50]  }
0x4f0: {  	v31 =	vld [tilespmem:s30+$0xD0]  }
0x4f1: {  	v32 =	vld [tilespmem:s30+$0xF0]  }
0x4f2: {  	v33 =	vld [tilespmem:s30+$0xFFFFFF80]  }
0x4f3: {  	v34 =	vld [tilespmem:s30+$0xFFFFFF10]  }
0x4f4: {  	v61 =	vld [tilespmem:s30+$0xFFFFFF30];
	v22 =	vsub.f32 v22, v23;
	v23 =	vsub.f32 v26, v27  }
0x4f5: {  	v26 =	vld [tilespmem:s30+$0xFFFFFF90];
	v24 =	vsub.f32 v24, v25;
	v25 =	vsub.f32 v28, v29  }
0x4f6: {  	v27 =	vld [tilespmem:s30+$0xFFFFFF20];
	v20 =	vsub.f32 v20, v21;
	v22 =	vmul.f32 v22, v22;
	v21 =	vmul.f32 v23, v23  }
0x4f7: {  	v60 =	vsub.f32 v30, v31;
	v23 =	vld [tilespmem:s30+$0xFFFFFFA0];
	v24 =	vmul.f32 v24, v24;
	v25 =	vmul.f32 v25, v25  }
0x4f8: {  	v17 =	vsub.f32 v17, v18;
	v20 =	vmul.f32 v20, v20;
	v18 =	vadd.f32 v21, v22;
	v21 =	vld [tilespmem:s30+$0xFFFFFFB0]  }
0x4f9: {  	v19 =	vsub.f32 v19, v32;
	v22 =	vadd.f32 v25, v24;
	v24 =	vmul.f32 v60, v60;
	v25 =	vld [tilespmem:s30+$0xFFFFFF00]  }
0x4fa: {  	v62 =	vld [tilespmem:s30+$0xFFFFFF40];
	v17 =	vmul.f32 v17, v17;
	v18 =	vadd.f32 v20, v18  }
0x4fb: {  	v19 =	vmul.f32 v19, v19;
	v20 =	vadd.f32 v24, v22;
	v24 =	vld [tilespmem:s30+$0xFFFFFFC0]  }
0x4fc: {  	v22 =	vsub.f32 v34, v26;
	v26 =	vadd.f32 v17, v18;
	v17 =	vld [tilespmem:s30+$0xFFFFFF50]  }
0x4fd: {  	v20 =	vadd.f32 v19, v20;
	v19 =	vld [tilespmem:s30+$0xFFFFFFD0];
	v21 =	vsub.f32 v61, v21  }
0x4fe: {  	v63 =	vmul.f32 v22, v22;
	v22 =	vsub.f32 v27, v23;
	v18 =	vld [tilespmem:s30+$0xFFFFFF60];
	v25 =	vsub.f32 v25, v33  }
0x4ff: {  	v23 =	vadd.f32 v20, v26;
	v20 =	vld [tilespmem:s30+$0xFFFFFFE0];
	v27 =	vmul.f32 v21, v21  }
0x500: {  	s28 =	simm.s32 $0xC690;
	v22 =	vmul.f32 v22, v22;
	v21 =	vld [tilespmem:s30+$0xFFFFFF70];
	v25 =	vmul.f32 v25, v25;
	v26 =	vsub.f32 v62, v24  }
0x501: {  	s29 =	simm.s32 $0x0;
	s26 =	simm.s32 $0xC600;
	v24 =	vld [tilespmem:s30+$0xFFFFFFF0];
	s30 =	simm.s32 $0x700;
	[tilespmem:s28+$0x0] =	vst v23;
	v23 =	vadd.f32 v27, v63  }
.LBB2_26:
0x502: {  	v27 =	vld [tilespmem:s30+$0x60];
	v22 =	vadd.f32 v22, v25;
	v25 =	vmul.f32 v26, v26;
	v17 =	vsub.f32 v17, v19  }
0x503: {  	v19 =	vld [tilespmem:s30+$0xE0]  }
0x504: {  	v26 =	vld [tilespmem:s30+$0x70];
	v22 =	vadd.f32 v25, v22;
	v17 =	vmul.f32 v17, v17;
	v18 =	vsub.f32 v18, v20  }
0x505: {  	v20 =	vld [tilespmem:s30+$0x40]  }
0x506: {  	v25 =	vld [tilespmem:s30+$0xC0];
	v17 =	vadd.f32 v17, v23;
	v18 =	vmul.f32 v18, v18;
	v21 =	vsub.f32 v21, v24  }
0x507: {  	v23 =	vld [tilespmem:s30+$0x0]  }
0x508: {  	v24 =	vld [tilespmem:s30+$0x80];
	v18 =	vadd.f32 v18, v22;
	v21 =	vmul.f32 v21, v21  }
0x509: {  	v22 =	vld [tilespmem:s30+$0x10]  }
0x50a: {  	v28 =	vld [tilespmem:s30+$0x90];
	v17 =	vadd.f32 v21, v17  }
0x50b: {  	v21 =	vld [tilespmem:s30+$0x20]  }
0x50c: {  	v29 =	vld [tilespmem:s30+$0xA0];
	v17 =	vadd.f32 v17, v18  }
0x50d: {  	v18 =	vld [tilespmem:s30+$0x30]  }
0x50e: {  	s29 =	sadd.s32 $0x2, s29;
	v30 =	vld [tilespmem:s30+$0xB0];
	[tilespmem:s28+$0xFFFFFFF0] =	vst v17  }
0x50f: {  	p0 =	slt.u32 s29, $0x3E;
	v17 =	vld [tilespmem:s30+$0x50]  }
0x510: {  	v31 =	vld [tilespmem:s30+$0xD0]  }
0x511: {  	v32 =	vld [tilespmem:s30+$0xF0]  }
0x512: {  	v23 =	vsub.f32 v23, v24;
	v22 =	vsub.f32 v22, v28;
	v33 =	vld [tilespmem:s30+$0xFFFFFF80]  }
0x513: {  	v21 =	vsub.f32 v21, v29;
	v24 =	vld [tilespmem:s30+$0xFFFFFF10];
	v18 =	vsub.f32 v18, v30  }
0x514: {  	v20 =	vsub.f32 v20, v25;
	v23 =	vmul.f32 v23, v23;
	v22 =	vmul.f32 v22, v22;
	v28 =	vld [tilespmem:s30+$0xFFFFFF90]  }
0x515: {  	v21 =	vmul.f32 v21, v21;
	v25 =	vld [tilespmem:s30+$0xFFFFFF20];
	v18 =	vmul.f32 v18, v18;
	v17 =	vsub.f32 v17, v31  }
0x516: {  	v19 =	vsub.f32 v27, v19;
	v20 =	vmul.f32 v20, v20;
	v29 =	vld [tilespmem:s30+$0xFFFFFFA0];
	v26 =	vsub.f32 v26, v32  }
0x517: {  	v21 =	vadd.f32 v21, v23;
	v27 =	vld [tilespmem:s30+$0xFFFFFF30];
	v18 =	vadd.f32 v18, v22;
	v17 =	vmul.f32 v17, v17  }
0x518: {  	v19 =	vmul.f32 v19, v19;
	v22 =	vld [tilespmem:s30+$0xFFFFFFB0]  }
0x519: {  	v20 =	vadd.f32 v20, v21;
	v23 =	vld [tilespmem:s30+$0xFFFFFF00];
	v17 =	vadd.f32 v17, v18;
	v18 =	vmul.f32 v26, v26  }
0x51a: {  	v21 =	vsub.f32 v24, v28;
	v24 =	vld [tilespmem:s30+$0xFFFFFF40]  }
0x51b: {  	v20 =	vadd.f32 v19, v20;
	v26 =	vld [tilespmem:s30+$0xFFFFFFC0];
	v18 =	vadd.f32 v18, v17  }
0x51c: {  	v28 =	vmul.f32 v21, v21;
	v21 =	vsub.f32 v25, v29;
	v17 =	vld [tilespmem:s30+$0xFFFFFF50]  }
.Ltmp12:
0x51d: {  	v25 =	vsub.f32 v27, v22;
	v19 =	vld [tilespmem:s30+$0xFFFFFFD0];
	v27 =	vadd.f32 v18, v20;
	(pc) =	sbr.rel @p0 .LBB2_26-.Ltmp12, $4  }
0x51e: {  	s28 =	sadd.s32 $0x20, s28;
	v22 =	vmul.f32 v21, v21;
	v23 =	vsub.f32 v23, v33;
	v18 =	vld [tilespmem:s30+$0xFFFFFF60]  }
0x51f: {  	s31 =	simm.s32 $0x0;
	v29 =	vmul.f32 v25, v25;
	v20 =	vld [tilespmem:s30+$0xFFFFFFE0];
	[tilespmem:s28+$0x0] =	vst v27  }
0x520: {  	v25 =	vmul.f32 v23, v23;
	v26 =	vsub.f32 v24, v26;
	v21 =	vld [tilespmem:s30+$0xFFFFFF70]  }
0x521: {  	v23 =	vadd.f32 v29, v28;
	v24 =	vld [tilespmem:s30+$0xFFFFFFF0];
	s30 =	sadd.s32 $0x200, s30  }
0x522: {  	_ =	sdelay $0x1  }
0x523: {  	v17 =	vsub.f32 v17, v19  }
0x524: {  	v19 =	vadd.f32 v22, v25;
	v22 =	vmul.f32 v26, v26  }
0x525: {  	v17 =	vmul.f32 v17, v17;
	v18 =	vsub.f32 v18, v20;
	v20 =	vsub.f32 v21, v24  }
0x526: {  	v19 =	vadd.f32 v22, v19  }
0x527: {  	v17 =	vadd.f32 v17, v23;
	v18 =	vmul.f32 v18, v18;
	v20 =	vmul.f32 v20, v20;
	_ =	sdelay $0x1  }
0x528: {  	v18 =	vadd.f32 v18, v19;
	v19 =	vor.u32 s31, v0;
	v17 =	vadd.f32 v20, v17  }
0x529: {  	v20 =	vor.u32 s31, v1  }
0x52a: {  	v17 =	vadd.f32 v17, v18  }
0x52b: {  	v18 =	vor.u32 s31, v2  }
0x52c: {  	[tilespmem:s28+$0xFFFFFFF0] =	vst v17  }
0x52d: {  	v17 =	vor.u32 s31, v3;
	v19 =	vld.idx.msk [tilespmem:v19+s16+$0x0], $0xffff  }
0x52e: {  	v20 =	vld.idx.msk [tilespmem:v20+s16+$0x0], $0xffff  }
0x52f: {  	v21 =	vor.u32 s31, v4  }
0x530: {  	v18 =	vld.idx.msk [tilespmem:v18+s16+$0x0], $0xffff  }
0x531: {  	v22 =	vor.u32 s31, v5  }
0x532: {  	v17 =	vld.idx.msk [tilespmem:v17+s16+$0x0], $0xffff  }
0x533: {  	v23 =	vor.u32 s31, v6;
	v19 =	vadd.f32 v20, v19  }
0x534: {  	v20 =	vld.idx.msk [tilespmem:v21+s16+$0x0], $0xffff  }
0x535: {  	v21 =	vor.u32 s31, v7;
	v18 =	vadd.f32 v18, v19  }
0x536: {  	v19 =	vld.idx.msk [tilespmem:v22+s16+$0x0], $0xffff  }
0x537: {  	v22 =	vor.u32 s31, v8;
	v17 =	vadd.f32 v17, v18  }
0x538: {  	v18 =	vld.idx.msk [tilespmem:v23+s16+$0x0], $0xffff  }
0x539: {  	v23 =	vor.u32 s31, v9;
	v17 =	vadd.f32 v20, v17  }
0x53a: {  	v20 =	vld.idx.msk [tilespmem:v21+s16+$0x0], $0xffff  }
0x53b: {  	v21 =	vor.u32 s31, v10;
	v17 =	vadd.f32 v19, v17  }
0x53c: {  	v19 =	vld.idx.msk [tilespmem:v22+s16+$0x0], $0xffff  }
0x53d: {  	v22 =	vor.u32 s31, v11;
	v17 =	vadd.f32 v18, v17  }
0x53e: {  	v18 =	vld.idx.msk [tilespmem:v23+s16+$0x0], $0xffff  }
0x53f: {  	v23 =	vor.u32 s31, v12;
	v17 =	vadd.f32 v20, v17  }
0x540: {  	v20 =	vld.idx.msk [tilespmem:v21+s16+$0x0], $0xffff  }
0x541: {  	v21 =	vor.u32 s31, v13;
	v17 =	vadd.f32 v19, v17  }
0x542: {  	v19 =	vld.idx.msk [tilespmem:v22+s16+$0x0], $0xffff  }
0x543: {  	v22 =	vor.u32 s31, v14;
	v17 =	vadd.f32 v18, v17  }
0x544: {  	v18 =	vld.idx.msk [tilespmem:v23+s16+$0x0], $0xffff  }
0x545: {  	v23 =	vor.u32 s31, v15;
	v17 =	vadd.f32 v20, v17  }
0x546: {  	v20 =	vld.idx.msk [tilespmem:v21+s16+$0x0], $0xffff  }
0x547: {  	v17 =	vadd.f32 v19, v17  }
0x548: {  	v19 =	vld.idx.msk [tilespmem:v22+s16+$0x0], $0xffff  }
0x549: {  	v17 =	vadd.f32 v18, v17  }
0x54a: {  	v18 =	vld.idx.msk [tilespmem:v23+s16+$0x0], $0xffff  }
0x54b: {  	v17 =	vadd.f32 v20, v17;
	_ =	sdelay $0x1  }
0x54c: {  	s28 =	simm.s32 $0x100;
	v17 =	vadd.f32 v19, v17  }
0x54d: {  	v20 =	vor.u32 s28, v1  }
0x54e: {  	v19 =	vor.u32 s28, v0;
	v17 =	vadd.f32 v18, v17;
	_ =	sdelay $0x1  }
0x54f: {  	v18 =	vor.u32 s28, v2;
	v17 =	vadd.f32 $9.999999960e-13, v17;
	_ =	sdelay $0x1  }
0x550: {  	v21 =	vor.u32 s28, v3;
	v20 =	vld.idx.msk [tilespmem:v20+s16+$0x0], $0xffff;
	v22 =	vshra.s32 v17, $0x1;
	v23 =	vmul.f32 $5.000000000e-01, v17  }
0x551: {  	v19 =	vld.idx.msk [tilespmem:v19+s16+$0x0], $0xffff;
	v22 =	vsub.s32 $0x5F3759DF, v22  }
0x552: {  	v52 =	vor.u32 s28, v4;
	v53 =	vmul.f32 v22, v23  }
0x553: {  	v18 =	vld.idx.msk [tilespmem:v18+s16+$0x0], $0xffff  }
0x554: {  	v54 =	vor.u32 s28, v5;
	v25 =	vmul.f32 v22, v53  }
0x555: {  	v21 =	vld.idx.msk [tilespmem:v21+s16+$0x0], $0xffff  }
0x556: {  	v27 =	vor.u32 s28, v6;
	v19 =	vadd.f32 v20, v19;
	v20 =	vsub.f32 $1.500000000e+00, v25  }
0x557: {  	v24 =	vld.idx.msk [tilespmem:v52+s16+$0x0], $0xffff  }
0x558: {  	v55 =	vor.u32 s28, v7;
	v18 =	vadd.f32 v18, v19;
	v19 =	vmul.f32 v22, v20  }
0x559: {  	v20 =	vld.idx.msk [tilespmem:v54+s16+$0x0], $0xffff  }
0x55a: {  	v22 =	vor.u32 s28, v8;
	v18 =	vadd.f32 v21, v18;
	v21 =	vmul.f32 v19, v23  }
0x55b: {  	v56 =	vld.idx.msk [tilespmem:v27+s16+$0x0], $0xffff  }
0x55c: {  	v57 =	vor.u32 s28, v9;
	v18 =	vadd.f32 v24, v18;
	v21 =	vmul.f32 v21, v19  }
0x55d: {  	v58 =	vld.idx.msk [tilespmem:v55+s16+$0x0], $0xffff  }
0x55e: {  	v59 =	vor.u32 s28, v10;
	v18 =	vadd.f32 v20, v18;
	v20 =	vsub.f32 $1.500000000e+00, v21  }
0x55f: {  	v21 =	vld.idx.msk [tilespmem:v22+s16+$0x0], $0xffff  }
0x560: {  	v22 =	vor.u32 s28, v11;
	v18 =	vadd.f32 v56, v18;
	v19 =	vmul.f32 v20, v19  }
0x561: {  	v20 =	vld.idx.msk [tilespmem:v57+s16+$0x0], $0xffff  }
0x562: {  	v60 =	vor.u32 s28, v12;
	v18 =	vadd.f32 v58, v18;
	v23 =	vmul.f32 v19, v23  }
0x563: {  	v61 =	vld.idx.msk [tilespmem:v59+s16+$0x0], $0xffff  }
0x564: {  	v18 =	vadd.f32 v21, v18;
	v21 =	vmul.f32 v23, v19;
	v23 =	vor.u32 s28, v13  }
0x565: {  	v22 =	vld.idx.msk [tilespmem:v22+s16+$0x0], $0xffff  }
0x566: {  	v62 =	vor.u32 s28, v14;
	v18 =	vadd.f32 v20, v18;
	v20 =	vsub.f32 $1.500000000e+00, v21  }
0x567: {  	v63 =	vor.u32 s28, v15;
	v21 =	vld.idx.msk [tilespmem:v60+s16+$0x0], $0xffff  }
0x568: {  	v18 =	vadd.f32 v61, v18;
	v19 =	vmul.f32 v20, v19  }
0x569: {  	v20 =	vld.idx.msk [tilespmem:v23+s16+$0x0], $0xffff  }
0x56a: {  	v22 =	vadd.f32 v22, v18;
	v17 =	vmul.f32 v19, v17  }
0x56b: {  	v18 =	vld.idx.msk [tilespmem:v62+s16+$0x0], $0xffff  }
0x56c: {  	s29 =	simm.s32 $0x200;
	s28 =	simm.s32 $0xC600;
	v19 =	vld.idx.msk [tilespmem:v63+s16+$0x0], $0xffff;
	v21 =	vadd.f32 v21, v22;
	v17 =	vmul.f32 v17, v16  }
.LBB2_28:
0x56d: {  	p0 =	sne.s32 s29, $0x300  }
0x56e: {  	v20 =	vadd.f32 v20, v21;
	s26 =	sadd.s32 $0x10, s26;
	s30 =	smov.u32 s29;
	s29 =	sadd.s32 $0x100, s29  }
0x56f: {  	v21 =	vor.u32 s30, v0;
	v22 =	vor.u32 s30, v1;
	[tilespmem:s28+$0x0] =	vst v17;
	s28 =	smov.u32 s26  }
0x570: {  	v17 =	vadd.f32 v18, v20  }
0x571: {  	v18 =	vor.u32 s30, v2  }
0x572: {  	v17 =	vadd.f32 v19, v17  }
0x573: {  	v19 =	vor.u32 s30, v3  }
0x574: {  	v20 =	vld.idx.msk [tilespmem:v21+s16+$0x0], $0xffff;
	v17 =	vadd.f32 $9.999999960e-13, v17  }
0x575: {  	v21 =	vld.idx.msk [tilespmem:v22+s16+$0x0], $0xffff;
	v22 =	vor.u32 s30, v4  }
0x576: {  	v18 =	vld.idx.msk [tilespmem:v18+s16+$0x0], $0xffff;
	v23 =	vshra.s32 v17, $0x1;
	v24 =	vmul.f32 $5.000000000e-01, v17  }
0x577: {  	v25 =	vor.u32 s30, v5;
	v23 =	vsub.s32 $0x5F3759DF, v23  }
0x578: {  	v19 =	vld.idx.msk [tilespmem:v19+s16+$0x0], $0xffff;
	v26 =	vmul.f32 v23, v24  }
0x579: {  	v27 =	vor.u32 s30, v6  }
0x57a: {  	v22 =	vld.idx.msk [tilespmem:v22+s16+$0x0], $0xffff;
	v26 =	vmul.f32 v23, v26  }
0x57b: {  	v20 =	vadd.f32 v21, v20;
	v21 =	vor.u32 s30, v7  }
0x57c: {  	v25 =	vld.idx.msk [tilespmem:v25+s16+$0x0], $0xffff;
	v26 =	vsub.f32 $1.500000000e+00, v26  }
0x57d: {  	v18 =	vadd.f32 v18, v20;
	v20 =	vor.u32 s30, v8  }
0x57e: {  	v27 =	vld.idx.msk [tilespmem:v27+s16+$0x0], $0xffff;
	v23 =	vmul.f32 v23, v26  }
0x57f: {  	v18 =	vadd.f32 v19, v18;
	v19 =	vor.u32 s30, v9  }
0x580: {  	v21 =	vld.idx.msk [tilespmem:v21+s16+$0x0], $0xffff;
	v26 =	vmul.f32 v23, v24  }
0x581: {  	v18 =	vadd.f32 v22, v18;
	v22 =	vor.u32 s30, v10  }
0x582: {  	v20 =	vld.idx.msk [tilespmem:v20+s16+$0x0], $0xffff;
	v26 =	vmul.f32 v26, v23  }
0x583: {  	v18 =	vadd.f32 v25, v18;
	v25 =	vor.u32 s30, v11  }
0x584: {  	v19 =	vld.idx.msk [tilespmem:v19+s16+$0x0], $0xffff;
	v26 =	vsub.f32 $1.500000000e+00, v26  }
0x585: {  	v18 =	vadd.f32 v27, v18;
	v27 =	vor.u32 s30, v12  }
0x586: {  	v22 =	vld.idx.msk [tilespmem:v22+s16+$0x0], $0xffff;
	v23 =	vmul.f32 v26, v23  }
0x587: {  	v18 =	vadd.f32 v21, v18;
	v21 =	vor.u32 s30, v13  }
0x588: {  	v25 =	vld.idx.msk [tilespmem:v25+s16+$0x0], $0xffff;
	v24 =	vmul.f32 v23, v24  }
0x589: {  	v26 =	vor.u32 s30, v14;
	v18 =	vadd.f32 v20, v18  }
0x58a: {  	v27 =	vld.idx.msk [tilespmem:v27+s16+$0x0], $0xffff;
	v24 =	vmul.f32 v24, v23  }
0x58b: {  	v18 =	vadd.f32 v19, v18;
	v19 =	vor.u32 s30, v15  }
0x58c: {  	v20 =	vld.idx.msk [tilespmem:v21+s16+$0x0], $0xffff;
	v21 =	vsub.f32 $1.500000000e+00, v24  }
0x58d: {  	v22 =	vadd.f32 v22, v18  }
.Ltmp13:
0x58e: {  	v18 =	vld.idx.msk [tilespmem:v26+s16+$0x0], $0xffff;
	v21 =	vmul.f32 v21, v23;
	(pc) =	sbr.rel @p0 .LBB2_28-.Ltmp13, $4  }
0x58f: {  	v22 =	vadd.f32 v25, v22  }
0x590: {  	v19 =	vld.idx.msk [tilespmem:v19+s16+$0x0], $0xffff;
	v17 =	vmul.f32 v21, v17  }
0x591: {  	v21 =	vadd.f32 v27, v22  }
0x592: {  	v17 =	vmul.f32 v17, v16  }
0x593: {  	v20 =	vadd.f32 v20, v21;
	_ =	sdelay $0x1  }
0x594: {  	v18 =	vadd.f32 v18, v20;
	_ =	sdelay $0x1  }
0x595: {  	v18 =	vadd.f32 v19, v18;
	_ =	sdelay $0x1  }
0x596: {  	v18 =	vadd.f32 $9.999999960e-13, v18;
	_ =	sdelay $0x1  }
0x597: {  	v19 =	vshra.s32 v18, $0x1;
	v20 =	vmul.f32 $5.000000000e-01, v18  }
0x598: {  	v19 =	vsub.s32 $0x5F3759DF, v19  }
0x599: {  	v21 =	vmul.f32 v19, v20;
	_ =	sdelay $0x1  }
0x59a: {  	v21 =	vmul.f32 v19, v21;
	_ =	sdelay $0x1  }
0x59b: {  	v21 =	vsub.f32 $1.500000000e+00, v21;
	_ =	sdelay $0x1  }
0x59c: {  	v19 =	vmul.f32 v19, v21;
	_ =	sdelay $0x1  }
0x59d: {  	v21 =	vmul.f32 v19, v20;
	_ =	sdelay $0x1  }
0x59e: {  	v21 =	vmul.f32 v21, v19;
	_ =	sdelay $0x1  }
0x59f: {  	v21 =	vsub.f32 $1.500000000e+00, v21;
	_ =	sdelay $0x1  }
0x5a0: {  	v19 =	vmul.f32 v21, v19;
	_ =	sdelay $0x1  }
0x5a1: {  	v20 =	vmul.f32 v19, v20;
	_ =	sdelay $0x1  }
0x5a2: {  	v20 =	vmul.f32 v20, v19;
	_ =	sdelay $0x1  }
0x5a3: {  	v20 =	vsub.f32 $1.500000000e+00, v20;
	_ =	sdelay $0x1  }
0x5a4: {  	v19 =	vmul.f32 v20, v19;
	_ =	sdelay $0x1  }
0x5a5: {  	v18 =	vmul.f32 v19, v18;
	_ =	sdelay $0x1  }
0x5a6: {  	v18 =	vmul.f32 v18, v16  }
0x5a7: {  	s26 =	sadd.s32 $0x10, s26;
	[tilespmem:s28+$0x0] =	vst v17  }
0x5a8: {  	[tilespmem:s26+$0x0] =	vst v18  }
0x5a9: {  	_ =	swait.ge [sflag:s18], $0x4000  }
0x5aa: {  	[sflag:s18] =	ssyncset.done $0x0  }
0x5ab: {  	s30 =	simm.s32 $0x4500;
	[sflag:s18] =	ssyncadd.s32 $0xFFFFC000  }
0x5ac: {  	v17 =	vld [tilespmem:s30+$0x60]  }
0x5ad: {  	v18 =	vld [tilespmem:s30+$0xE0]  }
0x5ae: {  	v19 =	vld [tilespmem:s30+$0x70]  }
0x5af: {  	v20 =	vld [tilespmem:s30+$0x40]  }
0x5b0: {  	v21 =	vld [tilespmem:s30+$0xC0]  }
0x5b1: {  	v22 =	vld [tilespmem:s30+$0x0]  }
0x5b2: {  	v23 =	vld [tilespmem:s30+$0x80]  }
0x5b3: {  	v24 =	vld [tilespmem:s30+$0x10]  }
0x5b4: {  	v25 =	vld [tilespmem:s30+$0x90]  }
0x5b5: {  	v26 =	vld [tilespmem:s30+$0x20]  }
0x5b6: {  	v27 =	vld [tilespmem:s30+$0xA0]  }
0x5b7: {  	v28 =	vld [tilespmem:s30+$0x30]  }
0x5b8: {  	v29 =	vld [tilespmem:s30+$0xB0]  }
0x5b9: {  	v30 =	vld [tilespmem:s30+$0x50]  }
0x5ba: {  	v31 =	vld [tilespmem:s30+$0xD0]  }
0x5bb: {  	v32 =	vld [tilespmem:s30+$0xF0]  }
0x5bc: {  	v33 =	vld [tilespmem:s30+$0xFFFFFF80]  }
0x5bd: {  	v34 =	vld [tilespmem:s30+$0xFFFFFF10]  }
0x5be: {  	v61 =	vld [tilespmem:s30+$0xFFFFFF30];
	v22 =	vsub.f32 v22, v23;
	v23 =	vsub.f32 v26, v27  }
0x5bf: {  	v26 =	vld [tilespmem:s30+$0xFFFFFF90];
	v24 =	vsub.f32 v24, v25;
	v25 =	vsub.f32 v28, v29  }
0x5c0: {  	v27 =	vld [tilespmem:s30+$0xFFFFFF20];
	v20 =	vsub.f32 v20, v21;
	v22 =	vmul.f32 v22, v22;
	v21 =	vmul.f32 v23, v23  }
0x5c1: {  	v60 =	vsub.f32 v30, v31;
	v23 =	vld [tilespmem:s30+$0xFFFFFFA0];
	v24 =	vmul.f32 v24, v24;
	v25 =	vmul.f32 v25, v25  }
0x5c2: {  	v17 =	vsub.f32 v17, v18;
	v20 =	vmul.f32 v20, v20;
	v18 =	vadd.f32 v21, v22;
	v21 =	vld [tilespmem:s30+$0xFFFFFFB0]  }
0x5c3: {  	v19 =	vsub.f32 v19, v32;
	v22 =	vadd.f32 v25, v24;
	v24 =	vmul.f32 v60, v60;
	v25 =	vld [tilespmem:s30+$0xFFFFFF00]  }
0x5c4: {  	v62 =	vld [tilespmem:s30+$0xFFFFFF40];
	v17 =	vmul.f32 v17, v17;
	v18 =	vadd.f32 v20, v18  }
0x5c5: {  	v19 =	vmul.f32 v19, v19;
	v20 =	vadd.f32 v24, v22;
	v24 =	vld [tilespmem:s30+$0xFFFFFFC0]  }
0x5c6: {  	v22 =	vsub.f32 v34, v26;
	v26 =	vadd.f32 v17, v18;
	v17 =	vld [tilespmem:s30+$0xFFFFFF50]  }
0x5c7: {  	v20 =	vadd.f32 v19, v20;
	v19 =	vld [tilespmem:s30+$0xFFFFFFD0];
	v21 =	vsub.f32 v61, v21  }
0x5c8: {  	v63 =	vmul.f32 v22, v22;
	v22 =	vsub.f32 v27, v23;
	v18 =	vld [tilespmem:s30+$0xFFFFFF60];
	v25 =	vsub.f32 v25, v33  }
0x5c9: {  	v23 =	vadd.f32 v20, v26;
	v20 =	vld [tilespmem:s30+$0xFFFFFFE0];
	v27 =	vmul.f32 v21, v21  }
0x5ca: {  	s28 =	simm.s32 $0xC690;
	v22 =	vmul.f32 v22, v22;
	v21 =	vld [tilespmem:s30+$0xFFFFFF70];
	v25 =	vmul.f32 v25, v25;
	v26 =	vsub.f32 v62, v24  }
0x5cb: {  	s29 =	simm.s32 $0x0;
	s26 =	simm.s32 $0xC640;
	v24 =	vld [tilespmem:s30+$0xFFFFFFF0];
	s30 =	simm.s32 $0x4700;
	[tilespmem:s28+$0x0] =	vst v23;
	v23 =	vadd.f32 v27, v63  }
.LBB2_30:
0x5cc: {  	v27 =	vld [tilespmem:s30+$0x60];
	v22 =	vadd.f32 v22, v25;
	v25 =	vmul.f32 v26, v26;
	v17 =	vsub.f32 v17, v19  }
0x5cd: {  	v19 =	vld [tilespmem:s30+$0xE0]  }
0x5ce: {  	v26 =	vld [tilespmem:s30+$0x70];
	v22 =	vadd.f32 v25, v22;
	v17 =	vmul.f32 v17, v17;
	v18 =	vsub.f32 v18, v20  }
0x5cf: {  	v20 =	vld [tilespmem:s30+$0x40]  }
0x5d0: {  	v25 =	vld [tilespmem:s30+$0xC0];
	v17 =	vadd.f32 v17, v23;
	v18 =	vmul.f32 v18, v18;
	v21 =	vsub.f32 v21, v24  }
0x5d1: {  	v23 =	vld [tilespmem:s30+$0x0]  }
0x5d2: {  	v24 =	vld [tilespmem:s30+$0x80];
	v18 =	vadd.f32 v18, v22;
	v21 =	vmul.f32 v21, v21  }
0x5d3: {  	v22 =	vld [tilespmem:s30+$0x10]  }
0x5d4: {  	v28 =	vld [tilespmem:s30+$0x90];
	v17 =	vadd.f32 v21, v17  }
0x5d5: {  	v21 =	vld [tilespmem:s30+$0x20]  }
0x5d6: {  	v29 =	vld [tilespmem:s30+$0xA0];
	v17 =	vadd.f32 v17, v18  }
0x5d7: {  	v18 =	vld [tilespmem:s30+$0x30]  }
0x5d8: {  	s29 =	sadd.s32 $0x2, s29;
	v30 =	vld [tilespmem:s30+$0xB0];
	[tilespmem:s28+$0xFFFFFFF0] =	vst v17  }
0x5d9: {  	p0 =	slt.u32 s29, $0x3E;
	v17 =	vld [tilespmem:s30+$0x50]  }
0x5da: {  	v31 =	vld [tilespmem:s30+$0xD0]  }
0x5db: {  	v32 =	vld [tilespmem:s30+$0xF0]  }
0x5dc: {  	v23 =	vsub.f32 v23, v24;
	v22 =	vsub.f32 v22, v28;
	v33 =	vld [tilespmem:s30+$0xFFFFFF80]  }
0x5dd: {  	v21 =	vsub.f32 v21, v29;
	v24 =	vld [tilespmem:s30+$0xFFFFFF10];
	v18 =	vsub.f32 v18, v30  }
0x5de: {  	v20 =	vsub.f32 v20, v25;
	v23 =	vmul.f32 v23, v23;
	v22 =	vmul.f32 v22, v22;
	v28 =	vld [tilespmem:s30+$0xFFFFFF90]  }
0x5df: {  	v21 =	vmul.f32 v21, v21;
	v25 =	vld [tilespmem:s30+$0xFFFFFF20];
	v18 =	vmul.f32 v18, v18;
	v17 =	vsub.f32 v17, v31  }
0x5e0: {  	v19 =	vsub.f32 v27, v19;
	v20 =	vmul.f32 v20, v20;
	v29 =	vld [tilespmem:s30+$0xFFFFFFA0];
	v26 =	vsub.f32 v26, v32  }
0x5e1: {  	v21 =	vadd.f32 v21, v23;
	v27 =	vld [tilespmem:s30+$0xFFFFFF30];
	v18 =	vadd.f32 v18, v22;
	v17 =	vmul.f32 v17, v17  }
0x5e2: {  	v19 =	vmul.f32 v19, v19;
	v22 =	vld [tilespmem:s30+$0xFFFFFFB0]  }
0x5e3: {  	v20 =	vadd.f32 v20, v21;
	v23 =	vld [tilespmem:s30+$0xFFFFFF00];
	v17 =	vadd.f32 v17, v18;
	v18 =	vmul.f32 v26, v26  }
0x5e4: {  	v21 =	vsub.f32 v24, v28;
	v24 =	vld [tilespmem:s30+$0xFFFFFF40]  }
0x5e5: {  	v20 =	vadd.f32 v19, v20;
	v26 =	vld [tilespmem:s30+$0xFFFFFFC0];
	v18 =	vadd.f32 v18, v17  }
0x5e6: {  	v28 =	vmul.f32 v21, v21;
	v21 =	vsub.f32 v25, v29;
	v17 =	vld [tilespmem:s30+$0xFFFFFF50]  }
.Ltmp14:
0x5e7: {  	v25 =	vsub.f32 v27, v22;
	v19 =	vld [tilespmem:s30+$0xFFFFFFD0];
	v27 =	vadd.f32 v18, v20;
	(pc) =	sbr.rel @p0 .LBB2_30-.Ltmp14, $4  }
0x5e8: {  	s28 =	sadd.s32 $0x20, s28;
	v22 =	vmul.f32 v21, v21;
	v23 =	vsub.f32 v23, v33;
	v18 =	vld [tilespmem:s30+$0xFFFFFF60]  }
0x5e9: {  	s31 =	simm.s32 $0x0;
	v29 =	vmul.f32 v25, v25;
	v20 =	vld [tilespmem:s30+$0xFFFFFFE0];
	[tilespmem:s28+$0x0] =	vst v27  }
0x5ea: {  	v25 =	vmul.f32 v23, v23;
	v26 =	vsub.f32 v24, v26;
	v21 =	vld [tilespmem:s30+$0xFFFFFF70]  }
0x5eb: {  	v23 =	vadd.f32 v29, v28;
	v24 =	vld [tilespmem:s30+$0xFFFFFFF0];
	s30 =	sadd.s32 $0x200, s30  }
0x5ec: {  	_ =	sdelay $0x1  }
0x5ed: {  	v17 =	vsub.f32 v17, v19  }
0x5ee: {  	v19 =	vadd.f32 v22, v25;
	v22 =	vmul.f32 v26, v26  }
0x5ef: {  	v17 =	vmul.f32 v17, v17;
	v18 =	vsub.f32 v18, v20;
	v20 =	vsub.f32 v21, v24  }
0x5f0: {  	v19 =	vadd.f32 v22, v19  }
0x5f1: {  	v17 =	vadd.f32 v17, v23;
	v18 =	vmul.f32 v18, v18;
	v20 =	vmul.f32 v20, v20;
	_ =	sdelay $0x1  }
0x5f2: {  	v18 =	vadd.f32 v18, v19;
	v19 =	vor.u32 s31, v0;
	v17 =	vadd.f32 v20, v17  }
0x5f3: {  	v20 =	vor.u32 s31, v1  }
0x5f4: {  	v17 =	vadd.f32 v17, v18  }
0x5f5: {  	v18 =	vor.u32 s31, v2  }
0x5f6: {  	[tilespmem:s28+$0xFFFFFFF0] =	vst v17  }
0x5f7: {  	v17 =	vor.u32 s31, v3;
	v19 =	vld.idx.msk [tilespmem:v19+s16+$0x0], $0xffff  }
0x5f8: {  	v20 =	vld.idx.msk [tilespmem:v20+s16+$0x0], $0xffff  }
0x5f9: {  	v21 =	vor.u32 s31, v4  }
0x5fa: {  	v18 =	vld.idx.msk [tilespmem:v18+s16+$0x0], $0xffff  }
0x5fb: {  	v22 =	vor.u32 s31, v5  }
0x5fc: {  	v17 =	vld.idx.msk [tilespmem:v17+s16+$0x0], $0xffff  }
0x5fd: {  	v23 =	vor.u32 s31, v6;
	v19 =	vadd.f32 v20, v19  }
0x5fe: {  	v20 =	vld.idx.msk [tilespmem:v21+s16+$0x0], $0xffff  }
0x5ff: {  	v21 =	vor.u32 s31, v7;
	v18 =	vadd.f32 v18, v19  }
0x600: {  	v19 =	vld.idx.msk [tilespmem:v22+s16+$0x0], $0xffff  }
0x601: {  	v22 =	vor.u32 s31, v8;
	v17 =	vadd.f32 v17, v18  }
0x602: {  	v18 =	vld.idx.msk [tilespmem:v23+s16+$0x0], $0xffff  }
0x603: {  	v23 =	vor.u32 s31, v9;
	v17 =	vadd.f32 v20, v17  }
0x604: {  	v20 =	vld.idx.msk [tilespmem:v21+s16+$0x0], $0xffff  }
0x605: {  	v21 =	vor.u32 s31, v10;
	v17 =	vadd.f32 v19, v17  }
0x606: {  	v19 =	vld.idx.msk [tilespmem:v22+s16+$0x0], $0xffff  }
0x607: {  	v22 =	vor.u32 s31, v11;
	v17 =	vadd.f32 v18, v17  }
0x608: {  	v18 =	vld.idx.msk [tilespmem:v23+s16+$0x0], $0xffff  }
0x609: {  	v23 =	vor.u32 s31, v12;
	v17 =	vadd.f32 v20, v17  }
0x60a: {  	v20 =	vld.idx.msk [tilespmem:v21+s16+$0x0], $0xffff  }
0x60b: {  	v21 =	vor.u32 s31, v13;
	v17 =	vadd.f32 v19, v17  }
0x60c: {  	v19 =	vld.idx.msk [tilespmem:v22+s16+$0x0], $0xffff  }
0x60d: {  	v22 =	vor.u32 s31, v14;
	v17 =	vadd.f32 v18, v17  }
0x60e: {  	v18 =	vld.idx.msk [tilespmem:v23+s16+$0x0], $0xffff  }
0x60f: {  	v23 =	vor.u32 s31, v15;
	v17 =	vadd.f32 v20, v17  }
0x610: {  	v20 =	vld.idx.msk [tilespmem:v21+s16+$0x0], $0xffff  }
0x611: {  	v17 =	vadd.f32 v19, v17  }
0x612: {  	v19 =	vld.idx.msk [tilespmem:v22+s16+$0x0], $0xffff  }
0x613: {  	v17 =	vadd.f32 v18, v17  }
0x614: {  	v18 =	vld.idx.msk [tilespmem:v23+s16+$0x0], $0xffff  }
0x615: {  	v17 =	vadd.f32 v20, v17;
	_ =	sdelay $0x1  }
0x616: {  	s28 =	simm.s32 $0x100;
	v17 =	vadd.f32 v19, v17  }
0x617: {  	v20 =	vor.u32 s28, v1  }
0x618: {  	v19 =	vor.u32 s28, v0;
	v17 =	vadd.f32 v18, v17;
	_ =	sdelay $0x1  }
0x619: {  	v18 =	vor.u32 s28, v2;
	v17 =	vadd.f32 $9.999999960e-13, v17;
	_ =	sdelay $0x1  }
0x61a: {  	v21 =	vor.u32 s28, v3;
	v20 =	vld.idx.msk [tilespmem:v20+s16+$0x0], $0xffff;
	v22 =	vshra.s32 v17, $0x1;
	v23 =	vmul.f32 $5.000000000e-01, v17  }
0x61b: {  	v19 =	vld.idx.msk [tilespmem:v19+s16+$0x0], $0xffff;
	v22 =	vsub.s32 $0x5F3759DF, v22  }
0x61c: {  	v52 =	vor.u32 s28, v4;
	v53 =	vmul.f32 v22, v23  }
0x61d: {  	v18 =	vld.idx.msk [tilespmem:v18+s16+$0x0], $0xffff  }
0x61e: {  	v54 =	vor.u32 s28, v5;
	v25 =	vmul.f32 v22, v53  }
0x61f: {  	v21 =	vld.idx.msk [tilespmem:v21+s16+$0x0], $0xffff  }
0x620: {  	v27 =	vor.u32 s28, v6;
	v19 =	vadd.f32 v20, v19;
	v20 =	vsub.f32 $1.500000000e+00, v25  }
0x621: {  	v24 =	vld.idx.msk [tilespmem:v52+s16+$0x0], $0xffff  }
0x622: {  	v55 =	vor.u32 s28, v7;
	v18 =	vadd.f32 v18, v19;
	v19 =	vmul.f32 v22, v20  }
0x623: {  	v20 =	vld.idx.msk [tilespmem:v54+s16+$0x0], $0xffff  }
0x624: {  	v22 =	vor.u32 s28, v8;
	v18 =	vadd.f32 v21, v18;
	v21 =	vmul.f32 v19, v23  }
0x625: {  	v56 =	vld.idx.msk [tilespmem:v27+s16+$0x0], $0xffff  }
0x626: {  	v57 =	vor.u32 s28, v9;
	v18 =	vadd.f32 v24, v18;
	v21 =	vmul.f32 v21, v19  }
0x627: {  	v58 =	vld.idx.msk [tilespmem:v55+s16+$0x0], $0xffff  }
0x628: {  	v59 =	vor.u32 s28, v10;
	v18 =	vadd.f32 v20, v18;
	v20 =	vsub.f32 $1.500000000e+00, v21  }
0x629: {  	v21 =	vld.idx.msk [tilespmem:v22+s16+$0x0], $0xffff  }
0x62a: {  	v22 =	vor.u32 s28, v11;
	v18 =	vadd.f32 v56, v18;
	v19 =	vmul.f32 v20, v19  }
0x62b: {  	v20 =	vld.idx.msk [tilespmem:v57+s16+$0x0], $0xffff  }
0x62c: {  	v60 =	vor.u32 s28, v12;
	v18 =	vadd.f32 v58, v18;
	v23 =	vmul.f32 v19, v23  }
0x62d: {  	v61 =	vld.idx.msk [tilespmem:v59+s16+$0x0], $0xffff  }
0x62e: {  	v18 =	vadd.f32 v21, v18;
	v21 =	vmul.f32 v23, v19;
	v23 =	vor.u32 s28, v13  }
0x62f: {  	v22 =	vld.idx.msk [tilespmem:v22+s16+$0x0], $0xffff  }
0x630: {  	v62 =	vor.u32 s28, v14;
	v18 =	vadd.f32 v20, v18;
	v20 =	vsub.f32 $1.500000000e+00, v21  }
0x631: {  	v63 =	vor.u32 s28, v15;
	v21 =	vld.idx.msk [tilespmem:v60+s16+$0x0], $0xffff  }
0x632: {  	v18 =	vadd.f32 v61, v18;
	v19 =	vmul.f32 v20, v19  }
0x633: {  	v20 =	vld.idx.msk [tilespmem:v23+s16+$0x0], $0xffff  }
0x634: {  	v22 =	vadd.f32 v22, v18;
	v17 =	vmul.f32 v19, v17  }
0x635: {  	v18 =	vld.idx.msk [tilespmem:v62+s16+$0x0], $0xffff  }
0x636: {  	s29 =	simm.s32 $0x200;
	s28 =	simm.s32 $0xC640;
	v19 =	vld.idx.msk [tilespmem:v63+s16+$0x0], $0xffff;
	v21 =	vadd.f32 v21, v22;
	v17 =	vmul.f32 v17, v16  }
.LBB2_32:
0x637: {  	p0 =	sne.s32 s29, $0x300  }
0x638: {  	v20 =	vadd.f32 v20, v21;
	s26 =	sadd.s32 $0x10, s26;
	s30 =	smov.u32 s29;
	s29 =	sadd.s32 $0x100, s29  }
0x639: {  	v21 =	vor.u32 s30, v0;
	v22 =	vor.u32 s30, v1;
	[tilespmem:s28+$0x0] =	vst v17;
	s28 =	smov.u32 s26  }
0x63a: {  	v17 =	vadd.f32 v18, v20  }
0x63b: {  	v18 =	vor.u32 s30, v2  }
0x63c: {  	v17 =	vadd.f32 v19, v17  }
0x63d: {  	v19 =	vor.u32 s30, v3  }
0x63e: {  	v20 =	vld.idx.msk [tilespmem:v21+s16+$0x0], $0xffff;
	v17 =	vadd.f32 $9.999999960e-13, v17  }
0x63f: {  	v21 =	vld.idx.msk [tilespmem:v22+s16+$0x0], $0xffff;
	v22 =	vor.u32 s30, v4  }
0x640: {  	v18 =	vld.idx.msk [tilespmem:v18+s16+$0x0], $0xffff;
	v23 =	vshra.s32 v17, $0x1;
	v24 =	vmul.f32 $5.000000000e-01, v17  }
0x641: {  	v25 =	vor.u32 s30, v5;
	v23 =	vsub.s32 $0x5F3759DF, v23  }
0x642: {  	v19 =	vld.idx.msk [tilespmem:v19+s16+$0x0], $0xffff;
	v26 =	vmul.f32 v23, v24  }
0x643: {  	v27 =	vor.u32 s30, v6  }
0x644: {  	v22 =	vld.idx.msk [tilespmem:v22+s16+$0x0], $0xffff;
	v26 =	vmul.f32 v23, v26  }
0x645: {  	v20 =	vadd.f32 v21, v20;
	v21 =	vor.u32 s30, v7  }
0x646: {  	v25 =	vld.idx.msk [tilespmem:v25+s16+$0x0], $0xffff;
	v26 =	vsub.f32 $1.500000000e+00, v26  }
0x647: {  	v18 =	vadd.f32 v18, v20;
	v20 =	vor.u32 s30, v8  }
0x648: {  	v27 =	vld.idx.msk [tilespmem:v27+s16+$0x0], $0xffff;
	v23 =	vmul.f32 v23, v26  }
0x649: {  	v18 =	vadd.f32 v19, v18;
	v19 =	vor.u32 s30, v9  }
0x64a: {  	v21 =	vld.idx.msk [tilespmem:v21+s16+$0x0], $0xffff;
	v26 =	vmul.f32 v23, v24  }
0x64b: {  	v18 =	vadd.f32 v22, v18;
	v22 =	vor.u32 s30, v10  }
0x64c: {  	v20 =	vld.idx.msk [tilespmem:v20+s16+$0x0], $0xffff;
	v26 =	vmul.f32 v26, v23  }
0x64d: {  	v18 =	vadd.f32 v25, v18;
	v25 =	vor.u32 s30, v11  }
0x64e: {  	v19 =	vld.idx.msk [tilespmem:v19+s16+$0x0], $0xffff;
	v26 =	vsub.f32 $1.500000000e+00, v26  }
0x64f: {  	v18 =	vadd.f32 v27, v18;
	v27 =	vor.u32 s30, v12  }
0x650: {  	v22 =	vld.idx.msk [tilespmem:v22+s16+$0x0], $0xffff;
	v23 =	vmul.f32 v26, v23  }
0x651: {  	v18 =	vadd.f32 v21, v18;
	v21 =	vor.u32 s30, v13  }
0x652: {  	v25 =	vld.idx.msk [tilespmem:v25+s16+$0x0], $0xffff;
	v24 =	vmul.f32 v23, v24  }
0x653: {  	v26 =	vor.u32 s30, v14;
	v18 =	vadd.f32 v20, v18  }
0x654: {  	v27 =	vld.idx.msk [tilespmem:v27+s16+$0x0], $0xffff;
	v24 =	vmul.f32 v24, v23  }
0x655: {  	v18 =	vadd.f32 v19, v18;
	v19 =	vor.u32 s30, v15  }
0x656: {  	v20 =	vld.idx.msk [tilespmem:v21+s16+$0x0], $0xffff;
	v21 =	vsub.f32 $1.500000000e+00, v24  }
0x657: {  	v22 =	vadd.f32 v22, v18  }
.Ltmp15:
0x658: {  	v18 =	vld.idx.msk [tilespmem:v26+s16+$0x0], $0xffff;
	v21 =	vmul.f32 v21, v23;
	(pc) =	sbr.rel @p0 .LBB2_32-.Ltmp15, $4  }
0x659: {  	v22 =	vadd.f32 v25, v22  }
0x65a: {  	v19 =	vld.idx.msk [tilespmem:v19+s16+$0x0], $0xffff;
	v17 =	vmul.f32 v21, v17  }
0x65b: {  	v21 =	vadd.f32 v27, v22  }
0x65c: {  	v17 =	vmul.f32 v17, v16  }
0x65d: {  	v20 =	vadd.f32 v20, v21;
	_ =	sdelay $0x1  }
0x65e: {  	v18 =	vadd.f32 v18, v20;
	_ =	sdelay $0x1  }
0x65f: {  	v18 =	vadd.f32 v19, v18;
	_ =	sdelay $0x1  }
0x660: {  	v18 =	vadd.f32 $9.999999960e-13, v18;
	_ =	sdelay $0x1  }
0x661: {  	v61 =	vshra.s32 v18, $0x1;
	v62 =	vmul.f32 $5.000000000e-01, v18  }
0x662: {  	v19 =	vsub.s32 $0x5F3759DF, v61  }
0x663: {  	v63 =	vmul.f32 v19, v62;
	_ =	sdelay $0x1  }
0x664: {  	v21 =	vmul.f32 v19, v63;
	_ =	sdelay $0x1  }
0x665: {  	v21 =	vsub.f32 $1.500000000e+00, v21;
	_ =	sdelay $0x1  }
0x666: {  	v19 =	vmul.f32 v19, v21;
	_ =	sdelay $0x1  }
0x667: {  	v21 =	vmul.f32 v19, v62;
	_ =	sdelay $0x1  }
0x668: {  	v21 =	vmul.f32 v21, v19;
	_ =	sdelay $0x1  }
0x669: {  	v21 =	vsub.f32 $1.500000000e+00, v21;
	_ =	sdelay $0x1  }
0x66a: {  	v19 =	vmul.f32 v21, v19;
	_ =	sdelay $0x1  }
0x66b: {  	v20 =	vmul.f32 v19, v62;
	_ =	sdelay $0x1  }
0x66c: {  	v20 =	vmul.f32 v20, v19;
	_ =	sdelay $0x1  }
0x66d: {  	v20 =	vsub.f32 $1.500000000e+00, v20;
	_ =	sdelay $0x1  }
0x66e: {  	v19 =	vmul.f32 v20, v19;
	_ =	sdelay $0x1  }
0x66f: {  	v18 =	vmul.f32 v19, v18;
	_ =	sdelay $0x1  }
0x670: {  	s25 =	sadd.s32 $0x1, s25;
	v16 =	vmul.f32 v18, v16  }
0x671: {  	s26 =	sadd.s32 $0x10, s26;
	[tilespmem:s28+$0x0] =	vst v17;
	p0 =	sne.s32 s25, s7  }
.Ltmp16:
0x672: {  	[tilespmem:s26+$0x0] =	vst v16;
	(pc) =	sbr.rel @p0 .LBB2_1-.Ltmp16, $4  }
0x673: {  	[hbm4b:s6+s4] =	stream.linear.scatter [tilespmem:s24], [sflag:$0x4], $0x200, $0x38;
	[tilespmem:$0xCA80] =	vst v63  }
0x674: {  	_ =	swait.ge [sflag:s8], $0x200  }
0x675: {  	[sflag:s8] =	ssyncset.done $0x0  }
0x676: {  	[sflag:s8] =	ssyncadd.s32 $0xFFFFFE00  }
0x677: {  	_ =	sfence.sel $0x180000  }
0x678: {  	[bflag:$0x0] =	sbarrier.arrive $0xFFFF  }
0x679: {  	p0 =	sne.s32 s3, $0x0;
	_ =	strace $0x90000047  }
0x67a: {  	s0 =	sadd.s32 @!p0 $0x100000, s0;
	[bflag:$0x2] =	sbarrier.arrive $0xFFFF  }
0x67b: {  	[sflag:s0] =	ssyncadd.tile.s32 @!p0 $0x1;
	_ =	shalt  }
.Lfunc_end2:
_tile_overlayer_lowered:
.L_overlay_start_2:
0x67c: {  	(tag) =	ssettag $0x2  }
0x67d: {  	s0 =	rddreg [dreg:$0x0];
	s2 =	stileid.u32  }
0x67e: {  	s1 =	rddreg [dreg:$0x1];
	p0 =	sne.s32 s2, $0x0  }
0x67f: {  	s3 =	rddreg [dreg:$0x2];
	[bflag:$0x3] =	sbarrier.arrive $0xFFFF;
	s2 =	simm.s32 @!p0 $0x1C04  }
0x680: {  	[timem:s3], [sflag:s2] =	dma.local @!p0 [hbm:s0], s1  }
0x681: {  	s0 =	simm.s32 @!p0 $0x4  }
0x682: {  	_ =	swait.ge @!p0 [sflag:s0], s1  }
0x683: {  	s1 =	ssub.s32 @!p0 $0x0, s1;
	[sflag:s0] =	ssyncset.done @!p0 $0x0  }
0x684: {  	[sflag:s0] =	ssyncadd.s32 @!p0 s1  }
0x685: {  	[bflag:$0x3] =	sbarrier.arrive $0xFFFF  }
0x686: {  	_ =	shalt  }

</sc_bundles>
